<compile_context>
chip_gen: v7x
topology: tpu7x:2x2x1
jax: 0.10.2.dev20260603
libtpu: 0.0.44.dev20260713+nightly
codegen_flags: <defaults>
</compile_context>

<pallas_src>
import functools
import math

import jax
import jax.numpy as jnp
from jax import lax
from jax.experimental import pallas as pl
from jax.experimental.pallas import tpu as pltpu
from jax.experimental.pallas import tpu_sc as plsc

_NUM_NBS = 12
_R0 = 0.5
_D0 = 0.3
_N = 4096

_TC_N = 3072
_SC_N = _N - _TC_N

_NC = 2
_NS = 16
_NW = _NC * _NS
_APW = _SC_N // _NW
_NG = _APW // 16

_ROWS = 256


def _sh6_constants():
    l = 6
    n = []
    for m in range(0, l + 1):
        nlm = math.sqrt(
            (2 * l + 1) / (4.0 * math.pi)
            * math.factorial(l - m) / math.factorial(l + m))
        n.append(nlm if m == 0 else math.sqrt(2.0) * nlm)
    return n


_C = _sh6_constants()



def _rsqrt_nr(x):
    i = plsc.bitcast(x, jnp.int32)
    i = jnp.int32(0x5F3759DF) - lax.shift_right_logical(i, 1)
    y = plsc.bitcast(i, jnp.float32)
    for _ in range(3):
        y = y * (1.5 - 0.5 * x * y * y)
    return y


def _sc_body(x_hbm, y_hbm, z_hbm, out_hbm, x_v, y_v, z_v, nbr_v, qn_v):
    wid = lax.axis_index("s") * _NC + lax.axis_index("c")
    base = _TC_N + wid * _APW
    lane = jnp.arange(16, dtype=jnp.int32)

    pltpu.sync_copy(x_hbm, x_v)
    pltpu.sync_copy(y_hbm, y_v)
    pltpu.sync_copy(z_hbm, z_v)

    inf = jnp.array(jnp.inf, jnp.float32)

    def group_body(g, total):
        gbase = base + g * 16

        def atom_body(aa, _):
            gi = gbase + aa
            gi_v = jnp.full((16,), 0, jnp.int32) + gi
            ax = plsc.load_gather(x_v, [gi_v])
            ay = plsc.load_gather(y_v, [gi_v])
            az = plsc.load_gather(z_v, [gi_v])

            def chunk_body(c4, carry):
                ds = []
                for t in range(4):
                    c = c4 * 4 + t
                    sl = pl.ds(c * 16, 16)
                    dx = x_v[sl] - ax
                    dy = y_v[sl] - ay
                    dz = z_v[sl] - az
                    d2 = dx * dx + dy * dy + dz * dz
                    vals = lane + c * 16
                    d2 = jnp.where(vals == gi_v, inf, d2)
                    ds.append((d2, vals))
                m4 = jnp.minimum(jnp.minimum(ds[0][0], ds[1][0]),
                                 jnp.minimum(ds[2][0], ds[3][0]))

                def merge_all(cc):
                    for t in range(4):
                        d2, vals = ds[t]

                        def do_merge(cc2, d2=d2, vals=vals):
                            rk, rv, rmax = cc2
                            ck, cv = plsc.sort_key_val(d2, vals)
                            rck = lax.rev(ck, (0,))
                            rcv = lax.rev(cv, (0,))
                            sel = rk <= rck
                            mk = jnp.where(sel, rk, rck)
                            mv = jnp.where(sel, rv, rcv)
                            nk, nv = plsc.sort_key_val(mk, mv)
                            return nk, nv, jnp.max(nk)

                        cc = lax.cond(jnp.min(d2) < cc[2], do_merge,
                                      lambda cc2: cc2, cc)
                    return cc

                return lax.cond(jnp.min(m4) < carry[2], merge_all,
                                lambda cc: cc, carry)

            rk0 = jnp.full((16,), jnp.inf, jnp.float32)
            rv0 = jnp.zeros((16,), jnp.int32)
            _, rv, _ = lax.fori_loop(0, _N // 64, chunk_body, (rk0, rv0, inf))
            plsc.store_scatter(nbr_v, [aa * 16 + lane], rv)
            return 0

        lax.fori_loop(0, 16, atom_body, 0)

        ax16 = x_v[pl.ds(gbase, 16)]
        ay16 = y_v[pl.ds(gbase, 16)]
        az16 = z_v[pl.ds(gbase, 16)]
        zero = jnp.zeros((16,), jnp.float32)
        acc = [zero] * 13
        ssum = zero
        for k in range(_NUM_NBS):
            nidx = plsc.load_gather(nbr_v, [lane * 16 + k])
            dx = plsc.load_gather(x_v, [nidx]) - ax16
            dy = plsc.load_gather(y_v, [nidx]) - ay16
            dz = plsc.load_gather(z_v, [nidx]) - az16
            d2 = dx * dx + dy * dy + dz * dz
            r = _rsqrt_nr(d2)
            dd = d2 * r
            ux = dx * r
            uy = dy * r
            uz = dz * r
            t = dd - _D0
            sig = jnp.exp(t * t * (-1.0 / (2.0 * _R0 * _R0)))
            ssum = ssum + sig
            z2 = uz * uz
            p = [
                (((231.0 * z2 - 315.0) * z2 + 105.0) * z2 - 5.0) * (1.0 / 16.0),
                ((1386.0 * z2 - 1260.0) * z2 + 210.0) * uz * (1.0 / 16.0),
                ((6930.0 * z2 - 3780.0) * z2 + 210.0) * (1.0 / 16.0),
                (27720.0 * z2 - 7560.0) * uz * (1.0 / 16.0),
                (83160.0 * z2 - 7560.0) * (1.0 / 16.0),
                10395.0 * uz,
            ]
            acc[0] = acc[0] + sig * p[0]
            a = ux
            b = uy
            for m in range(1, 7):
                if m < 6:
                    acc[2 * m - 1] = acc[2 * m - 1] + sig * (p[m] * a)
                    acc[2 * m] = acc[2 * m] + sig * (p[m] * b)
                    a, b = a * ux - b * uy, a * uy + b * ux
                else:
                    acc[11] = acc[11] + sig * a
                    acc[12] = acc[12] + sig * b
        norm2 = jnp.zeros((16,), jnp.float32)
        cs = [_C[0]] + [c for m in range(1, 7) for c in
                        ((_C[m], _C[m]) if m < 6 else
                         (_C[6] * 10395.0, _C[6] * 10395.0))]
        for m in range(13):
            s = cs[m] * acc[m]
            norm2 = norm2 + s * s
        rn = _rsqrt_nr(norm2)
        qn = norm2 * rn / ssum
        return total + qn

    total = lax.fori_loop(0, _NG, group_body, jnp.zeros((16,), jnp.float32))
    qn_v[...] = total * (1.0 / _N)
    pltpu.sync_copy(qn_v, out_hbm.at[wid])


def _sc_partial(pos):
    mesh = plsc.VectorSubcoreMesh(
        core_axis_name="c", subcore_axis_name="s",
        num_cores=_NC, num_subcores=_NS)
    f = functools.partial(
        pl.kernel,
        out_type=jax.ShapeDtypeStruct((_NW, 16), jnp.float32),
        mesh=mesh,
        compiler_params=pltpu.CompilerParams(needs_layout_passes=False),
        scratch_types=[
            pltpu.VMEM((_N,), jnp.float32),
            pltpu.VMEM((_N,), jnp.float32),
            pltpu.VMEM((_N,), jnp.float32),
            pltpu.VMEM((256,), jnp.int32),
            pltpu.VMEM((16,), jnp.float32),
        ],
    )(_sc_body)
    return f(pos[:, 0], pos[:, 1], pos[:, 2])



def _tc_block(pb_ref, pt_ref, pf_ref, out_ref):
    i = pl.program_id(0)
    pb = pb_ref[...]
    pt = pt_ref[...]
    pf = pf_ref[...]
    pf1 = pf.astype(jnp.bfloat16)

    ax = pb[:, 0:1]
    ay = pb[:, 1:2]
    az = pb[:, 2:3]
    dx = pt[0:1, :] - ax
    dy = pt[1:2, :] - ay
    dz = pt[2:3, :] - az
    d2 = dx * dx + dy * dy + dz * dz

    col = lax.broadcasted_iota(jnp.int32, (_ROWS, _N), 1)
    work = d2
    d2s, nbrs = [], []
    for k in range(_NUM_NBS + 1):
        m = jnp.min(work, axis=1, keepdims=True)
        eq = work == m
        jmin = jnp.min(jnp.where(eq, col, _N), axis=1, keepdims=True)
        oh = col == jmin
        if k > 0:
            d2s.append(m)
            ohb = oh.astype(jnp.bfloat16)
            nbrs.append(
                jnp.dot(ohb, pf1, preferred_element_type=jnp.float32))
        work = jnp.where(oh, jnp.inf, work)

    d2n = jnp.concatenate(d2s, axis=1)
    dx = jnp.concatenate([nb[:, 0:1] for nb in nbrs], axis=1) - ax
    dy = jnp.concatenate([nb[:, 1:2] for nb in nbrs], axis=1) - ay
    dz = jnp.concatenate([nb[:, 2:3] for nb in nbrs], axis=1) - az

    d = jnp.sqrt(d2n)
    inv = 1.0 / d
    ux = dx * inv
    uy = dy * inv
    uz = dz * inv

    t = d - _D0
    sig = jnp.exp(t * t * (-1.0 / (2.0 * _R0 * _R0)))
    ssum = jnp.sum(sig, axis=1, keepdims=True)

    z2 = uz * uz
    p = [
        (((231.0 * z2 - 315.0) * z2 + 105.0) * z2 - 5.0) * (1.0 / 16.0),
        ((1386.0 * z2 - 1260.0) * z2 + 210.0) * uz * (1.0 / 16.0),
        ((6930.0 * z2 - 3780.0) * z2 + 210.0) * (1.0 / 16.0),
        (27720.0 * z2 - 7560.0) * uz * (1.0 / 16.0),
        (83160.0 * z2 - 7560.0) * (1.0 / 16.0),
        10395.0 * uz,
    ]

    acc = _C[0] * jnp.sum(sig * p[0], axis=1, keepdims=True)
    norm2 = acc * acc
    a = ux
    b = uy
    for m in range(1, 7):
        if m < 6:
            accp = _C[m] * jnp.sum(sig * (p[m] * a), axis=1, keepdims=True)
            accm = _C[m] * jnp.sum(sig * (p[m] * b), axis=1, keepdims=True)
            a, b = a * ux - b * uy, a * uy + b * ux
        else:
            accp = (_C[6] * 10395.0) * jnp.sum(sig * a, axis=1, keepdims=True)
            accm = (_C[6] * 10395.0) * jnp.sum(sig * b, axis=1, keepdims=True)
        norm2 = norm2 + accp * accp + accm * accm

    qn = jnp.sqrt(norm2) / ssum
    part = jnp.sum(qn, axis=0, keepdims=True) * (1.0 / _N)

    @pl.when(i == 0)
    def _():
        out_ref[...] = jnp.zeros((1, 1), jnp.float32)

    out_ref[...] += part


def _tc_partial(pos):
    pos_t = pos.T
    out = pl.pallas_call(
        _tc_block,
        grid=(_TC_N // _ROWS,),
        in_specs=[
            pl.BlockSpec((_ROWS, 3), lambda i: (i, 0)),
            pl.BlockSpec((3, _N), lambda i: (0, 0)),
            pl.BlockSpec((_N, 3), lambda i: (0, 0)),
        ],
        out_specs=pl.BlockSpec((1, 1), lambda i: (0, 0)),
        out_shape=jax.ShapeDtypeStruct((1, 1), jnp.float32),
    )(pos, pos_t, pos)
    return out[0, 0]


def kernel(positions):
    pos = positions.astype(jnp.float32)
    sc_out = _sc_partial(pos)
    tc_out = _tc_partial(pos)
    return tc_out + jnp.sum(sc_out)

# --- scband reference (transcript-rebuilt; emitter-appended) ---
"""Pipeline reference for scband-q6-module-55851754717358 (READ-ONLY COPY).

The authoritative reference and input builder live on the scoring server;
editing this copy changes nothing except your own understanding.
"""

import jax, jax.numpy as jnp
import numpy as np
import math

NUM_NBS = 12
ORDER = 6
R0 = 0.5
D0 = 0.3
N_ATOMS = 4096


def switch_gauss(r, r0, d0):
    x = jnp.square(r - d0) / (2.0 * r0 ** 2)
    return jnp.exp(-x)


def rsh_cart_6(u):
    # Real orthonormal spherical harmonics on unit vectors u: [M, 3] -> [M, 49].
    # Only the l=6 block (columns 36:49) is consumed downstream (order=6 slice),
    # so lower-l columns are left as zeros; the consumed math is identical.
    x = u[:, 0]
    y = u[:, 1]
    z = u[:, 2]
    # \bar P_6^m(z) = d^m/dz^m P_6(z)  (Legendre P_6 derivatives; the (1-z^2)^{m/2}
    # factor is carried by the azimuthal polynomials below since |u| = 1)
    p = [
        (231.0 * z ** 6 - 315.0 * z ** 4 + 105.0 * z ** 2 - 5.0) / 16.0,
        (1386.0 * z ** 5 - 1260.0 * z ** 3 + 210.0 * z) / 16.0,
        (6930.0 * z ** 4 - 3780.0 * z ** 2 + 210.0) / 16.0,
        (27720.0 * z ** 3 - 7560.0 * z) / 16.0,
        (83160.0 * z ** 2 - 7560.0) / 16.0,
        (166320.0 * z) / 16.0,
        10395.0 * jnp.ones_like(z),
    ]
    # A_m = Re((x+iy)^m), B_m = Im((x+iy)^m); A_m^2 + B_m^2 = (x^2+y^2)^m
    a = jnp.ones_like(x)
    b = jnp.zeros_like(x)
    A = [a]
    B = [b]
    for _ in range(6):
        a, b = a * x - b * y, a * y + b * x
        A.append(a)
        B.append(b)
    l = 6
    cols = []
    for m in range(-l, l + 1):
        am = abs(m)
        Nlm = math.sqrt((2 * l + 1) / (4.0 * math.pi) * math.factorial(l - am) / math.factorial(l + am))
        if m < 0:
            cols.append(math.sqrt(2.0) * Nlm * p[am] * B[am])
        elif m == 0:
            cols.append(Nlm * p[0])
        else:
            cols.append(math.sqrt(2.0) * Nlm * p[am] * A[am])
    Y6 = jnp.stack(cols, axis=1)
    Y = jnp.zeros((u.shape[0], 49), dtype=u.dtype)
    Y = Y.at[:, 36:49].set(Y6)
    return Y


def _calc_stein_single(pos_i, pos, num_nbs, order, r0, d0):
    disps_all = pos - pos_i
    # argsort of squared distances == argsort of distances (monotone sqrt),
    # avoids sqrt(0) at the self-pair
    d2 = jnp.sum(jnp.square(disps_all), axis=1)
    inds_nbs = jnp.argsort(d2)[1:num_nbs + 1]
    disps = pos[inds_nbs] - pos_i
    dists = jnp.sqrt(jnp.sum(jnp.square(disps), axis=1))
    disps_nbs = disps / dists[:, None]
    Y_nm_real = rsh_cart_6(disps_nbs)
    sigma = switch_gauss(dists, r0, d0)
    sigma_sum = jnp.sum(sigma)
    lo = order * (order + 1) - order
    hi = order * (order + 1) + order + 1
    q_nm_real = jnp.sum(sigma[:, None] * Y_nm_real[:, lo:hi], axis=0) / sigma_sum
    return q_nm_real


def calc_stein(pos, num_nbs, order, r0, d0):
    q_all = jax.vmap(lambda pi: _calc_stein_single(pi, pos, num_nbs, order, r0, d0))(pos)
    q_n = jnp.sum(jnp.sqrt(jnp.sum(q_all * q_all, axis=1)))
    return q_n / pos.shape[0]


def setup_inputs(seed: int = 0) -> dict:
    key = jax.random.key(seed)
    positions = jax.random.normal(key, (N_ATOMS, 3), dtype=jnp.float32)
    return {"positions": positions}


def reference(positions):
    positions = positions.astype(jnp.float32)
    return calc_stein(positions, NUM_NBS, ORDER, R0, D0)

if __name__ == "__main__":
    import jax
    _d = setup_inputs()
    print(jax.jit(kernel)(*tuple(_d.values())))

</pallas_src>

<mosaic_0001>
#map = affine_map<(d0, d1) -> (0)>
#map1 = affine_map<(d0, d1) -> (0, 0)>
module attributes {stable_mosaic.version = 14 : i64} {
  func.func @_sc_body(%arg0: i32, %arg1: i32, %arg2: memref<4096xf32, #tpu.memory_space<hbm>>, %arg3: memref<4096xf32, #tpu.memory_space<hbm>>, %arg4: memref<4096xf32, #tpu.memory_space<hbm>>, %arg5: memref<32x16xf32, #tpu.memory_space<hbm>>, %arg6: memref<4096xf32, #tpu.memory_space<vmem>>, %arg7: memref<4096xf32, #tpu.memory_space<vmem>>, %arg8: memref<4096xf32, #tpu.memory_space<vmem>>, %arg9: memref<256xi32, #tpu.memory_space<vmem>>, %arg10: memref<16xf32, #tpu.memory_space<vmem>>) attributes {dimension_semantics = [#tpu.dimension_semantics<core_parallel>, #tpu.dimension_semantics<subcore_parallel>], iteration_bounds = array<i64: 2, 16>, scalar_prefetch = 0 : i64, scratch_operands = 5 : i64, tpu.core_type = #tpu.core_type<sc_vector_subcore>, window_params = [{transform_indices = #map}, {transform_indices = #map}, {transform_indices = #map}, {transform_indices = #map1}]} {
    %mul3A = arith.constant 2 : i32
    %mul3A_0 = arith.muli %arg1, %mul3A : i32
    %add3A = arith.addi %mul3A_0, %arg0 : i32
    %mul3A_1 = arith.constant 32 : i32
    %mul3A_2 = arith.muli %add3A, %mul3A_1 : i32
    %add3A_3 = arith.constant 3072 : i32
    %add3A_4 = arith.addi %add3A_3, %mul3A_2 : i32
    %iota3A = tpu.iota {dimensions = array<i32: 0>} : vector<16xi32>
    "tpu.region"() ({
      %run_scoped3A = tpu.sem_alloc : memref<!tpu.dma_semaphore, #tpu.memory_space<semaphore_mem>>
      tpu.enqueue_dma source(%arg2 : memref<4096xf32, #tpu.memory_space<hbm>>) target(%arg6 : memref<4096xf32, #tpu.memory_space<vmem>>) target_semaphore(%run_scoped3A : memref<!tpu.dma_semaphore, #tpu.memory_space<semaphore_mem>>)
      tpu.wait_dma2 semaphore(%run_scoped3A : memref<!tpu.dma_semaphore, #tpu.memory_space<semaphore_mem>>) src(%arg2 : memref<4096xf32, #tpu.memory_space<hbm>>) dst(%arg6 : memref<4096xf32, #tpu.memory_space<vmem>>)
      tpu.yield
    }) : () -> ()
    "tpu.region"() ({
      %run_scoped3A = tpu.sem_alloc : memref<!tpu.dma_semaphore, #tpu.memory_space<semaphore_mem>>
      tpu.enqueue_dma source(%arg3 : memref<4096xf32, #tpu.memory_space<hbm>>) target(%arg7 : memref<4096xf32, #tpu.memory_space<vmem>>) target_semaphore(%run_scoped3A : memref<!tpu.dma_semaphore, #tpu.memory_space<semaphore_mem>>)
      tpu.wait_dma2 semaphore(%run_scoped3A : memref<!tpu.dma_semaphore, #tpu.memory_space<semaphore_mem>>) src(%arg3 : memref<4096xf32, #tpu.memory_space<hbm>>) dst(%arg7 : memref<4096xf32, #tpu.memory_space<vmem>>)
      tpu.yield
    }) : () -> ()
    "tpu.region"() ({
      %run_scoped3A = tpu.sem_alloc : memref<!tpu.dma_semaphore, #tpu.memory_space<semaphore_mem>>
      tpu.enqueue_dma source(%arg4 : memref<4096xf32, #tpu.memory_space<hbm>>) target(%arg8 : memref<4096xf32, #tpu.memory_space<vmem>>) target_semaphore(%run_scoped3A : memref<!tpu.dma_semaphore, #tpu.memory_space<semaphore_mem>>)
      tpu.wait_dma2 semaphore(%run_scoped3A : memref<!tpu.dma_semaphore, #tpu.memory_space<semaphore_mem>>) src(%arg4 : memref<4096xf32, #tpu.memory_space<hbm>>) dst(%arg8 : memref<4096xf32, #tpu.memory_space<vmem>>)
      tpu.yield
    }) : () -> ()
    %broadcast_in_dim3A = arith.constant 0.000000e+00 : f32
    %broadcast_in_dim3A_5 = vector.broadcast %broadcast_in_dim3A : f32 to vector<16xf32>
    %scan3A = arith.constant 0x7F800000 : f32
    %scan3A_6 = arith.constant 0 : i32
    %scan3A_7 = arith.constant 2 : i32
    %scan3A_8 = arith.addi %scan3A_6, %scan3A_7 : i32
    %scan3A_9 = arith.constant 1 : i32
    %scan3A_10 = scf.for %scan3A_16 = %scan3A_6 to %scan3A_8 step %scan3A_9 iter_args(%scan3A_17 = %broadcast_in_dim3A_5) -> (vector<16xf32>)  : i32 {
      %mul3A_18 = arith.constant 16 : i32
      %mul3A_19 = arith.muli %scan3A_16, %mul3A_18 : i32
      %add3A_20 = arith.addi %add3A_4, %mul3A_19 : i32
      %scan3A_21 = arith.constant 0 : i32
      %scan3A_22 = arith.constant 0 : i32
      %scan3A_23 = arith.constant 16 : i32
      %scan3A_24 = arith.addi %scan3A_22, %scan3A_23 : i32
      %scan3A_25 = arith.constant 1 : i32
      %scan3A_26 = scf.for %scan3A_2522 = %scan3A_22 to %scan3A_24 step %scan3A_25 iter_args(%scan3A_2523 = %scan3A_21) -> (i32)  : i32 {
        %add3A_2524 = arith.addi %add3A_20, %scan3A_2522 : i32
        %broadcast_in_dim3A_2525 = arith.constant 0 : i32
        %broadcast_in_dim3A_2526 = vector.broadcast %broadcast_in_dim3A_2525 : i32 to vector<16xi32>
        %add3A_2527 = vector.broadcast %add3A_2524 : i32 to vector<16xi32>
        %add3A_2528 = arith.addi %broadcast_in_dim3A_2526, %add3A_2527 : vector<16xi32>
        %gather3A_2529 = tpu.vector_load_idx %arg6[%add3A_2528] : memref<4096xf32, #tpu.memory_space<vmem>>[vector<16xi32>], vector<16xf32>,
        %gather3A_2530 = tpu.vector_load_idx %arg7[%add3A_2528] : memref<4096xf32, #tpu.memory_space<vmem>>[vector<16xi32>], vector<16xf32>,
        %gather3A_2531 = tpu.vector_load_idx %arg8[%add3A_2528] : memref<4096xf32, #tpu.memory_space<vmem>>[vector<16xi32>], vector<16xf32>,
        %broadcast_in_dim3A_2532 = arith.constant 0x7F800000 : f32
        %broadcast_in_dim3A_2533 = vector.broadcast %broadcast_in_dim3A_2532 : f32 to vector<16xf32>
        %broadcast_in_dim3A_2534 = arith.constant 0 : i32
        %broadcast_in_dim3A_2535 = vector.broadcast %broadcast_in_dim3A_2534 : i32 to vector<16xi32>
        %scan3A_2536 = arith.constant 0 : i32
        %scan3A_2537 = arith.constant 64 : i32
        %scan3A_2538 = arith.addi %scan3A_2536, %scan3A_2537 : i32
        %scan3A_2539 = arith.constant 1 : i32
        %scan3A_2540:3 = scf.for %scan3A_2547 = %scan3A_2536 to %scan3A_2538 step %scan3A_2539 iter_args(%scan3A_2548 = %broadcast_in_dim3A_2533, %scan3A_2549 = %broadcast_in_dim3A_2535, %scan3A_2550 = %scan3A) -> (vector<16xf32>, vector<16xi32>, f32)  : i32 {
          %mul3A_2551 = arith.constant 4 : i32
          %mul3A_2552 = arith.muli %scan3A_2547, %mul3A_2551 : i32
          %add3A_2553 = arith.constant 0 : i32
          %add3A_2554 = arith.addi %mul3A_2552, %add3A_2553 : i32
          %mul3A_2555 = arith.constant 16 : i32
          %mul3A_2556 = arith.muli %add3A_2554, %mul3A_2555 : i32
          %get3A_2557 = arith.index_cast %mul3A_2556 : i32 to index
          %get3A_2558 = tpu.vector_load %arg6[%get3A_2557] {strides = array<i32>} : memref<4096xf32, #tpu.memory_space<vmem>>, vector<16xf32>,
          %sub3A_2559 = arith.subf %get3A_2558, %gather3A_2529 : vector<16xf32>
          %get3A_2560 = arith.index_cast %mul3A_2556 : i32 to index
          %get3A_2561 = tpu.vector_load %arg7[%get3A_2560] {strides = array<i32>} : memref<4096xf32, #tpu.memory_space<vmem>>, vector<16xf32>,
          %sub3A_2562 = arith.subf %get3A_2561, %gather3A_2530 : vector<16xf32>
          %get3A_2563 = arith.index_cast %mul3A_2556 : i32 to index
          %get3A_2564 = tpu.vector_load %arg8[%get3A_2563] {strides = array<i32>} : memref<4096xf32, #tpu.memory_space<vmem>>, vector<16xf32>,
          %sub3A_2565 = arith.subf %get3A_2564, %gather3A_2531 : vector<16xf32>
          %mul3A_2566 = arith.mulf %sub3A_2559, %sub3A_2559 : vector<16xf32>
          %mul3A_2567 = arith.mulf %sub3A_2562, %sub3A_2562 : vector<16xf32>
          %add3A_2568 = arith.addf %mul3A_2566, %mul3A_2567 : vector<16xf32>
          %mul3A_2569 = arith.mulf %sub3A_2565, %sub3A_2565 : vector<16xf32>
          %add3A_2570 = arith.addf %add3A_2568, %mul3A_2569 : vector<16xf32>
          %mul3A_2571 = arith.constant 16 : i32
          %mul3A_2572 = arith.muli %add3A_2554, %mul3A_2571 : i32
          %add3A_2573 = vector.broadcast %mul3A_2572 : i32 to vector<16xi32>
          %add3A_2574 = arith.addi %iota3A, %add3A_2573 : vector<16xi32>
          %eq3A = arith.cmpi eq, %add3A_2574, %add3A_2528 : vector<16xi32>
          %broadcast_in_dim3A_2575 = vector.broadcast %scan3A : f32 to vector<16xf32>
          %select_n3A = arith.select %eq3A, %broadcast_in_dim3A_2575, %add3A_2570 : vector<16xi1>, vector<16xf32>
          %mul3A_2576 = arith.constant 4 : i32
          %mul3A_2577 = arith.muli %scan3A_2547, %mul3A_2576 : i32
          %add3A_2578 = arith.constant 1 : i32
          %add3A_2579 = arith.addi %mul3A_2577, %add3A_2578 : i32
          %mul3A_2580 = arith.constant 16 : i32
          %mul3A_2581 = arith.muli %add3A_2579, %mul3A_2580 : i32
          %get3A_2582 = arith.index_cast %mul3A_2581 : i32 to index
          %get3A_2583 = tpu.vector_load %arg6[%get3A_2582] {strides = array<i32>} : memref<4096xf32, #tpu.memory_space<vmem>>, vector<16xf32>,
          %sub3A_2584 = arith.subf %get3A_2583, %gather3A_2529 : vector<16xf32>
          %get3A_2585 = arith.index_cast %mul3A_2581 : i32 to index
          %get3A_2586 = tpu.vector_load %arg7[%get3A_2585] {strides = array<i32>} : memref<4096xf32, #tpu.memory_space<vmem>>, vector<16xf32>,
          %sub3A_2587 = arith.subf %get3A_2586, %gather3A_2530 : vector<16xf32>
          %get3A_2588 = arith.index_cast %mul3A_2581 : i32 to index
          %get3A_2589 = tpu.vector_load %arg8[%get3A_2588] {strides = array<i32>} : memref<4096xf32, #tpu.memory_space<vmem>>, vector<16xf32>,
          %sub3A_2590 = arith.subf %get3A_2589, %gather3A_2531 : vector<16xf32>
          %mul3A_2591 = arith.mulf %sub3A_2584, %sub3A_2584 : vector<16xf32>
          %mul3A_2592 = arith.mulf %sub3A_2587, %sub3A_2587 : vector<16xf32>
          %add3A_2593 = arith.addf %mul3A_2591, %mul3A_2592 : vector<16xf32>
          %mul3A_2594 = arith.mulf %sub3A_2590, %sub3A_2590 : vector<16xf32>
          %add3A_2595 = arith.addf %add3A_2593, %mul3A_2594 : vector<16xf32>
          %mul3A_2596 = arith.constant 16 : i32
          %mul3A_2597 = arith.muli %add3A_2579, %mul3A_2596 : i32
          %add3A_2598 = vector.broadcast %mul3A_2597 : i32 to vector<16xi32>
          %add3A_2599 = arith.addi %iota3A, %add3A_2598 : vector<16xi32>
          %eq3A_2600 = arith.cmpi eq, %add3A_2599, %add3A_2528 : vector<16xi32>
          %broadcast_in_dim3A_2601 = vector.broadcast %scan3A : f32 to vector<16xf32>
          %select_n3A_2602 = arith.select %eq3A_2600, %broadcast_in_dim3A_2601, %add3A_2595 : vector<16xi1>, vector<16xf32>
          %mul3A_2603 = arith.constant 4 : i32
          %mul3A_2604 = arith.muli %scan3A_2547, %mul3A_2603 : i32
          %add3A_2605 = arith.constant 2 : i32
          %add3A_2606 = arith.addi %mul3A_2604, %add3A_2605 : i32
          %mul3A_2607 = arith.constant 16 : i32
          %mul3A_2608 = arith.muli %add3A_2606, %mul3A_2607 : i32
          %get3A_2609 = arith.index_cast %mul3A_2608 : i32 to index
          %get3A_2610 = tpu.vector_load %arg6[%get3A_2609] {strides = array<i32>} : memref<4096xf32, #tpu.memory_space<vmem>>, vector<16xf32>,
          %sub3A_2611 = arith.subf %get3A_2610, %gather3A_2529 : vector<16xf32>
          %get3A_2612 = arith.index_cast %mul3A_2608 : i32 to index
          %get3A_2613 = tpu.vector_load %arg7[%get3A_2612] {strides = array<i32>} : memref<4096xf32, #tpu.memory_space<vmem>>, vector<16xf32>,
          %sub3A_2614 = arith.subf %get3A_2613, %gather3A_2530 : vector<16xf32>
          %get3A_2615 = arith.index_cast %mul3A_2608 : i32 to index
          %get3A_2616 = tpu.vector_load %arg8[%get3A_2615] {strides = array<i32>} : memref<4096xf32, #tpu.memory_space<vmem>>, vector<16xf32>,
          %sub3A_2617 = arith.subf %get3A_2616, %gather3A_2531 : vector<16xf32>
          %mul3A_2618 = arith.mulf %sub3A_2611, %sub3A_2611 : vector<16xf32>
          %mul3A_2619 = arith.mulf %sub3A_2614, %sub3A_2614 : vector<16xf32>
          %add3A_2620 = arith.addf %mul3A_2618, %mul3A_2619 : vector<16xf32>
          %mul3A_2621 = arith.mulf %sub3A_2617, %sub3A_2617 : vector<16xf32>
          %add3A_2622 = arith.addf %add3A_2620, %mul3A_2621 : vector<16xf32>
          %mul3A_2623 = arith.constant 16 : i32
          %mul3A_2624 = arith.muli %add3A_2606, %mul3A_2623 : i32
          %add3A_2625 = vector.broadcast %mul3A_2624 : i32 to vector<16xi32>
          %add3A_2626 = arith.addi %iota3A, %add3A_2625 : vector<16xi32>
          %eq3A_2627 = arith.cmpi eq, %add3A_2626, %add3A_2528 : vector<16xi32>
          %broadcast_in_dim3A_2628 = vector.broadcast %scan3A : f32 to vector<16xf32>
          %select_n3A_2629 = arith.select %eq3A_2627, %broadcast_in_dim3A_2628, %add3A_2622 : vector<16xi1>, vector<16xf32>
          %mul3A_2630 = arith.constant 4 : i32
          %mul3A_2631 = arith.muli %scan3A_2547, %mul3A_2630 : i32
          %add3A_2632 = arith.constant 3 : i32
          %add3A_2633 = arith.addi %mul3A_2631, %add3A_2632 : i32
          %mul3A_2634 = arith.constant 16 : i32
          %mul3A_2635 = arith.muli %add3A_2633, %mul3A_2634 : i32
          %get3A_2636 = arith.index_cast %mul3A_2635 : i32 to index
          %get3A_2637 = tpu.vector_load %arg6[%get3A_2636] {strides = array<i32>} : memref<4096xf32, #tpu.memory_space<vmem>>, vector<16xf32>,
          %sub3A_2638 = arith.subf %get3A_2637, %gather3A_2529 : vector<16xf32>
          %get3A_2639 = arith.index_cast %mul3A_2635 : i32 to index
          %get3A_2640 = tpu.vector_load %arg7[%get3A_2639] {strides = array<i32>} : memref<4096xf32, #tpu.memory_space<vmem>>, vector<16xf32>,
          %sub3A_2641 = arith.subf %get3A_2640, %gather3A_2530 : vector<16xf32>
          %get3A_2642 = arith.index_cast %mul3A_2635 : i32 to index
          %get3A_2643 = tpu.vector_load %arg8[%get3A_2642] {strides = array<i32>} : memref<4096xf32, #tpu.memory_space<vmem>>, vector<16xf32>,
          %sub3A_2644 = arith.subf %get3A_2643, %gather3A_2531 : vector<16xf32>
          %mul3A_2645 = arith.mulf %sub3A_2638, %sub3A_2638 : vector<16xf32>
          %mul3A_2646 = arith.mulf %sub3A_2641, %sub3A_2641 : vector<16xf32>
          %add3A_2647 = arith.addf %mul3A_2645, %mul3A_2646 : vector<16xf32>
          %mul3A_2648 = arith.mulf %sub3A_2644, %sub3A_2644 : vector<16xf32>
          %add3A_2649 = arith.addf %add3A_2647, %mul3A_2648 : vector<16xf32>
          %mul3A_2650 = arith.constant 16 : i32
          %mul3A_2651 = arith.muli %add3A_2633, %mul3A_2650 : i32
          %add3A_2652 = vector.broadcast %mul3A_2651 : i32 to vector<16xi32>
          %add3A_2653 = arith.addi %iota3A, %add3A_2652 : vector<16xi32>
          %eq3A_2654 = arith.cmpi eq, %add3A_2653, %add3A_2528 : vector<16xi32>
          %broadcast_in_dim3A_2655 = vector.broadcast %scan3A : f32 to vector<16xf32>
          %select_n3A_2656 = arith.select %eq3A_2654, %broadcast_in_dim3A_2655, %add3A_2649 : vector<16xi1>, vector<16xf32>
          %min3A = arith.minimumf %select_n3A, %select_n3A_2602 : vector<16xf32>
          %min3A_2657 = arith.minimumf %select_n3A_2629, %select_n3A_2656 : vector<16xf32>
          %min3A_2658 = arith.minimumf %min3A, %min3A_2657 : vector<16xf32>
          %reduce_min3A = arith.constant true
          %reduce_min3A_2659 = vector.broadcast %reduce_min3A : i1 to vector<16xi1>
          %reduce_min3A_2660 = tpu.scan <min>, %min3A_2658 masked %reduce_min3A_2659 : vector<16xf32>, vector<16xi1> -> vector<16xf32>
          %reduce_min3A_2661 = vector.extract %reduce_min3A_2660[15] : f32 from vector<16xf32>
          %lt3A = arith.cmpf olt, %reduce_min3A_2661, %scan3A_2550 : f32
          %convert_element_type3A = arith.extui %lt3A : i1 to i32
          %cond3A = arith.constant 0 : i32
          %cond3A_2662 = arith.cmpi ne, %convert_element_type3A, %cond3A : i32
          %cond3A_2663:3 = scf.if %cond3A_2662 -> (vector<16xf32>, vector<16xi32>, f32) {
            %reduce_min3A_2664 = arith.constant true
            %reduce_min3A_2665 = vector.broadcast %reduce_min3A_2664 : i1 to vector<16xi1>
            %reduce_min3A_2666 = tpu.scan <min>, %select_n3A masked %reduce_min3A_2665 : vector<16xf32>, vector<16xi1> -> vector<16xf32>
            %reduce_min3A_2667 = vector.extract %reduce_min3A_2666[15] : f32 from vector<16xf32>
            %lt3A_2668 = arith.cmpf olt, %reduce_min3A_2667, %scan3A_2550 : f32
            %convert_element_type3A_2669 = arith.extui %lt3A_2668 : i1 to i32
            %cond3A_2670 = arith.constant 0 : i32
            %cond3A_2671 = arith.cmpi ne, %convert_element_type3A_2669, %cond3A_2670 : i32
            %cond3A_2672:3 = scf.if %cond3A_2671 -> (vector<16xf32>, vector<16xi32>, f32) {
              %masked_sort3A = arith.constant dense<true> : vector<16xi1>
              %masked_sort3A_2700, %masked_sort3A_2701, %masked_sort3A_2702 = tpu.sort %select_n3A, %add3A_2574 masked %masked_sort3A : (vector<16xf32>, vector<16xi32>, vector<16xi1>) -> (vector<16xi1>, vector<16xf32>, vector<16xi32>)
              %rev3A = arith.constant 15 : i32
              %rev3A_2703 = vector.broadcast %rev3A : i32 to vector<16xi32>
              %rev3A_2704 = tpu.iota {dimensions = array<i32: 0>} : vector<16xi32>
              %rev3A_2705 = arith.subi %rev3A_2703, %rev3A_2704 : vector<16xi32>
              %rev3A_2706 = tpu.dynamic_gather %masked_sort3A_2701[%rev3A_2705] in [0] : vector<16xf32>, vector<16xi32> -> vector<16xf32>
              %rev3A_2707 = arith.constant 15 : i32
              %rev3A_2708 = vector.broadcast %rev3A_2707 : i32 to vector<16xi32>
              %rev3A_2709 = tpu.iota {dimensions = array<i32: 0>} : vector<16xi32>
              %rev3A_2710 = arith.subi %rev3A_2708, %rev3A_2709 : vector<16xi32>
              %rev3A_2711 = tpu.dynamic_gather %masked_sort3A_2702[%rev3A_2710] in [0] : vector<16xi32>, vector<16xi32> -> vector<16xi32>
              %le3A = arith.cmpf ole, %scan3A_2548, %rev3A_2706 : vector<16xf32>
              %select_n3A_2712 = arith.select %le3A, %scan3A_2548, %rev3A_2706 : vector<16xi1>, vector<16xf32>
              %select_n3A_2713 = arith.select %le3A, %scan3A_2549, %rev3A_2711 : vector<16xi1>, vector<16xi32>
              %masked_sort3A_2714 = arith.constant dense<true> : vector<16xi1>
              %masked_sort3A_2715, %masked_sort3A_2716, %masked_sort3A_2717 = tpu.sort %select_n3A_2712, %select_n3A_2713 masked %masked_sort3A_2714 : (vector<16xf32>, vector<16xi32>, vector<16xi1>) -> (vector<16xi1>, vector<16xf32>, vector<16xi32>)
              %reduce_max3A = arith.constant true
              %reduce_max3A_2718 = vector.broadcast %reduce_max3A : i1 to vector<16xi1>
              %reduce_max3A_2719 = tpu.scan <max>, %masked_sort3A_2716 masked %reduce_max3A_2718 : vector<16xf32>, vector<16xi1> -> vector<16xf32>
              %reduce_max3A_2720 = vector.extract %reduce_max3A_2719[15] : f32 from vector<16xf32>
              scf.yield %masked_sort3A_2716, %masked_sort3A_2717, %reduce_max3A_2720 : vector<16xf32>, vector<16xi32>, f32
            } else {
              scf.yield %scan3A_2548, %scan3A_2549, %scan3A_2550 : vector<16xf32>, vector<16xi32>, f32
            }
            %reduce_min3A_2673 = arith.constant true
            %reduce_min3A_2674 = vector.broadcast %reduce_min3A_2673 : i1 to vector<16xi1>
            %reduce_min3A_2675 = tpu.scan <min>, %select_n3A_2602 masked %reduce_min3A_2674 : vector<16xf32>, vector<16xi1> -> vector<16xf32>
            %reduce_min3A_2676 = vector.extract %reduce_min3A_2675[15] : f32 from vector<16xf32>
            %lt3A_2677 = arith.cmpf olt, %reduce_min3A_2676, %cond3A_2672#2 : f32
            %convert_element_type3A_2678 = arith.extui %lt3A_2677 : i1 to i32
            %cond3A_2679 = arith.constant 0 : i32
            %cond3A_2680 = arith.cmpi ne, %convert_element_type3A_2678, %cond3A_2679 : i32
            %cond3A_2681:3 = scf.if %cond3A_2680 -> (vector<16xf32>, vector<16xi32>, f32) {
              %masked_sort3A = arith.constant dense<true> : vector<16xi1>
              %masked_sort3A_2700, %masked_sort3A_2701, %masked_sort3A_2702 = tpu.sort %select_n3A_2602, %add3A_2599 masked %masked_sort3A : (vector<16xf32>, vector<16xi32>, vector<16xi1>) -> (vector<16xi1>, vector<16xf32>, vector<16xi32>)
              %rev3A = arith.constant 15 : i32
              %rev3A_2703 = vector.broadcast %rev3A : i32 to vector<16xi32>
              %rev3A_2704 = tpu.iota {dimensions = array<i32: 0>} : vector<16xi32>
              %rev3A_2705 = arith.subi %rev3A_2703, %rev3A_2704 : vector<16xi32>
              %rev3A_2706 = tpu.dynamic_gather %masked_sort3A_2701[%rev3A_2705] in [0] : vector<16xf32>, vector<16xi32> -> vector<16xf32>
              %rev3A_2707 = arith.constant 15 : i32
              %rev3A_2708 = vector.broadcast %rev3A_2707 : i32 to vector<16xi32>
              %rev3A_2709 = tpu.iota {dimensions = array<i32: 0>} : vector<16xi32>
              %rev3A_2710 = arith.subi %rev3A_2708, %rev3A_2709 : vector<16xi32>
              %rev3A_2711 = tpu.dynamic_gather %masked_sort3A_2702[%rev3A_2710] in [0] : vector<16xi32>, vector<16xi32> -> vector<16xi32>
              %le3A = arith.cmpf ole, %cond3A_2672#0, %rev3A_2706 : vector<16xf32>
              %select_n3A_2712 = arith.select %le3A, %cond3A_2672#0, %rev3A_2706 : vector<16xi1>, vector<16xf32>
              %select_n3A_2713 = arith.select %le3A, %cond3A_2672#1, %rev3A_2711 : vector<16xi1>, vector<16xi32>
              %masked_sort3A_2714 = arith.constant dense<true> : vector<16xi1>
              %masked_sort3A_2715, %masked_sort3A_2716, %masked_sort3A_2717 = tpu.sort %select_n3A_2712, %select_n3A_2713 masked %masked_sort3A_2714 : (vector<16xf32>, vector<16xi32>, vector<16xi1>) -> (vector<16xi1>, vector<16xf32>, vector<16xi32>)
              %reduce_max3A = arith.constant true
              %reduce_max3A_2718 = vector.broadcast %reduce_max3A : i1 to vector<16xi1>
              %reduce_max3A_2719 = tpu.scan <max>, %masked_sort3A_2716 masked %reduce_max3A_2718 : vector<16xf32>, vector<16xi1> -> vector<16xf32>
              %reduce_max3A_2720 = vector.extract %reduce_max3A_2719[15] : f32 from vector<16xf32>
              scf.yield %masked_sort3A_2716, %masked_sort3A_2717, %reduce_max3A_2720 : vector<16xf32>, vector<16xi32>, f32
            } else {
              scf.yield %cond3A_2672#0, %cond3A_2672#1, %cond3A_2672#2 : vector<16xf32>, vector<16xi32>, f32
            }
            %reduce_min3A_2682 = arith.constant true
            %reduce_min3A_2683 = vector.broadcast %reduce_min3A_2682 : i1 to vector<16xi1>
            %reduce_min3A_2684 = tpu.scan <min>, %select_n3A_2629 masked %reduce_min3A_2683 : vector<16xf32>, vector<16xi1> -> vector<16xf32>
            %reduce_min3A_2685 = vector.extract %reduce_min3A_2684[15] : f32 from vector<16xf32>
            %lt3A_2686 = arith.cmpf olt, %reduce_min3A_2685, %cond3A_2681#2 : f32
            %convert_element_type3A_2687 = arith.extui %lt3A_2686 : i1 to i32
            %cond3A_2688 = arith.constant 0 : i32
            %cond3A_2689 = arith.cmpi ne, %convert_element_type3A_2687, %cond3A_2688 : i32
            %cond3A_2690:3 = scf.if %cond3A_2689 -> (vector<16xf32>, vector<16xi32>, f32) {
              %masked_sort3A = arith.constant dense<true> : vector<16xi1>
              %masked_sort3A_2700, %masked_sort3A_2701, %masked_sort3A_2702 = tpu.sort %select_n3A_2629, %add3A_2626 masked %masked_sort3A : (vector<16xf32>, vector<16xi32>, vector<16xi1>) -> (vector<16xi1>, vector<16xf32>, vector<16xi32>)
              %rev3A = arith.constant 15 : i32
              %rev3A_2703 = vector.broadcast %rev3A : i32 to vector<16xi32>
              %rev3A_2704 = tpu.iota {dimensions = array<i32: 0>} : vector<16xi32>
              %rev3A_2705 = arith.subi %rev3A_2703, %rev3A_2704 : vector<16xi32>
              %rev3A_2706 = tpu.dynamic_gather %masked_sort3A_2701[%rev3A_2705] in [0] : vector<16xf32>, vector<16xi32> -> vector<16xf32>
              %rev3A_2707 = arith.constant 15 : i32
              %rev3A_2708 = vector.broadcast %rev3A_2707 : i32 to vector<16xi32>
              %rev3A_2709 = tpu.iota {dimensions = array<i32: 0>} : vector<16xi32>
              %rev3A_2710 = arith.subi %rev3A_2708, %rev3A_2709 : vector<16xi32>
              %rev3A_2711 = tpu.dynamic_gather %masked_sort3A_2702[%rev3A_2710] in [0] : vector<16xi32>, vector<16xi32> -> vector<16xi32>
              %le3A = arith.cmpf ole, %cond3A_2681#0, %rev3A_2706 : vector<16xf32>
              %select_n3A_2712 = arith.select %le3A, %cond3A_2681#0, %rev3A_2706 : vector<16xi1>, vector<16xf32>
              %select_n3A_2713 = arith.select %le3A, %cond3A_2681#1, %rev3A_2711 : vector<16xi1>, vector<16xi32>
              %masked_sort3A_2714 = arith.constant dense<true> : vector<16xi1>
              %masked_sort3A_2715, %masked_sort3A_2716, %masked_sort3A_2717 = tpu.sort %select_n3A_2712, %select_n3A_2713 masked %masked_sort3A_2714 : (vector<16xf32>, vector<16xi32>, vector<16xi1>) -> (vector<16xi1>, vector<16xf32>, vector<16xi32>)
              %reduce_max3A = arith.constant true
              %reduce_max3A_2718 = vector.broadcast %reduce_max3A : i1 to vector<16xi1>
              %reduce_max3A_2719 = tpu.scan <max>, %masked_sort3A_2716 masked %reduce_max3A_2718 : vector<16xf32>, vector<16xi1> -> vector<16xf32>
              %reduce_max3A_2720 = vector.extract %reduce_max3A_2719[15] : f32 from vector<16xf32>
              scf.yield %masked_sort3A_2716, %masked_sort3A_2717, %reduce_max3A_2720 : vector<16xf32>, vector<16xi32>, f32
            } else {
              scf.yield %cond3A_2681#0, %cond3A_2681#1, %cond3A_2681#2 : vector<16xf32>, vector<16xi32>, f32
            }
            %reduce_min3A_2691 = arith.constant true
            %reduce_min3A_2692 = vector.broadcast %reduce_min3A_2691 : i1 to vector<16xi1>
            %reduce_min3A_2693 = tpu.scan <min>, %select_n3A_2656 masked %reduce_min3A_2692 : vector<16xf32>, vector<16xi1> -> vector<16xf32>
            %reduce_min3A_2694 = vector.extract %reduce_min3A_2693[15] : f32 from vector<16xf32>
            %lt3A_2695 = arith.cmpf olt, %reduce_min3A_2694, %cond3A_2690#2 : f32
            %convert_element_type3A_2696 = arith.extui %lt3A_2695 : i1 to i32
            %cond3A_2697 = arith.constant 0 : i32
            %cond3A_2698 = arith.cmpi ne, %convert_element_type3A_2696, %cond3A_2697 : i32
            %cond3A_2699:3 = scf.if %cond3A_2698 -> (vector<16xf32>, vector<16xi32>, f32) {
              %masked_sort3A = arith.constant dense<true> : vector<16xi1>
              %masked_sort3A_2700, %masked_sort3A_2701, %masked_sort3A_2702 = tpu.sort %select_n3A_2656, %add3A_2653 masked %masked_sort3A : (vector<16xf32>, vector<16xi32>, vector<16xi1>) -> (vector<16xi1>, vector<16xf32>, vector<16xi32>)
              %rev3A = arith.constant 15 : i32
              %rev3A_2703 = vector.broadcast %rev3A : i32 to vector<16xi32>
              %rev3A_2704 = tpu.iota {dimensions = array<i32: 0>} : vector<16xi32>
              %rev3A_2705 = arith.subi %rev3A_2703, %rev3A_2704 : vector<16xi32>
              %rev3A_2706 = tpu.dynamic_gather %masked_sort3A_2701[%rev3A_2705] in [0] : vector<16xf32>, vector<16xi32> -> vector<16xf32>
              %rev3A_2707 = arith.constant 15 : i32
              %rev3A_2708 = vector.broadcast %rev3A_2707 : i32 to vector<16xi32>
              %rev3A_2709 = tpu.iota {dimensions = array<i32: 0>} : vector<16xi32>
              %rev3A_2710 = arith.subi %rev3A_2708, %rev3A_2709 : vector<16xi32>
              %rev3A_2711 = tpu.dynamic_gather %masked_sort3A_2702[%rev3A_2710] in [0] : vector<16xi32>, vector<16xi32> -> vector<16xi32>
              %le3A = arith.cmpf ole, %cond3A_2690#0, %rev3A_2706 : vector<16xf32>
              %select_n3A_2712 = arith.select %le3A, %cond3A_2690#0, %rev3A_2706 : vector<16xi1>, vector<16xf32>
              %select_n3A_2713 = arith.select %le3A, %cond3A_2690#1, %rev3A_2711 : vector<16xi1>, vector<16xi32>
              %masked_sort3A_2714 = arith.constant dense<true> : vector<16xi1>
              %masked_sort3A_2715, %masked_sort3A_2716, %masked_sort3A_2717 = tpu.sort %select_n3A_2712, %select_n3A_2713 masked %masked_sort3A_2714 : (vector<16xf32>, vector<16xi32>, vector<16xi1>) -> (vector<16xi1>, vector<16xf32>, vector<16xi32>)
              %reduce_max3A = arith.constant true
              %reduce_max3A_2718 = vector.broadcast %reduce_max3A : i1 to vector<16xi1>
              %reduce_max3A_2719 = tpu.scan <max>, %masked_sort3A_2716 masked %reduce_max3A_2718 : vector<16xf32>, vector<16xi1> -> vector<16xf32>
              %reduce_max3A_2720 = vector.extract %reduce_max3A_2719[15] : f32 from vector<16xf32>
              scf.yield %masked_sort3A_2716, %masked_sort3A_2717, %reduce_max3A_2720 : vector<16xf32>, vector<16xi32>, f32
            } else {
              scf.yield %cond3A_2690#0, %cond3A_2690#1, %cond3A_2690#2 : vector<16xf32>, vector<16xi32>, f32
            }
            scf.yield %cond3A_2699#0, %cond3A_2699#1, %cond3A_2699#2 : vector<16xf32>, vector<16xi32>, f32
          } else {
            scf.yield %scan3A_2548, %scan3A_2549, %scan3A_2550 : vector<16xf32>, vector<16xi32>, f32
          }
          scf.yield %cond3A_2663#0, %cond3A_2663#1, %cond3A_2663#2 : vector<16xf32>, vector<16xi32>, f32
        }
        %scan3A_2541 = arith.constant 64 : i32
        %mul3A_2542 = arith.constant 16 : i32
        %mul3A_2543 = arith.muli %scan3A_2522, %mul3A_2542 : i32
        %add3A_2544 = vector.broadcast %mul3A_2543 : i32 to vector<16xi32>
        %add3A_2545 = arith.addi %add3A_2544, %iota3A : vector<16xi32>
        tpu.vector_store_idx %arg9[%add3A_2545], %scan3A_2540#1 : memref<256xi32, #tpu.memory_space<vmem>>[vector<16xi32>], vector<16xi32>,
        %scan3A_2546 = arith.constant 0 : i32
        scf.yield %scan3A_2546 : i32
      }
      %scan3A_27 = arith.constant 16 : i32
      %get3A = arith.index_cast %add3A_20 : i32 to index
      %get3A_28 = tpu.vector_load %arg6[%get3A] {strides = array<i32>} : memref<4096xf32, #tpu.memory_space<vmem>>, vector<16xf32>,
      %get3A_29 = arith.index_cast %add3A_20 : i32 to index
      %get3A_30 = tpu.vector_load %arg7[%get3A_29] {strides = array<i32>} : memref<4096xf32, #tpu.memory_space<vmem>>, vector<16xf32>,
      %get3A_31 = arith.index_cast %add3A_20 : i32 to index
      %get3A_32 = tpu.vector_load %arg8[%get3A_31] {strides = array<i32>} : memref<4096xf32, #tpu.memory_space<vmem>>, vector<16xf32>,
      %broadcast_in_dim3A_33 = arith.constant 0.000000e+00 : f32
      %broadcast_in_dim3A_34 = vector.broadcast %broadcast_in_dim3A_33 : f32 to vector<16xf32>
      %mul3A_35 = arith.constant 16 : i32
      %mul3A_36 = vector.broadcast %mul3A_35 : i32 to vector<16xi32>
      %mul3A_37 = arith.muli %iota3A, %mul3A_36 : vector<16xi32>
      %add3A_38 = arith.constant 0 : i32
      %add3A_39 = vector.broadcast %add3A_38 : i32 to vector<16xi32>
      %add3A_40 = arith.addi %mul3A_37, %add3A_39 : vector<16xi32>
      %gather3A = tpu.vector_load_idx %arg9[%add3A_40] : memref<256xi32, #tpu.memory_space<vmem>>[vector<16xi32>], vector<16xi32>,
      %gather3A_41 = tpu.vector_load_idx %arg6[%gather3A] : memref<4096xf32, #tpu.memory_space<vmem>>[vector<16xi32>], vector<16xf32>,
      %sub3A = arith.subf %gather3A_41, %get3A_28 : vector<16xf32>
      %gather3A_42 = tpu.vector_load_idx %arg7[%gather3A] : memref<4096xf32, #tpu.memory_space<vmem>>[vector<16xi32>], vector<16xf32>,
      %sub3A_43 = arith.subf %gather3A_42, %get3A_30 : vector<16xf32>
      %gather3A_44 = tpu.vector_load_idx %arg8[%gather3A] : memref<4096xf32, #tpu.memory_space<vmem>>[vector<16xi32>], vector<16xf32>,
      %sub3A_45 = arith.subf %gather3A_44, %get3A_32 : vector<16xf32>
      %mul3A_46 = arith.mulf %sub3A, %sub3A : vector<16xf32>
      %mul3A_47 = arith.mulf %sub3A_43, %sub3A_43 : vector<16xf32>
      %add3A_48 = arith.addf %mul3A_46, %mul3A_47 : vector<16xf32>
      %mul3A_49 = arith.mulf %sub3A_45, %sub3A_45 : vector<16xf32>
      %add3A_50 = arith.addf %add3A_48, %mul3A_49 : vector<16xf32>
      %bitcast3A = vector.bitcast %add3A_50 : vector<16xf32> to vector<16xi32>
      %shift_right_logical3A = arith.constant 1 : i32
      %shift_right_logical3A_51 = vector.broadcast %shift_right_logical3A : i32 to vector<16xi32>
      %shift_right_logical3A_52 = arith.shrui %bitcast3A, %shift_right_logical3A_51 : vector<16xi32>
      %sub3A_53 = arith.constant 1597463007 : i32
      %sub3A_54 = vector.broadcast %sub3A_53 : i32 to vector<16xi32>
      %sub3A_55 = arith.subi %sub3A_54, %shift_right_logical3A_52 : vector<16xi32>
      %bitcast3A_56 = vector.bitcast %sub3A_55 : vector<16xi32> to vector<16xf32>
      %mul3A_57 = arith.constant 5.000000e-01 : f32
      %mul3A_58 = vector.broadcast %mul3A_57 : f32 to vector<16xf32>
      %mul3A_59 = arith.mulf %mul3A_58, %add3A_50 : vector<16xf32>
      %mul3A_60 = arith.mulf %mul3A_59, %bitcast3A_56 : vector<16xf32>
      %mul3A_61 = arith.mulf %mul3A_60, %bitcast3A_56 : vector<16xf32>
      %sub3A_62 = arith.constant 1.500000e+00 : f32
      %sub3A_63 = vector.broadcast %sub3A_62 : f32 to vector<16xf32>
      %sub3A_64 = arith.subf %sub3A_63, %mul3A_61 : vector<16xf32>
      %mul3A_65 = arith.mulf %bitcast3A_56, %sub3A_64 : vector<16xf32>
      %mul3A_66 = arith.constant 5.000000e-01 : f32
      %mul3A_67 = vector.broadcast %mul3A_66 : f32 to vector<16xf32>
      %mul3A_68 = arith.mulf %mul3A_67, %add3A_50 : vector<16xf32>
      %mul3A_69 = arith.mulf %mul3A_68, %mul3A_65 : vector<16xf32>
      %mul3A_70 = arith.mulf %mul3A_69, %mul3A_65 : vector<16xf32>
      %sub3A_71 = arith.constant 1.500000e+00 : f32
      %sub3A_72 = vector.broadcast %sub3A_71 : f32 to vector<16xf32>
      %sub3A_73 = arith.subf %sub3A_72, %mul3A_70 : vector<16xf32>
      %mul3A_74 = arith.mulf %mul3A_65, %sub3A_73 : vector<16xf32>
      %mul3A_75 = arith.constant 5.000000e-01 : f32
      %mul3A_76 = vector.broadcast %mul3A_75 : f32 to vector<16xf32>
      %mul3A_77 = arith.mulf %mul3A_76, %add3A_50 : vector<16xf32>
      %mul3A_78 = arith.mulf %mul3A_77, %mul3A_74 : vector<16xf32>
      %mul3A_79 = arith.mulf %mul3A_78, %mul3A_74 : vector<16xf32>
      %sub3A_80 = arith.constant 1.500000e+00 : f32
      %sub3A_81 = vector.broadcast %sub3A_80 : f32 to vector<16xf32>
      %sub3A_82 = arith.subf %sub3A_81, %mul3A_79 : vector<16xf32>
      %mul3A_83 = arith.mulf %mul3A_74, %sub3A_82 : vector<16xf32>
      %mul3A_84 = arith.mulf %add3A_50, %mul3A_83 : vector<16xf32>
      %mul3A_85 = arith.mulf %sub3A, %mul3A_83 : vector<16xf32>
      %mul3A_86 = arith.mulf %sub3A_43, %mul3A_83 : vector<16xf32>
      %mul3A_87 = arith.mulf %sub3A_45, %mul3A_83 : vector<16xf32>
      %sub3A_88 = arith.constant 3.000000e-01 : f32
      %sub3A_89 = vector.broadcast %sub3A_88 : f32 to vector<16xf32>
      %sub3A_90 = arith.subf %mul3A_84, %sub3A_89 : vector<16xf32>
      %mul3A_91 = arith.mulf %sub3A_90, %sub3A_90 : vector<16xf32>
      %mul3A_92 = arith.constant -2.000000e+00 : f32
      %mul3A_93 = vector.broadcast %mul3A_92 : f32 to vector<16xf32>
      %mul3A_94 = arith.mulf %mul3A_91, %mul3A_93 : vector<16xf32>
      %exp3A = math.exp %mul3A_94 : vector<16xf32>
      %add3A_95 = arith.addf %broadcast_in_dim3A_34, %exp3A : vector<16xf32>
      %mul3A_96 = arith.mulf %mul3A_87, %mul3A_87 : vector<16xf32>
      %mul3A_97 = arith.constant 2.310000e+02 : f32
      %mul3A_98 = vector.broadcast %mul3A_97 : f32 to vector<16xf32>
      %mul3A_99 = arith.mulf %mul3A_98, %mul3A_96 : vector<16xf32>
      %sub3A_100 = arith.constant 3.150000e+02 : f32
      %sub3A_101 = vector.broadcast %sub3A_100 : f32 to vector<16xf32>
      %sub3A_102 = arith.subf %mul3A_99, %sub3A_101 : vector<16xf32>
      %mul3A_103 = arith.mulf %sub3A_102, %mul3A_96 : vector<16xf32>
      %add3A_104 = arith.constant 1.050000e+02 : f32
      %add3A_105 = vector.broadcast %add3A_104 : f32 to vector<16xf32>
      %add3A_106 = arith.addf %mul3A_103, %add3A_105 : vector<16xf32>
      %mul3A_107 = arith.mulf %add3A_106, %mul3A_96 : vector<16xf32>
      %sub3A_108 = arith.constant 5.000000e+00 : f32
      %sub3A_109 = vector.broadcast %sub3A_108 : f32 to vector<16xf32>
      %sub3A_110 = arith.subf %mul3A_107, %sub3A_109 : vector<16xf32>
      %mul3A_111 = arith.constant 6.250000e-02 : f32
      %mul3A_112 = vector.broadcast %mul3A_111 : f32 to vector<16xf32>
      %mul3A_113 = arith.mulf %sub3A_110, %mul3A_112 : vector<16xf32>
      %mul3A_114 = arith.constant 1.386000e+03 : f32
      %mul3A_115 = vector.broadcast %mul3A_114 : f32 to vector<16xf32>
      %mul3A_116 = arith.mulf %mul3A_115, %mul3A_96 : vector<16xf32>
      %sub3A_117 = arith.constant 1.260000e+03 : f32
      %sub3A_118 = vector.broadcast %sub3A_117 : f32 to vector<16xf32>
      %sub3A_119 = arith.subf %mul3A_116, %sub3A_118 : vector<16xf32>
      %mul3A_120 = arith.mulf %sub3A_119, %mul3A_96 : vector<16xf32>
      %add3A_121 = arith.constant 2.100000e+02 : f32
      %add3A_122 = vector.broadcast %add3A_121 : f32 to vector<16xf32>
      %add3A_123 = arith.addf %mul3A_120, %add3A_122 : vector<16xf32>
      %mul3A_124 = arith.mulf %add3A_123, %mul3A_87 : vector<16xf32>
      %mul3A_125 = arith.constant 6.250000e-02 : f32
      %mul3A_126 = vector.broadcast %mul3A_125 : f32 to vector<16xf32>
      %mul3A_127 = arith.mulf %mul3A_124, %mul3A_126 : vector<16xf32>
      %mul3A_128 = arith.constant 6.930000e+03 : f32
      %mul3A_129 = vector.broadcast %mul3A_128 : f32 to vector<16xf32>
      %mul3A_130 = arith.mulf %mul3A_129, %mul3A_96 : vector<16xf32>
      %sub3A_131 = arith.constant 3.780000e+03 : f32
      %sub3A_132 = vector.broadcast %sub3A_131 : f32 to vector<16xf32>
      %sub3A_133 = arith.subf %mul3A_130, %sub3A_132 : vector<16xf32>
      %mul3A_134 = arith.mulf %sub3A_133, %mul3A_96 : vector<16xf32>
      %add3A_135 = arith.constant 2.100000e+02 : f32
      %add3A_136 = vector.broadcast %add3A_135 : f32 to vector<16xf32>
      %add3A_137 = arith.addf %mul3A_134, %add3A_136 : vector<16xf32>
      %mul3A_138 = arith.constant 6.250000e-02 : f32
      %mul3A_139 = vector.broadcast %mul3A_138 : f32 to vector<16xf32>
      %mul3A_140 = arith.mulf %add3A_137, %mul3A_139 : vector<16xf32>
      %mul3A_141 = arith.constant 2.772000e+04 : f32
      %mul3A_142 = vector.broadcast %mul3A_141 : f32 to vector<16xf32>
      %mul3A_143 = arith.mulf %mul3A_142, %mul3A_96 : vector<16xf32>
      %sub3A_144 = arith.constant 7.560000e+03 : f32
      %sub3A_145 = vector.broadcast %sub3A_144 : f32 to vector<16xf32>
      %sub3A_146 = arith.subf %mul3A_143, %sub3A_145 : vector<16xf32>
      %mul3A_147 = arith.mulf %sub3A_146, %mul3A_87 : vector<16xf32>
      %mul3A_148 = arith.constant 6.250000e-02 : f32
      %mul3A_149 = vector.broadcast %mul3A_148 : f32 to vector<16xf32>
      %mul3A_150 = arith.mulf %mul3A_147, %mul3A_149 : vector<16xf32>
      %mul3A_151 = arith.constant 8.316000e+04 : f32
      %mul3A_152 = vector.broadcast %mul3A_151 : f32 to vector<16xf32>
      %mul3A_153 = arith.mulf %mul3A_152, %mul3A_96 : vector<16xf32>
      %sub3A_154 = arith.constant 7.560000e+03 : f32
      %sub3A_155 = vector.broadcast %sub3A_154 : f32 to vector<16xf32>
      %sub3A_156 = arith.subf %mul3A_153, %sub3A_155 : vector<16xf32>
      %mul3A_157 = arith.constant 6.250000e-02 : f32
      %mul3A_158 = vector.broadcast %mul3A_157 : f32 to vector<16xf32>
      %mul3A_159 = arith.mulf %sub3A_156, %mul3A_158 : vector<16xf32>
      %mul3A_160 = arith.constant 1.039500e+04 : f32
      %mul3A_161 = vector.broadcast %mul3A_160 : f32 to vector<16xf32>
      %mul3A_162 = arith.mulf %mul3A_161, %mul3A_87 : vector<16xf32>
      %mul3A_163 = arith.mulf %exp3A, %mul3A_113 : vector<16xf32>
      %add3A_164 = arith.addf %broadcast_in_dim3A_34, %mul3A_163 : vector<16xf32>
      %mul3A_165 = arith.mulf %mul3A_127, %mul3A_85 : vector<16xf32>
      %mul3A_166 = arith.mulf %exp3A, %mul3A_165 : vector<16xf32>
      %add3A_167 = arith.addf %broadcast_in_dim3A_34, %mul3A_166 : vector<16xf32>
      %mul3A_168 = arith.mulf %mul3A_127, %mul3A_86 : vector<16xf32>
      %mul3A_169 = arith.mulf %exp3A, %mul3A_168 : vector<16xf32>
      %add3A_170 = arith.addf %broadcast_in_dim3A_34, %mul3A_169 : vector<16xf32>
      %mul3A_171 = arith.mulf %mul3A_85, %mul3A_85 : vector<16xf32>
      %mul3A_172 = arith.mulf %mul3A_86, %mul3A_86 : vector<16xf32>
      %sub3A_173 = arith.subf %mul3A_171, %mul3A_172 : vector<16xf32>
      %mul3A_174 = arith.mulf %mul3A_85, %mul3A_86 : vector<16xf32>
      %mul3A_175 = arith.mulf %mul3A_86, %mul3A_85 : vector<16xf32>
      %add3A_176 = arith.addf %mul3A_174, %mul3A_175 : vector<16xf32>
      %mul3A_177 = arith.mulf %mul3A_140, %sub3A_173 : vector<16xf32>
      %mul3A_178 = arith.mulf %exp3A, %mul3A_177 : vector<16xf32>
      %add3A_179 = arith.addf %broadcast_in_dim3A_34, %mul3A_178 : vector<16xf32>
      %mul3A_180 = arith.mulf %mul3A_140, %add3A_176 : vector<16xf32>
      %mul3A_181 = arith.mulf %exp3A, %mul3A_180 : vector<16xf32>
      %add3A_182 = arith.addf %broadcast_in_dim3A_34, %mul3A_181 : vector<16xf32>
      %mul3A_183 = arith.mulf %sub3A_173, %mul3A_85 : vector<16xf32>
      %mul3A_184 = arith.mulf %add3A_176, %mul3A_86 : vector<16xf32>
      %sub3A_185 = arith.subf %mul3A_183, %mul3A_184 : vector<16xf32>
      %mul3A_186 = arith.mulf %sub3A_173, %mul3A_86 : vector<16xf32>
      %mul3A_187 = arith.mulf %add3A_176, %mul3A_85 : vector<16xf32>
      %add3A_188 = arith.addf %mul3A_186, %mul3A_187 : vector<16xf32>
      %mul3A_189 = arith.mulf %mul3A_150, %sub3A_185 : vector<16xf32>
      %mul3A_190 = arith.mulf %exp3A, %mul3A_189 : vector<16xf32>
      %add3A_191 = arith.addf %broadcast_in_dim3A_34, %mul3A_190 : vector<16xf32>
      %mul3A_192 = arith.mulf %mul3A_150, %add3A_188 : vector<16xf32>
      %mul3A_193 = arith.mulf %exp3A, %mul3A_192 : vector<16xf32>
      %add3A_194 = arith.addf %broadcast_in_dim3A_34, %mul3A_193 : vector<16xf32>
      %mul3A_195 = arith.mulf %sub3A_185, %mul3A_85 : vector<16xf32>
      %mul3A_196 = arith.mulf %add3A_188, %mul3A_86 : vector<16xf32>
      %sub3A_197 = arith.subf %mul3A_195, %mul3A_196 : vector<16xf32>
      %mul3A_198 = arith.mulf %sub3A_185, %mul3A_86 : vector<16xf32>
      %mul3A_199 = arith.mulf %add3A_188, %mul3A_85 : vector<16xf32>
      %add3A_200 = arith.addf %mul3A_198, %mul3A_199 : vector<16xf32>
      %mul3A_201 = arith.mulf %mul3A_159, %sub3A_197 : vector<16xf32>
      %mul3A_202 = arith.mulf %exp3A, %mul3A_201 : vector<16xf32>
      %add3A_203 = arith.addf %broadcast_in_dim3A_34, %mul3A_202 : vector<16xf32>
      %mul3A_204 = arith.mulf %mul3A_159, %add3A_200 : vector<16xf32>
      %mul3A_205 = arith.mulf %exp3A, %mul3A_204 : vector<16xf32>
      %add3A_206 = arith.addf %broadcast_in_dim3A_34, %mul3A_205 : vector<16xf32>
      %mul3A_207 = arith.mulf %sub3A_197, %mul3A_85 : vector<16xf32>
      %mul3A_208 = arith.mulf %add3A_200, %mul3A_86 : vector<16xf32>
      %sub3A_209 = arith.subf %mul3A_207, %mul3A_208 : vector<16xf32>
      %mul3A_210 = arith.mulf %sub3A_197, %mul3A_86 : vector<16xf32>
      %mul3A_211 = arith.mulf %add3A_200, %mul3A_85 : vector<16xf32>
      %add3A_212 = arith.addf %mul3A_210, %mul3A_211 : vector<16xf32>
      %mul3A_213 = arith.mulf %mul3A_162, %sub3A_209 : vector<16xf32>
      %mul3A_214 = arith.mulf %exp3A, %mul3A_213 : vector<16xf32>
      %add3A_215 = arith.addf %broadcast_in_dim3A_34, %mul3A_214 : vector<16xf32>
      %mul3A_216 = arith.mulf %mul3A_162, %add3A_212 : vector<16xf32>
      %mul3A_217 = arith.mulf %exp3A, %mul3A_216 : vector<16xf32>
      %add3A_218 = arith.addf %broadcast_in_dim3A_34, %mul3A_217 : vector<16xf32>
      %mul3A_219 = arith.mulf %sub3A_209, %mul3A_85 : vector<16xf32>
      %mul3A_220 = arith.mulf %add3A_212, %mul3A_86 : vector<16xf32>
      %sub3A_221 = arith.subf %mul3A_219, %mul3A_220 : vector<16xf32>
      %mul3A_222 = arith.mulf %sub3A_209, %mul3A_86 : vector<16xf32>
      %mul3A_223 = arith.mulf %add3A_212, %mul3A_85 : vector<16xf32>
      %add3A_224 = arith.addf %mul3A_222, %mul3A_223 : vector<16xf32>
      %mul3A_225 = arith.mulf %exp3A, %sub3A_221 : vector<16xf32>
      %add3A_226 = arith.addf %broadcast_in_dim3A_34, %mul3A_225 : vector<16xf32>
      %mul3A_227 = arith.mulf %exp3A, %add3A_224 : vector<16xf32>
      %add3A_228 = arith.addf %broadcast_in_dim3A_34, %mul3A_227 : vector<16xf32>
      %mul3A_229 = arith.constant 16 : i32
      %mul3A_230 = vector.broadcast %mul3A_229 : i32 to vector<16xi32>
      %mul3A_231 = arith.muli %iota3A, %mul3A_230 : vector<16xi32>
      %add3A_232 = arith.constant 1 : i32
      %add3A_233 = vector.broadcast %add3A_232 : i32 to vector<16xi32>
      %add3A_234 = arith.addi %mul3A_231, %add3A_233 : vector<16xi32>
      %gather3A_235 = tpu.vector_load_idx %arg9[%add3A_234] : memref<256xi32, #tpu.memory_space<vmem>>[vector<16xi32>], vector<16xi32>,
      %gather3A_236 = tpu.vector_load_idx %arg6[%gather3A_235] : memref<4096xf32, #tpu.memory_space<vmem>>[vector<16xi32>], vector<16xf32>,
      %sub3A_237 = arith.subf %gather3A_236, %get3A_28 : vector<16xf32>
      %gather3A_238 = tpu.vector_load_idx %arg7[%gather3A_235] : memref<4096xf32, #tpu.memory_space<vmem>>[vector<16xi32>], vector<16xf32>,
      %sub3A_239 = arith.subf %gather3A_238, %get3A_30 : vector<16xf32>
      %gather3A_240 = tpu.vector_load_idx %arg8[%gather3A_235] : memref<4096xf32, #tpu.memory_space<vmem>>[vector<16xi32>], vector<16xf32>,
      %sub3A_241 = arith.subf %gather3A_240, %get3A_32 : vector<16xf32>
      %mul3A_242 = arith.mulf %sub3A_237, %sub3A_237 : vector<16xf32>
      %mul3A_243 = arith.mulf %sub3A_239, %sub3A_239 : vector<16xf32>
      %add3A_244 = arith.addf %mul3A_242, %mul3A_243 : vector<16xf32>
      %mul3A_245 = arith.mulf %sub3A_241, %sub3A_241 : vector<16xf32>
      %add3A_246 = arith.addf %add3A_244, %mul3A_245 : vector<16xf32>
      %bitcast3A_247 = vector.bitcast %add3A_246 : vector<16xf32> to vector<16xi32>
      %shift_right_logical3A_248 = arith.constant 1 : i32
      %shift_right_logical3A_249 = vector.broadcast %shift_right_logical3A_248 : i32 to vector<16xi32>
      %shift_right_logical3A_250 = arith.shrui %bitcast3A_247, %shift_right_logical3A_249 : vector<16xi32>
      %sub3A_251 = arith.constant 1597463007 : i32
      %sub3A_252 = vector.broadcast %sub3A_251 : i32 to vector<16xi32>
      %sub3A_253 = arith.subi %sub3A_252, %shift_right_logical3A_250 : vector<16xi32>
      %bitcast3A_254 = vector.bitcast %sub3A_253 : vector<16xi32> to vector<16xf32>
      %mul3A_255 = arith.constant 5.000000e-01 : f32
      %mul3A_256 = vector.broadcast %mul3A_255 : f32 to vector<16xf32>
      %mul3A_257 = arith.mulf %mul3A_256, %add3A_246 : vector<16xf32>
      %mul3A_258 = arith.mulf %mul3A_257, %bitcast3A_254 : vector<16xf32>
      %mul3A_259 = arith.mulf %mul3A_258, %bitcast3A_254 : vector<16xf32>
      %sub3A_260 = arith.constant 1.500000e+00 : f32
      %sub3A_261 = vector.broadcast %sub3A_260 : f32 to vector<16xf32>
      %sub3A_262 = arith.subf %sub3A_261, %mul3A_259 : vector<16xf32>
      %mul3A_263 = arith.mulf %bitcast3A_254, %sub3A_262 : vector<16xf32>
      %mul3A_264 = arith.constant 5.000000e-01 : f32
      %mul3A_265 = vector.broadcast %mul3A_264 : f32 to vector<16xf32>
      %mul3A_266 = arith.mulf %mul3A_265, %add3A_246 : vector<16xf32>
      %mul3A_267 = arith.mulf %mul3A_266, %mul3A_263 : vector<16xf32>
      %mul3A_268 = arith.mulf %mul3A_267, %mul3A_263 : vector<16xf32>
      %sub3A_269 = arith.constant 1.500000e+00 : f32
      %sub3A_270 = vector.broadcast %sub3A_269 : f32 to vector<16xf32>
      %sub3A_271 = arith.subf %sub3A_270, %mul3A_268 : vector<16xf32>
      %mul3A_272 = arith.mulf %mul3A_263, %sub3A_271 : vector<16xf32>
      %mul3A_273 = arith.constant 5.000000e-01 : f32
      %mul3A_274 = vector.broadcast %mul3A_273 : f32 to vector<16xf32>
      %mul3A_275 = arith.mulf %mul3A_274, %add3A_246 : vector<16xf32>
      %mul3A_276 = arith.mulf %mul3A_275, %mul3A_272 : vector<16xf32>
      %mul3A_277 = arith.mulf %mul3A_276, %mul3A_272 : vector<16xf32>
      %sub3A_278 = arith.constant 1.500000e+00 : f32
      %sub3A_279 = vector.broadcast %sub3A_278 : f32 to vector<16xf32>
      %sub3A_280 = arith.subf %sub3A_279, %mul3A_277 : vector<16xf32>
      %mul3A_281 = arith.mulf %mul3A_272, %sub3A_280 : vector<16xf32>
      %mul3A_282 = arith.mulf %add3A_246, %mul3A_281 : vector<16xf32>
      %mul3A_283 = arith.mulf %sub3A_237, %mul3A_281 : vector<16xf32>
      %mul3A_284 = arith.mulf %sub3A_239, %mul3A_281 : vector<16xf32>
      %mul3A_285 = arith.mulf %sub3A_241, %mul3A_281 : vector<16xf32>
      %sub3A_286 = arith.constant 3.000000e-01 : f32
      %sub3A_287 = vector.broadcast %sub3A_286 : f32 to vector<16xf32>
      %sub3A_288 = arith.subf %mul3A_282, %sub3A_287 : vector<16xf32>
      %mul3A_289 = arith.mulf %sub3A_288, %sub3A_288 : vector<16xf32>
      %mul3A_290 = arith.constant -2.000000e+00 : f32
      %mul3A_291 = vector.broadcast %mul3A_290 : f32 to vector<16xf32>
      %mul3A_292 = arith.mulf %mul3A_289, %mul3A_291 : vector<16xf32>
      %exp3A_293 = math.exp %mul3A_292 : vector<16xf32>
      %add3A_294 = arith.addf %add3A_95, %exp3A_293 : vector<16xf32>
      %mul3A_295 = arith.mulf %mul3A_285, %mul3A_285 : vector<16xf32>
      %mul3A_296 = arith.constant 2.310000e+02 : f32
      %mul3A_297 = vector.broadcast %mul3A_296 : f32 to vector<16xf32>
      %mul3A_298 = arith.mulf %mul3A_297, %mul3A_295 : vector<16xf32>
      %sub3A_299 = arith.constant 3.150000e+02 : f32
      %sub3A_300 = vector.broadcast %sub3A_299 : f32 to vector<16xf32>
      %sub3A_301 = arith.subf %mul3A_298, %sub3A_300 : vector<16xf32>
      %mul3A_302 = arith.mulf %sub3A_301, %mul3A_295 : vector<16xf32>
      %add3A_303 = arith.constant 1.050000e+02 : f32
      %add3A_304 = vector.broadcast %add3A_303 : f32 to vector<16xf32>
      %add3A_305 = arith.addf %mul3A_302, %add3A_304 : vector<16xf32>
      %mul3A_306 = arith.mulf %add3A_305, %mul3A_295 : vector<16xf32>
      %sub3A_307 = arith.constant 5.000000e+00 : f32
      %sub3A_308 = vector.broadcast %sub3A_307 : f32 to vector<16xf32>
      %sub3A_309 = arith.subf %mul3A_306, %sub3A_308 : vector<16xf32>
      %mul3A_310 = arith.constant 6.250000e-02 : f32
      %mul3A_311 = vector.broadcast %mul3A_310 : f32 to vector<16xf32>
      %mul3A_312 = arith.mulf %sub3A_309, %mul3A_311 : vector<16xf32>
      %mul3A_313 = arith.constant 1.386000e+03 : f32
      %mul3A_314 = vector.broadcast %mul3A_313 : f32 to vector<16xf32>
      %mul3A_315 = arith.mulf %mul3A_314, %mul3A_295 : vector<16xf32>
      %sub3A_316 = arith.constant 1.260000e+03 : f32
      %sub3A_317 = vector.broadcast %sub3A_316 : f32 to vector<16xf32>
      %sub3A_318 = arith.subf %mul3A_315, %sub3A_317 : vector<16xf32>
      %mul3A_319 = arith.mulf %sub3A_318, %mul3A_295 : vector<16xf32>
      %add3A_320 = arith.constant 2.100000e+02 : f32
      %add3A_321 = vector.broadcast %add3A_320 : f32 to vector<16xf32>
      %add3A_322 = arith.addf %mul3A_319, %add3A_321 : vector<16xf32>
      %mul3A_323 = arith.mulf %add3A_322, %mul3A_285 : vector<16xf32>
      %mul3A_324 = arith.constant 6.250000e-02 : f32
      %mul3A_325 = vector.broadcast %mul3A_324 : f32 to vector<16xf32>
      %mul3A_326 = arith.mulf %mul3A_323, %mul3A_325 : vector<16xf32>
      %mul3A_327 = arith.constant 6.930000e+03 : f32
      %mul3A_328 = vector.broadcast %mul3A_327 : f32 to vector<16xf32>
      %mul3A_329 = arith.mulf %mul3A_328, %mul3A_295 : vector<16xf32>
      %sub3A_330 = arith.constant 3.780000e+03 : f32
      %sub3A_331 = vector.broadcast %sub3A_330 : f32 to vector<16xf32>
      %sub3A_332 = arith.subf %mul3A_329, %sub3A_331 : vector<16xf32>
      %mul3A_333 = arith.mulf %sub3A_332, %mul3A_295 : vector<16xf32>
      %add3A_334 = arith.constant 2.100000e+02 : f32
      %add3A_335 = vector.broadcast %add3A_334 : f32 to vector<16xf32>
      %add3A_336 = arith.addf %mul3A_333, %add3A_335 : vector<16xf32>
      %mul3A_337 = arith.constant 6.250000e-02 : f32
      %mul3A_338 = vector.broadcast %mul3A_337 : f32 to vector<16xf32>
      %mul3A_339 = arith.mulf %add3A_336, %mul3A_338 : vector<16xf32>
      %mul3A_340 = arith.constant 2.772000e+04 : f32
      %mul3A_341 = vector.broadcast %mul3A_340 : f32 to vector<16xf32>
      %mul3A_342 = arith.mulf %mul3A_341, %mul3A_295 : vector<16xf32>
      %sub3A_343 = arith.constant 7.560000e+03 : f32
      %sub3A_344 = vector.broadcast %sub3A_343 : f32 to vector<16xf32>
      %sub3A_345 = arith.subf %mul3A_342, %sub3A_344 : vector<16xf32>
      %mul3A_346 = arith.mulf %sub3A_345, %mul3A_285 : vector<16xf32>
      %mul3A_347 = arith.constant 6.250000e-02 : f32
      %mul3A_348 = vector.broadcast %mul3A_347 : f32 to vector<16xf32>
      %mul3A_349 = arith.mulf %mul3A_346, %mul3A_348 : vector<16xf32>
      %mul3A_350 = arith.constant 8.316000e+04 : f32
      %mul3A_351 = vector.broadcast %mul3A_350 : f32 to vector<16xf32>
      %mul3A_352 = arith.mulf %mul3A_351, %mul3A_295 : vector<16xf32>
      %sub3A_353 = arith.constant 7.560000e+03 : f32
      %sub3A_354 = vector.broadcast %sub3A_353 : f32 to vector<16xf32>
      %sub3A_355 = arith.subf %mul3A_352, %sub3A_354 : vector<16xf32>
      %mul3A_356 = arith.constant 6.250000e-02 : f32
      %mul3A_357 = vector.broadcast %mul3A_356 : f32 to vector<16xf32>
      %mul3A_358 = arith.mulf %sub3A_355, %mul3A_357 : vector<16xf32>
      %mul3A_359 = arith.constant 1.039500e+04 : f32
      %mul3A_360 = vector.broadcast %mul3A_359 : f32 to vector<16xf32>
      %mul3A_361 = arith.mulf %mul3A_360, %mul3A_285 : vector<16xf32>
      %mul3A_362 = arith.mulf %exp3A_293, %mul3A_312 : vector<16xf32>
      %add3A_363 = arith.addf %add3A_164, %mul3A_362 : vector<16xf32>
      %mul3A_364 = arith.mulf %mul3A_326, %mul3A_283 : vector<16xf32>
      %mul3A_365 = arith.mulf %exp3A_293, %mul3A_364 : vector<16xf32>
      %add3A_366 = arith.addf %add3A_167, %mul3A_365 : vector<16xf32>
      %mul3A_367 = arith.mulf %mul3A_326, %mul3A_284 : vector<16xf32>
      %mul3A_368 = arith.mulf %exp3A_293, %mul3A_367 : vector<16xf32>
      %add3A_369 = arith.addf %add3A_170, %mul3A_368 : vector<16xf32>
      %mul3A_370 = arith.mulf %mul3A_283, %mul3A_283 : vector<16xf32>
      %mul3A_371 = arith.mulf %mul3A_284, %mul3A_284 : vector<16xf32>
      %sub3A_372 = arith.subf %mul3A_370, %mul3A_371 : vector<16xf32>
      %mul3A_373 = arith.mulf %mul3A_283, %mul3A_284 : vector<16xf32>
      %mul3A_374 = arith.mulf %mul3A_284, %mul3A_283 : vector<16xf32>
      %add3A_375 = arith.addf %mul3A_373, %mul3A_374 : vector<16xf32>
      %mul3A_376 = arith.mulf %mul3A_339, %sub3A_372 : vector<16xf32>
      %mul3A_377 = arith.mulf %exp3A_293, %mul3A_376 : vector<16xf32>
      %add3A_378 = arith.addf %add3A_179, %mul3A_377 : vector<16xf32>
      %mul3A_379 = arith.mulf %mul3A_339, %add3A_375 : vector<16xf32>
      %mul3A_380 = arith.mulf %exp3A_293, %mul3A_379 : vector<16xf32>
      %add3A_381 = arith.addf %add3A_182, %mul3A_380 : vector<16xf32>
      %mul3A_382 = arith.mulf %sub3A_372, %mul3A_283 : vector<16xf32>
      %mul3A_383 = arith.mulf %add3A_375, %mul3A_284 : vector<16xf32>
      %sub3A_384 = arith.subf %mul3A_382, %mul3A_383 : vector<16xf32>
      %mul3A_385 = arith.mulf %sub3A_372, %mul3A_284 : vector<16xf32>
      %mul3A_386 = arith.mulf %add3A_375, %mul3A_283 : vector<16xf32>
      %add3A_387 = arith.addf %mul3A_385, %mul3A_386 : vector<16xf32>
      %mul3A_388 = arith.mulf %mul3A_349, %sub3A_384 : vector<16xf32>
      %mul3A_389 = arith.mulf %exp3A_293, %mul3A_388 : vector<16xf32>
      %add3A_390 = arith.addf %add3A_191, %mul3A_389 : vector<16xf32>
      %mul3A_391 = arith.mulf %mul3A_349, %add3A_387 : vector<16xf32>
      %mul3A_392 = arith.mulf %exp3A_293, %mul3A_391 : vector<16xf32>
      %add3A_393 = arith.addf %add3A_194, %mul3A_392 : vector<16xf32>
      %mul3A_394 = arith.mulf %sub3A_384, %mul3A_283 : vector<16xf32>
      %mul3A_395 = arith.mulf %add3A_387, %mul3A_284 : vector<16xf32>
      %sub3A_396 = arith.subf %mul3A_394, %mul3A_395 : vector<16xf32>
      %mul3A_397 = arith.mulf %sub3A_384, %mul3A_284 : vector<16xf32>
      %mul3A_398 = arith.mulf %add3A_387, %mul3A_283 : vector<16xf32>
      %add3A_399 = arith.addf %mul3A_397, %mul3A_398 : vector<16xf32>
      %mul3A_400 = arith.mulf %mul3A_358, %sub3A_396 : vector<16xf32>
      %mul3A_401 = arith.mulf %exp3A_293, %mul3A_400 : vector<16xf32>
      %add3A_402 = arith.addf %add3A_203, %mul3A_401 : vector<16xf32>
      %mul3A_403 = arith.mulf %mul3A_358, %add3A_399 : vector<16xf32>
      %mul3A_404 = arith.mulf %exp3A_293, %mul3A_403 : vector<16xf32>
      %add3A_405 = arith.addf %add3A_206, %mul3A_404 : vector<16xf32>
      %mul3A_406 = arith.mulf %sub3A_396, %mul3A_283 : vector<16xf32>
      %mul3A_407 = arith.mulf %add3A_399, %mul3A_284 : vector<16xf32>
      %sub3A_408 = arith.subf %mul3A_406, %mul3A_407 : vector<16xf32>
      %mul3A_409 = arith.mulf %sub3A_396, %mul3A_284 : vector<16xf32>
      %mul3A_410 = arith.mulf %add3A_399, %mul3A_283 : vector<16xf32>
      %add3A_411 = arith.addf %mul3A_409, %mul3A_410 : vector<16xf32>
      %mul3A_412 = arith.mulf %mul3A_361, %sub3A_408 : vector<16xf32>
      %mul3A_413 = arith.mulf %exp3A_293, %mul3A_412 : vector<16xf32>
      %add3A_414 = arith.addf %add3A_215, %mul3A_413 : vector<16xf32>
      %mul3A_415 = arith.mulf %mul3A_361, %add3A_411 : vector<16xf32>
      %mul3A_416 = arith.mulf %exp3A_293, %mul3A_415 : vector<16xf32>
      %add3A_417 = arith.addf %add3A_218, %mul3A_416 : vector<16xf32>
      %mul3A_418 = arith.mulf %sub3A_408, %mul3A_283 : vector<16xf32>
      %mul3A_419 = arith.mulf %add3A_411, %mul3A_284 : vector<16xf32>
      %sub3A_420 = arith.subf %mul3A_418, %mul3A_419 : vector<16xf32>
      %mul3A_421 = arith.mulf %sub3A_408, %mul3A_284 : vector<16xf32>
      %mul3A_422 = arith.mulf %add3A_411, %mul3A_283 : vector<16xf32>
      %add3A_423 = arith.addf %mul3A_421, %mul3A_422 : vector<16xf32>
      %mul3A_424 = arith.mulf %exp3A_293, %sub3A_420 : vector<16xf32>
      %add3A_425 = arith.addf %add3A_226, %mul3A_424 : vector<16xf32>
      %mul3A_426 = arith.mulf %exp3A_293, %add3A_423 : vector<16xf32>
      %add3A_427 = arith.addf %add3A_228, %mul3A_426 : vector<16xf32>
      %mul3A_428 = arith.constant 16 : i32
      %mul3A_429 = vector.broadcast %mul3A_428 : i32 to vector<16xi32>
      %mul3A_430 = arith.muli %iota3A, %mul3A_429 : vector<16xi32>
      %add3A_431 = arith.constant 2 : i32
      %add3A_432 = vector.broadcast %add3A_431 : i32 to vector<16xi32>
      %add3A_433 = arith.addi %mul3A_430, %add3A_432 : vector<16xi32>
      %gather3A_434 = tpu.vector_load_idx %arg9[%add3A_433] : memref<256xi32, #tpu.memory_space<vmem>>[vector<16xi32>], vector<16xi32>,
      %gather3A_435 = tpu.vector_load_idx %arg6[%gather3A_434] : memref<4096xf32, #tpu.memory_space<vmem>>[vector<16xi32>], vector<16xf32>,
      %sub3A_436 = arith.subf %gather3A_435, %get3A_28 : vector<16xf32>
      %gather3A_437 = tpu.vector_load_idx %arg7[%gather3A_434] : memref<4096xf32, #tpu.memory_space<vmem>>[vector<16xi32>], vector<16xf32>,
      %sub3A_438 = arith.subf %gather3A_437, %get3A_30 : vector<16xf32>
      %gather3A_439 = tpu.vector_load_idx %arg8[%gather3A_434] : memref<4096xf32, #tpu.memory_space<vmem>>[vector<16xi32>], vector<16xf32>,
      %sub3A_440 = arith.subf %gather3A_439, %get3A_32 : vector<16xf32>
      %mul3A_441 = arith.mulf %sub3A_436, %sub3A_436 : vector<16xf32>
      %mul3A_442 = arith.mulf %sub3A_438, %sub3A_438 : vector<16xf32>
      %add3A_443 = arith.addf %mul3A_441, %mul3A_442 : vector<16xf32>
      %mul3A_444 = arith.mulf %sub3A_440, %sub3A_440 : vector<16xf32>
      %add3A_445 = arith.addf %add3A_443, %mul3A_444 : vector<16xf32>
      %bitcast3A_446 = vector.bitcast %add3A_445 : vector<16xf32> to vector<16xi32>
      %shift_right_logical3A_447 = arith.constant 1 : i32
      %shift_right_logical3A_448 = vector.broadcast %shift_right_logical3A_447 : i32 to vector<16xi32>
      %shift_right_logical3A_449 = arith.shrui %bitcast3A_446, %shift_right_logical3A_448 : vector<16xi32>
      %sub3A_450 = arith.constant 1597463007 : i32
      %sub3A_451 = vector.broadcast %sub3A_450 : i32 to vector<16xi32>
      %sub3A_452 = arith.subi %sub3A_451, %shift_right_logical3A_449 : vector<16xi32>
      %bitcast3A_453 = vector.bitcast %sub3A_452 : vector<16xi32> to vector<16xf32>
      %mul3A_454 = arith.constant 5.000000e-01 : f32
      %mul3A_455 = vector.broadcast %mul3A_454 : f32 to vector<16xf32>
      %mul3A_456 = arith.mulf %mul3A_455, %add3A_445 : vector<16xf32>
      %mul3A_457 = arith.mulf %mul3A_456, %bitcast3A_453 : vector<16xf32>
      %mul3A_458 = arith.mulf %mul3A_457, %bitcast3A_453 : vector<16xf32>
      %sub3A_459 = arith.constant 1.500000e+00 : f32
      %sub3A_460 = vector.broadcast %sub3A_459 : f32 to vector<16xf32>
      %sub3A_461 = arith.subf %sub3A_460, %mul3A_458 : vector<16xf32>
      %mul3A_462 = arith.mulf %bitcast3A_453, %sub3A_461 : vector<16xf32>
      %mul3A_463 = arith.constant 5.000000e-01 : f32
      %mul3A_464 = vector.broadcast %mul3A_463 : f32 to vector<16xf32>
      %mul3A_465 = arith.mulf %mul3A_464, %add3A_445 : vector<16xf32>
      %mul3A_466 = arith.mulf %mul3A_465, %mul3A_462 : vector<16xf32>
      %mul3A_467 = arith.mulf %mul3A_466, %mul3A_462 : vector<16xf32>
      %sub3A_468 = arith.constant 1.500000e+00 : f32
      %sub3A_469 = vector.broadcast %sub3A_468 : f32 to vector<16xf32>
      %sub3A_470 = arith.subf %sub3A_469, %mul3A_467 : vector<16xf32>
      %mul3A_471 = arith.mulf %mul3A_462, %sub3A_470 : vector<16xf32>
      %mul3A_472 = arith.constant 5.000000e-01 : f32
      %mul3A_473 = vector.broadcast %mul3A_472 : f32 to vector<16xf32>
      %mul3A_474 = arith.mulf %mul3A_473, %add3A_445 : vector<16xf32>
      %mul3A_475 = arith.mulf %mul3A_474, %mul3A_471 : vector<16xf32>
      %mul3A_476 = arith.mulf %mul3A_475, %mul3A_471 : vector<16xf32>
      %sub3A_477 = arith.constant 1.500000e+00 : f32
      %sub3A_478 = vector.broadcast %sub3A_477 : f32 to vector<16xf32>
      %sub3A_479 = arith.subf %sub3A_478, %mul3A_476 : vector<16xf32>
      %mul3A_480 = arith.mulf %mul3A_471, %sub3A_479 : vector<16xf32>
      %mul3A_481 = arith.mulf %add3A_445, %mul3A_480 : vector<16xf32>
      %mul3A_482 = arith.mulf %sub3A_436, %mul3A_480 : vector<16xf32>
      %mul3A_483 = arith.mulf %sub3A_438, %mul3A_480 : vector<16xf32>
      %mul3A_484 = arith.mulf %sub3A_440, %mul3A_480 : vector<16xf32>
      %sub3A_485 = arith.constant 3.000000e-01 : f32
      %sub3A_486 = vector.broadcast %sub3A_485 : f32 to vector<16xf32>
      %sub3A_487 = arith.subf %mul3A_481, %sub3A_486 : vector<16xf32>
      %mul3A_488 = arith.mulf %sub3A_487, %sub3A_487 : vector<16xf32>
      %mul3A_489 = arith.constant -2.000000e+00 : f32
      %mul3A_490 = vector.broadcast %mul3A_489 : f32 to vector<16xf32>
      %mul3A_491 = arith.mulf %mul3A_488, %mul3A_490 : vector<16xf32>
      %exp3A_492 = math.exp %mul3A_491 : vector<16xf32>
      %add3A_493 = arith.addf %add3A_294, %exp3A_492 : vector<16xf32>
      %mul3A_494 = arith.mulf %mul3A_484, %mul3A_484 : vector<16xf32>
      %mul3A_495 = arith.constant 2.310000e+02 : f32
      %mul3A_496 = vector.broadcast %mul3A_495 : f32 to vector<16xf32>
      %mul3A_497 = arith.mulf %mul3A_496, %mul3A_494 : vector<16xf32>
      %sub3A_498 = arith.constant 3.150000e+02 : f32
      %sub3A_499 = vector.broadcast %sub3A_498 : f32 to vector<16xf32>
      %sub3A_500 = arith.subf %mul3A_497, %sub3A_499 : vector<16xf32>
      %mul3A_501 = arith.mulf %sub3A_500, %mul3A_494 : vector<16xf32>
      %add3A_502 = arith.constant 1.050000e+02 : f32
      %add3A_503 = vector.broadcast %add3A_502 : f32 to vector<16xf32>
      %add3A_504 = arith.addf %mul3A_501, %add3A_503 : vector<16xf32>
      %mul3A_505 = arith.mulf %add3A_504, %mul3A_494 : vector<16xf32>
      %sub3A_506 = arith.constant 5.000000e+00 : f32
      %sub3A_507 = vector.broadcast %sub3A_506 : f32 to vector<16xf32>
      %sub3A_508 = arith.subf %mul3A_505, %sub3A_507 : vector<16xf32>
      %mul3A_509 = arith.constant 6.250000e-02 : f32
      %mul3A_510 = vector.broadcast %mul3A_509 : f32 to vector<16xf32>
      %mul3A_511 = arith.mulf %sub3A_508, %mul3A_510 : vector<16xf32>
      %mul3A_512 = arith.constant 1.386000e+03 : f32
      %mul3A_513 = vector.broadcast %mul3A_512 : f32 to vector<16xf32>
      %mul3A_514 = arith.mulf %mul3A_513, %mul3A_494 : vector<16xf32>
      %sub3A_515 = arith.constant 1.260000e+03 : f32
      %sub3A_516 = vector.broadcast %sub3A_515 : f32 to vector<16xf32>
      %sub3A_517 = arith.subf %mul3A_514, %sub3A_516 : vector<16xf32>
      %mul3A_518 = arith.mulf %sub3A_517, %mul3A_494 : vector<16xf32>
      %add3A_519 = arith.constant 2.100000e+02 : f32
      %add3A_520 = vector.broadcast %add3A_519 : f32 to vector<16xf32>
      %add3A_521 = arith.addf %mul3A_518, %add3A_520 : vector<16xf32>
      %mul3A_522 = arith.mulf %add3A_521, %mul3A_484 : vector<16xf32>
      %mul3A_523 = arith.constant 6.250000e-02 : f32
      %mul3A_524 = vector.broadcast %mul3A_523 : f32 to vector<16xf32>
      %mul3A_525 = arith.mulf %mul3A_522, %mul3A_524 : vector<16xf32>
      %mul3A_526 = arith.constant 6.930000e+03 : f32
      %mul3A_527 = vector.broadcast %mul3A_526 : f32 to vector<16xf32>
      %mul3A_528 = arith.mulf %mul3A_527, %mul3A_494 : vector<16xf32>
      %sub3A_529 = arith.constant 3.780000e+03 : f32
      %sub3A_530 = vector.broadcast %sub3A_529 : f32 to vector<16xf32>
      %sub3A_531 = arith.subf %mul3A_528, %sub3A_530 : vector<16xf32>
      %mul3A_532 = arith.mulf %sub3A_531, %mul3A_494 : vector<16xf32>
      %add3A_533 = arith.constant 2.100000e+02 : f32
      %add3A_534 = vector.broadcast %add3A_533 : f32 to vector<16xf32>
      %add3A_535 = arith.addf %mul3A_532, %add3A_534 : vector<16xf32>
      %mul3A_536 = arith.constant 6.250000e-02 : f32
      %mul3A_537 = vector.broadcast %mul3A_536 : f32 to vector<16xf32>
      %mul3A_538 = arith.mulf %add3A_535, %mul3A_537 : vector<16xf32>
      %mul3A_539 = arith.constant 2.772000e+04 : f32
      %mul3A_540 = vector.broadcast %mul3A_539 : f32 to vector<16xf32>
      %mul3A_541 = arith.mulf %mul3A_540, %mul3A_494 : vector<16xf32>
      %sub3A_542 = arith.constant 7.560000e+03 : f32
      %sub3A_543 = vector.broadcast %sub3A_542 : f32 to vector<16xf32>
      %sub3A_544 = arith.subf %mul3A_541, %sub3A_543 : vector<16xf32>
      %mul3A_545 = arith.mulf %sub3A_544, %mul3A_484 : vector<16xf32>
      %mul3A_546 = arith.constant 6.250000e-02 : f32
      %mul3A_547 = vector.broadcast %mul3A_546 : f32 to vector<16xf32>
      %mul3A_548 = arith.mulf %mul3A_545, %mul3A_547 : vector<16xf32>
      %mul3A_549 = arith.constant 8.316000e+04 : f32
      %mul3A_550 = vector.broadcast %mul3A_549 : f32 to vector<16xf32>
      %mul3A_551 = arith.mulf %mul3A_550, %mul3A_494 : vector<16xf32>
      %sub3A_552 = arith.constant 7.560000e+03 : f32
      %sub3A_553 = vector.broadcast %sub3A_552 : f32 to vector<16xf32>
      %sub3A_554 = arith.subf %mul3A_551, %sub3A_553 : vector<16xf32>
      %mul3A_555 = arith.constant 6.250000e-02 : f32
      %mul3A_556 = vector.broadcast %mul3A_555 : f32 to vector<16xf32>
      %mul3A_557 = arith.mulf %sub3A_554, %mul3A_556 : vector<16xf32>
      %mul3A_558 = arith.constant 1.039500e+04 : f32
      %mul3A_559 = vector.broadcast %mul3A_558 : f32 to vector<16xf32>
      %mul3A_560 = arith.mulf %mul3A_559, %mul3A_484 : vector<16xf32>
      %mul3A_561 = arith.mulf %exp3A_492, %mul3A_511 : vector<16xf32>
      %add3A_562 = arith.addf %add3A_363, %mul3A_561 : vector<16xf32>
      %mul3A_563 = arith.mulf %mul3A_525, %mul3A_482 : vector<16xf32>
      %mul3A_564 = arith.mulf %exp3A_492, %mul3A_563 : vector<16xf32>
      %add3A_565 = arith.addf %add3A_366, %mul3A_564 : vector<16xf32>
      %mul3A_566 = arith.mulf %mul3A_525, %mul3A_483 : vector<16xf32>
      %mul3A_567 = arith.mulf %exp3A_492, %mul3A_566 : vector<16xf32>
      %add3A_568 = arith.addf %add3A_369, %mul3A_567 : vector<16xf32>
      %mul3A_569 = arith.mulf %mul3A_482, %mul3A_482 : vector<16xf32>
      %mul3A_570 = arith.mulf %mul3A_483, %mul3A_483 : vector<16xf32>
      %sub3A_571 = arith.subf %mul3A_569, %mul3A_570 : vector<16xf32>
      %mul3A_572 = arith.mulf %mul3A_482, %mul3A_483 : vector<16xf32>
      %mul3A_573 = arith.mulf %mul3A_483, %mul3A_482 : vector<16xf32>
      %add3A_574 = arith.addf %mul3A_572, %mul3A_573 : vector<16xf32>
      %mul3A_575 = arith.mulf %mul3A_538, %sub3A_571 : vector<16xf32>
      %mul3A_576 = arith.mulf %exp3A_492, %mul3A_575 : vector<16xf32>
      %add3A_577 = arith.addf %add3A_378, %mul3A_576 : vector<16xf32>
      %mul3A_578 = arith.mulf %mul3A_538, %add3A_574 : vector<16xf32>
      %mul3A_579 = arith.mulf %exp3A_492, %mul3A_578 : vector<16xf32>
      %add3A_580 = arith.addf %add3A_381, %mul3A_579 : vector<16xf32>
      %mul3A_581 = arith.mulf %sub3A_571, %mul3A_482 : vector<16xf32>
      %mul3A_582 = arith.mulf %add3A_574, %mul3A_483 : vector<16xf32>
      %sub3A_583 = arith.subf %mul3A_581, %mul3A_582 : vector<16xf32>
      %mul3A_584 = arith.mulf %sub3A_571, %mul3A_483 : vector<16xf32>
      %mul3A_585 = arith.mulf %add3A_574, %mul3A_482 : vector<16xf32>
      %add3A_586 = arith.addf %mul3A_584, %mul3A_585 : vector<16xf32>
      %mul3A_587 = arith.mulf %mul3A_548, %sub3A_583 : vector<16xf32>
      %mul3A_588 = arith.mulf %exp3A_492, %mul3A_587 : vector<16xf32>
      %add3A_589 = arith.addf %add3A_390, %mul3A_588 : vector<16xf32>
      %mul3A_590 = arith.mulf %mul3A_548, %add3A_586 : vector<16xf32>
      %mul3A_591 = arith.mulf %exp3A_492, %mul3A_590 : vector<16xf32>
      %add3A_592 = arith.addf %add3A_393, %mul3A_591 : vector<16xf32>
      %mul3A_593 = arith.mulf %sub3A_583, %mul3A_482 : vector<16xf32>
      %mul3A_594 = arith.mulf %add3A_586, %mul3A_483 : vector<16xf32>
      %sub3A_595 = arith.subf %mul3A_593, %mul3A_594 : vector<16xf32>
      %mul3A_596 = arith.mulf %sub3A_583, %mul3A_483 : vector<16xf32>
      %mul3A_597 = arith.mulf %add3A_586, %mul3A_482 : vector<16xf32>
      %add3A_598 = arith.addf %mul3A_596, %mul3A_597 : vector<16xf32>
      %mul3A_599 = arith.mulf %mul3A_557, %sub3A_595 : vector<16xf32>
      %mul3A_600 = arith.mulf %exp3A_492, %mul3A_599 : vector<16xf32>
      %add3A_601 = arith.addf %add3A_402, %mul3A_600 : vector<16xf32>
      %mul3A_602 = arith.mulf %mul3A_557, %add3A_598 : vector<16xf32>
      %mul3A_603 = arith.mulf %exp3A_492, %mul3A_602 : vector<16xf32>
      %add3A_604 = arith.addf %add3A_405, %mul3A_603 : vector<16xf32>
      %mul3A_605 = arith.mulf %sub3A_595, %mul3A_482 : vector<16xf32>
      %mul3A_606 = arith.mulf %add3A_598, %mul3A_483 : vector<16xf32>
      %sub3A_607 = arith.subf %mul3A_605, %mul3A_606 : vector<16xf32>
      %mul3A_608 = arith.mulf %sub3A_595, %mul3A_483 : vector<16xf32>
      %mul3A_609 = arith.mulf %add3A_598, %mul3A_482 : vector<16xf32>
      %add3A_610 = arith.addf %mul3A_608, %mul3A_609 : vector<16xf32>
      %mul3A_611 = arith.mulf %mul3A_560, %sub3A_607 : vector<16xf32>
      %mul3A_612 = arith.mulf %exp3A_492, %mul3A_611 : vector<16xf32>
      %add3A_613 = arith.addf %add3A_414, %mul3A_612 : vector<16xf32>
      %mul3A_614 = arith.mulf %mul3A_560, %add3A_610 : vector<16xf32>
      %mul3A_615 = arith.mulf %exp3A_492, %mul3A_614 : vector<16xf32>
      %add3A_616 = arith.addf %add3A_417, %mul3A_615 : vector<16xf32>
      %mul3A_617 = arith.mulf %sub3A_607, %mul3A_482 : vector<16xf32>
      %mul3A_618 = arith.mulf %add3A_610, %mul3A_483 : vector<16xf32>
      %sub3A_619 = arith.subf %mul3A_617, %mul3A_618 : vector<16xf32>
      %mul3A_620 = arith.mulf %sub3A_607, %mul3A_483 : vector<16xf32>
      %mul3A_621 = arith.mulf %add3A_610, %mul3A_482 : vector<16xf32>
      %add3A_622 = arith.addf %mul3A_620, %mul3A_621 : vector<16xf32>
      %mul3A_623 = arith.mulf %exp3A_492, %sub3A_619 : vector<16xf32>
      %add3A_624 = arith.addf %add3A_425, %mul3A_623 : vector<16xf32>
      %mul3A_625 = arith.mulf %exp3A_492, %add3A_622 : vector<16xf32>
      %add3A_626 = arith.addf %add3A_427, %mul3A_625 : vector<16xf32>
      %mul3A_627 = arith.constant 16 : i32
      %mul3A_628 = vector.broadcast %mul3A_627 : i32 to vector<16xi32>
      %mul3A_629 = arith.muli %iota3A, %mul3A_628 : vector<16xi32>
      %add3A_630 = arith.constant 3 : i32
      %add3A_631 = vector.broadcast %add3A_630 : i32 to vector<16xi32>
      %add3A_632 = arith.addi %mul3A_629, %add3A_631 : vector<16xi32>
      %gather3A_633 = tpu.vector_load_idx %arg9[%add3A_632] : memref<256xi32, #tpu.memory_space<vmem>>[vector<16xi32>], vector<16xi32>,
      %gather3A_634 = tpu.vector_load_idx %arg6[%gather3A_633] : memref<4096xf32, #tpu.memory_space<vmem>>[vector<16xi32>], vector<16xf32>,
      %sub3A_635 = arith.subf %gather3A_634, %get3A_28 : vector<16xf32>
      %gather3A_636 = tpu.vector_load_idx %arg7[%gather3A_633] : memref<4096xf32, #tpu.memory_space<vmem>>[vector<16xi32>], vector<16xf32>,
      %sub3A_637 = arith.subf %gather3A_636, %get3A_30 : vector<16xf32>
      %gather3A_638 = tpu.vector_load_idx %arg8[%gather3A_633] : memref<4096xf32, #tpu.memory_space<vmem>>[vector<16xi32>], vector<16xf32>,
      %sub3A_639 = arith.subf %gather3A_638, %get3A_32 : vector<16xf32>
      %mul3A_640 = arith.mulf %sub3A_635, %sub3A_635 : vector<16xf32>
      %mul3A_641 = arith.mulf %sub3A_637, %sub3A_637 : vector<16xf32>
      %add3A_642 = arith.addf %mul3A_640, %mul3A_641 : vector<16xf32>
      %mul3A_643 = arith.mulf %sub3A_639, %sub3A_639 : vector<16xf32>
      %add3A_644 = arith.addf %add3A_642, %mul3A_643 : vector<16xf32>
      %bitcast3A_645 = vector.bitcast %add3A_644 : vector<16xf32> to vector<16xi32>
      %shift_right_logical3A_646 = arith.constant 1 : i32
      %shift_right_logical3A_647 = vector.broadcast %shift_right_logical3A_646 : i32 to vector<16xi32>
      %shift_right_logical3A_648 = arith.shrui %bitcast3A_645, %shift_right_logical3A_647 : vector<16xi32>
      %sub3A_649 = arith.constant 1597463007 : i32
      %sub3A_650 = vector.broadcast %sub3A_649 : i32 to vector<16xi32>
      %sub3A_651 = arith.subi %sub3A_650, %shift_right_logical3A_648 : vector<16xi32>
      %bitcast3A_652 = vector.bitcast %sub3A_651 : vector<16xi32> to vector<16xf32>
      %mul3A_653 = arith.constant 5.000000e-01 : f32
      %mul3A_654 = vector.broadcast %mul3A_653 : f32 to vector<16xf32>
      %mul3A_655 = arith.mulf %mul3A_654, %add3A_644 : vector<16xf32>
      %mul3A_656 = arith.mulf %mul3A_655, %bitcast3A_652 : vector<16xf32>
      %mul3A_657 = arith.mulf %mul3A_656, %bitcast3A_652 : vector<16xf32>
      %sub3A_658 = arith.constant 1.500000e+00 : f32
      %sub3A_659 = vector.broadcast %sub3A_658 : f32 to vector<16xf32>
      %sub3A_660 = arith.subf %sub3A_659, %mul3A_657 : vector<16xf32>
      %mul3A_661 = arith.mulf %bitcast3A_652, %sub3A_660 : vector<16xf32>
      %mul3A_662 = arith.constant 5.000000e-01 : f32
      %mul3A_663 = vector.broadcast %mul3A_662 : f32 to vector<16xf32>
      %mul3A_664 = arith.mulf %mul3A_663, %add3A_644 : vector<16xf32>
      %mul3A_665 = arith.mulf %mul3A_664, %mul3A_661 : vector<16xf32>
      %mul3A_666 = arith.mulf %mul3A_665, %mul3A_661 : vector<16xf32>
      %sub3A_667 = arith.constant 1.500000e+00 : f32
      %sub3A_668 = vector.broadcast %sub3A_667 : f32 to vector<16xf32>
      %sub3A_669 = arith.subf %sub3A_668, %mul3A_666 : vector<16xf32>
      %mul3A_670 = arith.mulf %mul3A_661, %sub3A_669 : vector<16xf32>
      %mul3A_671 = arith.constant 5.000000e-01 : f32
      %mul3A_672 = vector.broadcast %mul3A_671 : f32 to vector<16xf32>
      %mul3A_673 = arith.mulf %mul3A_672, %add3A_644 : vector<16xf32>
      %mul3A_674 = arith.mulf %mul3A_673, %mul3A_670 : vector<16xf32>
      %mul3A_675 = arith.mulf %mul3A_674, %mul3A_670 : vector<16xf32>
      %sub3A_676 = arith.constant 1.500000e+00 : f32
      %sub3A_677 = vector.broadcast %sub3A_676 : f32 to vector<16xf32>
      %sub3A_678 = arith.subf %sub3A_677, %mul3A_675 : vector<16xf32>
      %mul3A_679 = arith.mulf %mul3A_670, %sub3A_678 : vector<16xf32>
      %mul3A_680 = arith.mulf %add3A_644, %mul3A_679 : vector<16xf32>
      %mul3A_681 = arith.mulf %sub3A_635, %mul3A_679 : vector<16xf32>
      %mul3A_682 = arith.mulf %sub3A_637, %mul3A_679 : vector<16xf32>
      %mul3A_683 = arith.mulf %sub3A_639, %mul3A_679 : vector<16xf32>
      %sub3A_684 = arith.constant 3.000000e-01 : f32
      %sub3A_685 = vector.broadcast %sub3A_684 : f32 to vector<16xf32>
      %sub3A_686 = arith.subf %mul3A_680, %sub3A_685 : vector<16xf32>
      %mul3A_687 = arith.mulf %sub3A_686, %sub3A_686 : vector<16xf32>
      %mul3A_688 = arith.constant -2.000000e+00 : f32
      %mul3A_689 = vector.broadcast %mul3A_688 : f32 to vector<16xf32>
      %mul3A_690 = arith.mulf %mul3A_687, %mul3A_689 : vector<16xf32>
      %exp3A_691 = math.exp %mul3A_690 : vector<16xf32>
      %add3A_692 = arith.addf %add3A_493, %exp3A_691 : vector<16xf32>
      %mul3A_693 = arith.mulf %mul3A_683, %mul3A_683 : vector<16xf32>
      %mul3A_694 = arith.constant 2.310000e+02 : f32
      %mul3A_695 = vector.broadcast %mul3A_694 : f32 to vector<16xf32>
      %mul3A_696 = arith.mulf %mul3A_695, %mul3A_693 : vector<16xf32>
      %sub3A_697 = arith.constant 3.150000e+02 : f32
      %sub3A_698 = vector.broadcast %sub3A_697 : f32 to vector<16xf32>
      %sub3A_699 = arith.subf %mul3A_696, %sub3A_698 : vector<16xf32>
      %mul3A_700 = arith.mulf %sub3A_699, %mul3A_693 : vector<16xf32>
      %add3A_701 = arith.constant 1.050000e+02 : f32
      %add3A_702 = vector.broadcast %add3A_701 : f32 to vector<16xf32>
      %add3A_703 = arith.addf %mul3A_700, %add3A_702 : vector<16xf32>
      %mul3A_704 = arith.mulf %add3A_703, %mul3A_693 : vector<16xf32>
      %sub3A_705 = arith.constant 5.000000e+00 : f32
      %sub3A_706 = vector.broadcast %sub3A_705 : f32 to vector<16xf32>
      %sub3A_707 = arith.subf %mul3A_704, %sub3A_706 : vector<16xf32>
      %mul3A_708 = arith.constant 6.250000e-02 : f32
      %mul3A_709 = vector.broadcast %mul3A_708 : f32 to vector<16xf32>
      %mul3A_710 = arith.mulf %sub3A_707, %mul3A_709 : vector<16xf32>
      %mul3A_711 = arith.constant 1.386000e+03 : f32
      %mul3A_712 = vector.broadcast %mul3A_711 : f32 to vector<16xf32>
      %mul3A_713 = arith.mulf %mul3A_712, %mul3A_693 : vector<16xf32>
      %sub3A_714 = arith.constant 1.260000e+03 : f32
      %sub3A_715 = vector.broadcast %sub3A_714 : f32 to vector<16xf32>
      %sub3A_716 = arith.subf %mul3A_713, %sub3A_715 : vector<16xf32>
      %mul3A_717 = arith.mulf %sub3A_716, %mul3A_693 : vector<16xf32>
      %add3A_718 = arith.constant 2.100000e+02 : f32
      %add3A_719 = vector.broadcast %add3A_718 : f32 to vector<16xf32>
      %add3A_720 = arith.addf %mul3A_717, %add3A_719 : vector<16xf32>
      %mul3A_721 = arith.mulf %add3A_720, %mul3A_683 : vector<16xf32>
      %mul3A_722 = arith.constant 6.250000e-02 : f32
      %mul3A_723 = vector.broadcast %mul3A_722 : f32 to vector<16xf32>
      %mul3A_724 = arith.mulf %mul3A_721, %mul3A_723 : vector<16xf32>
      %mul3A_725 = arith.constant 6.930000e+03 : f32
      %mul3A_726 = vector.broadcast %mul3A_725 : f32 to vector<16xf32>
      %mul3A_727 = arith.mulf %mul3A_726, %mul3A_693 : vector<16xf32>
      %sub3A_728 = arith.constant 3.780000e+03 : f32
      %sub3A_729 = vector.broadcast %sub3A_728 : f32 to vector<16xf32>
      %sub3A_730 = arith.subf %mul3A_727, %sub3A_729 : vector<16xf32>
      %mul3A_731 = arith.mulf %sub3A_730, %mul3A_693 : vector<16xf32>
      %add3A_732 = arith.constant 2.100000e+02 : f32
      %add3A_733 = vector.broadcast %add3A_732 : f32 to vector<16xf32>
      %add3A_734 = arith.addf %mul3A_731, %add3A_733 : vector<16xf32>
      %mul3A_735 = arith.constant 6.250000e-02 : f32
      %mul3A_736 = vector.broadcast %mul3A_735 : f32 to vector<16xf32>
      %mul3A_737 = arith.mulf %add3A_734, %mul3A_736 : vector<16xf32>
      %mul3A_738 = arith.constant 2.772000e+04 : f32
      %mul3A_739 = vector.broadcast %mul3A_738 : f32 to vector<16xf32>
      %mul3A_740 = arith.mulf %mul3A_739, %mul3A_693 : vector<16xf32>
      %sub3A_741 = arith.constant 7.560000e+03 : f32
      %sub3A_742 = vector.broadcast %sub3A_741 : f32 to vector<16xf32>
      %sub3A_743 = arith.subf %mul3A_740, %sub3A_742 : vector<16xf32>
      %mul3A_744 = arith.mulf %sub3A_743, %mul3A_683 : vector<16xf32>
      %mul3A_745 = arith.constant 6.250000e-02 : f32
      %mul3A_746 = vector.broadcast %mul3A_745 : f32 to vector<16xf32>
      %mul3A_747 = arith.mulf %mul3A_744, %mul3A_746 : vector<16xf32>
      %mul3A_748 = arith.constant 8.316000e+04 : f32
      %mul3A_749 = vector.broadcast %mul3A_748 : f32 to vector<16xf32>
      %mul3A_750 = arith.mulf %mul3A_749, %mul3A_693 : vector<16xf32>
      %sub3A_751 = arith.constant 7.560000e+03 : f32
      %sub3A_752 = vector.broadcast %sub3A_751 : f32 to vector<16xf32>
      %sub3A_753 = arith.subf %mul3A_750, %sub3A_752 : vector<16xf32>
      %mul3A_754 = arith.constant 6.250000e-02 : f32
      %mul3A_755 = vector.broadcast %mul3A_754 : f32 to vector<16xf32>
      %mul3A_756 = arith.mulf %sub3A_753, %mul3A_755 : vector<16xf32>
      %mul3A_757 = arith.constant 1.039500e+04 : f32
      %mul3A_758 = vector.broadcast %mul3A_757 : f32 to vector<16xf32>
      %mul3A_759 = arith.mulf %mul3A_758, %mul3A_683 : vector<16xf32>
      %mul3A_760 = arith.mulf %exp3A_691, %mul3A_710 : vector<16xf32>
      %add3A_761 = arith.addf %add3A_562, %mul3A_760 : vector<16xf32>
      %mul3A_762 = arith.mulf %mul3A_724, %mul3A_681 : vector<16xf32>
      %mul3A_763 = arith.mulf %exp3A_691, %mul3A_762 : vector<16xf32>
      %add3A_764 = arith.addf %add3A_565, %mul3A_763 : vector<16xf32>
      %mul3A_765 = arith.mulf %mul3A_724, %mul3A_682 : vector<16xf32>
      %mul3A_766 = arith.mulf %exp3A_691, %mul3A_765 : vector<16xf32>
      %add3A_767 = arith.addf %add3A_568, %mul3A_766 : vector<16xf32>
      %mul3A_768 = arith.mulf %mul3A_681, %mul3A_681 : vector<16xf32>
      %mul3A_769 = arith.mulf %mul3A_682, %mul3A_682 : vector<16xf32>
      %sub3A_770 = arith.subf %mul3A_768, %mul3A_769 : vector<16xf32>
      %mul3A_771 = arith.mulf %mul3A_681, %mul3A_682 : vector<16xf32>
      %mul3A_772 = arith.mulf %mul3A_682, %mul3A_681 : vector<16xf32>
      %add3A_773 = arith.addf %mul3A_771, %mul3A_772 : vector<16xf32>
      %mul3A_774 = arith.mulf %mul3A_737, %sub3A_770 : vector<16xf32>
      %mul3A_775 = arith.mulf %exp3A_691, %mul3A_774 : vector<16xf32>
      %add3A_776 = arith.addf %add3A_577, %mul3A_775 : vector<16xf32>
      %mul3A_777 = arith.mulf %mul3A_737, %add3A_773 : vector<16xf32>
      %mul3A_778 = arith.mulf %exp3A_691, %mul3A_777 : vector<16xf32>
      %add3A_779 = arith.addf %add3A_580, %mul3A_778 : vector<16xf32>
      %mul3A_780 = arith.mulf %sub3A_770, %mul3A_681 : vector<16xf32>
      %mul3A_781 = arith.mulf %add3A_773, %mul3A_682 : vector<16xf32>
      %sub3A_782 = arith.subf %mul3A_780, %mul3A_781 : vector<16xf32>
      %mul3A_783 = arith.mulf %sub3A_770, %mul3A_682 : vector<16xf32>
      %mul3A_784 = arith.mulf %add3A_773, %mul3A_681 : vector<16xf32>
      %add3A_785 = arith.addf %mul3A_783, %mul3A_784 : vector<16xf32>
      %mul3A_786 = arith.mulf %mul3A_747, %sub3A_782 : vector<16xf32>
      %mul3A_787 = arith.mulf %exp3A_691, %mul3A_786 : vector<16xf32>
      %add3A_788 = arith.addf %add3A_589, %mul3A_787 : vector<16xf32>
      %mul3A_789 = arith.mulf %mul3A_747, %add3A_785 : vector<16xf32>
      %mul3A_790 = arith.mulf %exp3A_691, %mul3A_789 : vector<16xf32>
      %add3A_791 = arith.addf %add3A_592, %mul3A_790 : vector<16xf32>
      %mul3A_792 = arith.mulf %sub3A_782, %mul3A_681 : vector<16xf32>
      %mul3A_793 = arith.mulf %add3A_785, %mul3A_682 : vector<16xf32>
      %sub3A_794 = arith.subf %mul3A_792, %mul3A_793 : vector<16xf32>
      %mul3A_795 = arith.mulf %sub3A_782, %mul3A_682 : vector<16xf32>
      %mul3A_796 = arith.mulf %add3A_785, %mul3A_681 : vector<16xf32>
      %add3A_797 = arith.addf %mul3A_795, %mul3A_796 : vector<16xf32>
      %mul3A_798 = arith.mulf %mul3A_756, %sub3A_794 : vector<16xf32>
      %mul3A_799 = arith.mulf %exp3A_691, %mul3A_798 : vector<16xf32>
      %add3A_800 = arith.addf %add3A_601, %mul3A_799 : vector<16xf32>
      %mul3A_801 = arith.mulf %mul3A_756, %add3A_797 : vector<16xf32>
      %mul3A_802 = arith.mulf %exp3A_691, %mul3A_801 : vector<16xf32>
      %add3A_803 = arith.addf %add3A_604, %mul3A_802 : vector<16xf32>
      %mul3A_804 = arith.mulf %sub3A_794, %mul3A_681 : vector<16xf32>
      %mul3A_805 = arith.mulf %add3A_797, %mul3A_682 : vector<16xf32>
      %sub3A_806 = arith.subf %mul3A_804, %mul3A_805 : vector<16xf32>
      %mul3A_807 = arith.mulf %sub3A_794, %mul3A_682 : vector<16xf32>
      %mul3A_808 = arith.mulf %add3A_797, %mul3A_681 : vector<16xf32>
      %add3A_809 = arith.addf %mul3A_807, %mul3A_808 : vector<16xf32>
      %mul3A_810 = arith.mulf %mul3A_759, %sub3A_806 : vector<16xf32>
      %mul3A_811 = arith.mulf %exp3A_691, %mul3A_810 : vector<16xf32>
      %add3A_812 = arith.addf %add3A_613, %mul3A_811 : vector<16xf32>
      %mul3A_813 = arith.mulf %mul3A_759, %add3A_809 : vector<16xf32>
      %mul3A_814 = arith.mulf %exp3A_691, %mul3A_813 : vector<16xf32>
      %add3A_815 = arith.addf %add3A_616, %mul3A_814 : vector<16xf32>
      %mul3A_816 = arith.mulf %sub3A_806, %mul3A_681 : vector<16xf32>
      %mul3A_817 = arith.mulf %add3A_809, %mul3A_682 : vector<16xf32>
      %sub3A_818 = arith.subf %mul3A_816, %mul3A_817 : vector<16xf32>
      %mul3A_819 = arith.mulf %sub3A_806, %mul3A_682 : vector<16xf32>
      %mul3A_820 = arith.mulf %add3A_809, %mul3A_681 : vector<16xf32>
      %add3A_821 = arith.addf %mul3A_819, %mul3A_820 : vector<16xf32>
      %mul3A_822 = arith.mulf %exp3A_691, %sub3A_818 : vector<16xf32>
      %add3A_823 = arith.addf %add3A_624, %mul3A_822 : vector<16xf32>
      %mul3A_824 = arith.mulf %exp3A_691, %add3A_821 : vector<16xf32>
      %add3A_825 = arith.addf %add3A_626, %mul3A_824 : vector<16xf32>
      %mul3A_826 = arith.constant 16 : i32
      %mul3A_827 = vector.broadcast %mul3A_826 : i32 to vector<16xi32>
      %mul3A_828 = arith.muli %iota3A, %mul3A_827 : vector<16xi32>
      %add3A_829 = arith.constant 4 : i32
      %add3A_830 = vector.broadcast %add3A_829 : i32 to vector<16xi32>
      %add3A_831 = arith.addi %mul3A_828, %add3A_830 : vector<16xi32>
      %gather3A_832 = tpu.vector_load_idx %arg9[%add3A_831] : memref<256xi32, #tpu.memory_space<vmem>>[vector<16xi32>], vector<16xi32>,
      %gather3A_833 = tpu.vector_load_idx %arg6[%gather3A_832] : memref<4096xf32, #tpu.memory_space<vmem>>[vector<16xi32>], vector<16xf32>,
      %sub3A_834 = arith.subf %gather3A_833, %get3A_28 : vector<16xf32>
      %gather3A_835 = tpu.vector_load_idx %arg7[%gather3A_832] : memref<4096xf32, #tpu.memory_space<vmem>>[vector<16xi32>], vector<16xf32>,
      %sub3A_836 = arith.subf %gather3A_835, %get3A_30 : vector<16xf32>
      %gather3A_837 = tpu.vector_load_idx %arg8[%gather3A_832] : memref<4096xf32, #tpu.memory_space<vmem>>[vector<16xi32>], vector<16xf32>,
      %sub3A_838 = arith.subf %gather3A_837, %get3A_32 : vector<16xf32>
      %mul3A_839 = arith.mulf %sub3A_834, %sub3A_834 : vector<16xf32>
      %mul3A_840 = arith.mulf %sub3A_836, %sub3A_836 : vector<16xf32>
      %add3A_841 = arith.addf %mul3A_839, %mul3A_840 : vector<16xf32>
      %mul3A_842 = arith.mulf %sub3A_838, %sub3A_838 : vector<16xf32>
      %add3A_843 = arith.addf %add3A_841, %mul3A_842 : vector<16xf32>
      %bitcast3A_844 = vector.bitcast %add3A_843 : vector<16xf32> to vector<16xi32>
      %shift_right_logical3A_845 = arith.constant 1 : i32
      %shift_right_logical3A_846 = vector.broadcast %shift_right_logical3A_845 : i32 to vector<16xi32>
      %shift_right_logical3A_847 = arith.shrui %bitcast3A_844, %shift_right_logical3A_846 : vector<16xi32>
      %sub3A_848 = arith.constant 1597463007 : i32
      %sub3A_849 = vector.broadcast %sub3A_848 : i32 to vector<16xi32>
      %sub3A_850 = arith.subi %sub3A_849, %shift_right_logical3A_847 : vector<16xi32>
      %bitcast3A_851 = vector.bitcast %sub3A_850 : vector<16xi32> to vector<16xf32>
      %mul3A_852 = arith.constant 5.000000e-01 : f32
      %mul3A_853 = vector.broadcast %mul3A_852 : f32 to vector<16xf32>
      %mul3A_854 = arith.mulf %mul3A_853, %add3A_843 : vector<16xf32>
      %mul3A_855 = arith.mulf %mul3A_854, %bitcast3A_851 : vector<16xf32>
      %mul3A_856 = arith.mulf %mul3A_855, %bitcast3A_851 : vector<16xf32>
      %sub3A_857 = arith.constant 1.500000e+00 : f32
      %sub3A_858 = vector.broadcast %sub3A_857 : f32 to vector<16xf32>
      %sub3A_859 = arith.subf %sub3A_858, %mul3A_856 : vector<16xf32>
      %mul3A_860 = arith.mulf %bitcast3A_851, %sub3A_859 : vector<16xf32>
      %mul3A_861 = arith.constant 5.000000e-01 : f32
      %mul3A_862 = vector.broadcast %mul3A_861 : f32 to vector<16xf32>
      %mul3A_863 = arith.mulf %mul3A_862, %add3A_843 : vector<16xf32>
      %mul3A_864 = arith.mulf %mul3A_863, %mul3A_860 : vector<16xf32>
      %mul3A_865 = arith.mulf %mul3A_864, %mul3A_860 : vector<16xf32>
      %sub3A_866 = arith.constant 1.500000e+00 : f32
      %sub3A_867 = vector.broadcast %sub3A_866 : f32 to vector<16xf32>
      %sub3A_868 = arith.subf %sub3A_867, %mul3A_865 : vector<16xf32>
      %mul3A_869 = arith.mulf %mul3A_860, %sub3A_868 : vector<16xf32>
      %mul3A_870 = arith.constant 5.000000e-01 : f32
      %mul3A_871 = vector.broadcast %mul3A_870 : f32 to vector<16xf32>
      %mul3A_872 = arith.mulf %mul3A_871, %add3A_843 : vector<16xf32>
      %mul3A_873 = arith.mulf %mul3A_872, %mul3A_869 : vector<16xf32>
      %mul3A_874 = arith.mulf %mul3A_873, %mul3A_869 : vector<16xf32>
      %sub3A_875 = arith.constant 1.500000e+00 : f32
      %sub3A_876 = vector.broadcast %sub3A_875 : f32 to vector<16xf32>
      %sub3A_877 = arith.subf %sub3A_876, %mul3A_874 : vector<16xf32>
      %mul3A_878 = arith.mulf %mul3A_869, %sub3A_877 : vector<16xf32>
      %mul3A_879 = arith.mulf %add3A_843, %mul3A_878 : vector<16xf32>
      %mul3A_880 = arith.mulf %sub3A_834, %mul3A_878 : vector<16xf32>
      %mul3A_881 = arith.mulf %sub3A_836, %mul3A_878 : vector<16xf32>
      %mul3A_882 = arith.mulf %sub3A_838, %mul3A_878 : vector<16xf32>
      %sub3A_883 = arith.constant 3.000000e-01 : f32
      %sub3A_884 = vector.broadcast %sub3A_883 : f32 to vector<16xf32>
      %sub3A_885 = arith.subf %mul3A_879, %sub3A_884 : vector<16xf32>
      %mul3A_886 = arith.mulf %sub3A_885, %sub3A_885 : vector<16xf32>
      %mul3A_887 = arith.constant -2.000000e+00 : f32
      %mul3A_888 = vector.broadcast %mul3A_887 : f32 to vector<16xf32>
      %mul3A_889 = arith.mulf %mul3A_886, %mul3A_888 : vector<16xf32>
      %exp3A_890 = math.exp %mul3A_889 : vector<16xf32>
      %add3A_891 = arith.addf %add3A_692, %exp3A_890 : vector<16xf32>
      %mul3A_892 = arith.mulf %mul3A_882, %mul3A_882 : vector<16xf32>
      %mul3A_893 = arith.constant 2.310000e+02 : f32
      %mul3A_894 = vector.broadcast %mul3A_893 : f32 to vector<16xf32>
      %mul3A_895 = arith.mulf %mul3A_894, %mul3A_892 : vector<16xf32>
      %sub3A_896 = arith.constant 3.150000e+02 : f32
      %sub3A_897 = vector.broadcast %sub3A_896 : f32 to vector<16xf32>
      %sub3A_898 = arith.subf %mul3A_895, %sub3A_897 : vector<16xf32>
      %mul3A_899 = arith.mulf %sub3A_898, %mul3A_892 : vector<16xf32>
      %add3A_900 = arith.constant 1.050000e+02 : f32
      %add3A_901 = vector.broadcast %add3A_900 : f32 to vector<16xf32>
      %add3A_902 = arith.addf %mul3A_899, %add3A_901 : vector<16xf32>
      %mul3A_903 = arith.mulf %add3A_902, %mul3A_892 : vector<16xf32>
      %sub3A_904 = arith.constant 5.000000e+00 : f32
      %sub3A_905 = vector.broadcast %sub3A_904 : f32 to vector<16xf32>
      %sub3A_906 = arith.subf %mul3A_903, %sub3A_905 : vector<16xf32>
      %mul3A_907 = arith.constant 6.250000e-02 : f32
      %mul3A_908 = vector.broadcast %mul3A_907 : f32 to vector<16xf32>
      %mul3A_909 = arith.mulf %sub3A_906, %mul3A_908 : vector<16xf32>
      %mul3A_910 = arith.constant 1.386000e+03 : f32
      %mul3A_911 = vector.broadcast %mul3A_910 : f32 to vector<16xf32>
      %mul3A_912 = arith.mulf %mul3A_911, %mul3A_892 : vector<16xf32>
      %sub3A_913 = arith.constant 1.260000e+03 : f32
      %sub3A_914 = vector.broadcast %sub3A_913 : f32 to vector<16xf32>
      %sub3A_915 = arith.subf %mul3A_912, %sub3A_914 : vector<16xf32>
      %mul3A_916 = arith.mulf %sub3A_915, %mul3A_892 : vector<16xf32>
      %add3A_917 = arith.constant 2.100000e+02 : f32
      %add3A_918 = vector.broadcast %add3A_917 : f32 to vector<16xf32>
      %add3A_919 = arith.addf %mul3A_916, %add3A_918 : vector<16xf32>
      %mul3A_920 = arith.mulf %add3A_919, %mul3A_882 : vector<16xf32>
      %mul3A_921 = arith.constant 6.250000e-02 : f32
      %mul3A_922 = vector.broadcast %mul3A_921 : f32 to vector<16xf32>
      %mul3A_923 = arith.mulf %mul3A_920, %mul3A_922 : vector<16xf32>
      %mul3A_924 = arith.constant 6.930000e+03 : f32
      %mul3A_925 = vector.broadcast %mul3A_924 : f32 to vector<16xf32>
      %mul3A_926 = arith.mulf %mul3A_925, %mul3A_892 : vector<16xf32>
      %sub3A_927 = arith.constant 3.780000e+03 : f32
      %sub3A_928 = vector.broadcast %sub3A_927 : f32 to vector<16xf32>
      %sub3A_929 = arith.subf %mul3A_926, %sub3A_928 : vector<16xf32>
      %mul3A_930 = arith.mulf %sub3A_929, %mul3A_892 : vector<16xf32>
      %add3A_931 = arith.constant 2.100000e+02 : f32
      %add3A_932 = vector.broadcast %add3A_931 : f32 to vector<16xf32>
      %add3A_933 = arith.addf %mul3A_930, %add3A_932 : vector<16xf32>
      %mul3A_934 = arith.constant 6.250000e-02 : f32
      %mul3A_935 = vector.broadcast %mul3A_934 : f32 to vector<16xf32>
      %mul3A_936 = arith.mulf %add3A_933, %mul3A_935 : vector<16xf32>
      %mul3A_937 = arith.constant 2.772000e+04 : f32
      %mul3A_938 = vector.broadcast %mul3A_937 : f32 to vector<16xf32>
      %mul3A_939 = arith.mulf %mul3A_938, %mul3A_892 : vector<16xf32>
      %sub3A_940 = arith.constant 7.560000e+03 : f32
      %sub3A_941 = vector.broadcast %sub3A_940 : f32 to vector<16xf32>
      %sub3A_942 = arith.subf %mul3A_939, %sub3A_941 : vector<16xf32>
      %mul3A_943 = arith.mulf %sub3A_942, %mul3A_882 : vector<16xf32>
      %mul3A_944 = arith.constant 6.250000e-02 : f32
      %mul3A_945 = vector.broadcast %mul3A_944 : f32 to vector<16xf32>
      %mul3A_946 = arith.mulf %mul3A_943, %mul3A_945 : vector<16xf32>
      %mul3A_947 = arith.constant 8.316000e+04 : f32
      %mul3A_948 = vector.broadcast %mul3A_947 : f32 to vector<16xf32>
      %mul3A_949 = arith.mulf %mul3A_948, %mul3A_892 : vector<16xf32>
      %sub3A_950 = arith.constant 7.560000e+03 : f32
      %sub3A_951 = vector.broadcast %sub3A_950 : f32 to vector<16xf32>
      %sub3A_952 = arith.subf %mul3A_949, %sub3A_951 : vector<16xf32>
      %mul3A_953 = arith.constant 6.250000e-02 : f32
      %mul3A_954 = vector.broadcast %mul3A_953 : f32 to vector<16xf32>
      %mul3A_955 = arith.mulf %sub3A_952, %mul3A_954 : vector<16xf32>
      %mul3A_956 = arith.constant 1.039500e+04 : f32
      %mul3A_957 = vector.broadcast %mul3A_956 : f32 to vector<16xf32>
      %mul3A_958 = arith.mulf %mul3A_957, %mul3A_882 : vector<16xf32>
      %mul3A_959 = arith.mulf %exp3A_890, %mul3A_909 : vector<16xf32>
      %add3A_960 = arith.addf %add3A_761, %mul3A_959 : vector<16xf32>
      %mul3A_961 = arith.mulf %mul3A_923, %mul3A_880 : vector<16xf32>
      %mul3A_962 = arith.mulf %exp3A_890, %mul3A_961 : vector<16xf32>
      %add3A_963 = arith.addf %add3A_764, %mul3A_962 : vector<16xf32>
      %mul3A_964 = arith.mulf %mul3A_923, %mul3A_881 : vector<16xf32>
      %mul3A_965 = arith.mulf %exp3A_890, %mul3A_964 : vector<16xf32>
      %add3A_966 = arith.addf %add3A_767, %mul3A_965 : vector<16xf32>
      %mul3A_967 = arith.mulf %mul3A_880, %mul3A_880 : vector<16xf32>
      %mul3A_968 = arith.mulf %mul3A_881, %mul3A_881 : vector<16xf32>
      %sub3A_969 = arith.subf %mul3A_967, %mul3A_968 : vector<16xf32>
      %mul3A_970 = arith.mulf %mul3A_880, %mul3A_881 : vector<16xf32>
      %mul3A_971 = arith.mulf %mul3A_881, %mul3A_880 : vector<16xf32>
      %add3A_972 = arith.addf %mul3A_970, %mul3A_971 : vector<16xf32>
      %mul3A_973 = arith.mulf %mul3A_936, %sub3A_969 : vector<16xf32>
      %mul3A_974 = arith.mulf %exp3A_890, %mul3A_973 : vector<16xf32>
      %add3A_975 = arith.addf %add3A_776, %mul3A_974 : vector<16xf32>
      %mul3A_976 = arith.mulf %mul3A_936, %add3A_972 : vector<16xf32>
      %mul3A_977 = arith.mulf %exp3A_890, %mul3A_976 : vector<16xf32>
      %add3A_978 = arith.addf %add3A_779, %mul3A_977 : vector<16xf32>
      %mul3A_979 = arith.mulf %sub3A_969, %mul3A_880 : vector<16xf32>
      %mul3A_980 = arith.mulf %add3A_972, %mul3A_881 : vector<16xf32>
      %sub3A_981 = arith.subf %mul3A_979, %mul3A_980 : vector<16xf32>
      %mul3A_982 = arith.mulf %sub3A_969, %mul3A_881 : vector<16xf32>
      %mul3A_983 = arith.mulf %add3A_972, %mul3A_880 : vector<16xf32>
      %add3A_984 = arith.addf %mul3A_982, %mul3A_983 : vector<16xf32>
      %mul3A_985 = arith.mulf %mul3A_946, %sub3A_981 : vector<16xf32>
      %mul3A_986 = arith.mulf %exp3A_890, %mul3A_985 : vector<16xf32>
      %add3A_987 = arith.addf %add3A_788, %mul3A_986 : vector<16xf32>
      %mul3A_988 = arith.mulf %mul3A_946, %add3A_984 : vector<16xf32>
      %mul3A_989 = arith.mulf %exp3A_890, %mul3A_988 : vector<16xf32>
      %add3A_990 = arith.addf %add3A_791, %mul3A_989 : vector<16xf32>
      %mul3A_991 = arith.mulf %sub3A_981, %mul3A_880 : vector<16xf32>
      %mul3A_992 = arith.mulf %add3A_984, %mul3A_881 : vector<16xf32>
      %sub3A_993 = arith.subf %mul3A_991, %mul3A_992 : vector<16xf32>
      %mul3A_994 = arith.mulf %sub3A_981, %mul3A_881 : vector<16xf32>
      %mul3A_995 = arith.mulf %add3A_984, %mul3A_880 : vector<16xf32>
      %add3A_996 = arith.addf %mul3A_994, %mul3A_995 : vector<16xf32>
      %mul3A_997 = arith.mulf %mul3A_955, %sub3A_993 : vector<16xf32>
      %mul3A_998 = arith.mulf %exp3A_890, %mul3A_997 : vector<16xf32>
      %add3A_999 = arith.addf %add3A_800, %mul3A_998 : vector<16xf32>
      %mul3A_1000 = arith.mulf %mul3A_955, %add3A_996 : vector<16xf32>
      %mul3A_1001 = arith.mulf %exp3A_890, %mul3A_1000 : vector<16xf32>
      %add3A_1002 = arith.addf %add3A_803, %mul3A_1001 : vector<16xf32>
      %mul3A_1003 = arith.mulf %sub3A_993, %mul3A_880 : vector<16xf32>
      %mul3A_1004 = arith.mulf %add3A_996, %mul3A_881 : vector<16xf32>
      %sub3A_1005 = arith.subf %mul3A_1003, %mul3A_1004 : vector<16xf32>
      %mul3A_1006 = arith.mulf %sub3A_993, %mul3A_881 : vector<16xf32>
      %mul3A_1007 = arith.mulf %add3A_996, %mul3A_880 : vector<16xf32>
      %add3A_1008 = arith.addf %mul3A_1006, %mul3A_1007 : vector<16xf32>
      %mul3A_1009 = arith.mulf %mul3A_958, %sub3A_1005 : vector<16xf32>
      %mul3A_1010 = arith.mulf %exp3A_890, %mul3A_1009 : vector<16xf32>
      %add3A_1011 = arith.addf %add3A_812, %mul3A_1010 : vector<16xf32>
      %mul3A_1012 = arith.mulf %mul3A_958, %add3A_1008 : vector<16xf32>
      %mul3A_1013 = arith.mulf %exp3A_890, %mul3A_1012 : vector<16xf32>
      %add3A_1014 = arith.addf %add3A_815, %mul3A_1013 : vector<16xf32>
      %mul3A_1015 = arith.mulf %sub3A_1005, %mul3A_880 : vector<16xf32>
      %mul3A_1016 = arith.mulf %add3A_1008, %mul3A_881 : vector<16xf32>
      %sub3A_1017 = arith.subf %mul3A_1015, %mul3A_1016 : vector<16xf32>
      %mul3A_1018 = arith.mulf %sub3A_1005, %mul3A_881 : vector<16xf32>
      %mul3A_1019 = arith.mulf %add3A_1008, %mul3A_880 : vector<16xf32>
      %add3A_1020 = arith.addf %mul3A_1018, %mul3A_1019 : vector<16xf32>
      %mul3A_1021 = arith.mulf %exp3A_890, %sub3A_1017 : vector<16xf32>
      %add3A_1022 = arith.addf %add3A_823, %mul3A_1021 : vector<16xf32>
      %mul3A_1023 = arith.mulf %exp3A_890, %add3A_1020 : vector<16xf32>
      %add3A_1024 = arith.addf %add3A_825, %mul3A_1023 : vector<16xf32>
      %mul3A_1025 = arith.constant 16 : i32
      %mul3A_1026 = vector.broadcast %mul3A_1025 : i32 to vector<16xi32>
      %mul3A_1027 = arith.muli %iota3A, %mul3A_1026 : vector<16xi32>
      %add3A_1028 = arith.constant 5 : i32
      %add3A_1029 = vector.broadcast %add3A_1028 : i32 to vector<16xi32>
      %add3A_1030 = arith.addi %mul3A_1027, %add3A_1029 : vector<16xi32>
      %gather3A_1031 = tpu.vector_load_idx %arg9[%add3A_1030] : memref<256xi32, #tpu.memory_space<vmem>>[vector<16xi32>], vector<16xi32>,
      %gather3A_1032 = tpu.vector_load_idx %arg6[%gather3A_1031] : memref<4096xf32, #tpu.memory_space<vmem>>[vector<16xi32>], vector<16xf32>,
      %sub3A_1033 = arith.subf %gather3A_1032, %get3A_28 : vector<16xf32>
      %gather3A_1034 = tpu.vector_load_idx %arg7[%gather3A_1031] : memref<4096xf32, #tpu.memory_space<vmem>>[vector<16xi32>], vector<16xf32>,
      %sub3A_1035 = arith.subf %gather3A_1034, %get3A_30 : vector<16xf32>
      %gather3A_1036 = tpu.vector_load_idx %arg8[%gather3A_1031] : memref<4096xf32, #tpu.memory_space<vmem>>[vector<16xi32>], vector<16xf32>,
      %sub3A_1037 = arith.subf %gather3A_1036, %get3A_32 : vector<16xf32>
      %mul3A_1038 = arith.mulf %sub3A_1033, %sub3A_1033 : vector<16xf32>
      %mul3A_1039 = arith.mulf %sub3A_1035, %sub3A_1035 : vector<16xf32>
      %add3A_1040 = arith.addf %mul3A_1038, %mul3A_1039 : vector<16xf32>
      %mul3A_1041 = arith.mulf %sub3A_1037, %sub3A_1037 : vector<16xf32>
      %add3A_1042 = arith.addf %add3A_1040, %mul3A_1041 : vector<16xf32>
      %bitcast3A_1043 = vector.bitcast %add3A_1042 : vector<16xf32> to vector<16xi32>
      %shift_right_logical3A_1044 = arith.constant 1 : i32
      %shift_right_logical3A_1045 = vector.broadcast %shift_right_logical3A_1044 : i32 to vector<16xi32>
      %shift_right_logical3A_1046 = arith.shrui %bitcast3A_1043, %shift_right_logical3A_1045 : vector<16xi32>
      %sub3A_1047 = arith.constant 1597463007 : i32
      %sub3A_1048 = vector.broadcast %sub3A_1047 : i32 to vector<16xi32>
      %sub3A_1049 = arith.subi %sub3A_1048, %shift_right_logical3A_1046 : vector<16xi32>
      %bitcast3A_1050 = vector.bitcast %sub3A_1049 : vector<16xi32> to vector<16xf32>
      %mul3A_1051 = arith.constant 5.000000e-01 : f32
      %mul3A_1052 = vector.broadcast %mul3A_1051 : f32 to vector<16xf32>
      %mul3A_1053 = arith.mulf %mul3A_1052, %add3A_1042 : vector<16xf32>
      %mul3A_1054 = arith.mulf %mul3A_1053, %bitcast3A_1050 : vector<16xf32>
      %mul3A_1055 = arith.mulf %mul3A_1054, %bitcast3A_1050 : vector<16xf32>
      %sub3A_1056 = arith.constant 1.500000e+00 : f32
      %sub3A_1057 = vector.broadcast %sub3A_1056 : f32 to vector<16xf32>
      %sub3A_1058 = arith.subf %sub3A_1057, %mul3A_1055 : vector<16xf32>
      %mul3A_1059 = arith.mulf %bitcast3A_1050, %sub3A_1058 : vector<16xf32>
      %mul3A_1060 = arith.constant 5.000000e-01 : f32
      %mul3A_1061 = vector.broadcast %mul3A_1060 : f32 to vector<16xf32>
      %mul3A_1062 = arith.mulf %mul3A_1061, %add3A_1042 : vector<16xf32>
      %mul3A_1063 = arith.mulf %mul3A_1062, %mul3A_1059 : vector<16xf32>
      %mul3A_1064 = arith.mulf %mul3A_1063, %mul3A_1059 : vector<16xf32>
      %sub3A_1065 = arith.constant 1.500000e+00 : f32
      %sub3A_1066 = vector.broadcast %sub3A_1065 : f32 to vector<16xf32>
      %sub3A_1067 = arith.subf %sub3A_1066, %mul3A_1064 : vector<16xf32>
      %mul3A_1068 = arith.mulf %mul3A_1059, %sub3A_1067 : vector<16xf32>
      %mul3A_1069 = arith.constant 5.000000e-01 : f32
      %mul3A_1070 = vector.broadcast %mul3A_1069 : f32 to vector<16xf32>
      %mul3A_1071 = arith.mulf %mul3A_1070, %add3A_1042 : vector<16xf32>
      %mul3A_1072 = arith.mulf %mul3A_1071, %mul3A_1068 : vector<16xf32>
      %mul3A_1073 = arith.mulf %mul3A_1072, %mul3A_1068 : vector<16xf32>
      %sub3A_1074 = arith.constant 1.500000e+00 : f32
      %sub3A_1075 = vector.broadcast %sub3A_1074 : f32 to vector<16xf32>
      %sub3A_1076 = arith.subf %sub3A_1075, %mul3A_1073 : vector<16xf32>
      %mul3A_1077 = arith.mulf %mul3A_1068, %sub3A_1076 : vector<16xf32>
      %mul3A_1078 = arith.mulf %add3A_1042, %mul3A_1077 : vector<16xf32>
      %mul3A_1079 = arith.mulf %sub3A_1033, %mul3A_1077 : vector<16xf32>
      %mul3A_1080 = arith.mulf %sub3A_1035, %mul3A_1077 : vector<16xf32>
      %mul3A_1081 = arith.mulf %sub3A_1037, %mul3A_1077 : vector<16xf32>
      %sub3A_1082 = arith.constant 3.000000e-01 : f32
      %sub3A_1083 = vector.broadcast %sub3A_1082 : f32 to vector<16xf32>
      %sub3A_1084 = arith.subf %mul3A_1078, %sub3A_1083 : vector<16xf32>
      %mul3A_1085 = arith.mulf %sub3A_1084, %sub3A_1084 : vector<16xf32>
      %mul3A_1086 = arith.constant -2.000000e+00 : f32
      %mul3A_1087 = vector.broadcast %mul3A_1086 : f32 to vector<16xf32>
      %mul3A_1088 = arith.mulf %mul3A_1085, %mul3A_1087 : vector<16xf32>
      %exp3A_1089 = math.exp %mul3A_1088 : vector<16xf32>
      %add3A_1090 = arith.addf %add3A_891, %exp3A_1089 : vector<16xf32>
      %mul3A_1091 = arith.mulf %mul3A_1081, %mul3A_1081 : vector<16xf32>
      %mul3A_1092 = arith.constant 2.310000e+02 : f32
      %mul3A_1093 = vector.broadcast %mul3A_1092 : f32 to vector<16xf32>
      %mul3A_1094 = arith.mulf %mul3A_1093, %mul3A_1091 : vector<16xf32>
      %sub3A_1095 = arith.constant 3.150000e+02 : f32
      %sub3A_1096 = vector.broadcast %sub3A_1095 : f32 to vector<16xf32>
      %sub3A_1097 = arith.subf %mul3A_1094, %sub3A_1096 : vector<16xf32>
      %mul3A_1098 = arith.mulf %sub3A_1097, %mul3A_1091 : vector<16xf32>
      %add3A_1099 = arith.constant 1.050000e+02 : f32
      %add3A_1100 = vector.broadcast %add3A_1099 : f32 to vector<16xf32>
      %add3A_1101 = arith.addf %mul3A_1098, %add3A_1100 : vector<16xf32>
      %mul3A_1102 = arith.mulf %add3A_1101, %mul3A_1091 : vector<16xf32>
      %sub3A_1103 = arith.constant 5.000000e+00 : f32
      %sub3A_1104 = vector.broadcast %sub3A_1103 : f32 to vector<16xf32>
      %sub3A_1105 = arith.subf %mul3A_1102, %sub3A_1104 : vector<16xf32>
      %mul3A_1106 = arith.constant 6.250000e-02 : f32
      %mul3A_1107 = vector.broadcast %mul3A_1106 : f32 to vector<16xf32>
      %mul3A_1108 = arith.mulf %sub3A_1105, %mul3A_1107 : vector<16xf32>
      %mul3A_1109 = arith.constant 1.386000e+03 : f32
      %mul3A_1110 = vector.broadcast %mul3A_1109 : f32 to vector<16xf32>
      %mul3A_1111 = arith.mulf %mul3A_1110, %mul3A_1091 : vector<16xf32>
      %sub3A_1112 = arith.constant 1.260000e+03 : f32
      %sub3A_1113 = vector.broadcast %sub3A_1112 : f32 to vector<16xf32>
      %sub3A_1114 = arith.subf %mul3A_1111, %sub3A_1113 : vector<16xf32>
      %mul3A_1115 = arith.mulf %sub3A_1114, %mul3A_1091 : vector<16xf32>
      %add3A_1116 = arith.constant 2.100000e+02 : f32
      %add3A_1117 = vector.broadcast %add3A_1116 : f32 to vector<16xf32>
      %add3A_1118 = arith.addf %mul3A_1115, %add3A_1117 : vector<16xf32>
      %mul3A_1119 = arith.mulf %add3A_1118, %mul3A_1081 : vector<16xf32>
      %mul3A_1120 = arith.constant 6.250000e-02 : f32
      %mul3A_1121 = vector.broadcast %mul3A_1120 : f32 to vector<16xf32>
      %mul3A_1122 = arith.mulf %mul3A_1119, %mul3A_1121 : vector<16xf32>
      %mul3A_1123 = arith.constant 6.930000e+03 : f32
      %mul3A_1124 = vector.broadcast %mul3A_1123 : f32 to vector<16xf32>
      %mul3A_1125 = arith.mulf %mul3A_1124, %mul3A_1091 : vector<16xf32>
      %sub3A_1126 = arith.constant 3.780000e+03 : f32
      %sub3A_1127 = vector.broadcast %sub3A_1126 : f32 to vector<16xf32>
      %sub3A_1128 = arith.subf %mul3A_1125, %sub3A_1127 : vector<16xf32>
      %mul3A_1129 = arith.mulf %sub3A_1128, %mul3A_1091 : vector<16xf32>
      %add3A_1130 = arith.constant 2.100000e+02 : f32
      %add3A_1131 = vector.broadcast %add3A_1130 : f32 to vector<16xf32>
      %add3A_1132 = arith.addf %mul3A_1129, %add3A_1131 : vector<16xf32>
      %mul3A_1133 = arith.constant 6.250000e-02 : f32
      %mul3A_1134 = vector.broadcast %mul3A_1133 : f32 to vector<16xf32>
      %mul3A_1135 = arith.mulf %add3A_1132, %mul3A_1134 : vector<16xf32>
      %mul3A_1136 = arith.constant 2.772000e+04 : f32
      %mul3A_1137 = vector.broadcast %mul3A_1136 : f32 to vector<16xf32>
      %mul3A_1138 = arith.mulf %mul3A_1137, %mul3A_1091 : vector<16xf32>
      %sub3A_1139 = arith.constant 7.560000e+03 : f32
      %sub3A_1140 = vector.broadcast %sub3A_1139 : f32 to vector<16xf32>
      %sub3A_1141 = arith.subf %mul3A_1138, %sub3A_1140 : vector<16xf32>
      %mul3A_1142 = arith.mulf %sub3A_1141, %mul3A_1081 : vector<16xf32>
      %mul3A_1143 = arith.constant 6.250000e-02 : f32
      %mul3A_1144 = vector.broadcast %mul3A_1143 : f32 to vector<16xf32>
      %mul3A_1145 = arith.mulf %mul3A_1142, %mul3A_1144 : vector<16xf32>
      %mul3A_1146 = arith.constant 8.316000e+04 : f32
      %mul3A_1147 = vector.broadcast %mul3A_1146 : f32 to vector<16xf32>
      %mul3A_1148 = arith.mulf %mul3A_1147, %mul3A_1091 : vector<16xf32>
      %sub3A_1149 = arith.constant 7.560000e+03 : f32
      %sub3A_1150 = vector.broadcast %sub3A_1149 : f32 to vector<16xf32>
      %sub3A_1151 = arith.subf %mul3A_1148, %sub3A_1150 : vector<16xf32>
      %mul3A_1152 = arith.constant 6.250000e-02 : f32
      %mul3A_1153 = vector.broadcast %mul3A_1152 : f32 to vector<16xf32>
      %mul3A_1154 = arith.mulf %sub3A_1151, %mul3A_1153 : vector<16xf32>
      %mul3A_1155 = arith.constant 1.039500e+04 : f32
      %mul3A_1156 = vector.broadcast %mul3A_1155 : f32 to vector<16xf32>
      %mul3A_1157 = arith.mulf %mul3A_1156, %mul3A_1081 : vector<16xf32>
      %mul3A_1158 = arith.mulf %exp3A_1089, %mul3A_1108 : vector<16xf32>
      %add3A_1159 = arith.addf %add3A_960, %mul3A_1158 : vector<16xf32>
      %mul3A_1160 = arith.mulf %mul3A_1122, %mul3A_1079 : vector<16xf32>
      %mul3A_1161 = arith.mulf %exp3A_1089, %mul3A_1160 : vector<16xf32>
      %add3A_1162 = arith.addf %add3A_963, %mul3A_1161 : vector<16xf32>
      %mul3A_1163 = arith.mulf %mul3A_1122, %mul3A_1080 : vector<16xf32>
      %mul3A_1164 = arith.mulf %exp3A_1089, %mul3A_1163 : vector<16xf32>
      %add3A_1165 = arith.addf %add3A_966, %mul3A_1164 : vector<16xf32>
      %mul3A_1166 = arith.mulf %mul3A_1079, %mul3A_1079 : vector<16xf32>
      %mul3A_1167 = arith.mulf %mul3A_1080, %mul3A_1080 : vector<16xf32>
      %sub3A_1168 = arith.subf %mul3A_1166, %mul3A_1167 : vector<16xf32>
      %mul3A_1169 = arith.mulf %mul3A_1079, %mul3A_1080 : vector<16xf32>
      %mul3A_1170 = arith.mulf %mul3A_1080, %mul3A_1079 : vector<16xf32>
      %add3A_1171 = arith.addf %mul3A_1169, %mul3A_1170 : vector<16xf32>
      %mul3A_1172 = arith.mulf %mul3A_1135, %sub3A_1168 : vector<16xf32>
      %mul3A_1173 = arith.mulf %exp3A_1089, %mul3A_1172 : vector<16xf32>
      %add3A_1174 = arith.addf %add3A_975, %mul3A_1173 : vector<16xf32>
      %mul3A_1175 = arith.mulf %mul3A_1135, %add3A_1171 : vector<16xf32>
      %mul3A_1176 = arith.mulf %exp3A_1089, %mul3A_1175 : vector<16xf32>
      %add3A_1177 = arith.addf %add3A_978, %mul3A_1176 : vector<16xf32>
      %mul3A_1178 = arith.mulf %sub3A_1168, %mul3A_1079 : vector<16xf32>
      %mul3A_1179 = arith.mulf %add3A_1171, %mul3A_1080 : vector<16xf32>
      %sub3A_1180 = arith.subf %mul3A_1178, %mul3A_1179 : vector<16xf32>
      %mul3A_1181 = arith.mulf %sub3A_1168, %mul3A_1080 : vector<16xf32>
      %mul3A_1182 = arith.mulf %add3A_1171, %mul3A_1079 : vector<16xf32>
      %add3A_1183 = arith.addf %mul3A_1181, %mul3A_1182 : vector<16xf32>
      %mul3A_1184 = arith.mulf %mul3A_1145, %sub3A_1180 : vector<16xf32>
      %mul3A_1185 = arith.mulf %exp3A_1089, %mul3A_1184 : vector<16xf32>
      %add3A_1186 = arith.addf %add3A_987, %mul3A_1185 : vector<16xf32>
      %mul3A_1187 = arith.mulf %mul3A_1145, %add3A_1183 : vector<16xf32>
      %mul3A_1188 = arith.mulf %exp3A_1089, %mul3A_1187 : vector<16xf32>
      %add3A_1189 = arith.addf %add3A_990, %mul3A_1188 : vector<16xf32>
      %mul3A_1190 = arith.mulf %sub3A_1180, %mul3A_1079 : vector<16xf32>
      %mul3A_1191 = arith.mulf %add3A_1183, %mul3A_1080 : vector<16xf32>
      %sub3A_1192 = arith.subf %mul3A_1190, %mul3A_1191 : vector<16xf32>
      %mul3A_1193 = arith.mulf %sub3A_1180, %mul3A_1080 : vector<16xf32>
      %mul3A_1194 = arith.mulf %add3A_1183, %mul3A_1079 : vector<16xf32>
      %add3A_1195 = arith.addf %mul3A_1193, %mul3A_1194 : vector<16xf32>
      %mul3A_1196 = arith.mulf %mul3A_1154, %sub3A_1192 : vector<16xf32>
      %mul3A_1197 = arith.mulf %exp3A_1089, %mul3A_1196 : vector<16xf32>
      %add3A_1198 = arith.addf %add3A_999, %mul3A_1197 : vector<16xf32>
      %mul3A_1199 = arith.mulf %mul3A_1154, %add3A_1195 : vector<16xf32>
      %mul3A_1200 = arith.mulf %exp3A_1089, %mul3A_1199 : vector<16xf32>
      %add3A_1201 = arith.addf %add3A_1002, %mul3A_1200 : vector<16xf32>
      %mul3A_1202 = arith.mulf %sub3A_1192, %mul3A_1079 : vector<16xf32>
      %mul3A_1203 = arith.mulf %add3A_1195, %mul3A_1080 : vector<16xf32>
      %sub3A_1204 = arith.subf %mul3A_1202, %mul3A_1203 : vector<16xf32>
      %mul3A_1205 = arith.mulf %sub3A_1192, %mul3A_1080 : vector<16xf32>
      %mul3A_1206 = arith.mulf %add3A_1195, %mul3A_1079 : vector<16xf32>
      %add3A_1207 = arith.addf %mul3A_1205, %mul3A_1206 : vector<16xf32>
      %mul3A_1208 = arith.mulf %mul3A_1157, %sub3A_1204 : vector<16xf32>
      %mul3A_1209 = arith.mulf %exp3A_1089, %mul3A_1208 : vector<16xf32>
      %add3A_1210 = arith.addf %add3A_1011, %mul3A_1209 : vector<16xf32>
      %mul3A_1211 = arith.mulf %mul3A_1157, %add3A_1207 : vector<16xf32>
      %mul3A_1212 = arith.mulf %exp3A_1089, %mul3A_1211 : vector<16xf32>
      %add3A_1213 = arith.addf %add3A_1014, %mul3A_1212 : vector<16xf32>
      %mul3A_1214 = arith.mulf %sub3A_1204, %mul3A_1079 : vector<16xf32>
      %mul3A_1215 = arith.mulf %add3A_1207, %mul3A_1080 : vector<16xf32>
      %sub3A_1216 = arith.subf %mul3A_1214, %mul3A_1215 : vector<16xf32>
      %mul3A_1217 = arith.mulf %sub3A_1204, %mul3A_1080 : vector<16xf32>
      %mul3A_1218 = arith.mulf %add3A_1207, %mul3A_1079 : vector<16xf32>
      %add3A_1219 = arith.addf %mul3A_1217, %mul3A_1218 : vector<16xf32>
      %mul3A_1220 = arith.mulf %exp3A_1089, %sub3A_1216 : vector<16xf32>
      %add3A_1221 = arith.addf %add3A_1022, %mul3A_1220 : vector<16xf32>
      %mul3A_1222 = arith.mulf %exp3A_1089, %add3A_1219 : vector<16xf32>
      %add3A_1223 = arith.addf %add3A_1024, %mul3A_1222 : vector<16xf32>
      %mul3A_1224 = arith.constant 16 : i32
      %mul3A_1225 = vector.broadcast %mul3A_1224 : i32 to vector<16xi32>
      %mul3A_1226 = arith.muli %iota3A, %mul3A_1225 : vector<16xi32>
      %add3A_1227 = arith.constant 6 : i32
      %add3A_1228 = vector.broadcast %add3A_1227 : i32 to vector<16xi32>
      %add3A_1229 = arith.addi %mul3A_1226, %add3A_1228 : vector<16xi32>
      %gather3A_1230 = tpu.vector_load_idx %arg9[%add3A_1229] : memref<256xi32, #tpu.memory_space<vmem>>[vector<16xi32>], vector<16xi32>,
      %gather3A_1231 = tpu.vector_load_idx %arg6[%gather3A_1230] : memref<4096xf32, #tpu.memory_space<vmem>>[vector<16xi32>], vector<16xf32>,
      %sub3A_1232 = arith.subf %gather3A_1231, %get3A_28 : vector<16xf32>
      %gather3A_1233 = tpu.vector_load_idx %arg7[%gather3A_1230] : memref<4096xf32, #tpu.memory_space<vmem>>[vector<16xi32>], vector<16xf32>,
      %sub3A_1234 = arith.subf %gather3A_1233, %get3A_30 : vector<16xf32>
      %gather3A_1235 = tpu.vector_load_idx %arg8[%gather3A_1230] : memref<4096xf32, #tpu.memory_space<vmem>>[vector<16xi32>], vector<16xf32>,
      %sub3A_1236 = arith.subf %gather3A_1235, %get3A_32 : vector<16xf32>
      %mul3A_1237 = arith.mulf %sub3A_1232, %sub3A_1232 : vector<16xf32>
      %mul3A_1238 = arith.mulf %sub3A_1234, %sub3A_1234 : vector<16xf32>
      %add3A_1239 = arith.addf %mul3A_1237, %mul3A_1238 : vector<16xf32>
      %mul3A_1240 = arith.mulf %sub3A_1236, %sub3A_1236 : vector<16xf32>
      %add3A_1241 = arith.addf %add3A_1239, %mul3A_1240 : vector<16xf32>
      %bitcast3A_1242 = vector.bitcast %add3A_1241 : vector<16xf32> to vector<16xi32>
      %shift_right_logical3A_1243 = arith.constant 1 : i32
      %shift_right_logical3A_1244 = vector.broadcast %shift_right_logical3A_1243 : i32 to vector<16xi32>
      %shift_right_logical3A_1245 = arith.shrui %bitcast3A_1242, %shift_right_logical3A_1244 : vector<16xi32>
      %sub3A_1246 = arith.constant 1597463007 : i32
      %sub3A_1247 = vector.broadcast %sub3A_1246 : i32 to vector<16xi32>
      %sub3A_1248 = arith.subi %sub3A_1247, %shift_right_logical3A_1245 : vector<16xi32>
      %bitcast3A_1249 = vector.bitcast %sub3A_1248 : vector<16xi32> to vector<16xf32>
      %mul3A_1250 = arith.constant 5.000000e-01 : f32
      %mul3A_1251 = vector.broadcast %mul3A_1250 : f32 to vector<16xf32>
      %mul3A_1252 = arith.mulf %mul3A_1251, %add3A_1241 : vector<16xf32>
      %mul3A_1253 = arith.mulf %mul3A_1252, %bitcast3A_1249 : vector<16xf32>
      %mul3A_1254 = arith.mulf %mul3A_1253, %bitcast3A_1249 : vector<16xf32>
      %sub3A_1255 = arith.constant 1.500000e+00 : f32
      %sub3A_1256 = vector.broadcast %sub3A_1255 : f32 to vector<16xf32>
      %sub3A_1257 = arith.subf %sub3A_1256, %mul3A_1254 : vector<16xf32>
      %mul3A_1258 = arith.mulf %bitcast3A_1249, %sub3A_1257 : vector<16xf32>
      %mul3A_1259 = arith.constant 5.000000e-01 : f32
      %mul3A_1260 = vector.broadcast %mul3A_1259 : f32 to vector<16xf32>
      %mul3A_1261 = arith.mulf %mul3A_1260, %add3A_1241 : vector<16xf32>
      %mul3A_1262 = arith.mulf %mul3A_1261, %mul3A_1258 : vector<16xf32>
      %mul3A_1263 = arith.mulf %mul3A_1262, %mul3A_1258 : vector<16xf32>
      %sub3A_1264 = arith.constant 1.500000e+00 : f32
      %sub3A_1265 = vector.broadcast %sub3A_1264 : f32 to vector<16xf32>
      %sub3A_1266 = arith.subf %sub3A_1265, %mul3A_1263 : vector<16xf32>
      %mul3A_1267 = arith.mulf %mul3A_1258, %sub3A_1266 : vector<16xf32>
      %mul3A_1268 = arith.constant 5.000000e-01 : f32
      %mul3A_1269 = vector.broadcast %mul3A_1268 : f32 to vector<16xf32>
      %mul3A_1270 = arith.mulf %mul3A_1269, %add3A_1241 : vector<16xf32>
      %mul3A_1271 = arith.mulf %mul3A_1270, %mul3A_1267 : vector<16xf32>
      %mul3A_1272 = arith.mulf %mul3A_1271, %mul3A_1267 : vector<16xf32>
      %sub3A_1273 = arith.constant 1.500000e+00 : f32
      %sub3A_1274 = vector.broadcast %sub3A_1273 : f32 to vector<16xf32>
      %sub3A_1275 = arith.subf %sub3A_1274, %mul3A_1272 : vector<16xf32>
      %mul3A_1276 = arith.mulf %mul3A_1267, %sub3A_1275 : vector<16xf32>
      %mul3A_1277 = arith.mulf %add3A_1241, %mul3A_1276 : vector<16xf32>
      %mul3A_1278 = arith.mulf %sub3A_1232, %mul3A_1276 : vector<16xf32>
      %mul3A_1279 = arith.mulf %sub3A_1234, %mul3A_1276 : vector<16xf32>
      %mul3A_1280 = arith.mulf %sub3A_1236, %mul3A_1276 : vector<16xf32>
      %sub3A_1281 = arith.constant 3.000000e-01 : f32
      %sub3A_1282 = vector.broadcast %sub3A_1281 : f32 to vector<16xf32>
      %sub3A_1283 = arith.subf %mul3A_1277, %sub3A_1282 : vector<16xf32>
      %mul3A_1284 = arith.mulf %sub3A_1283, %sub3A_1283 : vector<16xf32>
      %mul3A_1285 = arith.constant -2.000000e+00 : f32
      %mul3A_1286 = vector.broadcast %mul3A_1285 : f32 to vector<16xf32>
      %mul3A_1287 = arith.mulf %mul3A_1284, %mul3A_1286 : vector<16xf32>
      %exp3A_1288 = math.exp %mul3A_1287 : vector<16xf32>
      %add3A_1289 = arith.addf %add3A_1090, %exp3A_1288 : vector<16xf32>
      %mul3A_1290 = arith.mulf %mul3A_1280, %mul3A_1280 : vector<16xf32>
      %mul3A_1291 = arith.constant 2.310000e+02 : f32
      %mul3A_1292 = vector.broadcast %mul3A_1291 : f32 to vector<16xf32>
      %mul3A_1293 = arith.mulf %mul3A_1292, %mul3A_1290 : vector<16xf32>
      %sub3A_1294 = arith.constant 3.150000e+02 : f32
      %sub3A_1295 = vector.broadcast %sub3A_1294 : f32 to vector<16xf32>
      %sub3A_1296 = arith.subf %mul3A_1293, %sub3A_1295 : vector<16xf32>
      %mul3A_1297 = arith.mulf %sub3A_1296, %mul3A_1290 : vector<16xf32>
      %add3A_1298 = arith.constant 1.050000e+02 : f32
      %add3A_1299 = vector.broadcast %add3A_1298 : f32 to vector<16xf32>
      %add3A_1300 = arith.addf %mul3A_1297, %add3A_1299 : vector<16xf32>
      %mul3A_1301 = arith.mulf %add3A_1300, %mul3A_1290 : vector<16xf32>
      %sub3A_1302 = arith.constant 5.000000e+00 : f32
      %sub3A_1303 = vector.broadcast %sub3A_1302 : f32 to vector<16xf32>
      %sub3A_1304 = arith.subf %mul3A_1301, %sub3A_1303 : vector<16xf32>
      %mul3A_1305 = arith.constant 6.250000e-02 : f32
      %mul3A_1306 = vector.broadcast %mul3A_1305 : f32 to vector<16xf32>
      %mul3A_1307 = arith.mulf %sub3A_1304, %mul3A_1306 : vector<16xf32>
      %mul3A_1308 = arith.constant 1.386000e+03 : f32
      %mul3A_1309 = vector.broadcast %mul3A_1308 : f32 to vector<16xf32>
      %mul3A_1310 = arith.mulf %mul3A_1309, %mul3A_1290 : vector<16xf32>
      %sub3A_1311 = arith.constant 1.260000e+03 : f32
      %sub3A_1312 = vector.broadcast %sub3A_1311 : f32 to vector<16xf32>
      %sub3A_1313 = arith.subf %mul3A_1310, %sub3A_1312 : vector<16xf32>
      %mul3A_1314 = arith.mulf %sub3A_1313, %mul3A_1290 : vector<16xf32>
      %add3A_1315 = arith.constant 2.100000e+02 : f32
      %add3A_1316 = vector.broadcast %add3A_1315 : f32 to vector<16xf32>
      %add3A_1317 = arith.addf %mul3A_1314, %add3A_1316 : vector<16xf32>
      %mul3A_1318 = arith.mulf %add3A_1317, %mul3A_1280 : vector<16xf32>
      %mul3A_1319 = arith.constant 6.250000e-02 : f32
      %mul3A_1320 = vector.broadcast %mul3A_1319 : f32 to vector<16xf32>
      %mul3A_1321 = arith.mulf %mul3A_1318, %mul3A_1320 : vector<16xf32>
      %mul3A_1322 = arith.constant 6.930000e+03 : f32
      %mul3A_1323 = vector.broadcast %mul3A_1322 : f32 to vector<16xf32>
      %mul3A_1324 = arith.mulf %mul3A_1323, %mul3A_1290 : vector<16xf32>
      %sub3A_1325 = arith.constant 3.780000e+03 : f32
      %sub3A_1326 = vector.broadcast %sub3A_1325 : f32 to vector<16xf32>
      %sub3A_1327 = arith.subf %mul3A_1324, %sub3A_1326 : vector<16xf32>
      %mul3A_1328 = arith.mulf %sub3A_1327, %mul3A_1290 : vector<16xf32>
      %add3A_1329 = arith.constant 2.100000e+02 : f32
      %add3A_1330 = vector.broadcast %add3A_1329 : f32 to vector<16xf32>
      %add3A_1331 = arith.addf %mul3A_1328, %add3A_1330 : vector<16xf32>
      %mul3A_1332 = arith.constant 6.250000e-02 : f32
      %mul3A_1333 = vector.broadcast %mul3A_1332 : f32 to vector<16xf32>
      %mul3A_1334 = arith.mulf %add3A_1331, %mul3A_1333 : vector<16xf32>
      %mul3A_1335 = arith.constant 2.772000e+04 : f32
      %mul3A_1336 = vector.broadcast %mul3A_1335 : f32 to vector<16xf32>
      %mul3A_1337 = arith.mulf %mul3A_1336, %mul3A_1290 : vector<16xf32>
      %sub3A_1338 = arith.constant 7.560000e+03 : f32
      %sub3A_1339 = vector.broadcast %sub3A_1338 : f32 to vector<16xf32>
      %sub3A_1340 = arith.subf %mul3A_1337, %sub3A_1339 : vector<16xf32>
      %mul3A_1341 = arith.mulf %sub3A_1340, %mul3A_1280 : vector<16xf32>
      %mul3A_1342 = arith.constant 6.250000e-02 : f32
      %mul3A_1343 = vector.broadcast %mul3A_1342 : f32 to vector<16xf32>
      %mul3A_1344 = arith.mulf %mul3A_1341, %mul3A_1343 : vector<16xf32>
      %mul3A_1345 = arith.constant 8.316000e+04 : f32
      %mul3A_1346 = vector.broadcast %mul3A_1345 : f32 to vector<16xf32>
      %mul3A_1347 = arith.mulf %mul3A_1346, %mul3A_1290 : vector<16xf32>
      %sub3A_1348 = arith.constant 7.560000e+03 : f32
      %sub3A_1349 = vector.broadcast %sub3A_1348 : f32 to vector<16xf32>
      %sub3A_1350 = arith.subf %mul3A_1347, %sub3A_1349 : vector<16xf32>
      %mul3A_1351 = arith.constant 6.250000e-02 : f32
      %mul3A_1352 = vector.broadcast %mul3A_1351 : f32 to vector<16xf32>
      %mul3A_1353 = arith.mulf %sub3A_1350, %mul3A_1352 : vector<16xf32>
      %mul3A_1354 = arith.constant 1.039500e+04 : f32
      %mul3A_1355 = vector.broadcast %mul3A_1354 : f32 to vector<16xf32>
      %mul3A_1356 = arith.mulf %mul3A_1355, %mul3A_1280 : vector<16xf32>
      %mul3A_1357 = arith.mulf %exp3A_1288, %mul3A_1307 : vector<16xf32>
      %add3A_1358 = arith.addf %add3A_1159, %mul3A_1357 : vector<16xf32>
      %mul3A_1359 = arith.mulf %mul3A_1321, %mul3A_1278 : vector<16xf32>
      %mul3A_1360 = arith.mulf %exp3A_1288, %mul3A_1359 : vector<16xf32>
      %add3A_1361 = arith.addf %add3A_1162, %mul3A_1360 : vector<16xf32>
      %mul3A_1362 = arith.mulf %mul3A_1321, %mul3A_1279 : vector<16xf32>
      %mul3A_1363 = arith.mulf %exp3A_1288, %mul3A_1362 : vector<16xf32>
      %add3A_1364 = arith.addf %add3A_1165, %mul3A_1363 : vector<16xf32>
      %mul3A_1365 = arith.mulf %mul3A_1278, %mul3A_1278 : vector<16xf32>
      %mul3A_1366 = arith.mulf %mul3A_1279, %mul3A_1279 : vector<16xf32>
      %sub3A_1367 = arith.subf %mul3A_1365, %mul3A_1366 : vector<16xf32>
      %mul3A_1368 = arith.mulf %mul3A_1278, %mul3A_1279 : vector<16xf32>
      %mul3A_1369 = arith.mulf %mul3A_1279, %mul3A_1278 : vector<16xf32>
      %add3A_1370 = arith.addf %mul3A_1368, %mul3A_1369 : vector<16xf32>
      %mul3A_1371 = arith.mulf %mul3A_1334, %sub3A_1367 : vector<16xf32>
      %mul3A_1372 = arith.mulf %exp3A_1288, %mul3A_1371 : vector<16xf32>
      %add3A_1373 = arith.addf %add3A_1174, %mul3A_1372 : vector<16xf32>
      %mul3A_1374 = arith.mulf %mul3A_1334, %add3A_1370 : vector<16xf32>
      %mul3A_1375 = arith.mulf %exp3A_1288, %mul3A_1374 : vector<16xf32>
      %add3A_1376 = arith.addf %add3A_1177, %mul3A_1375 : vector<16xf32>
      %mul3A_1377 = arith.mulf %sub3A_1367, %mul3A_1278 : vector<16xf32>
      %mul3A_1378 = arith.mulf %add3A_1370, %mul3A_1279 : vector<16xf32>
      %sub3A_1379 = arith.subf %mul3A_1377, %mul3A_1378 : vector<16xf32>
      %mul3A_1380 = arith.mulf %sub3A_1367, %mul3A_1279 : vector<16xf32>
      %mul3A_1381 = arith.mulf %add3A_1370, %mul3A_1278 : vector<16xf32>
      %add3A_1382 = arith.addf %mul3A_1380, %mul3A_1381 : vector<16xf32>
      %mul3A_1383 = arith.mulf %mul3A_1344, %sub3A_1379 : vector<16xf32>
      %mul3A_1384 = arith.mulf %exp3A_1288, %mul3A_1383 : vector<16xf32>
      %add3A_1385 = arith.addf %add3A_1186, %mul3A_1384 : vector<16xf32>
      %mul3A_1386 = arith.mulf %mul3A_1344, %add3A_1382 : vector<16xf32>
      %mul3A_1387 = arith.mulf %exp3A_1288, %mul3A_1386 : vector<16xf32>
      %add3A_1388 = arith.addf %add3A_1189, %mul3A_1387 : vector<16xf32>
      %mul3A_1389 = arith.mulf %sub3A_1379, %mul3A_1278 : vector<16xf32>
      %mul3A_1390 = arith.mulf %add3A_1382, %mul3A_1279 : vector<16xf32>
      %sub3A_1391 = arith.subf %mul3A_1389, %mul3A_1390 : vector<16xf32>
      %mul3A_1392 = arith.mulf %sub3A_1379, %mul3A_1279 : vector<16xf32>
      %mul3A_1393 = arith.mulf %add3A_1382, %mul3A_1278 : vector<16xf32>
      %add3A_1394 = arith.addf %mul3A_1392, %mul3A_1393 : vector<16xf32>
      %mul3A_1395 = arith.mulf %mul3A_1353, %sub3A_1391 : vector<16xf32>
      %mul3A_1396 = arith.mulf %exp3A_1288, %mul3A_1395 : vector<16xf32>
      %add3A_1397 = arith.addf %add3A_1198, %mul3A_1396 : vector<16xf32>
      %mul3A_1398 = arith.mulf %mul3A_1353, %add3A_1394 : vector<16xf32>
      %mul3A_1399 = arith.mulf %exp3A_1288, %mul3A_1398 : vector<16xf32>
      %add3A_1400 = arith.addf %add3A_1201, %mul3A_1399 : vector<16xf32>
      %mul3A_1401 = arith.mulf %sub3A_1391, %mul3A_1278 : vector<16xf32>
      %mul3A_1402 = arith.mulf %add3A_1394, %mul3A_1279 : vector<16xf32>
      %sub3A_1403 = arith.subf %mul3A_1401, %mul3A_1402 : vector<16xf32>
      %mul3A_1404 = arith.mulf %sub3A_1391, %mul3A_1279 : vector<16xf32>
      %mul3A_1405 = arith.mulf %add3A_1394, %mul3A_1278 : vector<16xf32>
      %add3A_1406 = arith.addf %mul3A_1404, %mul3A_1405 : vector<16xf32>
      %mul3A_1407 = arith.mulf %mul3A_1356, %sub3A_1403 : vector<16xf32>
      %mul3A_1408 = arith.mulf %exp3A_1288, %mul3A_1407 : vector<16xf32>
      %add3A_1409 = arith.addf %add3A_1210, %mul3A_1408 : vector<16xf32>
      %mul3A_1410 = arith.mulf %mul3A_1356, %add3A_1406 : vector<16xf32>
      %mul3A_1411 = arith.mulf %exp3A_1288, %mul3A_1410 : vector<16xf32>
      %add3A_1412 = arith.addf %add3A_1213, %mul3A_1411 : vector<16xf32>
      %mul3A_1413 = arith.mulf %sub3A_1403, %mul3A_1278 : vector<16xf32>
      %mul3A_1414 = arith.mulf %add3A_1406, %mul3A_1279 : vector<16xf32>
      %sub3A_1415 = arith.subf %mul3A_1413, %mul3A_1414 : vector<16xf32>
      %mul3A_1416 = arith.mulf %sub3A_1403, %mul3A_1279 : vector<16xf32>
      %mul3A_1417 = arith.mulf %add3A_1406, %mul3A_1278 : vector<16xf32>
      %add3A_1418 = arith.addf %mul3A_1416, %mul3A_1417 : vector<16xf32>
      %mul3A_1419 = arith.mulf %exp3A_1288, %sub3A_1415 : vector<16xf32>
      %add3A_1420 = arith.addf %add3A_1221, %mul3A_1419 : vector<16xf32>
      %mul3A_1421 = arith.mulf %exp3A_1288, %add3A_1418 : vector<16xf32>
      %add3A_1422 = arith.addf %add3A_1223, %mul3A_1421 : vector<16xf32>
      %mul3A_1423 = arith.constant 16 : i32
      %mul3A_1424 = vector.broadcast %mul3A_1423 : i32 to vector<16xi32>
      %mul3A_1425 = arith.muli %iota3A, %mul3A_1424 : vector<16xi32>
      %add3A_1426 = arith.constant 7 : i32
      %add3A_1427 = vector.broadcast %add3A_1426 : i32 to vector<16xi32>
      %add3A_1428 = arith.addi %mul3A_1425, %add3A_1427 : vector<16xi32>
      %gather3A_1429 = tpu.vector_load_idx %arg9[%add3A_1428] : memref<256xi32, #tpu.memory_space<vmem>>[vector<16xi32>], vector<16xi32>,
      %gather3A_1430 = tpu.vector_load_idx %arg6[%gather3A_1429] : memref<4096xf32, #tpu.memory_space<vmem>>[vector<16xi32>], vector<16xf32>,
      %sub3A_1431 = arith.subf %gather3A_1430, %get3A_28 : vector<16xf32>
      %gather3A_1432 = tpu.vector_load_idx %arg7[%gather3A_1429] : memref<4096xf32, #tpu.memory_space<vmem>>[vector<16xi32>], vector<16xf32>,
      %sub3A_1433 = arith.subf %gather3A_1432, %get3A_30 : vector<16xf32>
      %gather3A_1434 = tpu.vector_load_idx %arg8[%gather3A_1429] : memref<4096xf32, #tpu.memory_space<vmem>>[vector<16xi32>], vector<16xf32>,
      %sub3A_1435 = arith.subf %gather3A_1434, %get3A_32 : vector<16xf32>
      %mul3A_1436 = arith.mulf %sub3A_1431, %sub3A_1431 : vector<16xf32>
      %mul3A_1437 = arith.mulf %sub3A_1433, %sub3A_1433 : vector<16xf32>
      %add3A_1438 = arith.addf %mul3A_1436, %mul3A_1437 : vector<16xf32>
      %mul3A_1439 = arith.mulf %sub3A_1435, %sub3A_1435 : vector<16xf32>
      %add3A_1440 = arith.addf %add3A_1438, %mul3A_1439 : vector<16xf32>
      %bitcast3A_1441 = vector.bitcast %add3A_1440 : vector<16xf32> to vector<16xi32>
      %shift_right_logical3A_1442 = arith.constant 1 : i32
      %shift_right_logical3A_1443 = vector.broadcast %shift_right_logical3A_1442 : i32 to vector<16xi32>
      %shift_right_logical3A_1444 = arith.shrui %bitcast3A_1441, %shift_right_logical3A_1443 : vector<16xi32>
      %sub3A_1445 = arith.constant 1597463007 : i32
      %sub3A_1446 = vector.broadcast %sub3A_1445 : i32 to vector<16xi32>
      %sub3A_1447 = arith.subi %sub3A_1446, %shift_right_logical3A_1444 : vector<16xi32>
      %bitcast3A_1448 = vector.bitcast %sub3A_1447 : vector<16xi32> to vector<16xf32>
      %mul3A_1449 = arith.constant 5.000000e-01 : f32
      %mul3A_1450 = vector.broadcast %mul3A_1449 : f32 to vector<16xf32>
      %mul3A_1451 = arith.mulf %mul3A_1450, %add3A_1440 : vector<16xf32>
      %mul3A_1452 = arith.mulf %mul3A_1451, %bitcast3A_1448 : vector<16xf32>
      %mul3A_1453 = arith.mulf %mul3A_1452, %bitcast3A_1448 : vector<16xf32>
      %sub3A_1454 = arith.constant 1.500000e+00 : f32
      %sub3A_1455 = vector.broadcast %sub3A_1454 : f32 to vector<16xf32>
      %sub3A_1456 = arith.subf %sub3A_1455, %mul3A_1453 : vector<16xf32>
      %mul3A_1457 = arith.mulf %bitcast3A_1448, %sub3A_1456 : vector<16xf32>
      %mul3A_1458 = arith.constant 5.000000e-01 : f32
      %mul3A_1459 = vector.broadcast %mul3A_1458 : f32 to vector<16xf32>
      %mul3A_1460 = arith.mulf %mul3A_1459, %add3A_1440 : vector<16xf32>
      %mul3A_1461 = arith.mulf %mul3A_1460, %mul3A_1457 : vector<16xf32>
      %mul3A_1462 = arith.mulf %mul3A_1461, %mul3A_1457 : vector<16xf32>
      %sub3A_1463 = arith.constant 1.500000e+00 : f32
      %sub3A_1464 = vector.broadcast %sub3A_1463 : f32 to vector<16xf32>
      %sub3A_1465 = arith.subf %sub3A_1464, %mul3A_1462 : vector<16xf32>
      %mul3A_1466 = arith.mulf %mul3A_1457, %sub3A_1465 : vector<16xf32>
      %mul3A_1467 = arith.constant 5.000000e-01 : f32
      %mul3A_1468 = vector.broadcast %mul3A_1467 : f32 to vector<16xf32>
      %mul3A_1469 = arith.mulf %mul3A_1468, %add3A_1440 : vector<16xf32>
      %mul3A_1470 = arith.mulf %mul3A_1469, %mul3A_1466 : vector<16xf32>
      %mul3A_1471 = arith.mulf %mul3A_1470, %mul3A_1466 : vector<16xf32>
      %sub3A_1472 = arith.constant 1.500000e+00 : f32
      %sub3A_1473 = vector.broadcast %sub3A_1472 : f32 to vector<16xf32>
      %sub3A_1474 = arith.subf %sub3A_1473, %mul3A_1471 : vector<16xf32>
      %mul3A_1475 = arith.mulf %mul3A_1466, %sub3A_1474 : vector<16xf32>
      %mul3A_1476 = arith.mulf %add3A_1440, %mul3A_1475 : vector<16xf32>
      %mul3A_1477 = arith.mulf %sub3A_1431, %mul3A_1475 : vector<16xf32>
      %mul3A_1478 = arith.mulf %sub3A_1433, %mul3A_1475 : vector<16xf32>
      %mul3A_1479 = arith.mulf %sub3A_1435, %mul3A_1475 : vector<16xf32>
      %sub3A_1480 = arith.constant 3.000000e-01 : f32
      %sub3A_1481 = vector.broadcast %sub3A_1480 : f32 to vector<16xf32>
      %sub3A_1482 = arith.subf %mul3A_1476, %sub3A_1481 : vector<16xf32>
      %mul3A_1483 = arith.mulf %sub3A_1482, %sub3A_1482 : vector<16xf32>
      %mul3A_1484 = arith.constant -2.000000e+00 : f32
      %mul3A_1485 = vector.broadcast %mul3A_1484 : f32 to vector<16xf32>
      %mul3A_1486 = arith.mulf %mul3A_1483, %mul3A_1485 : vector<16xf32>
      %exp3A_1487 = math.exp %mul3A_1486 : vector<16xf32>
      %add3A_1488 = arith.addf %add3A_1289, %exp3A_1487 : vector<16xf32>
      %mul3A_1489 = arith.mulf %mul3A_1479, %mul3A_1479 : vector<16xf32>
      %mul3A_1490 = arith.constant 2.310000e+02 : f32
      %mul3A_1491 = vector.broadcast %mul3A_1490 : f32 to vector<16xf32>
      %mul3A_1492 = arith.mulf %mul3A_1491, %mul3A_1489 : vector<16xf32>
      %sub3A_1493 = arith.constant 3.150000e+02 : f32
      %sub3A_1494 = vector.broadcast %sub3A_1493 : f32 to vector<16xf32>
      %sub3A_1495 = arith.subf %mul3A_1492, %sub3A_1494 : vector<16xf32>
      %mul3A_1496 = arith.mulf %sub3A_1495, %mul3A_1489 : vector<16xf32>
      %add3A_1497 = arith.constant 1.050000e+02 : f32
      %add3A_1498 = vector.broadcast %add3A_1497 : f32 to vector<16xf32>
      %add3A_1499 = arith.addf %mul3A_1496, %add3A_1498 : vector<16xf32>
      %mul3A_1500 = arith.mulf %add3A_1499, %mul3A_1489 : vector<16xf32>
      %sub3A_1501 = arith.constant 5.000000e+00 : f32
      %sub3A_1502 = vector.broadcast %sub3A_1501 : f32 to vector<16xf32>
      %sub3A_1503 = arith.subf %mul3A_1500, %sub3A_1502 : vector<16xf32>
      %mul3A_1504 = arith.constant 6.250000e-02 : f32
      %mul3A_1505 = vector.broadcast %mul3A_1504 : f32 to vector<16xf32>
      %mul3A_1506 = arith.mulf %sub3A_1503, %mul3A_1505 : vector<16xf32>
      %mul3A_1507 = arith.constant 1.386000e+03 : f32
      %mul3A_1508 = vector.broadcast %mul3A_1507 : f32 to vector<16xf32>
      %mul3A_1509 = arith.mulf %mul3A_1508, %mul3A_1489 : vector<16xf32>
      %sub3A_1510 = arith.constant 1.260000e+03 : f32
      %sub3A_1511 = vector.broadcast %sub3A_1510 : f32 to vector<16xf32>
      %sub3A_1512 = arith.subf %mul3A_1509, %sub3A_1511 : vector<16xf32>
      %mul3A_1513 = arith.mulf %sub3A_1512, %mul3A_1489 : vector<16xf32>
      %add3A_1514 = arith.constant 2.100000e+02 : f32
      %add3A_1515 = vector.broadcast %add3A_1514 : f32 to vector<16xf32>
      %add3A_1516 = arith.addf %mul3A_1513, %add3A_1515 : vector<16xf32>
      %mul3A_1517 = arith.mulf %add3A_1516, %mul3A_1479 : vector<16xf32>
      %mul3A_1518 = arith.constant 6.250000e-02 : f32
      %mul3A_1519 = vector.broadcast %mul3A_1518 : f32 to vector<16xf32>
      %mul3A_1520 = arith.mulf %mul3A_1517, %mul3A_1519 : vector<16xf32>
      %mul3A_1521 = arith.constant 6.930000e+03 : f32
      %mul3A_1522 = vector.broadcast %mul3A_1521 : f32 to vector<16xf32>
      %mul3A_1523 = arith.mulf %mul3A_1522, %mul3A_1489 : vector<16xf32>
      %sub3A_1524 = arith.constant 3.780000e+03 : f32
      %sub3A_1525 = vector.broadcast %sub3A_1524 : f32 to vector<16xf32>
      %sub3A_1526 = arith.subf %mul3A_1523, %sub3A_1525 : vector<16xf32>
      %mul3A_1527 = arith.mulf %sub3A_1526, %mul3A_1489 : vector<16xf32>
      %add3A_1528 = arith.constant 2.100000e+02 : f32
      %add3A_1529 = vector.broadcast %add3A_1528 : f32 to vector<16xf32>
      %add3A_1530 = arith.addf %mul3A_1527, %add3A_1529 : vector<16xf32>
      %mul3A_1531 = arith.constant 6.250000e-02 : f32
      %mul3A_1532 = vector.broadcast %mul3A_1531 : f32 to vector<16xf32>
      %mul3A_1533 = arith.mulf %add3A_1530, %mul3A_1532 : vector<16xf32>
      %mul3A_1534 = arith.constant 2.772000e+04 : f32
      %mul3A_1535 = vector.broadcast %mul3A_1534 : f32 to vector<16xf32>
      %mul3A_1536 = arith.mulf %mul3A_1535, %mul3A_1489 : vector<16xf32>
      %sub3A_1537 = arith.constant 7.560000e+03 : f32
      %sub3A_1538 = vector.broadcast %sub3A_1537 : f32 to vector<16xf32>
      %sub3A_1539 = arith.subf %mul3A_1536, %sub3A_1538 : vector<16xf32>
      %mul3A_1540 = arith.mulf %sub3A_1539, %mul3A_1479 : vector<16xf32>
      %mul3A_1541 = arith.constant 6.250000e-02 : f32
      %mul3A_1542 = vector.broadcast %mul3A_1541 : f32 to vector<16xf32>
      %mul3A_1543 = arith.mulf %mul3A_1540, %mul3A_1542 : vector<16xf32>
      %mul3A_1544 = arith.constant 8.316000e+04 : f32
      %mul3A_1545 = vector.broadcast %mul3A_1544 : f32 to vector<16xf32>
      %mul3A_1546 = arith.mulf %mul3A_1545, %mul3A_1489 : vector<16xf32>
      %sub3A_1547 = arith.constant 7.560000e+03 : f32
      %sub3A_1548 = vector.broadcast %sub3A_1547 : f32 to vector<16xf32>
      %sub3A_1549 = arith.subf %mul3A_1546, %sub3A_1548 : vector<16xf32>
      %mul3A_1550 = arith.constant 6.250000e-02 : f32
      %mul3A_1551 = vector.broadcast %mul3A_1550 : f32 to vector<16xf32>
      %mul3A_1552 = arith.mulf %sub3A_1549, %mul3A_1551 : vector<16xf32>
      %mul3A_1553 = arith.constant 1.039500e+04 : f32
      %mul3A_1554 = vector.broadcast %mul3A_1553 : f32 to vector<16xf32>
      %mul3A_1555 = arith.mulf %mul3A_1554, %mul3A_1479 : vector<16xf32>
      %mul3A_1556 = arith.mulf %exp3A_1487, %mul3A_1506 : vector<16xf32>
      %add3A_1557 = arith.addf %add3A_1358, %mul3A_1556 : vector<16xf32>
      %mul3A_1558 = arith.mulf %mul3A_1520, %mul3A_1477 : vector<16xf32>
      %mul3A_1559 = arith.mulf %exp3A_1487, %mul3A_1558 : vector<16xf32>
      %add3A_1560 = arith.addf %add3A_1361, %mul3A_1559 : vector<16xf32>
      %mul3A_1561 = arith.mulf %mul3A_1520, %mul3A_1478 : vector<16xf32>
      %mul3A_1562 = arith.mulf %exp3A_1487, %mul3A_1561 : vector<16xf32>
      %add3A_1563 = arith.addf %add3A_1364, %mul3A_1562 : vector<16xf32>
      %mul3A_1564 = arith.mulf %mul3A_1477, %mul3A_1477 : vector<16xf32>
      %mul3A_1565 = arith.mulf %mul3A_1478, %mul3A_1478 : vector<16xf32>
      %sub3A_1566 = arith.subf %mul3A_1564, %mul3A_1565 : vector<16xf32>
      %mul3A_1567 = arith.mulf %mul3A_1477, %mul3A_1478 : vector<16xf32>
      %mul3A_1568 = arith.mulf %mul3A_1478, %mul3A_1477 : vector<16xf32>
      %add3A_1569 = arith.addf %mul3A_1567, %mul3A_1568 : vector<16xf32>
      %mul3A_1570 = arith.mulf %mul3A_1533, %sub3A_1566 : vector<16xf32>
      %mul3A_1571 = arith.mulf %exp3A_1487, %mul3A_1570 : vector<16xf32>
      %add3A_1572 = arith.addf %add3A_1373, %mul3A_1571 : vector<16xf32>
      %mul3A_1573 = arith.mulf %mul3A_1533, %add3A_1569 : vector<16xf32>
      %mul3A_1574 = arith.mulf %exp3A_1487, %mul3A_1573 : vector<16xf32>
      %add3A_1575 = arith.addf %add3A_1376, %mul3A_1574 : vector<16xf32>
      %mul3A_1576 = arith.mulf %sub3A_1566, %mul3A_1477 : vector<16xf32>
      %mul3A_1577 = arith.mulf %add3A_1569, %mul3A_1478 : vector<16xf32>
      %sub3A_1578 = arith.subf %mul3A_1576, %mul3A_1577 : vector<16xf32>
      %mul3A_1579 = arith.mulf %sub3A_1566, %mul3A_1478 : vector<16xf32>
      %mul3A_1580 = arith.mulf %add3A_1569, %mul3A_1477 : vector<16xf32>
      %add3A_1581 = arith.addf %mul3A_1579, %mul3A_1580 : vector<16xf32>
      %mul3A_1582 = arith.mulf %mul3A_1543, %sub3A_1578 : vector<16xf32>
      %mul3A_1583 = arith.mulf %exp3A_1487, %mul3A_1582 : vector<16xf32>
      %add3A_1584 = arith.addf %add3A_1385, %mul3A_1583 : vector<16xf32>
      %mul3A_1585 = arith.mulf %mul3A_1543, %add3A_1581 : vector<16xf32>
      %mul3A_1586 = arith.mulf %exp3A_1487, %mul3A_1585 : vector<16xf32>
      %add3A_1587 = arith.addf %add3A_1388, %mul3A_1586 : vector<16xf32>
      %mul3A_1588 = arith.mulf %sub3A_1578, %mul3A_1477 : vector<16xf32>
      %mul3A_1589 = arith.mulf %add3A_1581, %mul3A_1478 : vector<16xf32>
      %sub3A_1590 = arith.subf %mul3A_1588, %mul3A_1589 : vector<16xf32>
      %mul3A_1591 = arith.mulf %sub3A_1578, %mul3A_1478 : vector<16xf32>
      %mul3A_1592 = arith.mulf %add3A_1581, %mul3A_1477 : vector<16xf32>
      %add3A_1593 = arith.addf %mul3A_1591, %mul3A_1592 : vector<16xf32>
      %mul3A_1594 = arith.mulf %mul3A_1552, %sub3A_1590 : vector<16xf32>
      %mul3A_1595 = arith.mulf %exp3A_1487, %mul3A_1594 : vector<16xf32>
      %add3A_1596 = arith.addf %add3A_1397, %mul3A_1595 : vector<16xf32>
      %mul3A_1597 = arith.mulf %mul3A_1552, %add3A_1593 : vector<16xf32>
      %mul3A_1598 = arith.mulf %exp3A_1487, %mul3A_1597 : vector<16xf32>
      %add3A_1599 = arith.addf %add3A_1400, %mul3A_1598 : vector<16xf32>
      %mul3A_1600 = arith.mulf %sub3A_1590, %mul3A_1477 : vector<16xf32>
      %mul3A_1601 = arith.mulf %add3A_1593, %mul3A_1478 : vector<16xf32>
      %sub3A_1602 = arith.subf %mul3A_1600, %mul3A_1601 : vector<16xf32>
      %mul3A_1603 = arith.mulf %sub3A_1590, %mul3A_1478 : vector<16xf32>
      %mul3A_1604 = arith.mulf %add3A_1593, %mul3A_1477 : vector<16xf32>
      %add3A_1605 = arith.addf %mul3A_1603, %mul3A_1604 : vector<16xf32>
      %mul3A_1606 = arith.mulf %mul3A_1555, %sub3A_1602 : vector<16xf32>
      %mul3A_1607 = arith.mulf %exp3A_1487, %mul3A_1606 : vector<16xf32>
      %add3A_1608 = arith.addf %add3A_1409, %mul3A_1607 : vector<16xf32>
      %mul3A_1609 = arith.mulf %mul3A_1555, %add3A_1605 : vector<16xf32>
      %mul3A_1610 = arith.mulf %exp3A_1487, %mul3A_1609 : vector<16xf32>
      %add3A_1611 = arith.addf %add3A_1412, %mul3A_1610 : vector<16xf32>
      %mul3A_1612 = arith.mulf %sub3A_1602, %mul3A_1477 : vector<16xf32>
      %mul3A_1613 = arith.mulf %add3A_1605, %mul3A_1478 : vector<16xf32>
      %sub3A_1614 = arith.subf %mul3A_1612, %mul3A_1613 : vector<16xf32>
      %mul3A_1615 = arith.mulf %sub3A_1602, %mul3A_1478 : vector<16xf32>
      %mul3A_1616 = arith.mulf %add3A_1605, %mul3A_1477 : vector<16xf32>
      %add3A_1617 = arith.addf %mul3A_1615, %mul3A_1616 : vector<16xf32>
      %mul3A_1618 = arith.mulf %exp3A_1487, %sub3A_1614 : vector<16xf32>
      %add3A_1619 = arith.addf %add3A_1420, %mul3A_1618 : vector<16xf32>
      %mul3A_1620 = arith.mulf %exp3A_1487, %add3A_1617 : vector<16xf32>
      %add3A_1621 = arith.addf %add3A_1422, %mul3A_1620 : vector<16xf32>
      %mul3A_1622 = arith.constant 16 : i32
      %mul3A_1623 = vector.broadcast %mul3A_1622 : i32 to vector<16xi32>
      %mul3A_1624 = arith.muli %iota3A, %mul3A_1623 : vector<16xi32>
      %add3A_1625 = arith.constant 8 : i32
      %add3A_1626 = vector.broadcast %add3A_1625 : i32 to vector<16xi32>
      %add3A_1627 = arith.addi %mul3A_1624, %add3A_1626 : vector<16xi32>
      %gather3A_1628 = tpu.vector_load_idx %arg9[%add3A_1627] : memref<256xi32, #tpu.memory_space<vmem>>[vector<16xi32>], vector<16xi32>,
      %gather3A_1629 = tpu.vector_load_idx %arg6[%gather3A_1628] : memref<4096xf32, #tpu.memory_space<vmem>>[vector<16xi32>], vector<16xf32>,
      %sub3A_1630 = arith.subf %gather3A_1629, %get3A_28 : vector<16xf32>
      %gather3A_1631 = tpu.vector_load_idx %arg7[%gather3A_1628] : memref<4096xf32, #tpu.memory_space<vmem>>[vector<16xi32>], vector<16xf32>,
      %sub3A_1632 = arith.subf %gather3A_1631, %get3A_30 : vector<16xf32>
      %gather3A_1633 = tpu.vector_load_idx %arg8[%gather3A_1628] : memref<4096xf32, #tpu.memory_space<vmem>>[vector<16xi32>], vector<16xf32>,
      %sub3A_1634 = arith.subf %gather3A_1633, %get3A_32 : vector<16xf32>
      %mul3A_1635 = arith.mulf %sub3A_1630, %sub3A_1630 : vector<16xf32>
      %mul3A_1636 = arith.mulf %sub3A_1632, %sub3A_1632 : vector<16xf32>
      %add3A_1637 = arith.addf %mul3A_1635, %mul3A_1636 : vector<16xf32>
      %mul3A_1638 = arith.mulf %sub3A_1634, %sub3A_1634 : vector<16xf32>
      %add3A_1639 = arith.addf %add3A_1637, %mul3A_1638 : vector<16xf32>
      %bitcast3A_1640 = vector.bitcast %add3A_1639 : vector<16xf32> to vector<16xi32>
      %shift_right_logical3A_1641 = arith.constant 1 : i32
      %shift_right_logical3A_1642 = vector.broadcast %shift_right_logical3A_1641 : i32 to vector<16xi32>
      %shift_right_logical3A_1643 = arith.shrui %bitcast3A_1640, %shift_right_logical3A_1642 : vector<16xi32>
      %sub3A_1644 = arith.constant 1597463007 : i32
      %sub3A_1645 = vector.broadcast %sub3A_1644 : i32 to vector<16xi32>
      %sub3A_1646 = arith.subi %sub3A_1645, %shift_right_logical3A_1643 : vector<16xi32>
      %bitcast3A_1647 = vector.bitcast %sub3A_1646 : vector<16xi32> to vector<16xf32>
      %mul3A_1648 = arith.constant 5.000000e-01 : f32
      %mul3A_1649 = vector.broadcast %mul3A_1648 : f32 to vector<16xf32>
      %mul3A_1650 = arith.mulf %mul3A_1649, %add3A_1639 : vector<16xf32>
      %mul3A_1651 = arith.mulf %mul3A_1650, %bitcast3A_1647 : vector<16xf32>
      %mul3A_1652 = arith.mulf %mul3A_1651, %bitcast3A_1647 : vector<16xf32>
      %sub3A_1653 = arith.constant 1.500000e+00 : f32
      %sub3A_1654 = vector.broadcast %sub3A_1653 : f32 to vector<16xf32>
      %sub3A_1655 = arith.subf %sub3A_1654, %mul3A_1652 : vector<16xf32>
      %mul3A_1656 = arith.mulf %bitcast3A_1647, %sub3A_1655 : vector<16xf32>
      %mul3A_1657 = arith.constant 5.000000e-01 : f32
      %mul3A_1658 = vector.broadcast %mul3A_1657 : f32 to vector<16xf32>
      %mul3A_1659 = arith.mulf %mul3A_1658, %add3A_1639 : vector<16xf32>
      %mul3A_1660 = arith.mulf %mul3A_1659, %mul3A_1656 : vector<16xf32>
      %mul3A_1661 = arith.mulf %mul3A_1660, %mul3A_1656 : vector<16xf32>
      %sub3A_1662 = arith.constant 1.500000e+00 : f32
      %sub3A_1663 = vector.broadcast %sub3A_1662 : f32 to vector<16xf32>
      %sub3A_1664 = arith.subf %sub3A_1663, %mul3A_1661 : vector<16xf32>
      %mul3A_1665 = arith.mulf %mul3A_1656, %sub3A_1664 : vector<16xf32>
      %mul3A_1666 = arith.constant 5.000000e-01 : f32
      %mul3A_1667 = vector.broadcast %mul3A_1666 : f32 to vector<16xf32>
      %mul3A_1668 = arith.mulf %mul3A_1667, %add3A_1639 : vector<16xf32>
      %mul3A_1669 = arith.mulf %mul3A_1668, %mul3A_1665 : vector<16xf32>
      %mul3A_1670 = arith.mulf %mul3A_1669, %mul3A_1665 : vector<16xf32>
      %sub3A_1671 = arith.constant 1.500000e+00 : f32
      %sub3A_1672 = vector.broadcast %sub3A_1671 : f32 to vector<16xf32>
      %sub3A_1673 = arith.subf %sub3A_1672, %mul3A_1670 : vector<16xf32>
      %mul3A_1674 = arith.mulf %mul3A_1665, %sub3A_1673 : vector<16xf32>
      %mul3A_1675 = arith.mulf %add3A_1639, %mul3A_1674 : vector<16xf32>
      %mul3A_1676 = arith.mulf %sub3A_1630, %mul3A_1674 : vector<16xf32>
      %mul3A_1677 = arith.mulf %sub3A_1632, %mul3A_1674 : vector<16xf32>
      %mul3A_1678 = arith.mulf %sub3A_1634, %mul3A_1674 : vector<16xf32>
      %sub3A_1679 = arith.constant 3.000000e-01 : f32
      %sub3A_1680 = vector.broadcast %sub3A_1679 : f32 to vector<16xf32>
      %sub3A_1681 = arith.subf %mul3A_1675, %sub3A_1680 : vector<16xf32>
      %mul3A_1682 = arith.mulf %sub3A_1681, %sub3A_1681 : vector<16xf32>
      %mul3A_1683 = arith.constant -2.000000e+00 : f32
      %mul3A_1684 = vector.broadcast %mul3A_1683 : f32 to vector<16xf32>
      %mul3A_1685 = arith.mulf %mul3A_1682, %mul3A_1684 : vector<16xf32>
      %exp3A_1686 = math.exp %mul3A_1685 : vector<16xf32>
      %add3A_1687 = arith.addf %add3A_1488, %exp3A_1686 : vector<16xf32>
      %mul3A_1688 = arith.mulf %mul3A_1678, %mul3A_1678 : vector<16xf32>
      %mul3A_1689 = arith.constant 2.310000e+02 : f32
      %mul3A_1690 = vector.broadcast %mul3A_1689 : f32 to vector<16xf32>
      %mul3A_1691 = arith.mulf %mul3A_1690, %mul3A_1688 : vector<16xf32>
      %sub3A_1692 = arith.constant 3.150000e+02 : f32
      %sub3A_1693 = vector.broadcast %sub3A_1692 : f32 to vector<16xf32>
      %sub3A_1694 = arith.subf %mul3A_1691, %sub3A_1693 : vector<16xf32>
      %mul3A_1695 = arith.mulf %sub3A_1694, %mul3A_1688 : vector<16xf32>
      %add3A_1696 = arith.constant 1.050000e+02 : f32
      %add3A_1697 = vector.broadcast %add3A_1696 : f32 to vector<16xf32>
      %add3A_1698 = arith.addf %mul3A_1695, %add3A_1697 : vector<16xf32>
      %mul3A_1699 = arith.mulf %add3A_1698, %mul3A_1688 : vector<16xf32>
      %sub3A_1700 = arith.constant 5.000000e+00 : f32
      %sub3A_1701 = vector.broadcast %sub3A_1700 : f32 to vector<16xf32>
      %sub3A_1702 = arith.subf %mul3A_1699, %sub3A_1701 : vector<16xf32>
      %mul3A_1703 = arith.constant 6.250000e-02 : f32
      %mul3A_1704 = vector.broadcast %mul3A_1703 : f32 to vector<16xf32>
      %mul3A_1705 = arith.mulf %sub3A_1702, %mul3A_1704 : vector<16xf32>
      %mul3A_1706 = arith.constant 1.386000e+03 : f32
      %mul3A_1707 = vector.broadcast %mul3A_1706 : f32 to vector<16xf32>
      %mul3A_1708 = arith.mulf %mul3A_1707, %mul3A_1688 : vector<16xf32>
      %sub3A_1709 = arith.constant 1.260000e+03 : f32
      %sub3A_1710 = vector.broadcast %sub3A_1709 : f32 to vector<16xf32>
      %sub3A_1711 = arith.subf %mul3A_1708, %sub3A_1710 : vector<16xf32>
      %mul3A_1712 = arith.mulf %sub3A_1711, %mul3A_1688 : vector<16xf32>
      %add3A_1713 = arith.constant 2.100000e+02 : f32
      %add3A_1714 = vector.broadcast %add3A_1713 : f32 to vector<16xf32>
      %add3A_1715 = arith.addf %mul3A_1712, %add3A_1714 : vector<16xf32>
      %mul3A_1716 = arith.mulf %add3A_1715, %mul3A_1678 : vector<16xf32>
      %mul3A_1717 = arith.constant 6.250000e-02 : f32
      %mul3A_1718 = vector.broadcast %mul3A_1717 : f32 to vector<16xf32>
      %mul3A_1719 = arith.mulf %mul3A_1716, %mul3A_1718 : vector<16xf32>
      %mul3A_1720 = arith.constant 6.930000e+03 : f32
      %mul3A_1721 = vector.broadcast %mul3A_1720 : f32 to vector<16xf32>
      %mul3A_1722 = arith.mulf %mul3A_1721, %mul3A_1688 : vector<16xf32>
      %sub3A_1723 = arith.constant 3.780000e+03 : f32
      %sub3A_1724 = vector.broadcast %sub3A_1723 : f32 to vector<16xf32>
      %sub3A_1725 = arith.subf %mul3A_1722, %sub3A_1724 : vector<16xf32>
      %mul3A_1726 = arith.mulf %sub3A_1725, %mul3A_1688 : vector<16xf32>
      %add3A_1727 = arith.constant 2.100000e+02 : f32
      %add3A_1728 = vector.broadcast %add3A_1727 : f32 to vector<16xf32>
      %add3A_1729 = arith.addf %mul3A_1726, %add3A_1728 : vector<16xf32>
      %mul3A_1730 = arith.constant 6.250000e-02 : f32
      %mul3A_1731 = vector.broadcast %mul3A_1730 : f32 to vector<16xf32>
      %mul3A_1732 = arith.mulf %add3A_1729, %mul3A_1731 : vector<16xf32>
      %mul3A_1733 = arith.constant 2.772000e+04 : f32
      %mul3A_1734 = vector.broadcast %mul3A_1733 : f32 to vector<16xf32>
      %mul3A_1735 = arith.mulf %mul3A_1734, %mul3A_1688 : vector<16xf32>
      %sub3A_1736 = arith.constant 7.560000e+03 : f32
      %sub3A_1737 = vector.broadcast %sub3A_1736 : f32 to vector<16xf32>
      %sub3A_1738 = arith.subf %mul3A_1735, %sub3A_1737 : vector<16xf32>
      %mul3A_1739 = arith.mulf %sub3A_1738, %mul3A_1678 : vector<16xf32>
      %mul3A_1740 = arith.constant 6.250000e-02 : f32
      %mul3A_1741 = vector.broadcast %mul3A_1740 : f32 to vector<16xf32>
      %mul3A_1742 = arith.mulf %mul3A_1739, %mul3A_1741 : vector<16xf32>
      %mul3A_1743 = arith.constant 8.316000e+04 : f32
      %mul3A_1744 = vector.broadcast %mul3A_1743 : f32 to vector<16xf32>
      %mul3A_1745 = arith.mulf %mul3A_1744, %mul3A_1688 : vector<16xf32>
      %sub3A_1746 = arith.constant 7.560000e+03 : f32
      %sub3A_1747 = vector.broadcast %sub3A_1746 : f32 to vector<16xf32>
      %sub3A_1748 = arith.subf %mul3A_1745, %sub3A_1747 : vector<16xf32>
      %mul3A_1749 = arith.constant 6.250000e-02 : f32
      %mul3A_1750 = vector.broadcast %mul3A_1749 : f32 to vector<16xf32>
      %mul3A_1751 = arith.mulf %sub3A_1748, %mul3A_1750 : vector<16xf32>
      %mul3A_1752 = arith.constant 1.039500e+04 : f32
      %mul3A_1753 = vector.broadcast %mul3A_1752 : f32 to vector<16xf32>
      %mul3A_1754 = arith.mulf %mul3A_1753, %mul3A_1678 : vector<16xf32>
      %mul3A_1755 = arith.mulf %exp3A_1686, %mul3A_1705 : vector<16xf32>
      %add3A_1756 = arith.addf %add3A_1557, %mul3A_1755 : vector<16xf32>
      %mul3A_1757 = arith.mulf %mul3A_1719, %mul3A_1676 : vector<16xf32>
      %mul3A_1758 = arith.mulf %exp3A_1686, %mul3A_1757 : vector<16xf32>
      %add3A_1759 = arith.addf %add3A_1560, %mul3A_1758 : vector<16xf32>
      %mul3A_1760 = arith.mulf %mul3A_1719, %mul3A_1677 : vector<16xf32>
      %mul3A_1761 = arith.mulf %exp3A_1686, %mul3A_1760 : vector<16xf32>
      %add3A_1762 = arith.addf %add3A_1563, %mul3A_1761 : vector<16xf32>
      %mul3A_1763 = arith.mulf %mul3A_1676, %mul3A_1676 : vector<16xf32>
      %mul3A_1764 = arith.mulf %mul3A_1677, %mul3A_1677 : vector<16xf32>
      %sub3A_1765 = arith.subf %mul3A_1763, %mul3A_1764 : vector<16xf32>
      %mul3A_1766 = arith.mulf %mul3A_1676, %mul3A_1677 : vector<16xf32>
      %mul3A_1767 = arith.mulf %mul3A_1677, %mul3A_1676 : vector<16xf32>
      %add3A_1768 = arith.addf %mul3A_1766, %mul3A_1767 : vector<16xf32>
      %mul3A_1769 = arith.mulf %mul3A_1732, %sub3A_1765 : vector<16xf32>
      %mul3A_1770 = arith.mulf %exp3A_1686, %mul3A_1769 : vector<16xf32>
      %add3A_1771 = arith.addf %add3A_1572, %mul3A_1770 : vector<16xf32>
      %mul3A_1772 = arith.mulf %mul3A_1732, %add3A_1768 : vector<16xf32>
      %mul3A_1773 = arith.mulf %exp3A_1686, %mul3A_1772 : vector<16xf32>
      %add3A_1774 = arith.addf %add3A_1575, %mul3A_1773 : vector<16xf32>
      %mul3A_1775 = arith.mulf %sub3A_1765, %mul3A_1676 : vector<16xf32>
      %mul3A_1776 = arith.mulf %add3A_1768, %mul3A_1677 : vector<16xf32>
      %sub3A_1777 = arith.subf %mul3A_1775, %mul3A_1776 : vector<16xf32>
      %mul3A_1778 = arith.mulf %sub3A_1765, %mul3A_1677 : vector<16xf32>
      %mul3A_1779 = arith.mulf %add3A_1768, %mul3A_1676 : vector<16xf32>
      %add3A_1780 = arith.addf %mul3A_1778, %mul3A_1779 : vector<16xf32>
      %mul3A_1781 = arith.mulf %mul3A_1742, %sub3A_1777 : vector<16xf32>
      %mul3A_1782 = arith.mulf %exp3A_1686, %mul3A_1781 : vector<16xf32>
      %add3A_1783 = arith.addf %add3A_1584, %mul3A_1782 : vector<16xf32>
      %mul3A_1784 = arith.mulf %mul3A_1742, %add3A_1780 : vector<16xf32>
      %mul3A_1785 = arith.mulf %exp3A_1686, %mul3A_1784 : vector<16xf32>
      %add3A_1786 = arith.addf %add3A_1587, %mul3A_1785 : vector<16xf32>
      %mul3A_1787 = arith.mulf %sub3A_1777, %mul3A_1676 : vector<16xf32>
      %mul3A_1788 = arith.mulf %add3A_1780, %mul3A_1677 : vector<16xf32>
      %sub3A_1789 = arith.subf %mul3A_1787, %mul3A_1788 : vector<16xf32>
      %mul3A_1790 = arith.mulf %sub3A_1777, %mul3A_1677 : vector<16xf32>
      %mul3A_1791 = arith.mulf %add3A_1780, %mul3A_1676 : vector<16xf32>
      %add3A_1792 = arith.addf %mul3A_1790, %mul3A_1791 : vector<16xf32>
      %mul3A_1793 = arith.mulf %mul3A_1751, %sub3A_1789 : vector<16xf32>
      %mul3A_1794 = arith.mulf %exp3A_1686, %mul3A_1793 : vector<16xf32>
      %add3A_1795 = arith.addf %add3A_1596, %mul3A_1794 : vector<16xf32>
      %mul3A_1796 = arith.mulf %mul3A_1751, %add3A_1792 : vector<16xf32>
      %mul3A_1797 = arith.mulf %exp3A_1686, %mul3A_1796 : vector<16xf32>
      %add3A_1798 = arith.addf %add3A_1599, %mul3A_1797 : vector<16xf32>
      %mul3A_1799 = arith.mulf %sub3A_1789, %mul3A_1676 : vector<16xf32>
      %mul3A_1800 = arith.mulf %add3A_1792, %mul3A_1677 : vector<16xf32>
      %sub3A_1801 = arith.subf %mul3A_1799, %mul3A_1800 : vector<16xf32>
      %mul3A_1802 = arith.mulf %sub3A_1789, %mul3A_1677 : vector<16xf32>
      %mul3A_1803 = arith.mulf %add3A_1792, %mul3A_1676 : vector<16xf32>
      %add3A_1804 = arith.addf %mul3A_1802, %mul3A_1803 : vector<16xf32>
      %mul3A_1805 = arith.mulf %mul3A_1754, %sub3A_1801 : vector<16xf32>
      %mul3A_1806 = arith.mulf %exp3A_1686, %mul3A_1805 : vector<16xf32>
      %add3A_1807 = arith.addf %add3A_1608, %mul3A_1806 : vector<16xf32>
      %mul3A_1808 = arith.mulf %mul3A_1754, %add3A_1804 : vector<16xf32>
      %mul3A_1809 = arith.mulf %exp3A_1686, %mul3A_1808 : vector<16xf32>
      %add3A_1810 = arith.addf %add3A_1611, %mul3A_1809 : vector<16xf32>
      %mul3A_1811 = arith.mulf %sub3A_1801, %mul3A_1676 : vector<16xf32>
      %mul3A_1812 = arith.mulf %add3A_1804, %mul3A_1677 : vector<16xf32>
      %sub3A_1813 = arith.subf %mul3A_1811, %mul3A_1812 : vector<16xf32>
      %mul3A_1814 = arith.mulf %sub3A_1801, %mul3A_1677 : vector<16xf32>
      %mul3A_1815 = arith.mulf %add3A_1804, %mul3A_1676 : vector<16xf32>
      %add3A_1816 = arith.addf %mul3A_1814, %mul3A_1815 : vector<16xf32>
      %mul3A_1817 = arith.mulf %exp3A_1686, %sub3A_1813 : vector<16xf32>
      %add3A_1818 = arith.addf %add3A_1619, %mul3A_1817 : vector<16xf32>
      %mul3A_1819 = arith.mulf %exp3A_1686, %add3A_1816 : vector<16xf32>
      %add3A_1820 = arith.addf %add3A_1621, %mul3A_1819 : vector<16xf32>
      %mul3A_1821 = arith.constant 16 : i32
      %mul3A_1822 = vector.broadcast %mul3A_1821 : i32 to vector<16xi32>
      %mul3A_1823 = arith.muli %iota3A, %mul3A_1822 : vector<16xi32>
      %add3A_1824 = arith.constant 9 : i32
      %add3A_1825 = vector.broadcast %add3A_1824 : i32 to vector<16xi32>
      %add3A_1826 = arith.addi %mul3A_1823, %add3A_1825 : vector<16xi32>
      %gather3A_1827 = tpu.vector_load_idx %arg9[%add3A_1826] : memref<256xi32, #tpu.memory_space<vmem>>[vector<16xi32>], vector<16xi32>,
      %gather3A_1828 = tpu.vector_load_idx %arg6[%gather3A_1827] : memref<4096xf32, #tpu.memory_space<vmem>>[vector<16xi32>], vector<16xf32>,
      %sub3A_1829 = arith.subf %gather3A_1828, %get3A_28 : vector<16xf32>
      %gather3A_1830 = tpu.vector_load_idx %arg7[%gather3A_1827] : memref<4096xf32, #tpu.memory_space<vmem>>[vector<16xi32>], vector<16xf32>,
      %sub3A_1831 = arith.subf %gather3A_1830, %get3A_30 : vector<16xf32>
      %gather3A_1832 = tpu.vector_load_idx %arg8[%gather3A_1827] : memref<4096xf32, #tpu.memory_space<vmem>>[vector<16xi32>], vector<16xf32>,
      %sub3A_1833 = arith.subf %gather3A_1832, %get3A_32 : vector<16xf32>
      %mul3A_1834 = arith.mulf %sub3A_1829, %sub3A_1829 : vector<16xf32>
      %mul3A_1835 = arith.mulf %sub3A_1831, %sub3A_1831 : vector<16xf32>
      %add3A_1836 = arith.addf %mul3A_1834, %mul3A_1835 : vector<16xf32>
      %mul3A_1837 = arith.mulf %sub3A_1833, %sub3A_1833 : vector<16xf32>
      %add3A_1838 = arith.addf %add3A_1836, %mul3A_1837 : vector<16xf32>
      %bitcast3A_1839 = vector.bitcast %add3A_1838 : vector<16xf32> to vector<16xi32>
      %shift_right_logical3A_1840 = arith.constant 1 : i32
      %shift_right_logical3A_1841 = vector.broadcast %shift_right_logical3A_1840 : i32 to vector<16xi32>
      %shift_right_logical3A_1842 = arith.shrui %bitcast3A_1839, %shift_right_logical3A_1841 : vector<16xi32>
      %sub3A_1843 = arith.constant 1597463007 : i32
      %sub3A_1844 = vector.broadcast %sub3A_1843 : i32 to vector<16xi32>
      %sub3A_1845 = arith.subi %sub3A_1844, %shift_right_logical3A_1842 : vector<16xi32>
      %bitcast3A_1846 = vector.bitcast %sub3A_1845 : vector<16xi32> to vector<16xf32>
      %mul3A_1847 = arith.constant 5.000000e-01 : f32
      %mul3A_1848 = vector.broadcast %mul3A_1847 : f32 to vector<16xf32>
      %mul3A_1849 = arith.mulf %mul3A_1848, %add3A_1838 : vector<16xf32>
      %mul3A_1850 = arith.mulf %mul3A_1849, %bitcast3A_1846 : vector<16xf32>
      %mul3A_1851 = arith.mulf %mul3A_1850, %bitcast3A_1846 : vector<16xf32>
      %sub3A_1852 = arith.constant 1.500000e+00 : f32
      %sub3A_1853 = vector.broadcast %sub3A_1852 : f32 to vector<16xf32>
      %sub3A_1854 = arith.subf %sub3A_1853, %mul3A_1851 : vector<16xf32>
      %mul3A_1855 = arith.mulf %bitcast3A_1846, %sub3A_1854 : vector<16xf32>
      %mul3A_1856 = arith.constant 5.000000e-01 : f32
      %mul3A_1857 = vector.broadcast %mul3A_1856 : f32 to vector<16xf32>
      %mul3A_1858 = arith.mulf %mul3A_1857, %add3A_1838 : vector<16xf32>
      %mul3A_1859 = arith.mulf %mul3A_1858, %mul3A_1855 : vector<16xf32>
      %mul3A_1860 = arith.mulf %mul3A_1859, %mul3A_1855 : vector<16xf32>
      %sub3A_1861 = arith.constant 1.500000e+00 : f32
      %sub3A_1862 = vector.broadcast %sub3A_1861 : f32 to vector<16xf32>
      %sub3A_1863 = arith.subf %sub3A_1862, %mul3A_1860 : vector<16xf32>
      %mul3A_1864 = arith.mulf %mul3A_1855, %sub3A_1863 : vector<16xf32>
      %mul3A_1865 = arith.constant 5.000000e-01 : f32
      %mul3A_1866 = vector.broadcast %mul3A_1865 : f32 to vector<16xf32>
      %mul3A_1867 = arith.mulf %mul3A_1866, %add3A_1838 : vector<16xf32>
      %mul3A_1868 = arith.mulf %mul3A_1867, %mul3A_1864 : vector<16xf32>
      %mul3A_1869 = arith.mulf %mul3A_1868, %mul3A_1864 : vector<16xf32>
      %sub3A_1870 = arith.constant 1.500000e+00 : f32
      %sub3A_1871 = vector.broadcast %sub3A_1870 : f32 to vector<16xf32>
      %sub3A_1872 = arith.subf %sub3A_1871, %mul3A_1869 : vector<16xf32>
      %mul3A_1873 = arith.mulf %mul3A_1864, %sub3A_1872 : vector<16xf32>
      %mul3A_1874 = arith.mulf %add3A_1838, %mul3A_1873 : vector<16xf32>
      %mul3A_1875 = arith.mulf %sub3A_1829, %mul3A_1873 : vector<16xf32>
      %mul3A_1876 = arith.mulf %sub3A_1831, %mul3A_1873 : vector<16xf32>
      %mul3A_1877 = arith.mulf %sub3A_1833, %mul3A_1873 : vector<16xf32>
      %sub3A_1878 = arith.constant 3.000000e-01 : f32
      %sub3A_1879 = vector.broadcast %sub3A_1878 : f32 to vector<16xf32>
      %sub3A_1880 = arith.subf %mul3A_1874, %sub3A_1879 : vector<16xf32>
      %mul3A_1881 = arith.mulf %sub3A_1880, %sub3A_1880 : vector<16xf32>
      %mul3A_1882 = arith.constant -2.000000e+00 : f32
      %mul3A_1883 = vector.broadcast %mul3A_1882 : f32 to vector<16xf32>
      %mul3A_1884 = arith.mulf %mul3A_1881, %mul3A_1883 : vector<16xf32>
      %exp3A_1885 = math.exp %mul3A_1884 : vector<16xf32>
      %add3A_1886 = arith.addf %add3A_1687, %exp3A_1885 : vector<16xf32>
      %mul3A_1887 = arith.mulf %mul3A_1877, %mul3A_1877 : vector<16xf32>
      %mul3A_1888 = arith.constant 2.310000e+02 : f32
      %mul3A_1889 = vector.broadcast %mul3A_1888 : f32 to vector<16xf32>
      %mul3A_1890 = arith.mulf %mul3A_1889, %mul3A_1887 : vector<16xf32>
      %sub3A_1891 = arith.constant 3.150000e+02 : f32
      %sub3A_1892 = vector.broadcast %sub3A_1891 : f32 to vector<16xf32>
      %sub3A_1893 = arith.subf %mul3A_1890, %sub3A_1892 : vector<16xf32>
      %mul3A_1894 = arith.mulf %sub3A_1893, %mul3A_1887 : vector<16xf32>
      %add3A_1895 = arith.constant 1.050000e+02 : f32
      %add3A_1896 = vector.broadcast %add3A_1895 : f32 to vector<16xf32>
      %add3A_1897 = arith.addf %mul3A_1894, %add3A_1896 : vector<16xf32>
      %mul3A_1898 = arith.mulf %add3A_1897, %mul3A_1887 : vector<16xf32>
      %sub3A_1899 = arith.constant 5.000000e+00 : f32
      %sub3A_1900 = vector.broadcast %sub3A_1899 : f32 to vector<16xf32>
      %sub3A_1901 = arith.subf %mul3A_1898, %sub3A_1900 : vector<16xf32>
      %mul3A_1902 = arith.constant 6.250000e-02 : f32
      %mul3A_1903 = vector.broadcast %mul3A_1902 : f32 to vector<16xf32>
      %mul3A_1904 = arith.mulf %sub3A_1901, %mul3A_1903 : vector<16xf32>
      %mul3A_1905 = arith.constant 1.386000e+03 : f32
      %mul3A_1906 = vector.broadcast %mul3A_1905 : f32 to vector<16xf32>
      %mul3A_1907 = arith.mulf %mul3A_1906, %mul3A_1887 : vector<16xf32>
      %sub3A_1908 = arith.constant 1.260000e+03 : f32
      %sub3A_1909 = vector.broadcast %sub3A_1908 : f32 to vector<16xf32>
      %sub3A_1910 = arith.subf %mul3A_1907, %sub3A_1909 : vector<16xf32>
      %mul3A_1911 = arith.mulf %sub3A_1910, %mul3A_1887 : vector<16xf32>
      %add3A_1912 = arith.constant 2.100000e+02 : f32
      %add3A_1913 = vector.broadcast %add3A_1912 : f32 to vector<16xf32>
      %add3A_1914 = arith.addf %mul3A_1911, %add3A_1913 : vector<16xf32>
      %mul3A_1915 = arith.mulf %add3A_1914, %mul3A_1877 : vector<16xf32>
      %mul3A_1916 = arith.constant 6.250000e-02 : f32
      %mul3A_1917 = vector.broadcast %mul3A_1916 : f32 to vector<16xf32>
      %mul3A_1918 = arith.mulf %mul3A_1915, %mul3A_1917 : vector<16xf32>
      %mul3A_1919 = arith.constant 6.930000e+03 : f32
      %mul3A_1920 = vector.broadcast %mul3A_1919 : f32 to vector<16xf32>
      %mul3A_1921 = arith.mulf %mul3A_1920, %mul3A_1887 : vector<16xf32>
      %sub3A_1922 = arith.constant 3.780000e+03 : f32
      %sub3A_1923 = vector.broadcast %sub3A_1922 : f32 to vector<16xf32>
      %sub3A_1924 = arith.subf %mul3A_1921, %sub3A_1923 : vector<16xf32>
      %mul3A_1925 = arith.mulf %sub3A_1924, %mul3A_1887 : vector<16xf32>
      %add3A_1926 = arith.constant 2.100000e+02 : f32
      %add3A_1927 = vector.broadcast %add3A_1926 : f32 to vector<16xf32>
      %add3A_1928 = arith.addf %mul3A_1925, %add3A_1927 : vector<16xf32>
      %mul3A_1929 = arith.constant 6.250000e-02 : f32
      %mul3A_1930 = vector.broadcast %mul3A_1929 : f32 to vector<16xf32>
      %mul3A_1931 = arith.mulf %add3A_1928, %mul3A_1930 : vector<16xf32>
      %mul3A_1932 = arith.constant 2.772000e+04 : f32
      %mul3A_1933 = vector.broadcast %mul3A_1932 : f32 to vector<16xf32>
      %mul3A_1934 = arith.mulf %mul3A_1933, %mul3A_1887 : vector<16xf32>
      %sub3A_1935 = arith.constant 7.560000e+03 : f32
      %sub3A_1936 = vector.broadcast %sub3A_1935 : f32 to vector<16xf32>
      %sub3A_1937 = arith.subf %mul3A_1934, %sub3A_1936 : vector<16xf32>
      %mul3A_1938 = arith.mulf %sub3A_1937, %mul3A_1877 : vector<16xf32>
      %mul3A_1939 = arith.constant 6.250000e-02 : f32
      %mul3A_1940 = vector.broadcast %mul3A_1939 : f32 to vector<16xf32>
      %mul3A_1941 = arith.mulf %mul3A_1938, %mul3A_1940 : vector<16xf32>
      %mul3A_1942 = arith.constant 8.316000e+04 : f32
      %mul3A_1943 = vector.broadcast %mul3A_1942 : f32 to vector<16xf32>
      %mul3A_1944 = arith.mulf %mul3A_1943, %mul3A_1887 : vector<16xf32>
      %sub3A_1945 = arith.constant 7.560000e+03 : f32
      %sub3A_1946 = vector.broadcast %sub3A_1945 : f32 to vector<16xf32>
      %sub3A_1947 = arith.subf %mul3A_1944, %sub3A_1946 : vector<16xf32>
      %mul3A_1948 = arith.constant 6.250000e-02 : f32
      %mul3A_1949 = vector.broadcast %mul3A_1948 : f32 to vector<16xf32>
      %mul3A_1950 = arith.mulf %sub3A_1947, %mul3A_1949 : vector<16xf32>
      %mul3A_1951 = arith.constant 1.039500e+04 : f32
      %mul3A_1952 = vector.broadcast %mul3A_1951 : f32 to vector<16xf32>
      %mul3A_1953 = arith.mulf %mul3A_1952, %mul3A_1877 : vector<16xf32>
      %mul3A_1954 = arith.mulf %exp3A_1885, %mul3A_1904 : vector<16xf32>
      %add3A_1955 = arith.addf %add3A_1756, %mul3A_1954 : vector<16xf32>
      %mul3A_1956 = arith.mulf %mul3A_1918, %mul3A_1875 : vector<16xf32>
      %mul3A_1957 = arith.mulf %exp3A_1885, %mul3A_1956 : vector<16xf32>
      %add3A_1958 = arith.addf %add3A_1759, %mul3A_1957 : vector<16xf32>
      %mul3A_1959 = arith.mulf %mul3A_1918, %mul3A_1876 : vector<16xf32>
      %mul3A_1960 = arith.mulf %exp3A_1885, %mul3A_1959 : vector<16xf32>
      %add3A_1961 = arith.addf %add3A_1762, %mul3A_1960 : vector<16xf32>
      %mul3A_1962 = arith.mulf %mul3A_1875, %mul3A_1875 : vector<16xf32>
      %mul3A_1963 = arith.mulf %mul3A_1876, %mul3A_1876 : vector<16xf32>
      %sub3A_1964 = arith.subf %mul3A_1962, %mul3A_1963 : vector<16xf32>
      %mul3A_1965 = arith.mulf %mul3A_1875, %mul3A_1876 : vector<16xf32>
      %mul3A_1966 = arith.mulf %mul3A_1876, %mul3A_1875 : vector<16xf32>
      %add3A_1967 = arith.addf %mul3A_1965, %mul3A_1966 : vector<16xf32>
      %mul3A_1968 = arith.mulf %mul3A_1931, %sub3A_1964 : vector<16xf32>
      %mul3A_1969 = arith.mulf %exp3A_1885, %mul3A_1968 : vector<16xf32>
      %add3A_1970 = arith.addf %add3A_1771, %mul3A_1969 : vector<16xf32>
      %mul3A_1971 = arith.mulf %mul3A_1931, %add3A_1967 : vector<16xf32>
      %mul3A_1972 = arith.mulf %exp3A_1885, %mul3A_1971 : vector<16xf32>
      %add3A_1973 = arith.addf %add3A_1774, %mul3A_1972 : vector<16xf32>
      %mul3A_1974 = arith.mulf %sub3A_1964, %mul3A_1875 : vector<16xf32>
      %mul3A_1975 = arith.mulf %add3A_1967, %mul3A_1876 : vector<16xf32>
      %sub3A_1976 = arith.subf %mul3A_1974, %mul3A_1975 : vector<16xf32>
      %mul3A_1977 = arith.mulf %sub3A_1964, %mul3A_1876 : vector<16xf32>
      %mul3A_1978 = arith.mulf %add3A_1967, %mul3A_1875 : vector<16xf32>
      %add3A_1979 = arith.addf %mul3A_1977, %mul3A_1978 : vector<16xf32>
      %mul3A_1980 = arith.mulf %mul3A_1941, %sub3A_1976 : vector<16xf32>
      %mul3A_1981 = arith.mulf %exp3A_1885, %mul3A_1980 : vector<16xf32>
      %add3A_1982 = arith.addf %add3A_1783, %mul3A_1981 : vector<16xf32>
      %mul3A_1983 = arith.mulf %mul3A_1941, %add3A_1979 : vector<16xf32>
      %mul3A_1984 = arith.mulf %exp3A_1885, %mul3A_1983 : vector<16xf32>
      %add3A_1985 = arith.addf %add3A_1786, %mul3A_1984 : vector<16xf32>
      %mul3A_1986 = arith.mulf %sub3A_1976, %mul3A_1875 : vector<16xf32>
      %mul3A_1987 = arith.mulf %add3A_1979, %mul3A_1876 : vector<16xf32>
      %sub3A_1988 = arith.subf %mul3A_1986, %mul3A_1987 : vector<16xf32>
      %mul3A_1989 = arith.mulf %sub3A_1976, %mul3A_1876 : vector<16xf32>
      %mul3A_1990 = arith.mulf %add3A_1979, %mul3A_1875 : vector<16xf32>
      %add3A_1991 = arith.addf %mul3A_1989, %mul3A_1990 : vector<16xf32>
      %mul3A_1992 = arith.mulf %mul3A_1950, %sub3A_1988 : vector<16xf32>
      %mul3A_1993 = arith.mulf %exp3A_1885, %mul3A_1992 : vector<16xf32>
      %add3A_1994 = arith.addf %add3A_1795, %mul3A_1993 : vector<16xf32>
      %mul3A_1995 = arith.mulf %mul3A_1950, %add3A_1991 : vector<16xf32>
      %mul3A_1996 = arith.mulf %exp3A_1885, %mul3A_1995 : vector<16xf32>
      %add3A_1997 = arith.addf %add3A_1798, %mul3A_1996 : vector<16xf32>
      %mul3A_1998 = arith.mulf %sub3A_1988, %mul3A_1875 : vector<16xf32>
      %mul3A_1999 = arith.mulf %add3A_1991, %mul3A_1876 : vector<16xf32>
      %sub3A_2000 = arith.subf %mul3A_1998, %mul3A_1999 : vector<16xf32>
      %mul3A_2001 = arith.mulf %sub3A_1988, %mul3A_1876 : vector<16xf32>
      %mul3A_2002 = arith.mulf %add3A_1991, %mul3A_1875 : vector<16xf32>
      %add3A_2003 = arith.addf %mul3A_2001, %mul3A_2002 : vector<16xf32>
      %mul3A_2004 = arith.mulf %mul3A_1953, %sub3A_2000 : vector<16xf32>
      %mul3A_2005 = arith.mulf %exp3A_1885, %mul3A_2004 : vector<16xf32>
      %add3A_2006 = arith.addf %add3A_1807, %mul3A_2005 : vector<16xf32>
      %mul3A_2007 = arith.mulf %mul3A_1953, %add3A_2003 : vector<16xf32>
      %mul3A_2008 = arith.mulf %exp3A_1885, %mul3A_2007 : vector<16xf32>
      %add3A_2009 = arith.addf %add3A_1810, %mul3A_2008 : vector<16xf32>
      %mul3A_2010 = arith.mulf %sub3A_2000, %mul3A_1875 : vector<16xf32>
      %mul3A_2011 = arith.mulf %add3A_2003, %mul3A_1876 : vector<16xf32>
      %sub3A_2012 = arith.subf %mul3A_2010, %mul3A_2011 : vector<16xf32>
      %mul3A_2013 = arith.mulf %sub3A_2000, %mul3A_1876 : vector<16xf32>
      %mul3A_2014 = arith.mulf %add3A_2003, %mul3A_1875 : vector<16xf32>
      %add3A_2015 = arith.addf %mul3A_2013, %mul3A_2014 : vector<16xf32>
      %mul3A_2016 = arith.mulf %exp3A_1885, %sub3A_2012 : vector<16xf32>
      %add3A_2017 = arith.addf %add3A_1818, %mul3A_2016 : vector<16xf32>
      %mul3A_2018 = arith.mulf %exp3A_1885, %add3A_2015 : vector<16xf32>
      %add3A_2019 = arith.addf %add3A_1820, %mul3A_2018 : vector<16xf32>
      %mul3A_2020 = arith.constant 16 : i32
      %mul3A_2021 = vector.broadcast %mul3A_2020 : i32 to vector<16xi32>
      %mul3A_2022 = arith.muli %iota3A, %mul3A_2021 : vector<16xi32>
      %add3A_2023 = arith.constant 10 : i32
      %add3A_2024 = vector.broadcast %add3A_2023 : i32 to vector<16xi32>
      %add3A_2025 = arith.addi %mul3A_2022, %add3A_2024 : vector<16xi32>
      %gather3A_2026 = tpu.vector_load_idx %arg9[%add3A_2025] : memref<256xi32, #tpu.memory_space<vmem>>[vector<16xi32>], vector<16xi32>,
      %gather3A_2027 = tpu.vector_load_idx %arg6[%gather3A_2026] : memref<4096xf32, #tpu.memory_space<vmem>>[vector<16xi32>], vector<16xf32>,
      %sub3A_2028 = arith.subf %gather3A_2027, %get3A_28 : vector<16xf32>
      %gather3A_2029 = tpu.vector_load_idx %arg7[%gather3A_2026] : memref<4096xf32, #tpu.memory_space<vmem>>[vector<16xi32>], vector<16xf32>,
      %sub3A_2030 = arith.subf %gather3A_2029, %get3A_30 : vector<16xf32>
      %gather3A_2031 = tpu.vector_load_idx %arg8[%gather3A_2026] : memref<4096xf32, #tpu.memory_space<vmem>>[vector<16xi32>], vector<16xf32>,
      %sub3A_2032 = arith.subf %gather3A_2031, %get3A_32 : vector<16xf32>
      %mul3A_2033 = arith.mulf %sub3A_2028, %sub3A_2028 : vector<16xf32>
      %mul3A_2034 = arith.mulf %sub3A_2030, %sub3A_2030 : vector<16xf32>
      %add3A_2035 = arith.addf %mul3A_2033, %mul3A_2034 : vector<16xf32>
      %mul3A_2036 = arith.mulf %sub3A_2032, %sub3A_2032 : vector<16xf32>
      %add3A_2037 = arith.addf %add3A_2035, %mul3A_2036 : vector<16xf32>
      %bitcast3A_2038 = vector.bitcast %add3A_2037 : vector<16xf32> to vector<16xi32>
      %shift_right_logical3A_2039 = arith.constant 1 : i32
      %shift_right_logical3A_2040 = vector.broadcast %shift_right_logical3A_2039 : i32 to vector<16xi32>
      %shift_right_logical3A_2041 = arith.shrui %bitcast3A_2038, %shift_right_logical3A_2040 : vector<16xi32>
      %sub3A_2042 = arith.constant 1597463007 : i32
      %sub3A_2043 = vector.broadcast %sub3A_2042 : i32 to vector<16xi32>
      %sub3A_2044 = arith.subi %sub3A_2043, %shift_right_logical3A_2041 : vector<16xi32>
      %bitcast3A_2045 = vector.bitcast %sub3A_2044 : vector<16xi32> to vector<16xf32>
      %mul3A_2046 = arith.constant 5.000000e-01 : f32
      %mul3A_2047 = vector.broadcast %mul3A_2046 : f32 to vector<16xf32>
      %mul3A_2048 = arith.mulf %mul3A_2047, %add3A_2037 : vector<16xf32>
      %mul3A_2049 = arith.mulf %mul3A_2048, %bitcast3A_2045 : vector<16xf32>
      %mul3A_2050 = arith.mulf %mul3A_2049, %bitcast3A_2045 : vector<16xf32>
      %sub3A_2051 = arith.constant 1.500000e+00 : f32
      %sub3A_2052 = vector.broadcast %sub3A_2051 : f32 to vector<16xf32>
      %sub3A_2053 = arith.subf %sub3A_2052, %mul3A_2050 : vector<16xf32>
      %mul3A_2054 = arith.mulf %bitcast3A_2045, %sub3A_2053 : vector<16xf32>
      %mul3A_2055 = arith.constant 5.000000e-01 : f32
      %mul3A_2056 = vector.broadcast %mul3A_2055 : f32 to vector<16xf32>
      %mul3A_2057 = arith.mulf %mul3A_2056, %add3A_2037 : vector<16xf32>
      %mul3A_2058 = arith.mulf %mul3A_2057, %mul3A_2054 : vector<16xf32>
      %mul3A_2059 = arith.mulf %mul3A_2058, %mul3A_2054 : vector<16xf32>
      %sub3A_2060 = arith.constant 1.500000e+00 : f32
      %sub3A_2061 = vector.broadcast %sub3A_2060 : f32 to vector<16xf32>
      %sub3A_2062 = arith.subf %sub3A_2061, %mul3A_2059 : vector<16xf32>
      %mul3A_2063 = arith.mulf %mul3A_2054, %sub3A_2062 : vector<16xf32>
      %mul3A_2064 = arith.constant 5.000000e-01 : f32
      %mul3A_2065 = vector.broadcast %mul3A_2064 : f32 to vector<16xf32>
      %mul3A_2066 = arith.mulf %mul3A_2065, %add3A_2037 : vector<16xf32>
      %mul3A_2067 = arith.mulf %mul3A_2066, %mul3A_2063 : vector<16xf32>
      %mul3A_2068 = arith.mulf %mul3A_2067, %mul3A_2063 : vector<16xf32>
      %sub3A_2069 = arith.constant 1.500000e+00 : f32
      %sub3A_2070 = vector.broadcast %sub3A_2069 : f32 to vector<16xf32>
      %sub3A_2071 = arith.subf %sub3A_2070, %mul3A_2068 : vector<16xf32>
      %mul3A_2072 = arith.mulf %mul3A_2063, %sub3A_2071 : vector<16xf32>
      %mul3A_2073 = arith.mulf %add3A_2037, %mul3A_2072 : vector<16xf32>
      %mul3A_2074 = arith.mulf %sub3A_2028, %mul3A_2072 : vector<16xf32>
      %mul3A_2075 = arith.mulf %sub3A_2030, %mul3A_2072 : vector<16xf32>
      %mul3A_2076 = arith.mulf %sub3A_2032, %mul3A_2072 : vector<16xf32>
      %sub3A_2077 = arith.constant 3.000000e-01 : f32
      %sub3A_2078 = vector.broadcast %sub3A_2077 : f32 to vector<16xf32>
      %sub3A_2079 = arith.subf %mul3A_2073, %sub3A_2078 : vector<16xf32>
      %mul3A_2080 = arith.mulf %sub3A_2079, %sub3A_2079 : vector<16xf32>
      %mul3A_2081 = arith.constant -2.000000e+00 : f32
      %mul3A_2082 = vector.broadcast %mul3A_2081 : f32 to vector<16xf32>
      %mul3A_2083 = arith.mulf %mul3A_2080, %mul3A_2082 : vector<16xf32>
      %exp3A_2084 = math.exp %mul3A_2083 : vector<16xf32>
      %add3A_2085 = arith.addf %add3A_1886, %exp3A_2084 : vector<16xf32>
      %mul3A_2086 = arith.mulf %mul3A_2076, %mul3A_2076 : vector<16xf32>
      %mul3A_2087 = arith.constant 2.310000e+02 : f32
      %mul3A_2088 = vector.broadcast %mul3A_2087 : f32 to vector<16xf32>
      %mul3A_2089 = arith.mulf %mul3A_2088, %mul3A_2086 : vector<16xf32>
      %sub3A_2090 = arith.constant 3.150000e+02 : f32
      %sub3A_2091 = vector.broadcast %sub3A_2090 : f32 to vector<16xf32>
      %sub3A_2092 = arith.subf %mul3A_2089, %sub3A_2091 : vector<16xf32>
      %mul3A_2093 = arith.mulf %sub3A_2092, %mul3A_2086 : vector<16xf32>
      %add3A_2094 = arith.constant 1.050000e+02 : f32
      %add3A_2095 = vector.broadcast %add3A_2094 : f32 to vector<16xf32>
      %add3A_2096 = arith.addf %mul3A_2093, %add3A_2095 : vector<16xf32>
      %mul3A_2097 = arith.mulf %add3A_2096, %mul3A_2086 : vector<16xf32>
      %sub3A_2098 = arith.constant 5.000000e+00 : f32
      %sub3A_2099 = vector.broadcast %sub3A_2098 : f32 to vector<16xf32>
      %sub3A_2100 = arith.subf %mul3A_2097, %sub3A_2099 : vector<16xf32>
      %mul3A_2101 = arith.constant 6.250000e-02 : f32
      %mul3A_2102 = vector.broadcast %mul3A_2101 : f32 to vector<16xf32>
      %mul3A_2103 = arith.mulf %sub3A_2100, %mul3A_2102 : vector<16xf32>
      %mul3A_2104 = arith.constant 1.386000e+03 : f32
      %mul3A_2105 = vector.broadcast %mul3A_2104 : f32 to vector<16xf32>
      %mul3A_2106 = arith.mulf %mul3A_2105, %mul3A_2086 : vector<16xf32>
      %sub3A_2107 = arith.constant 1.260000e+03 : f32
      %sub3A_2108 = vector.broadcast %sub3A_2107 : f32 to vector<16xf32>
      %sub3A_2109 = arith.subf %mul3A_2106, %sub3A_2108 : vector<16xf32>
      %mul3A_2110 = arith.mulf %sub3A_2109, %mul3A_2086 : vector<16xf32>
      %add3A_2111 = arith.constant 2.100000e+02 : f32
      %add3A_2112 = vector.broadcast %add3A_2111 : f32 to vector<16xf32>
      %add3A_2113 = arith.addf %mul3A_2110, %add3A_2112 : vector<16xf32>
      %mul3A_2114 = arith.mulf %add3A_2113, %mul3A_2076 : vector<16xf32>
      %mul3A_2115 = arith.constant 6.250000e-02 : f32
      %mul3A_2116 = vector.broadcast %mul3A_2115 : f32 to vector<16xf32>
      %mul3A_2117 = arith.mulf %mul3A_2114, %mul3A_2116 : vector<16xf32>
      %mul3A_2118 = arith.constant 6.930000e+03 : f32
      %mul3A_2119 = vector.broadcast %mul3A_2118 : f32 to vector<16xf32>
      %mul3A_2120 = arith.mulf %mul3A_2119, %mul3A_2086 : vector<16xf32>
      %sub3A_2121 = arith.constant 3.780000e+03 : f32
      %sub3A_2122 = vector.broadcast %sub3A_2121 : f32 to vector<16xf32>
      %sub3A_2123 = arith.subf %mul3A_2120, %sub3A_2122 : vector<16xf32>
      %mul3A_2124 = arith.mulf %sub3A_2123, %mul3A_2086 : vector<16xf32>
      %add3A_2125 = arith.constant 2.100000e+02 : f32
      %add3A_2126 = vector.broadcast %add3A_2125 : f32 to vector<16xf32>
      %add3A_2127 = arith.addf %mul3A_2124, %add3A_2126 : vector<16xf32>
      %mul3A_2128 = arith.constant 6.250000e-02 : f32
      %mul3A_2129 = vector.broadcast %mul3A_2128 : f32 to vector<16xf32>
      %mul3A_2130 = arith.mulf %add3A_2127, %mul3A_2129 : vector<16xf32>
      %mul3A_2131 = arith.constant 2.772000e+04 : f32
      %mul3A_2132 = vector.broadcast %mul3A_2131 : f32 to vector<16xf32>
      %mul3A_2133 = arith.mulf %mul3A_2132, %mul3A_2086 : vector<16xf32>
      %sub3A_2134 = arith.constant 7.560000e+03 : f32
      %sub3A_2135 = vector.broadcast %sub3A_2134 : f32 to vector<16xf32>
      %sub3A_2136 = arith.subf %mul3A_2133, %sub3A_2135 : vector<16xf32>
      %mul3A_2137 = arith.mulf %sub3A_2136, %mul3A_2076 : vector<16xf32>
      %mul3A_2138 = arith.constant 6.250000e-02 : f32
      %mul3A_2139 = vector.broadcast %mul3A_2138 : f32 to vector<16xf32>
      %mul3A_2140 = arith.mulf %mul3A_2137, %mul3A_2139 : vector<16xf32>
      %mul3A_2141 = arith.constant 8.316000e+04 : f32
      %mul3A_2142 = vector.broadcast %mul3A_2141 : f32 to vector<16xf32>
      %mul3A_2143 = arith.mulf %mul3A_2142, %mul3A_2086 : vector<16xf32>
      %sub3A_2144 = arith.constant 7.560000e+03 : f32
      %sub3A_2145 = vector.broadcast %sub3A_2144 : f32 to vector<16xf32>
      %sub3A_2146 = arith.subf %mul3A_2143, %sub3A_2145 : vector<16xf32>
      %mul3A_2147 = arith.constant 6.250000e-02 : f32
      %mul3A_2148 = vector.broadcast %mul3A_2147 : f32 to vector<16xf32>
      %mul3A_2149 = arith.mulf %sub3A_2146, %mul3A_2148 : vector<16xf32>
      %mul3A_2150 = arith.constant 1.039500e+04 : f32
      %mul3A_2151 = vector.broadcast %mul3A_2150 : f32 to vector<16xf32>
      %mul3A_2152 = arith.mulf %mul3A_2151, %mul3A_2076 : vector<16xf32>
      %mul3A_2153 = arith.mulf %exp3A_2084, %mul3A_2103 : vector<16xf32>
      %add3A_2154 = arith.addf %add3A_1955, %mul3A_2153 : vector<16xf32>
      %mul3A_2155 = arith.mulf %mul3A_2117, %mul3A_2074 : vector<16xf32>
      %mul3A_2156 = arith.mulf %exp3A_2084, %mul3A_2155 : vector<16xf32>
      %add3A_2157 = arith.addf %add3A_1958, %mul3A_2156 : vector<16xf32>
      %mul3A_2158 = arith.mulf %mul3A_2117, %mul3A_2075 : vector<16xf32>
      %mul3A_2159 = arith.mulf %exp3A_2084, %mul3A_2158 : vector<16xf32>
      %add3A_2160 = arith.addf %add3A_1961, %mul3A_2159 : vector<16xf32>
      %mul3A_2161 = arith.mulf %mul3A_2074, %mul3A_2074 : vector<16xf32>
      %mul3A_2162 = arith.mulf %mul3A_2075, %mul3A_2075 : vector<16xf32>
      %sub3A_2163 = arith.subf %mul3A_2161, %mul3A_2162 : vector<16xf32>
      %mul3A_2164 = arith.mulf %mul3A_2074, %mul3A_2075 : vector<16xf32>
      %mul3A_2165 = arith.mulf %mul3A_2075, %mul3A_2074 : vector<16xf32>
      %add3A_2166 = arith.addf %mul3A_2164, %mul3A_2165 : vector<16xf32>
      %mul3A_2167 = arith.mulf %mul3A_2130, %sub3A_2163 : vector<16xf32>
      %mul3A_2168 = arith.mulf %exp3A_2084, %mul3A_2167 : vector<16xf32>
      %add3A_2169 = arith.addf %add3A_1970, %mul3A_2168 : vector<16xf32>
      %mul3A_2170 = arith.mulf %mul3A_2130, %add3A_2166 : vector<16xf32>
      %mul3A_2171 = arith.mulf %exp3A_2084, %mul3A_2170 : vector<16xf32>
      %add3A_2172 = arith.addf %add3A_1973, %mul3A_2171 : vector<16xf32>
      %mul3A_2173 = arith.mulf %sub3A_2163, %mul3A_2074 : vector<16xf32>
      %mul3A_2174 = arith.mulf %add3A_2166, %mul3A_2075 : vector<16xf32>
      %sub3A_2175 = arith.subf %mul3A_2173, %mul3A_2174 : vector<16xf32>
      %mul3A_2176 = arith.mulf %sub3A_2163, %mul3A_2075 : vector<16xf32>
      %mul3A_2177 = arith.mulf %add3A_2166, %mul3A_2074 : vector<16xf32>
      %add3A_2178 = arith.addf %mul3A_2176, %mul3A_2177 : vector<16xf32>
      %mul3A_2179 = arith.mulf %mul3A_2140, %sub3A_2175 : vector<16xf32>
      %mul3A_2180 = arith.mulf %exp3A_2084, %mul3A_2179 : vector<16xf32>
      %add3A_2181 = arith.addf %add3A_1982, %mul3A_2180 : vector<16xf32>
      %mul3A_2182 = arith.mulf %mul3A_2140, %add3A_2178 : vector<16xf32>
      %mul3A_2183 = arith.mulf %exp3A_2084, %mul3A_2182 : vector<16xf32>
      %add3A_2184 = arith.addf %add3A_1985, %mul3A_2183 : vector<16xf32>
      %mul3A_2185 = arith.mulf %sub3A_2175, %mul3A_2074 : vector<16xf32>
      %mul3A_2186 = arith.mulf %add3A_2178, %mul3A_2075 : vector<16xf32>
      %sub3A_2187 = arith.subf %mul3A_2185, %mul3A_2186 : vector<16xf32>
      %mul3A_2188 = arith.mulf %sub3A_2175, %mul3A_2075 : vector<16xf32>
      %mul3A_2189 = arith.mulf %add3A_2178, %mul3A_2074 : vector<16xf32>
      %add3A_2190 = arith.addf %mul3A_2188, %mul3A_2189 : vector<16xf32>
      %mul3A_2191 = arith.mulf %mul3A_2149, %sub3A_2187 : vector<16xf32>
      %mul3A_2192 = arith.mulf %exp3A_2084, %mul3A_2191 : vector<16xf32>
      %add3A_2193 = arith.addf %add3A_1994, %mul3A_2192 : vector<16xf32>
      %mul3A_2194 = arith.mulf %mul3A_2149, %add3A_2190 : vector<16xf32>
      %mul3A_2195 = arith.mulf %exp3A_2084, %mul3A_2194 : vector<16xf32>
      %add3A_2196 = arith.addf %add3A_1997, %mul3A_2195 : vector<16xf32>
      %mul3A_2197 = arith.mulf %sub3A_2187, %mul3A_2074 : vector<16xf32>
      %mul3A_2198 = arith.mulf %add3A_2190, %mul3A_2075 : vector<16xf32>
      %sub3A_2199 = arith.subf %mul3A_2197, %mul3A_2198 : vector<16xf32>
      %mul3A_2200 = arith.mulf %sub3A_2187, %mul3A_2075 : vector<16xf32>
      %mul3A_2201 = arith.mulf %add3A_2190, %mul3A_2074 : vector<16xf32>
      %add3A_2202 = arith.addf %mul3A_2200, %mul3A_2201 : vector<16xf32>
      %mul3A_2203 = arith.mulf %mul3A_2152, %sub3A_2199 : vector<16xf32>
      %mul3A_2204 = arith.mulf %exp3A_2084, %mul3A_2203 : vector<16xf32>
      %add3A_2205 = arith.addf %add3A_2006, %mul3A_2204 : vector<16xf32>
      %mul3A_2206 = arith.mulf %mul3A_2152, %add3A_2202 : vector<16xf32>
      %mul3A_2207 = arith.mulf %exp3A_2084, %mul3A_2206 : vector<16xf32>
      %add3A_2208 = arith.addf %add3A_2009, %mul3A_2207 : vector<16xf32>
      %mul3A_2209 = arith.mulf %sub3A_2199, %mul3A_2074 : vector<16xf32>
      %mul3A_2210 = arith.mulf %add3A_2202, %mul3A_2075 : vector<16xf32>
      %sub3A_2211 = arith.subf %mul3A_2209, %mul3A_2210 : vector<16xf32>
      %mul3A_2212 = arith.mulf %sub3A_2199, %mul3A_2075 : vector<16xf32>
      %mul3A_2213 = arith.mulf %add3A_2202, %mul3A_2074 : vector<16xf32>
      %add3A_2214 = arith.addf %mul3A_2212, %mul3A_2213 : vector<16xf32>
      %mul3A_2215 = arith.mulf %exp3A_2084, %sub3A_2211 : vector<16xf32>
      %add3A_2216 = arith.addf %add3A_2017, %mul3A_2215 : vector<16xf32>
      %mul3A_2217 = arith.mulf %exp3A_2084, %add3A_2214 : vector<16xf32>
      %add3A_2218 = arith.addf %add3A_2019, %mul3A_2217 : vector<16xf32>
      %mul3A_2219 = arith.constant 16 : i32
      %mul3A_2220 = vector.broadcast %mul3A_2219 : i32 to vector<16xi32>
      %mul3A_2221 = arith.muli %iota3A, %mul3A_2220 : vector<16xi32>
      %add3A_2222 = arith.constant 11 : i32
      %add3A_2223 = vector.broadcast %add3A_2222 : i32 to vector<16xi32>
      %add3A_2224 = arith.addi %mul3A_2221, %add3A_2223 : vector<16xi32>
      %gather3A_2225 = tpu.vector_load_idx %arg9[%add3A_2224] : memref<256xi32, #tpu.memory_space<vmem>>[vector<16xi32>], vector<16xi32>,
      %gather3A_2226 = tpu.vector_load_idx %arg6[%gather3A_2225] : memref<4096xf32, #tpu.memory_space<vmem>>[vector<16xi32>], vector<16xf32>,
      %sub3A_2227 = arith.subf %gather3A_2226, %get3A_28 : vector<16xf32>
      %gather3A_2228 = tpu.vector_load_idx %arg7[%gather3A_2225] : memref<4096xf32, #tpu.memory_space<vmem>>[vector<16xi32>], vector<16xf32>,
      %sub3A_2229 = arith.subf %gather3A_2228, %get3A_30 : vector<16xf32>
      %gather3A_2230 = tpu.vector_load_idx %arg8[%gather3A_2225] : memref<4096xf32, #tpu.memory_space<vmem>>[vector<16xi32>], vector<16xf32>,
      %sub3A_2231 = arith.subf %gather3A_2230, %get3A_32 : vector<16xf32>
      %mul3A_2232 = arith.mulf %sub3A_2227, %sub3A_2227 : vector<16xf32>
      %mul3A_2233 = arith.mulf %sub3A_2229, %sub3A_2229 : vector<16xf32>
      %add3A_2234 = arith.addf %mul3A_2232, %mul3A_2233 : vector<16xf32>
      %mul3A_2235 = arith.mulf %sub3A_2231, %sub3A_2231 : vector<16xf32>
      %add3A_2236 = arith.addf %add3A_2234, %mul3A_2235 : vector<16xf32>
      %bitcast3A_2237 = vector.bitcast %add3A_2236 : vector<16xf32> to vector<16xi32>
      %shift_right_logical3A_2238 = arith.constant 1 : i32
      %shift_right_logical3A_2239 = vector.broadcast %shift_right_logical3A_2238 : i32 to vector<16xi32>
      %shift_right_logical3A_2240 = arith.shrui %bitcast3A_2237, %shift_right_logical3A_2239 : vector<16xi32>
      %sub3A_2241 = arith.constant 1597463007 : i32
      %sub3A_2242 = vector.broadcast %sub3A_2241 : i32 to vector<16xi32>
      %sub3A_2243 = arith.subi %sub3A_2242, %shift_right_logical3A_2240 : vector<16xi32>
      %bitcast3A_2244 = vector.bitcast %sub3A_2243 : vector<16xi32> to vector<16xf32>
      %mul3A_2245 = arith.constant 5.000000e-01 : f32
      %mul3A_2246 = vector.broadcast %mul3A_2245 : f32 to vector<16xf32>
      %mul3A_2247 = arith.mulf %mul3A_2246, %add3A_2236 : vector<16xf32>
      %mul3A_2248 = arith.mulf %mul3A_2247, %bitcast3A_2244 : vector<16xf32>
      %mul3A_2249 = arith.mulf %mul3A_2248, %bitcast3A_2244 : vector<16xf32>
      %sub3A_2250 = arith.constant 1.500000e+00 : f32
      %sub3A_2251 = vector.broadcast %sub3A_2250 : f32 to vector<16xf32>
      %sub3A_2252 = arith.subf %sub3A_2251, %mul3A_2249 : vector<16xf32>
      %mul3A_2253 = arith.mulf %bitcast3A_2244, %sub3A_2252 : vector<16xf32>
      %mul3A_2254 = arith.constant 5.000000e-01 : f32
      %mul3A_2255 = vector.broadcast %mul3A_2254 : f32 to vector<16xf32>
      %mul3A_2256 = arith.mulf %mul3A_2255, %add3A_2236 : vector<16xf32>
      %mul3A_2257 = arith.mulf %mul3A_2256, %mul3A_2253 : vector<16xf32>
      %mul3A_2258 = arith.mulf %mul3A_2257, %mul3A_2253 : vector<16xf32>
      %sub3A_2259 = arith.constant 1.500000e+00 : f32
      %sub3A_2260 = vector.broadcast %sub3A_2259 : f32 to vector<16xf32>
      %sub3A_2261 = arith.subf %sub3A_2260, %mul3A_2258 : vector<16xf32>
      %mul3A_2262 = arith.mulf %mul3A_2253, %sub3A_2261 : vector<16xf32>
      %mul3A_2263 = arith.constant 5.000000e-01 : f32
      %mul3A_2264 = vector.broadcast %mul3A_2263 : f32 to vector<16xf32>
      %mul3A_2265 = arith.mulf %mul3A_2264, %add3A_2236 : vector<16xf32>
      %mul3A_2266 = arith.mulf %mul3A_2265, %mul3A_2262 : vector<16xf32>
      %mul3A_2267 = arith.mulf %mul3A_2266, %mul3A_2262 : vector<16xf32>
      %sub3A_2268 = arith.constant 1.500000e+00 : f32
      %sub3A_2269 = vector.broadcast %sub3A_2268 : f32 to vector<16xf32>
      %sub3A_2270 = arith.subf %sub3A_2269, %mul3A_2267 : vector<16xf32>
      %mul3A_2271 = arith.mulf %mul3A_2262, %sub3A_2270 : vector<16xf32>
      %mul3A_2272 = arith.mulf %add3A_2236, %mul3A_2271 : vector<16xf32>
      %mul3A_2273 = arith.mulf %sub3A_2227, %mul3A_2271 : vector<16xf32>
      %mul3A_2274 = arith.mulf %sub3A_2229, %mul3A_2271 : vector<16xf32>
      %mul3A_2275 = arith.mulf %sub3A_2231, %mul3A_2271 : vector<16xf32>
      %sub3A_2276 = arith.constant 3.000000e-01 : f32
      %sub3A_2277 = vector.broadcast %sub3A_2276 : f32 to vector<16xf32>
      %sub3A_2278 = arith.subf %mul3A_2272, %sub3A_2277 : vector<16xf32>
      %mul3A_2279 = arith.mulf %sub3A_2278, %sub3A_2278 : vector<16xf32>
      %mul3A_2280 = arith.constant -2.000000e+00 : f32
      %mul3A_2281 = vector.broadcast %mul3A_2280 : f32 to vector<16xf32>
      %mul3A_2282 = arith.mulf %mul3A_2279, %mul3A_2281 : vector<16xf32>
      %exp3A_2283 = math.exp %mul3A_2282 : vector<16xf32>
      %add3A_2284 = arith.addf %add3A_2085, %exp3A_2283 : vector<16xf32>
      %mul3A_2285 = arith.mulf %mul3A_2275, %mul3A_2275 : vector<16xf32>
      %mul3A_2286 = arith.constant 2.310000e+02 : f32
      %mul3A_2287 = vector.broadcast %mul3A_2286 : f32 to vector<16xf32>
      %mul3A_2288 = arith.mulf %mul3A_2287, %mul3A_2285 : vector<16xf32>
      %sub3A_2289 = arith.constant 3.150000e+02 : f32
      %sub3A_2290 = vector.broadcast %sub3A_2289 : f32 to vector<16xf32>
      %sub3A_2291 = arith.subf %mul3A_2288, %sub3A_2290 : vector<16xf32>
      %mul3A_2292 = arith.mulf %sub3A_2291, %mul3A_2285 : vector<16xf32>
      %add3A_2293 = arith.constant 1.050000e+02 : f32
      %add3A_2294 = vector.broadcast %add3A_2293 : f32 to vector<16xf32>
      %add3A_2295 = arith.addf %mul3A_2292, %add3A_2294 : vector<16xf32>
      %mul3A_2296 = arith.mulf %add3A_2295, %mul3A_2285 : vector<16xf32>
      %sub3A_2297 = arith.constant 5.000000e+00 : f32
      %sub3A_2298 = vector.broadcast %sub3A_2297 : f32 to vector<16xf32>
      %sub3A_2299 = arith.subf %mul3A_2296, %sub3A_2298 : vector<16xf32>
      %mul3A_2300 = arith.constant 6.250000e-02 : f32
      %mul3A_2301 = vector.broadcast %mul3A_2300 : f32 to vector<16xf32>
      %mul3A_2302 = arith.mulf %sub3A_2299, %mul3A_2301 : vector<16xf32>
      %mul3A_2303 = arith.constant 1.386000e+03 : f32
      %mul3A_2304 = vector.broadcast %mul3A_2303 : f32 to vector<16xf32>
      %mul3A_2305 = arith.mulf %mul3A_2304, %mul3A_2285 : vector<16xf32>
      %sub3A_2306 = arith.constant 1.260000e+03 : f32
      %sub3A_2307 = vector.broadcast %sub3A_2306 : f32 to vector<16xf32>
      %sub3A_2308 = arith.subf %mul3A_2305, %sub3A_2307 : vector<16xf32>
      %mul3A_2309 = arith.mulf %sub3A_2308, %mul3A_2285 : vector<16xf32>
      %add3A_2310 = arith.constant 2.100000e+02 : f32
      %add3A_2311 = vector.broadcast %add3A_2310 : f32 to vector<16xf32>
      %add3A_2312 = arith.addf %mul3A_2309, %add3A_2311 : vector<16xf32>
      %mul3A_2313 = arith.mulf %add3A_2312, %mul3A_2275 : vector<16xf32>
      %mul3A_2314 = arith.constant 6.250000e-02 : f32
      %mul3A_2315 = vector.broadcast %mul3A_2314 : f32 to vector<16xf32>
      %mul3A_2316 = arith.mulf %mul3A_2313, %mul3A_2315 : vector<16xf32>
      %mul3A_2317 = arith.constant 6.930000e+03 : f32
      %mul3A_2318 = vector.broadcast %mul3A_2317 : f32 to vector<16xf32>
      %mul3A_2319 = arith.mulf %mul3A_2318, %mul3A_2285 : vector<16xf32>
      %sub3A_2320 = arith.constant 3.780000e+03 : f32
      %sub3A_2321 = vector.broadcast %sub3A_2320 : f32 to vector<16xf32>
      %sub3A_2322 = arith.subf %mul3A_2319, %sub3A_2321 : vector<16xf32>
      %mul3A_2323 = arith.mulf %sub3A_2322, %mul3A_2285 : vector<16xf32>
      %add3A_2324 = arith.constant 2.100000e+02 : f32
      %add3A_2325 = vector.broadcast %add3A_2324 : f32 to vector<16xf32>
      %add3A_2326 = arith.addf %mul3A_2323, %add3A_2325 : vector<16xf32>
      %mul3A_2327 = arith.constant 6.250000e-02 : f32
      %mul3A_2328 = vector.broadcast %mul3A_2327 : f32 to vector<16xf32>
      %mul3A_2329 = arith.mulf %add3A_2326, %mul3A_2328 : vector<16xf32>
      %mul3A_2330 = arith.constant 2.772000e+04 : f32
      %mul3A_2331 = vector.broadcast %mul3A_2330 : f32 to vector<16xf32>
      %mul3A_2332 = arith.mulf %mul3A_2331, %mul3A_2285 : vector<16xf32>
      %sub3A_2333 = arith.constant 7.560000e+03 : f32
      %sub3A_2334 = vector.broadcast %sub3A_2333 : f32 to vector<16xf32>
      %sub3A_2335 = arith.subf %mul3A_2332, %sub3A_2334 : vector<16xf32>
      %mul3A_2336 = arith.mulf %sub3A_2335, %mul3A_2275 : vector<16xf32>
      %mul3A_2337 = arith.constant 6.250000e-02 : f32
      %mul3A_2338 = vector.broadcast %mul3A_2337 : f32 to vector<16xf32>
      %mul3A_2339 = arith.mulf %mul3A_2336, %mul3A_2338 : vector<16xf32>
      %mul3A_2340 = arith.constant 8.316000e+04 : f32
      %mul3A_2341 = vector.broadcast %mul3A_2340 : f32 to vector<16xf32>
      %mul3A_2342 = arith.mulf %mul3A_2341, %mul3A_2285 : vector<16xf32>
      %sub3A_2343 = arith.constant 7.560000e+03 : f32
      %sub3A_2344 = vector.broadcast %sub3A_2343 : f32 to vector<16xf32>
      %sub3A_2345 = arith.subf %mul3A_2342, %sub3A_2344 : vector<16xf32>
      %mul3A_2346 = arith.constant 6.250000e-02 : f32
      %mul3A_2347 = vector.broadcast %mul3A_2346 : f32 to vector<16xf32>
      %mul3A_2348 = arith.mulf %sub3A_2345, %mul3A_2347 : vector<16xf32>
      %mul3A_2349 = arith.constant 1.039500e+04 : f32
      %mul3A_2350 = vector.broadcast %mul3A_2349 : f32 to vector<16xf32>
      %mul3A_2351 = arith.mulf %mul3A_2350, %mul3A_2275 : vector<16xf32>
      %mul3A_2352 = arith.mulf %exp3A_2283, %mul3A_2302 : vector<16xf32>
      %add3A_2353 = arith.addf %add3A_2154, %mul3A_2352 : vector<16xf32>
      %mul3A_2354 = arith.mulf %mul3A_2316, %mul3A_2273 : vector<16xf32>
      %mul3A_2355 = arith.mulf %exp3A_2283, %mul3A_2354 : vector<16xf32>
      %add3A_2356 = arith.addf %add3A_2157, %mul3A_2355 : vector<16xf32>
      %mul3A_2357 = arith.mulf %mul3A_2316, %mul3A_2274 : vector<16xf32>
      %mul3A_2358 = arith.mulf %exp3A_2283, %mul3A_2357 : vector<16xf32>
      %add3A_2359 = arith.addf %add3A_2160, %mul3A_2358 : vector<16xf32>
      %mul3A_2360 = arith.mulf %mul3A_2273, %mul3A_2273 : vector<16xf32>
      %mul3A_2361 = arith.mulf %mul3A_2274, %mul3A_2274 : vector<16xf32>
      %sub3A_2362 = arith.subf %mul3A_2360, %mul3A_2361 : vector<16xf32>
      %mul3A_2363 = arith.mulf %mul3A_2273, %mul3A_2274 : vector<16xf32>
      %mul3A_2364 = arith.mulf %mul3A_2274, %mul3A_2273 : vector<16xf32>
      %add3A_2365 = arith.addf %mul3A_2363, %mul3A_2364 : vector<16xf32>
      %mul3A_2366 = arith.mulf %mul3A_2329, %sub3A_2362 : vector<16xf32>
      %mul3A_2367 = arith.mulf %exp3A_2283, %mul3A_2366 : vector<16xf32>
      %add3A_2368 = arith.addf %add3A_2169, %mul3A_2367 : vector<16xf32>
      %mul3A_2369 = arith.mulf %mul3A_2329, %add3A_2365 : vector<16xf32>
      %mul3A_2370 = arith.mulf %exp3A_2283, %mul3A_2369 : vector<16xf32>
      %add3A_2371 = arith.addf %add3A_2172, %mul3A_2370 : vector<16xf32>
      %mul3A_2372 = arith.mulf %sub3A_2362, %mul3A_2273 : vector<16xf32>
      %mul3A_2373 = arith.mulf %add3A_2365, %mul3A_2274 : vector<16xf32>
      %sub3A_2374 = arith.subf %mul3A_2372, %mul3A_2373 : vector<16xf32>
      %mul3A_2375 = arith.mulf %sub3A_2362, %mul3A_2274 : vector<16xf32>
      %mul3A_2376 = arith.mulf %add3A_2365, %mul3A_2273 : vector<16xf32>
      %add3A_2377 = arith.addf %mul3A_2375, %mul3A_2376 : vector<16xf32>
      %mul3A_2378 = arith.mulf %mul3A_2339, %sub3A_2374 : vector<16xf32>
      %mul3A_2379 = arith.mulf %exp3A_2283, %mul3A_2378 : vector<16xf32>
      %add3A_2380 = arith.addf %add3A_2181, %mul3A_2379 : vector<16xf32>
      %mul3A_2381 = arith.mulf %mul3A_2339, %add3A_2377 : vector<16xf32>
      %mul3A_2382 = arith.mulf %exp3A_2283, %mul3A_2381 : vector<16xf32>
      %add3A_2383 = arith.addf %add3A_2184, %mul3A_2382 : vector<16xf32>
      %mul3A_2384 = arith.mulf %sub3A_2374, %mul3A_2273 : vector<16xf32>
      %mul3A_2385 = arith.mulf %add3A_2377, %mul3A_2274 : vector<16xf32>
      %sub3A_2386 = arith.subf %mul3A_2384, %mul3A_2385 : vector<16xf32>
      %mul3A_2387 = arith.mulf %sub3A_2374, %mul3A_2274 : vector<16xf32>
      %mul3A_2388 = arith.mulf %add3A_2377, %mul3A_2273 : vector<16xf32>
      %add3A_2389 = arith.addf %mul3A_2387, %mul3A_2388 : vector<16xf32>
      %mul3A_2390 = arith.mulf %mul3A_2348, %sub3A_2386 : vector<16xf32>
      %mul3A_2391 = arith.mulf %exp3A_2283, %mul3A_2390 : vector<16xf32>
      %add3A_2392 = arith.addf %add3A_2193, %mul3A_2391 : vector<16xf32>
      %mul3A_2393 = arith.mulf %mul3A_2348, %add3A_2389 : vector<16xf32>
      %mul3A_2394 = arith.mulf %exp3A_2283, %mul3A_2393 : vector<16xf32>
      %add3A_2395 = arith.addf %add3A_2196, %mul3A_2394 : vector<16xf32>
      %mul3A_2396 = arith.mulf %sub3A_2386, %mul3A_2273 : vector<16xf32>
      %mul3A_2397 = arith.mulf %add3A_2389, %mul3A_2274 : vector<16xf32>
      %sub3A_2398 = arith.subf %mul3A_2396, %mul3A_2397 : vector<16xf32>
      %mul3A_2399 = arith.mulf %sub3A_2386, %mul3A_2274 : vector<16xf32>
      %mul3A_2400 = arith.mulf %add3A_2389, %mul3A_2273 : vector<16xf32>
      %add3A_2401 = arith.addf %mul3A_2399, %mul3A_2400 : vector<16xf32>
      %mul3A_2402 = arith.mulf %mul3A_2351, %sub3A_2398 : vector<16xf32>
      %mul3A_2403 = arith.mulf %exp3A_2283, %mul3A_2402 : vector<16xf32>
      %add3A_2404 = arith.addf %add3A_2205, %mul3A_2403 : vector<16xf32>
      %mul3A_2405 = arith.mulf %mul3A_2351, %add3A_2401 : vector<16xf32>
      %mul3A_2406 = arith.mulf %exp3A_2283, %mul3A_2405 : vector<16xf32>
      %add3A_2407 = arith.addf %add3A_2208, %mul3A_2406 : vector<16xf32>
      %mul3A_2408 = arith.mulf %sub3A_2398, %mul3A_2273 : vector<16xf32>
      %mul3A_2409 = arith.mulf %add3A_2401, %mul3A_2274 : vector<16xf32>
      %sub3A_2410 = arith.subf %mul3A_2408, %mul3A_2409 : vector<16xf32>
      %mul3A_2411 = arith.mulf %sub3A_2398, %mul3A_2274 : vector<16xf32>
      %mul3A_2412 = arith.mulf %add3A_2401, %mul3A_2273 : vector<16xf32>
      %add3A_2413 = arith.addf %mul3A_2411, %mul3A_2412 : vector<16xf32>
      %mul3A_2414 = arith.mulf %exp3A_2283, %sub3A_2410 : vector<16xf32>
      %add3A_2415 = arith.addf %add3A_2216, %mul3A_2414 : vector<16xf32>
      %mul3A_2416 = arith.mulf %exp3A_2283, %add3A_2413 : vector<16xf32>
      %add3A_2417 = arith.addf %add3A_2218, %mul3A_2416 : vector<16xf32>
      %broadcast_in_dim3A_2418 = arith.constant 0.000000e+00 : f32
      %broadcast_in_dim3A_2419 = vector.broadcast %broadcast_in_dim3A_2418 : f32 to vector<16xf32>
      %mul3A_2420 = arith.constant 1.01710725 : f32
      %mul3A_2421 = vector.broadcast %mul3A_2420 : f32 to vector<16xf32>
      %mul3A_2422 = arith.mulf %mul3A_2421, %add3A_2353 : vector<16xf32>
      %mul3A_2423 = arith.mulf %mul3A_2422, %mul3A_2422 : vector<16xf32>
      %add3A_2424 = arith.addf %broadcast_in_dim3A_2419, %mul3A_2423 : vector<16xf32>
      %mul3A_2425 = arith.constant 2.219510e-01 : f32
      %mul3A_2426 = vector.broadcast %mul3A_2425 : f32 to vector<16xf32>
      %mul3A_2427 = arith.mulf %mul3A_2426, %add3A_2356 : vector<16xf32>
      %mul3A_2428 = arith.mulf %mul3A_2427, %mul3A_2427 : vector<16xf32>
      %add3A_2429 = arith.addf %add3A_2424, %mul3A_2428 : vector<16xf32>
      %mul3A_2430 = arith.constant 2.219510e-01 : f32
      %mul3A_2431 = vector.broadcast %mul3A_2430 : f32 to vector<16xf32>
      %mul3A_2432 = arith.mulf %mul3A_2431, %add3A_2359 : vector<16xf32>
      %mul3A_2433 = arith.mulf %mul3A_2432, %mul3A_2432 : vector<16xf32>
      %add3A_2434 = arith.addf %add3A_2429, %mul3A_2433 : vector<16xf32>
      %mul3A_2435 = arith.constant 0.0350935347 : f32
      %mul3A_2436 = vector.broadcast %mul3A_2435 : f32 to vector<16xf32>
      %mul3A_2437 = arith.mulf %mul3A_2436, %add3A_2368 : vector<16xf32>
      %mul3A_2438 = arith.mulf %mul3A_2437, %mul3A_2437 : vector<16xf32>
      %add3A_2439 = arith.addf %add3A_2434, %mul3A_2438 : vector<16xf32>
      %mul3A_2440 = arith.constant 0.0350935347 : f32
      %mul3A_2441 = vector.broadcast %mul3A_2440 : f32 to vector<16xf32>
      %mul3A_2442 = arith.mulf %mul3A_2441, %add3A_2371 : vector<16xf32>
      %mul3A_2443 = arith.mulf %mul3A_2442, %mul3A_2442 : vector<16xf32>
      %add3A_2444 = arith.addf %add3A_2439, %mul3A_2443 : vector<16xf32>
      %mul3A_2445 = arith.constant 0.0058489223 : f32
      %mul3A_2446 = vector.broadcast %mul3A_2445 : f32 to vector<16xf32>
      %mul3A_2447 = arith.mulf %mul3A_2446, %add3A_2380 : vector<16xf32>
      %mul3A_2448 = arith.mulf %mul3A_2447, %mul3A_2447 : vector<16xf32>
      %add3A_2449 = arith.addf %add3A_2444, %mul3A_2448 : vector<16xf32>
      %mul3A_2450 = arith.constant 0.0058489223 : f32
      %mul3A_2451 = vector.broadcast %mul3A_2450 : f32 to vector<16xf32>
      %mul3A_2452 = arith.mulf %mul3A_2451, %add3A_2383 : vector<16xf32>
      %mul3A_2453 = arith.mulf %mul3A_2452, %mul3A_2452 : vector<16xf32>
      %add3A_2454 = arith.addf %add3A_2449, %mul3A_2453 : vector<16xf32>
      %mul3A_2455 = arith.constant 0.00106786226 : f32
      %mul3A_2456 = vector.broadcast %mul3A_2455 : f32 to vector<16xf32>
      %mul3A_2457 = arith.mulf %mul3A_2456, %add3A_2392 : vector<16xf32>
      %mul3A_2458 = arith.mulf %mul3A_2457, %mul3A_2457 : vector<16xf32>
      %add3A_2459 = arith.addf %add3A_2454, %mul3A_2458 : vector<16xf32>
      %mul3A_2460 = arith.constant 0.00106786226 : f32
      %mul3A_2461 = vector.broadcast %mul3A_2460 : f32 to vector<16xf32>
      %mul3A_2462 = arith.mulf %mul3A_2461, %add3A_2395 : vector<16xf32>
      %mul3A_2463 = arith.mulf %mul3A_2462, %mul3A_2462 : vector<16xf32>
      %add3A_2464 = arith.addf %add3A_2459, %mul3A_2463 : vector<16xf32>
      %mul3A_2465 = arith.constant 2.27668992E-4 : f32
      %mul3A_2466 = vector.broadcast %mul3A_2465 : f32 to vector<16xf32>
      %mul3A_2467 = arith.mulf %mul3A_2466, %add3A_2404 : vector<16xf32>
      %mul3A_2468 = arith.mulf %mul3A_2467, %mul3A_2467 : vector<16xf32>
      %add3A_2469 = arith.addf %add3A_2464, %mul3A_2468 : vector<16xf32>
      %mul3A_2470 = arith.constant 2.27668992E-4 : f32
      %mul3A_2471 = vector.broadcast %mul3A_2470 : f32 to vector<16xf32>
      %mul3A_2472 = arith.mulf %mul3A_2471, %add3A_2407 : vector<16xf32>
      %mul3A_2473 = arith.mulf %mul3A_2472, %mul3A_2472 : vector<16xf32>
      %add3A_2474 = arith.addf %add3A_2469, %mul3A_2473 : vector<16xf32>
      %mul3A_2475 = arith.constant 0.683184087 : f32
      %mul3A_2476 = vector.broadcast %mul3A_2475 : f32 to vector<16xf32>
      %mul3A_2477 = arith.mulf %mul3A_2476, %add3A_2415 : vector<16xf32>
      %mul3A_2478 = arith.mulf %mul3A_2477, %mul3A_2477 : vector<16xf32>
      %add3A_2479 = arith.addf %add3A_2474, %mul3A_2478 : vector<16xf32>
      %mul3A_2480 = arith.constant 0.683184087 : f32
      %mul3A_2481 = vector.broadcast %mul3A_2480 : f32 to vector<16xf32>
      %mul3A_2482 = arith.mulf %mul3A_2481, %add3A_2417 : vector<16xf32>
      %mul3A_2483 = arith.mulf %mul3A_2482, %mul3A_2482 : vector<16xf32>
      %add3A_2484 = arith.addf %add3A_2479, %mul3A_2483 : vector<16xf32>
      %bitcast3A_2485 = vector.bitcast %add3A_2484 : vector<16xf32> to vector<16xi32>
      %shift_right_logical3A_2486 = arith.constant 1 : i32
      %shift_right_logical3A_2487 = vector.broadcast %shift_right_logical3A_2486 : i32 to vector<16xi32>
      %shift_right_logical3A_2488 = arith.shrui %bitcast3A_2485, %shift_right_logical3A_2487 : vector<16xi32>
      %sub3A_2489 = arith.constant 1597463007 : i32
      %sub3A_2490 = vector.broadcast %sub3A_2489 : i32 to vector<16xi32>
      %sub3A_2491 = arith.subi %sub3A_2490, %shift_right_logical3A_2488 : vector<16xi32>
      %bitcast3A_2492 = vector.bitcast %sub3A_2491 : vector<16xi32> to vector<16xf32>
      %mul3A_2493 = arith.constant 5.000000e-01 : f32
      %mul3A_2494 = vector.broadcast %mul3A_2493 : f32 to vector<16xf32>
      %mul3A_2495 = arith.mulf %mul3A_2494, %add3A_2484 : vector<16xf32>
      %mul3A_2496 = arith.mulf %mul3A_2495, %bitcast3A_2492 : vector<16xf32>
      %mul3A_2497 = arith.mulf %mul3A_2496, %bitcast3A_2492 : vector<16xf32>
      %sub3A_2498 = arith.constant 1.500000e+00 : f32
      %sub3A_2499 = vector.broadcast %sub3A_2498 : f32 to vector<16xf32>
      %sub3A_2500 = arith.subf %sub3A_2499, %mul3A_2497 : vector<16xf32>
      %mul3A_2501 = arith.mulf %bitcast3A_2492, %sub3A_2500 : vector<16xf32>
      %mul3A_2502 = arith.constant 5.000000e-01 : f32
      %mul3A_2503 = vector.broadcast %mul3A_2502 : f32 to vector<16xf32>
      %mul3A_2504 = arith.mulf %mul3A_2503, %add3A_2484 : vector<16xf32>
      %mul3A_2505 = arith.mulf %mul3A_2504, %mul3A_2501 : vector<16xf32>
      %mul3A_2506 = arith.mulf %mul3A_2505, %mul3A_2501 : vector<16xf32>
      %sub3A_2507 = arith.constant 1.500000e+00 : f32
      %sub3A_2508 = vector.broadcast %sub3A_2507 : f32 to vector<16xf32>
      %sub3A_2509 = arith.subf %sub3A_2508, %mul3A_2506 : vector<16xf32>
      %mul3A_2510 = arith.mulf %mul3A_2501, %sub3A_2509 : vector<16xf32>
      %mul3A_2511 = arith.constant 5.000000e-01 : f32
      %mul3A_2512 = vector.broadcast %mul3A_2511 : f32 to vector<16xf32>
      %mul3A_2513 = arith.mulf %mul3A_2512, %add3A_2484 : vector<16xf32>
      %mul3A_2514 = arith.mulf %mul3A_2513, %mul3A_2510 : vector<16xf32>
      %mul3A_2515 = arith.mulf %mul3A_2514, %mul3A_2510 : vector<16xf32>
      %sub3A_2516 = arith.constant 1.500000e+00 : f32
      %sub3A_2517 = vector.broadcast %sub3A_2516 : f32 to vector<16xf32>
      %sub3A_2518 = arith.subf %sub3A_2517, %mul3A_2515 : vector<16xf32>
      %mul3A_2519 = arith.mulf %mul3A_2510, %sub3A_2518 : vector<16xf32>
      %mul3A_2520 = arith.mulf %add3A_2484, %mul3A_2519 : vector<16xf32>
      %div3A = arith.divf %mul3A_2520, %add3A_2284 : vector<16xf32>
      %add3A_2521 = arith.addf %scan3A_17, %div3A : vector<16xf32>
      scf.yield %add3A_2521 : vector<16xf32>
    }
    %scan3A_11 = arith.constant 2 : i32
    %mul3A_12 = arith.constant 2.44140625E-4 : f32
    %mul3A_13 = vector.broadcast %mul3A_12 : f32 to vector<16xf32>
    %mul3A_14 = arith.mulf %scan3A_10, %mul3A_13 : vector<16xf32>
    %swap3A = arith.constant 0 : index
    %swap3A_15 = tpu.vector_load %arg10[%swap3A] {strides = array<i32>} : memref<16xf32, #tpu.memory_space<vmem>>, vector<16xf32>,
    tpu.vector_store %arg10[%swap3A], %mul3A_14 {strides = array<i32>} : memref<16xf32, #tpu.memory_space<vmem>>, vector<16xf32>,
    "tpu.region"() ({
      %run_scoped3A = tpu.sem_alloc : memref<!tpu.dma_semaphore, #tpu.memory_space<semaphore_mem>>
      %dma_start3A = arith.constant 0 : i32
      %dma_start3A_16 = tpu.memref_slice %arg5[%add3A, %dma_start3A] : memref<32x16xf32, #tpu.memory_space<hbm>> -> memref<1x16xf32, #tpu.memory_space<hbm>>
      %dma_start3A_17 = tpu.memref_squeeze %dma_start3A_16 : memref<1x16xf32, #tpu.memory_space<hbm>> -> memref<16xf32, #tpu.memory_space<hbm>>
      %dma_start3A_18 = arith.constant 0 : i32
      %dma_start3A_19 = tpu.memref_slice %arg5[%add3A, %dma_start3A_18] : memref<32x16xf32, #tpu.memory_space<hbm>> -> memref<1x16xf32, #tpu.memory_space<hbm>>
      %dma_start3A_20 = tpu.memref_squeeze %dma_start3A_19 : memref<1x16xf32, #tpu.memory_space<hbm>> -> memref<16xf32, #tpu.memory_space<hbm>>
      tpu.enqueue_dma source(%arg10 : memref<16xf32, #tpu.memory_space<vmem>>) target(%dma_start3A_20 : memref<16xf32, #tpu.memory_space<hbm>>) target_semaphore(%run_scoped3A : memref<!tpu.dma_semaphore, #tpu.memory_space<semaphore_mem>>)
      %dma_wait3A = arith.constant 0 : i32
      %dma_wait3A_21 = tpu.memref_slice %arg5[%add3A, %dma_wait3A] : memref<32x16xf32, #tpu.memory_space<hbm>> -> memref<1x16xf32, #tpu.memory_space<hbm>>
      %dma_wait3A_22 = tpu.memref_squeeze %dma_wait3A_21 : memref<1x16xf32, #tpu.memory_space<hbm>> -> memref<16xf32, #tpu.memory_space<hbm>>
      %dma_wait3A_23 = arith.constant 0 : i32
      %dma_wait3A_24 = tpu.memref_slice %arg5[%add3A, %dma_wait3A_23] : memref<32x16xf32, #tpu.memory_space<hbm>> -> memref<1x16xf32, #tpu.memory_space<hbm>>
      %dma_wait3A_25 = tpu.memref_squeeze %dma_wait3A_24 : memref<1x16xf32, #tpu.memory_space<hbm>> -> memref<16xf32, #tpu.memory_space<hbm>>
      tpu.wait_dma2 semaphore(%run_scoped3A : memref<!tpu.dma_semaphore, #tpu.memory_space<semaphore_mem>>) src(%arg10 : memref<16xf32, #tpu.memory_space<vmem>>) dst(%dma_wait3A_25 : memref<16xf32, #tpu.memory_space<hbm>>)
      tpu.yield
    }) : () -> ()
    return
  }
}

module attributes {stable_mosaic.version = 14 : i64} {
  func.func @_tc_block(%arg0: i32, %arg1: memref<256x3xf32, #tpu.memory_space<vmem>>, %arg2: memref<3x4096xf32, #tpu.memory_space<vmem>>, %arg3: memref<4096x3xf32, #tpu.memory_space<vmem>>, %arg4: memref<1x1xf32, #tpu.memory_space<vmem>>) attributes {dimension_semantics = [#tpu.dimension_semantics<arbitrary>], iteration_bounds = array<i64: 12>, scalar_prefetch = 0 : i64, scratch_operands = 0 : i64, tpu.core_type = #tpu.core_type<tc>, window_params = [{transform_indices = @transform_0, window_bounds = array<i64: 256, 3>}, {pipeline_mode = #tpu.pipeline_mode<synchronous>, transform_indices = @transform_1, window_bounds = array<i64: 3, 4096>}, {pipeline_mode = #tpu.pipeline_mode<synchronous>, transform_indices = @transform_2, window_bounds = array<i64: 4096, 3>}, {pipeline_mode = #tpu.pipeline_mode<synchronous>, transform_indices = @transform_3, window_bounds = array<i64: 1, 1>}]} {
    %get3A = arith.constant 0 : index
    %get3A_0 = arith.constant 0 : index
    %get3A_1 = vector.load %arg1[%get3A, %get3A_0] : memref<256x3xf32, #tpu.memory_space<vmem>>, vector<256x3xf32>
    %get3A_2 = arith.constant 0 : index
    %get3A_3 = arith.constant 0 : index
    %get3A_4 = vector.load %arg2[%get3A_2, %get3A_3] : memref<3x4096xf32, #tpu.memory_space<vmem>>, vector<3x4096xf32>
    %get3A_5 = arith.constant 0 : index
    %get3A_6 = arith.constant 0 : index
    %get3A_7 = vector.load %arg3[%get3A_5, %get3A_6] : memref<4096x3xf32, #tpu.memory_space<vmem>>, vector<4096x3xf32>
    %convert_element_type3A = arith.truncf %get3A_7 : vector<4096x3xf32> to vector<4096x3xbf16>
    %slice3A = vector.extract_strided_slice %get3A_1 {offsets = [0, 0], sizes = [256, 1], strides = [1, 1]} : vector<256x3xf32> to vector<256x1xf32>
    %slice3A_8 = vector.extract_strided_slice %get3A_1 {offsets = [0, 1], sizes = [256, 1], strides = [1, 1]} : vector<256x3xf32> to vector<256x1xf32>
    %slice3A_9 = vector.extract_strided_slice %get3A_1 {offsets = [0, 2], sizes = [256, 1], strides = [1, 1]} : vector<256x3xf32> to vector<256x1xf32>
    %slice3A_10 = vector.extract_strided_slice %get3A_4 {offsets = [0, 0], sizes = [1, 4096], strides = [1, 1]} : vector<3x4096xf32> to vector<1x4096xf32>
    %sub3A = vector.broadcast %slice3A_10 : vector<1x4096xf32> to vector<256x4096xf32>
    %sub3A_11 = vector.broadcast %slice3A : vector<256x1xf32> to vector<256x4096xf32>
    %sub3A_12 = arith.subf %sub3A, %sub3A_11 : vector<256x4096xf32>
    %slice3A_13 = vector.extract_strided_slice %get3A_4 {offsets = [1, 0], sizes = [1, 4096], strides = [1, 1]} : vector<3x4096xf32> to vector<1x4096xf32>
    %sub3A_14 = vector.broadcast %slice3A_13 : vector<1x4096xf32> to vector<256x4096xf32>
    %sub3A_15 = vector.broadcast %slice3A_8 : vector<256x1xf32> to vector<256x4096xf32>
    %sub3A_16 = arith.subf %sub3A_14, %sub3A_15 : vector<256x4096xf32>
    %slice3A_17 = vector.extract_strided_slice %get3A_4 {offsets = [2, 0], sizes = [1, 4096], strides = [1, 1]} : vector<3x4096xf32> to vector<1x4096xf32>
    %sub3A_18 = vector.broadcast %slice3A_17 : vector<1x4096xf32> to vector<256x4096xf32>
    %sub3A_19 = vector.broadcast %slice3A_9 : vector<256x1xf32> to vector<256x4096xf32>
    %sub3A_20 = arith.subf %sub3A_18, %sub3A_19 : vector<256x4096xf32>
    %mul3A = arith.mulf %sub3A_12, %sub3A_12 : vector<256x4096xf32>
    %mul3A_21 = arith.mulf %sub3A_16, %sub3A_16 : vector<256x4096xf32>
    %add3A = arith.addf %mul3A, %mul3A_21 : vector<256x4096xf32>
    %mul3A_22 = arith.mulf %sub3A_20, %sub3A_20 : vector<256x4096xf32>
    %add3A_23 = arith.addf %add3A, %mul3A_22 : vector<256x4096xf32>
    %iota3A = tpu.iota {dimensions = array<i32: 1>} : vector<256x4096xi32>
    %reduce_min3A = arith.constant dense<0x7F800000> : vector<256xf32>
    %reduce_min3A_24 = vector.multi_reduction <minimumf>, %add3A_23, %reduce_min3A [1] : vector<256x4096xf32> to vector<256xf32>
    %broadcast_in_dim3A = vector.shape_cast %reduce_min3A_24 : vector<256xf32> to vector<256x1xf32>
    %eq3A = vector.broadcast %broadcast_in_dim3A : vector<256x1xf32> to vector<256x4096xf32>
    %eq3A_25 = arith.cmpf oeq, %add3A_23, %eq3A : vector<256x4096xf32>
    %jit3A = arith.constant 4096 : i32
    %broadcast_in_dim3A_26 = vector.broadcast %jit3A : i32 to vector<256x4096xi32>
    %select_n3A = arith.select %eq3A_25, %iota3A, %broadcast_in_dim3A_26 : vector<256x4096xi1>, vector<256x4096xi32>
    %reduce_min3A_27 = arith.constant dense<2147483647> : vector<256xi32>
    %reduce_min3A_28 = vector.multi_reduction <minsi>, %select_n3A, %reduce_min3A_27 [1] : vector<256x4096xi32> to vector<256xi32>
    %broadcast_in_dim3A_29 = vector.shape_cast %reduce_min3A_28 : vector<256xi32> to vector<256x1xi32>
    %eq3A_30 = vector.broadcast %broadcast_in_dim3A_29 : vector<256x1xi32> to vector<256x4096xi32>
    %eq3A_31 = arith.cmpi eq, %iota3A, %eq3A_30 : vector<256x4096xi32>
    %jit3A_32 = arith.constant 0x7F800000 : f32
    %broadcast_in_dim3A_33 = vector.broadcast %jit3A_32 : f32 to vector<256x4096xf32>
    %select_n3A_34 = arith.select %eq3A_31, %broadcast_in_dim3A_33, %add3A_23 : vector<256x4096xi1>, vector<256x4096xf32>
    %reduce_min3A_35 = arith.constant dense<0x7F800000> : vector<256xf32>
    %reduce_min3A_36 = vector.multi_reduction <minimumf>, %select_n3A_34, %reduce_min3A_35 [1] : vector<256x4096xf32> to vector<256xf32>
    %broadcast_in_dim3A_37 = vector.shape_cast %reduce_min3A_36 : vector<256xf32> to vector<256x1xf32>
    %eq3A_38 = vector.broadcast %broadcast_in_dim3A_37 : vector<256x1xf32> to vector<256x4096xf32>
    %eq3A_39 = arith.cmpf oeq, %select_n3A_34, %eq3A_38 : vector<256x4096xf32>
    %jit3A_40 = arith.constant 4096 : i32
    %broadcast_in_dim3A_41 = vector.broadcast %jit3A_40 : i32 to vector<256x4096xi32>
    %select_n3A_42 = arith.select %eq3A_39, %iota3A, %broadcast_in_dim3A_41 : vector<256x4096xi1>, vector<256x4096xi32>
    %reduce_min3A_43 = arith.constant dense<2147483647> : vector<256xi32>
    %reduce_min3A_44 = vector.multi_reduction <minsi>, %select_n3A_42, %reduce_min3A_43 [1] : vector<256x4096xi32> to vector<256xi32>
    %broadcast_in_dim3A_45 = vector.shape_cast %reduce_min3A_44 : vector<256xi32> to vector<256x1xi32>
    %eq3A_46 = vector.broadcast %broadcast_in_dim3A_45 : vector<256x1xi32> to vector<256x4096xi32>
    %eq3A_47 = arith.cmpi eq, %iota3A, %eq3A_46 : vector<256x4096xi32>
    %convert_element_type3A_48 = arith.extui %eq3A_47 : vector<256x4096xi1> to vector<256x4096xi32>
    %convert_element_type3A_49 = arith.sitofp %convert_element_type3A_48 : vector<256x4096xi32> to vector<256x4096xf32>
    %convert_element_type3A_50 = arith.truncf %convert_element_type3A_49 : vector<256x4096xf32> to vector<256x4096xbf16>
    %dot_general3A = arith.constant dense<0.000000e+00> : vector<256x3xf32>
    %dot_general3A_51 = tpu.matmul %convert_element_type3A_50, %convert_element_type3A, %dot_general3A {dimension_numbers = #tpu.dot_dimension_numbers<[1], [0], [0], [1], [0, 0, 1, 1], [], []>, transpose_lhs_hint = false} : vector<256x4096xbf16>, vector<4096x3xbf16>, vector<256x3xf32> -> vector<256x3xf32>
    %jit3A_52 = arith.constant 0x7F800000 : f32
    %broadcast_in_dim3A_53 = vector.broadcast %jit3A_52 : f32 to vector<256x4096xf32>
    %select_n3A_54 = arith.select %eq3A_47, %broadcast_in_dim3A_53, %select_n3A_34 : vector<256x4096xi1>, vector<256x4096xf32>
    %reduce_min3A_55 = arith.constant dense<0x7F800000> : vector<256xf32>
    %reduce_min3A_56 = vector.multi_reduction <minimumf>, %select_n3A_54, %reduce_min3A_55 [1] : vector<256x4096xf32> to vector<256xf32>
    %broadcast_in_dim3A_57 = vector.shape_cast %reduce_min3A_56 : vector<256xf32> to vector<256x1xf32>
    %eq3A_58 = vector.broadcast %broadcast_in_dim3A_57 : vector<256x1xf32> to vector<256x4096xf32>
    %eq3A_59 = arith.cmpf oeq, %select_n3A_54, %eq3A_58 : vector<256x4096xf32>
    %jit3A_60 = arith.constant 4096 : i32
    %broadcast_in_dim3A_61 = vector.broadcast %jit3A_60 : i32 to vector<256x4096xi32>
    %select_n3A_62 = arith.select %eq3A_59, %iota3A, %broadcast_in_dim3A_61 : vector<256x4096xi1>, vector<256x4096xi32>
    %reduce_min3A_63 = arith.constant dense<2147483647> : vector<256xi32>
    %reduce_min3A_64 = vector.multi_reduction <minsi>, %select_n3A_62, %reduce_min3A_63 [1] : vector<256x4096xi32> to vector<256xi32>
    %broadcast_in_dim3A_65 = vector.shape_cast %reduce_min3A_64 : vector<256xi32> to vector<256x1xi32>
    %eq3A_66 = vector.broadcast %broadcast_in_dim3A_65 : vector<256x1xi32> to vector<256x4096xi32>
    %eq3A_67 = arith.cmpi eq, %iota3A, %eq3A_66 : vector<256x4096xi32>
    %convert_element_type3A_68 = arith.extui %eq3A_67 : vector<256x4096xi1> to vector<256x4096xi32>
    %convert_element_type3A_69 = arith.sitofp %convert_element_type3A_68 : vector<256x4096xi32> to vector<256x4096xf32>
    %convert_element_type3A_70 = arith.truncf %convert_element_type3A_69 : vector<256x4096xf32> to vector<256x4096xbf16>
    %dot_general3A_71 = arith.constant dense<0.000000e+00> : vector<256x3xf32>
    %dot_general3A_72 = tpu.matmul %convert_element_type3A_70, %convert_element_type3A, %dot_general3A_71 {dimension_numbers = #tpu.dot_dimension_numbers<[1], [0], [0], [1], [0, 0, 1, 1], [], []>, transpose_lhs_hint = false} : vector<256x4096xbf16>, vector<4096x3xbf16>, vector<256x3xf32> -> vector<256x3xf32>
    %jit3A_73 = arith.constant 0x7F800000 : f32
    %broadcast_in_dim3A_74 = vector.broadcast %jit3A_73 : f32 to vector<256x4096xf32>
    %select_n3A_75 = arith.select %eq3A_67, %broadcast_in_dim3A_74, %select_n3A_54 : vector<256x4096xi1>, vector<256x4096xf32>
    %reduce_min3A_76 = arith.constant dense<0x7F800000> : vector<256xf32>
    %reduce_min3A_77 = vector.multi_reduction <minimumf>, %select_n3A_75, %reduce_min3A_76 [1] : vector<256x4096xf32> to vector<256xf32>
    %broadcast_in_dim3A_78 = vector.shape_cast %reduce_min3A_77 : vector<256xf32> to vector<256x1xf32>
    %eq3A_79 = vector.broadcast %broadcast_in_dim3A_78 : vector<256x1xf32> to vector<256x4096xf32>
    %eq3A_80 = arith.cmpf oeq, %select_n3A_75, %eq3A_79 : vector<256x4096xf32>
    %jit3A_81 = arith.constant 4096 : i32
    %broadcast_in_dim3A_82 = vector.broadcast %jit3A_81 : i32 to vector<256x4096xi32>
    %select_n3A_83 = arith.select %eq3A_80, %iota3A, %broadcast_in_dim3A_82 : vector<256x4096xi1>, vector<256x4096xi32>
    %reduce_min3A_84 = arith.constant dense<2147483647> : vector<256xi32>
    %reduce_min3A_85 = vector.multi_reduction <minsi>, %select_n3A_83, %reduce_min3A_84 [1] : vector<256x4096xi32> to vector<256xi32>
    %broadcast_in_dim3A_86 = vector.shape_cast %reduce_min3A_85 : vector<256xi32> to vector<256x1xi32>
    %eq3A_87 = vector.broadcast %broadcast_in_dim3A_86 : vector<256x1xi32> to vector<256x4096xi32>
    %eq3A_88 = arith.cmpi eq, %iota3A, %eq3A_87 : vector<256x4096xi32>
    %convert_element_type3A_89 = arith.extui %eq3A_88 : vector<256x4096xi1> to vector<256x4096xi32>
    %convert_element_type3A_90 = arith.sitofp %convert_element_type3A_89 : vector<256x4096xi32> to vector<256x4096xf32>
    %convert_element_type3A_91 = arith.truncf %convert_element_type3A_90 : vector<256x4096xf32> to vector<256x4096xbf16>
    %dot_general3A_92 = arith.constant dense<0.000000e+00> : vector<256x3xf32>
    %dot_general3A_93 = tpu.matmul %convert_element_type3A_91, %convert_element_type3A, %dot_general3A_92 {dimension_numbers = #tpu.dot_dimension_numbers<[1], [0], [0], [1], [0, 0, 1, 1], [], []>, transpose_lhs_hint = false} : vector<256x4096xbf16>, vector<4096x3xbf16>, vector<256x3xf32> -> vector<256x3xf32>
    %jit3A_94 = arith.constant 0x7F800000 : f32
    %broadcast_in_dim3A_95 = vector.broadcast %jit3A_94 : f32 to vector<256x4096xf32>
    %select_n3A_96 = arith.select %eq3A_88, %broadcast_in_dim3A_95, %select_n3A_75 : vector<256x4096xi1>, vector<256x4096xf32>
    %reduce_min3A_97 = arith.constant dense<0x7F800000> : vector<256xf32>
    %reduce_min3A_98 = vector.multi_reduction <minimumf>, %select_n3A_96, %reduce_min3A_97 [1] : vector<256x4096xf32> to vector<256xf32>
    %broadcast_in_dim3A_99 = vector.shape_cast %reduce_min3A_98 : vector<256xf32> to vector<256x1xf32>
    %eq3A_100 = vector.broadcast %broadcast_in_dim3A_99 : vector<256x1xf32> to vector<256x4096xf32>
    %eq3A_101 = arith.cmpf oeq, %select_n3A_96, %eq3A_100 : vector<256x4096xf32>
    %jit3A_102 = arith.constant 4096 : i32
    %broadcast_in_dim3A_103 = vector.broadcast %jit3A_102 : i32 to vector<256x4096xi32>
    %select_n3A_104 = arith.select %eq3A_101, %iota3A, %broadcast_in_dim3A_103 : vector<256x4096xi1>, vector<256x4096xi32>
    %reduce_min3A_105 = arith.constant dense<2147483647> : vector<256xi32>
    %reduce_min3A_106 = vector.multi_reduction <minsi>, %select_n3A_104, %reduce_min3A_105 [1] : vector<256x4096xi32> to vector<256xi32>
    %broadcast_in_dim3A_107 = vector.shape_cast %reduce_min3A_106 : vector<256xi32> to vector<256x1xi32>
    %eq3A_108 = vector.broadcast %broadcast_in_dim3A_107 : vector<256x1xi32> to vector<256x4096xi32>
    %eq3A_109 = arith.cmpi eq, %iota3A, %eq3A_108 : vector<256x4096xi32>
    %convert_element_type3A_110 = arith.extui %eq3A_109 : vector<256x4096xi1> to vector<256x4096xi32>
    %convert_element_type3A_111 = arith.sitofp %convert_element_type3A_110 : vector<256x4096xi32> to vector<256x4096xf32>
    %convert_element_type3A_112 = arith.truncf %convert_element_type3A_111 : vector<256x4096xf32> to vector<256x4096xbf16>
    %dot_general3A_113 = arith.constant dense<0.000000e+00> : vector<256x3xf32>
    %dot_general3A_114 = tpu.matmul %convert_element_type3A_112, %convert_element_type3A, %dot_general3A_113 {dimension_numbers = #tpu.dot_dimension_numbers<[1], [0], [0], [1], [0, 0, 1, 1], [], []>, transpose_lhs_hint = false} : vector<256x4096xbf16>, vector<4096x3xbf16>, vector<256x3xf32> -> vector<256x3xf32>
    %jit3A_115 = arith.constant 0x7F800000 : f32
    %broadcast_in_dim3A_116 = vector.broadcast %jit3A_115 : f32 to vector<256x4096xf32>
    %select_n3A_117 = arith.select %eq3A_109, %broadcast_in_dim3A_116, %select_n3A_96 : vector<256x4096xi1>, vector<256x4096xf32>
    %reduce_min3A_118 = arith.constant dense<0x7F800000> : vector<256xf32>
    %reduce_min3A_119 = vector.multi_reduction <minimumf>, %select_n3A_117, %reduce_min3A_118 [1] : vector<256x4096xf32> to vector<256xf32>
    %broadcast_in_dim3A_120 = vector.shape_cast %reduce_min3A_119 : vector<256xf32> to vector<256x1xf32>
    %eq3A_121 = vector.broadcast %broadcast_in_dim3A_120 : vector<256x1xf32> to vector<256x4096xf32>
    %eq3A_122 = arith.cmpf oeq, %select_n3A_117, %eq3A_121 : vector<256x4096xf32>
    %jit3A_123 = arith.constant 4096 : i32
    %broadcast_in_dim3A_124 = vector.broadcast %jit3A_123 : i32 to vector<256x4096xi32>
    %select_n3A_125 = arith.select %eq3A_122, %iota3A, %broadcast_in_dim3A_124 : vector<256x4096xi1>, vector<256x4096xi32>
    %reduce_min3A_126 = arith.constant dense<2147483647> : vector<256xi32>
    %reduce_min3A_127 = vector.multi_reduction <minsi>, %select_n3A_125, %reduce_min3A_126 [1] : vector<256x4096xi32> to vector<256xi32>
    %broadcast_in_dim3A_128 = vector.shape_cast %reduce_min3A_127 : vector<256xi32> to vector<256x1xi32>
    %eq3A_129 = vector.broadcast %broadcast_in_dim3A_128 : vector<256x1xi32> to vector<256x4096xi32>
    %eq3A_130 = arith.cmpi eq, %iota3A, %eq3A_129 : vector<256x4096xi32>
    %convert_element_type3A_131 = arith.extui %eq3A_130 : vector<256x4096xi1> to vector<256x4096xi32>
    %convert_element_type3A_132 = arith.sitofp %convert_element_type3A_131 : vector<256x4096xi32> to vector<256x4096xf32>
    %convert_element_type3A_133 = arith.truncf %convert_element_type3A_132 : vector<256x4096xf32> to vector<256x4096xbf16>
    %dot_general3A_134 = arith.constant dense<0.000000e+00> : vector<256x3xf32>
    %dot_general3A_135 = tpu.matmul %convert_element_type3A_133, %convert_element_type3A, %dot_general3A_134 {dimension_numbers = #tpu.dot_dimension_numbers<[1], [0], [0], [1], [0, 0, 1, 1], [], []>, transpose_lhs_hint = false} : vector<256x4096xbf16>, vector<4096x3xbf16>, vector<256x3xf32> -> vector<256x3xf32>
    %jit3A_136 = arith.constant 0x7F800000 : f32
    %broadcast_in_dim3A_137 = vector.broadcast %jit3A_136 : f32 to vector<256x4096xf32>
    %select_n3A_138 = arith.select %eq3A_130, %broadcast_in_dim3A_137, %select_n3A_117 : vector<256x4096xi1>, vector<256x4096xf32>
    %reduce_min3A_139 = arith.constant dense<0x7F800000> : vector<256xf32>
    %reduce_min3A_140 = vector.multi_reduction <minimumf>, %select_n3A_138, %reduce_min3A_139 [1] : vector<256x4096xf32> to vector<256xf32>
    %broadcast_in_dim3A_141 = vector.shape_cast %reduce_min3A_140 : vector<256xf32> to vector<256x1xf32>
    %eq3A_142 = vector.broadcast %broadcast_in_dim3A_141 : vector<256x1xf32> to vector<256x4096xf32>
    %eq3A_143 = arith.cmpf oeq, %select_n3A_138, %eq3A_142 : vector<256x4096xf32>
    %jit3A_144 = arith.constant 4096 : i32
    %broadcast_in_dim3A_145 = vector.broadcast %jit3A_144 : i32 to vector<256x4096xi32>
    %select_n3A_146 = arith.select %eq3A_143, %iota3A, %broadcast_in_dim3A_145 : vector<256x4096xi1>, vector<256x4096xi32>
    %reduce_min3A_147 = arith.constant dense<2147483647> : vector<256xi32>
    %reduce_min3A_148 = vector.multi_reduction <minsi>, %select_n3A_146, %reduce_min3A_147 [1] : vector<256x4096xi32> to vector<256xi32>
    %broadcast_in_dim3A_149 = vector.shape_cast %reduce_min3A_148 : vector<256xi32> to vector<256x1xi32>
    %eq3A_150 = vector.broadcast %broadcast_in_dim3A_149 : vector<256x1xi32> to vector<256x4096xi32>
    %eq3A_151 = arith.cmpi eq, %iota3A, %eq3A_150 : vector<256x4096xi32>
    %convert_element_type3A_152 = arith.extui %eq3A_151 : vector<256x4096xi1> to vector<256x4096xi32>
    %convert_element_type3A_153 = arith.sitofp %convert_element_type3A_152 : vector<256x4096xi32> to vector<256x4096xf32>
    %convert_element_type3A_154 = arith.truncf %convert_element_type3A_153 : vector<256x4096xf32> to vector<256x4096xbf16>
    %dot_general3A_155 = arith.constant dense<0.000000e+00> : vector<256x3xf32>
    %dot_general3A_156 = tpu.matmul %convert_element_type3A_154, %convert_element_type3A, %dot_general3A_155 {dimension_numbers = #tpu.dot_dimension_numbers<[1], [0], [0], [1], [0, 0, 1, 1], [], []>, transpose_lhs_hint = false} : vector<256x4096xbf16>, vector<4096x3xbf16>, vector<256x3xf32> -> vector<256x3xf32>
    %jit3A_157 = arith.constant 0x7F800000 : f32
    %broadcast_in_dim3A_158 = vector.broadcast %jit3A_157 : f32 to vector<256x4096xf32>
    %select_n3A_159 = arith.select %eq3A_151, %broadcast_in_dim3A_158, %select_n3A_138 : vector<256x4096xi1>, vector<256x4096xf32>
    %reduce_min3A_160 = arith.constant dense<0x7F800000> : vector<256xf32>
    %reduce_min3A_161 = vector.multi_reduction <minimumf>, %select_n3A_159, %reduce_min3A_160 [1] : vector<256x4096xf32> to vector<256xf32>
    %broadcast_in_dim3A_162 = vector.shape_cast %reduce_min3A_161 : vector<256xf32> to vector<256x1xf32>
    %eq3A_163 = vector.broadcast %broadcast_in_dim3A_162 : vector<256x1xf32> to vector<256x4096xf32>
    %eq3A_164 = arith.cmpf oeq, %select_n3A_159, %eq3A_163 : vector<256x4096xf32>
    %jit3A_165 = arith.constant 4096 : i32
    %broadcast_in_dim3A_166 = vector.broadcast %jit3A_165 : i32 to vector<256x4096xi32>
    %select_n3A_167 = arith.select %eq3A_164, %iota3A, %broadcast_in_dim3A_166 : vector<256x4096xi1>, vector<256x4096xi32>
    %reduce_min3A_168 = arith.constant dense<2147483647> : vector<256xi32>
    %reduce_min3A_169 = vector.multi_reduction <minsi>, %select_n3A_167, %reduce_min3A_168 [1] : vector<256x4096xi32> to vector<256xi32>
    %broadcast_in_dim3A_170 = vector.shape_cast %reduce_min3A_169 : vector<256xi32> to vector<256x1xi32>
    %eq3A_171 = vector.broadcast %broadcast_in_dim3A_170 : vector<256x1xi32> to vector<256x4096xi32>
    %eq3A_172 = arith.cmpi eq, %iota3A, %eq3A_171 : vector<256x4096xi32>
    %convert_element_type3A_173 = arith.extui %eq3A_172 : vector<256x4096xi1> to vector<256x4096xi32>
    %convert_element_type3A_174 = arith.sitofp %convert_element_type3A_173 : vector<256x4096xi32> to vector<256x4096xf32>
    %convert_element_type3A_175 = arith.truncf %convert_element_type3A_174 : vector<256x4096xf32> to vector<256x4096xbf16>
    %dot_general3A_176 = arith.constant dense<0.000000e+00> : vector<256x3xf32>
    %dot_general3A_177 = tpu.matmul %convert_element_type3A_175, %convert_element_type3A, %dot_general3A_176 {dimension_numbers = #tpu.dot_dimension_numbers<[1], [0], [0], [1], [0, 0, 1, 1], [], []>, transpose_lhs_hint = false} : vector<256x4096xbf16>, vector<4096x3xbf16>, vector<256x3xf32> -> vector<256x3xf32>
    %jit3A_178 = arith.constant 0x7F800000 : f32
    %broadcast_in_dim3A_179 = vector.broadcast %jit3A_178 : f32 to vector<256x4096xf32>
    %select_n3A_180 = arith.select %eq3A_172, %broadcast_in_dim3A_179, %select_n3A_159 : vector<256x4096xi1>, vector<256x4096xf32>
    %reduce_min3A_181 = arith.constant dense<0x7F800000> : vector<256xf32>
    %reduce_min3A_182 = vector.multi_reduction <minimumf>, %select_n3A_180, %reduce_min3A_181 [1] : vector<256x4096xf32> to vector<256xf32>
    %broadcast_in_dim3A_183 = vector.shape_cast %reduce_min3A_182 : vector<256xf32> to vector<256x1xf32>
    %eq3A_184 = vector.broadcast %broadcast_in_dim3A_183 : vector<256x1xf32> to vector<256x4096xf32>
    %eq3A_185 = arith.cmpf oeq, %select_n3A_180, %eq3A_184 : vector<256x4096xf32>
    %jit3A_186 = arith.constant 4096 : i32
    %broadcast_in_dim3A_187 = vector.broadcast %jit3A_186 : i32 to vector<256x4096xi32>
    %select_n3A_188 = arith.select %eq3A_185, %iota3A, %broadcast_in_dim3A_187 : vector<256x4096xi1>, vector<256x4096xi32>
    %reduce_min3A_189 = arith.constant dense<2147483647> : vector<256xi32>
    %reduce_min3A_190 = vector.multi_reduction <minsi>, %select_n3A_188, %reduce_min3A_189 [1] : vector<256x4096xi32> to vector<256xi32>
    %broadcast_in_dim3A_191 = vector.shape_cast %reduce_min3A_190 : vector<256xi32> to vector<256x1xi32>
    %eq3A_192 = vector.broadcast %broadcast_in_dim3A_191 : vector<256x1xi32> to vector<256x4096xi32>
    %eq3A_193 = arith.cmpi eq, %iota3A, %eq3A_192 : vector<256x4096xi32>
    %convert_element_type3A_194 = arith.extui %eq3A_193 : vector<256x4096xi1> to vector<256x4096xi32>
    %convert_element_type3A_195 = arith.sitofp %convert_element_type3A_194 : vector<256x4096xi32> to vector<256x4096xf32>
    %convert_element_type3A_196 = arith.truncf %convert_element_type3A_195 : vector<256x4096xf32> to vector<256x4096xbf16>
    %dot_general3A_197 = arith.constant dense<0.000000e+00> : vector<256x3xf32>
    %dot_general3A_198 = tpu.matmul %convert_element_type3A_196, %convert_element_type3A, %dot_general3A_197 {dimension_numbers = #tpu.dot_dimension_numbers<[1], [0], [0], [1], [0, 0, 1, 1], [], []>, transpose_lhs_hint = false} : vector<256x4096xbf16>, vector<4096x3xbf16>, vector<256x3xf32> -> vector<256x3xf32>
    %jit3A_199 = arith.constant 0x7F800000 : f32
    %broadcast_in_dim3A_200 = vector.broadcast %jit3A_199 : f32 to vector<256x4096xf32>
    %select_n3A_201 = arith.select %eq3A_193, %broadcast_in_dim3A_200, %select_n3A_180 : vector<256x4096xi1>, vector<256x4096xf32>
    %reduce_min3A_202 = arith.constant dense<0x7F800000> : vector<256xf32>
    %reduce_min3A_203 = vector.multi_reduction <minimumf>, %select_n3A_201, %reduce_min3A_202 [1] : vector<256x4096xf32> to vector<256xf32>
    %broadcast_in_dim3A_204 = vector.shape_cast %reduce_min3A_203 : vector<256xf32> to vector<256x1xf32>
    %eq3A_205 = vector.broadcast %broadcast_in_dim3A_204 : vector<256x1xf32> to vector<256x4096xf32>
    %eq3A_206 = arith.cmpf oeq, %select_n3A_201, %eq3A_205 : vector<256x4096xf32>
    %jit3A_207 = arith.constant 4096 : i32
    %broadcast_in_dim3A_208 = vector.broadcast %jit3A_207 : i32 to vector<256x4096xi32>
    %select_n3A_209 = arith.select %eq3A_206, %iota3A, %broadcast_in_dim3A_208 : vector<256x4096xi1>, vector<256x4096xi32>
    %reduce_min3A_210 = arith.constant dense<2147483647> : vector<256xi32>
    %reduce_min3A_211 = vector.multi_reduction <minsi>, %select_n3A_209, %reduce_min3A_210 [1] : vector<256x4096xi32> to vector<256xi32>
    %broadcast_in_dim3A_212 = vector.shape_cast %reduce_min3A_211 : vector<256xi32> to vector<256x1xi32>
    %eq3A_213 = vector.broadcast %broadcast_in_dim3A_212 : vector<256x1xi32> to vector<256x4096xi32>
    %eq3A_214 = arith.cmpi eq, %iota3A, %eq3A_213 : vector<256x4096xi32>
    %convert_element_type3A_215 = arith.extui %eq3A_214 : vector<256x4096xi1> to vector<256x4096xi32>
    %convert_element_type3A_216 = arith.sitofp %convert_element_type3A_215 : vector<256x4096xi32> to vector<256x4096xf32>
    %convert_element_type3A_217 = arith.truncf %convert_element_type3A_216 : vector<256x4096xf32> to vector<256x4096xbf16>
    %dot_general3A_218 = arith.constant dense<0.000000e+00> : vector<256x3xf32>
    %dot_general3A_219 = tpu.matmul %convert_element_type3A_217, %convert_element_type3A, %dot_general3A_218 {dimension_numbers = #tpu.dot_dimension_numbers<[1], [0], [0], [1], [0, 0, 1, 1], [], []>, transpose_lhs_hint = false} : vector<256x4096xbf16>, vector<4096x3xbf16>, vector<256x3xf32> -> vector<256x3xf32>
    %jit3A_220 = arith.constant 0x7F800000 : f32
    %broadcast_in_dim3A_221 = vector.broadcast %jit3A_220 : f32 to vector<256x4096xf32>
    %select_n3A_222 = arith.select %eq3A_214, %broadcast_in_dim3A_221, %select_n3A_201 : vector<256x4096xi1>, vector<256x4096xf32>
    %reduce_min3A_223 = arith.constant dense<0x7F800000> : vector<256xf32>
    %reduce_min3A_224 = vector.multi_reduction <minimumf>, %select_n3A_222, %reduce_min3A_223 [1] : vector<256x4096xf32> to vector<256xf32>
    %broadcast_in_dim3A_225 = vector.shape_cast %reduce_min3A_224 : vector<256xf32> to vector<256x1xf32>
    %eq3A_226 = vector.broadcast %broadcast_in_dim3A_225 : vector<256x1xf32> to vector<256x4096xf32>
    %eq3A_227 = arith.cmpf oeq, %select_n3A_222, %eq3A_226 : vector<256x4096xf32>
    %jit3A_228 = arith.constant 4096 : i32
    %broadcast_in_dim3A_229 = vector.broadcast %jit3A_228 : i32 to vector<256x4096xi32>
    %select_n3A_230 = arith.select %eq3A_227, %iota3A, %broadcast_in_dim3A_229 : vector<256x4096xi1>, vector<256x4096xi32>
    %reduce_min3A_231 = arith.constant dense<2147483647> : vector<256xi32>
    %reduce_min3A_232 = vector.multi_reduction <minsi>, %select_n3A_230, %reduce_min3A_231 [1] : vector<256x4096xi32> to vector<256xi32>
    %broadcast_in_dim3A_233 = vector.shape_cast %reduce_min3A_232 : vector<256xi32> to vector<256x1xi32>
    %eq3A_234 = vector.broadcast %broadcast_in_dim3A_233 : vector<256x1xi32> to vector<256x4096xi32>
    %eq3A_235 = arith.cmpi eq, %iota3A, %eq3A_234 : vector<256x4096xi32>
    %convert_element_type3A_236 = arith.extui %eq3A_235 : vector<256x4096xi1> to vector<256x4096xi32>
    %convert_element_type3A_237 = arith.sitofp %convert_element_type3A_236 : vector<256x4096xi32> to vector<256x4096xf32>
    %convert_element_type3A_238 = arith.truncf %convert_element_type3A_237 : vector<256x4096xf32> to vector<256x4096xbf16>
    %dot_general3A_239 = arith.constant dense<0.000000e+00> : vector<256x3xf32>
    %dot_general3A_240 = tpu.matmul %convert_element_type3A_238, %convert_element_type3A, %dot_general3A_239 {dimension_numbers = #tpu.dot_dimension_numbers<[1], [0], [0], [1], [0, 0, 1, 1], [], []>, transpose_lhs_hint = false} : vector<256x4096xbf16>, vector<4096x3xbf16>, vector<256x3xf32> -> vector<256x3xf32>
    %jit3A_241 = arith.constant 0x7F800000 : f32
    %broadcast_in_dim3A_242 = vector.broadcast %jit3A_241 : f32 to vector<256x4096xf32>
    %select_n3A_243 = arith.select %eq3A_235, %broadcast_in_dim3A_242, %select_n3A_222 : vector<256x4096xi1>, vector<256x4096xf32>
    %reduce_min3A_244 = arith.constant dense<0x7F800000> : vector<256xf32>
    %reduce_min3A_245 = vector.multi_reduction <minimumf>, %select_n3A_243, %reduce_min3A_244 [1] : vector<256x4096xf32> to vector<256xf32>
    %broadcast_in_dim3A_246 = vector.shape_cast %reduce_min3A_245 : vector<256xf32> to vector<256x1xf32>
    %eq3A_247 = vector.broadcast %broadcast_in_dim3A_246 : vector<256x1xf32> to vector<256x4096xf32>
    %eq3A_248 = arith.cmpf oeq, %select_n3A_243, %eq3A_247 : vector<256x4096xf32>
    %jit3A_249 = arith.constant 4096 : i32
    %broadcast_in_dim3A_250 = vector.broadcast %jit3A_249 : i32 to vector<256x4096xi32>
    %select_n3A_251 = arith.select %eq3A_248, %iota3A, %broadcast_in_dim3A_250 : vector<256x4096xi1>, vector<256x4096xi32>
    %reduce_min3A_252 = arith.constant dense<2147483647> : vector<256xi32>
    %reduce_min3A_253 = vector.multi_reduction <minsi>, %select_n3A_251, %reduce_min3A_252 [1] : vector<256x4096xi32> to vector<256xi32>
    %broadcast_in_dim3A_254 = vector.shape_cast %reduce_min3A_253 : vector<256xi32> to vector<256x1xi32>
    %eq3A_255 = vector.broadcast %broadcast_in_dim3A_254 : vector<256x1xi32> to vector<256x4096xi32>
    %eq3A_256 = arith.cmpi eq, %iota3A, %eq3A_255 : vector<256x4096xi32>
    %convert_element_type3A_257 = arith.extui %eq3A_256 : vector<256x4096xi1> to vector<256x4096xi32>
    %convert_element_type3A_258 = arith.sitofp %convert_element_type3A_257 : vector<256x4096xi32> to vector<256x4096xf32>
    %convert_element_type3A_259 = arith.truncf %convert_element_type3A_258 : vector<256x4096xf32> to vector<256x4096xbf16>
    %dot_general3A_260 = arith.constant dense<0.000000e+00> : vector<256x3xf32>
    %dot_general3A_261 = tpu.matmul %convert_element_type3A_259, %convert_element_type3A, %dot_general3A_260 {dimension_numbers = #tpu.dot_dimension_numbers<[1], [0], [0], [1], [0, 0, 1, 1], [], []>, transpose_lhs_hint = false} : vector<256x4096xbf16>, vector<4096x3xbf16>, vector<256x3xf32> -> vector<256x3xf32>
    %jit3A_262 = arith.constant 0x7F800000 : f32
    %broadcast_in_dim3A_263 = vector.broadcast %jit3A_262 : f32 to vector<256x4096xf32>
    %select_n3A_264 = arith.select %eq3A_256, %broadcast_in_dim3A_263, %select_n3A_243 : vector<256x4096xi1>, vector<256x4096xf32>
    %reduce_min3A_265 = arith.constant dense<0x7F800000> : vector<256xf32>
    %reduce_min3A_266 = vector.multi_reduction <minimumf>, %select_n3A_264, %reduce_min3A_265 [1] : vector<256x4096xf32> to vector<256xf32>
    %broadcast_in_dim3A_267 = vector.shape_cast %reduce_min3A_266 : vector<256xf32> to vector<256x1xf32>
    %eq3A_268 = vector.broadcast %broadcast_in_dim3A_267 : vector<256x1xf32> to vector<256x4096xf32>
    %eq3A_269 = arith.cmpf oeq, %select_n3A_264, %eq3A_268 : vector<256x4096xf32>
    %jit3A_270 = arith.constant 4096 : i32
    %broadcast_in_dim3A_271 = vector.broadcast %jit3A_270 : i32 to vector<256x4096xi32>
    %select_n3A_272 = arith.select %eq3A_269, %iota3A, %broadcast_in_dim3A_271 : vector<256x4096xi1>, vector<256x4096xi32>
    %reduce_min3A_273 = arith.constant dense<2147483647> : vector<256xi32>
    %reduce_min3A_274 = vector.multi_reduction <minsi>, %select_n3A_272, %reduce_min3A_273 [1] : vector<256x4096xi32> to vector<256xi32>
    %broadcast_in_dim3A_275 = vector.shape_cast %reduce_min3A_274 : vector<256xi32> to vector<256x1xi32>
    %eq3A_276 = vector.broadcast %broadcast_in_dim3A_275 : vector<256x1xi32> to vector<256x4096xi32>
    %eq3A_277 = arith.cmpi eq, %iota3A, %eq3A_276 : vector<256x4096xi32>
    %convert_element_type3A_278 = arith.extui %eq3A_277 : vector<256x4096xi1> to vector<256x4096xi32>
    %convert_element_type3A_279 = arith.sitofp %convert_element_type3A_278 : vector<256x4096xi32> to vector<256x4096xf32>
    %convert_element_type3A_280 = arith.truncf %convert_element_type3A_279 : vector<256x4096xf32> to vector<256x4096xbf16>
    %dot_general3A_281 = arith.constant dense<0.000000e+00> : vector<256x3xf32>
    %dot_general3A_282 = tpu.matmul %convert_element_type3A_280, %convert_element_type3A, %dot_general3A_281 {dimension_numbers = #tpu.dot_dimension_numbers<[1], [0], [0], [1], [0, 0, 1, 1], [], []>, transpose_lhs_hint = false} : vector<256x4096xbf16>, vector<4096x3xbf16>, vector<256x3xf32> -> vector<256x3xf32>
    %concatenate3A = tpu.concatenate %broadcast_in_dim3A_37, %broadcast_in_dim3A_57, %broadcast_in_dim3A_78, %broadcast_in_dim3A_99, %broadcast_in_dim3A_120, %broadcast_in_dim3A_141, %broadcast_in_dim3A_162, %broadcast_in_dim3A_183, %broadcast_in_dim3A_204, %broadcast_in_dim3A_225, %broadcast_in_dim3A_246, %broadcast_in_dim3A_267 in 1 : vector<256x1xf32>, vector<256x1xf32>, vector<256x1xf32>, vector<256x1xf32>, vector<256x1xf32>, vector<256x1xf32>, vector<256x1xf32>, vector<256x1xf32>, vector<256x1xf32>, vector<256x1xf32>, vector<256x1xf32>, vector<256x1xf32> -> vector<256x12xf32>
    %slice3A_283 = vector.extract_strided_slice %dot_general3A_51 {offsets = [0, 0], sizes = [256, 1], strides = [1, 1]} : vector<256x3xf32> to vector<256x1xf32>
    %slice3A_284 = vector.extract_strided_slice %dot_general3A_72 {offsets = [0, 0], sizes = [256, 1], strides = [1, 1]} : vector<256x3xf32> to vector<256x1xf32>
    %slice3A_285 = vector.extract_strided_slice %dot_general3A_93 {offsets = [0, 0], sizes = [256, 1], strides = [1, 1]} : vector<256x3xf32> to vector<256x1xf32>
    %slice3A_286 = vector.extract_strided_slice %dot_general3A_114 {offsets = [0, 0], sizes = [256, 1], strides = [1, 1]} : vector<256x3xf32> to vector<256x1xf32>
    %slice3A_287 = vector.extract_strided_slice %dot_general3A_135 {offsets = [0, 0], sizes = [256, 1], strides = [1, 1]} : vector<256x3xf32> to vector<256x1xf32>
    %slice3A_288 = vector.extract_strided_slice %dot_general3A_156 {offsets = [0, 0], sizes = [256, 1], strides = [1, 1]} : vector<256x3xf32> to vector<256x1xf32>
    %slice3A_289 = vector.extract_strided_slice %dot_general3A_177 {offsets = [0, 0], sizes = [256, 1], strides = [1, 1]} : vector<256x3xf32> to vector<256x1xf32>
    %slice3A_290 = vector.extract_strided_slice %dot_general3A_198 {offsets = [0, 0], sizes = [256, 1], strides = [1, 1]} : vector<256x3xf32> to vector<256x1xf32>
    %slice3A_291 = vector.extract_strided_slice %dot_general3A_219 {offsets = [0, 0], sizes = [256, 1], strides = [1, 1]} : vector<256x3xf32> to vector<256x1xf32>
    %slice3A_292 = vector.extract_strided_slice %dot_general3A_240 {offsets = [0, 0], sizes = [256, 1], strides = [1, 1]} : vector<256x3xf32> to vector<256x1xf32>
    %slice3A_293 = vector.extract_strided_slice %dot_general3A_261 {offsets = [0, 0], sizes = [256, 1], strides = [1, 1]} : vector<256x3xf32> to vector<256x1xf32>
    %slice3A_294 = vector.extract_strided_slice %dot_general3A_282 {offsets = [0, 0], sizes = [256, 1], strides = [1, 1]} : vector<256x3xf32> to vector<256x1xf32>
    %concatenate3A_295 = tpu.concatenate %slice3A_283, %slice3A_284, %slice3A_285, %slice3A_286, %slice3A_287, %slice3A_288, %slice3A_289, %slice3A_290, %slice3A_291, %slice3A_292, %slice3A_293, %slice3A_294 in 1 : vector<256x1xf32>, vector<256x1xf32>, vector<256x1xf32>, vector<256x1xf32>, vector<256x1xf32>, vector<256x1xf32>, vector<256x1xf32>, vector<256x1xf32>, vector<256x1xf32>, vector<256x1xf32>, vector<256x1xf32>, vector<256x1xf32> -> vector<256x12xf32>
    %sub3A_296 = vector.broadcast %slice3A : vector<256x1xf32> to vector<256x12xf32>
    %sub3A_297 = arith.subf %concatenate3A_295, %sub3A_296 : vector<256x12xf32>
    %slice3A_298 = vector.extract_strided_slice %dot_general3A_51 {offsets = [0, 1], sizes = [256, 1], strides = [1, 1]} : vector<256x3xf32> to vector<256x1xf32>
    %slice3A_299 = vector.extract_strided_slice %dot_general3A_72 {offsets = [0, 1], sizes = [256, 1], strides = [1, 1]} : vector<256x3xf32> to vector<256x1xf32>
    %slice3A_300 = vector.extract_strided_slice %dot_general3A_93 {offsets = [0, 1], sizes = [256, 1], strides = [1, 1]} : vector<256x3xf32> to vector<256x1xf32>
    %slice3A_301 = vector.extract_strided_slice %dot_general3A_114 {offsets = [0, 1], sizes = [256, 1], strides = [1, 1]} : vector<256x3xf32> to vector<256x1xf32>
    %slice3A_302 = vector.extract_strided_slice %dot_general3A_135 {offsets = [0, 1], sizes = [256, 1], strides = [1, 1]} : vector<256x3xf32> to vector<256x1xf32>
    %slice3A_303 = vector.extract_strided_slice %dot_general3A_156 {offsets = [0, 1], sizes = [256, 1], strides = [1, 1]} : vector<256x3xf32> to vector<256x1xf32>
    %slice3A_304 = vector.extract_strided_slice %dot_general3A_177 {offsets = [0, 1], sizes = [256, 1], strides = [1, 1]} : vector<256x3xf32> to vector<256x1xf32>
    %slice3A_305 = vector.extract_strided_slice %dot_general3A_198 {offsets = [0, 1], sizes = [256, 1], strides = [1, 1]} : vector<256x3xf32> to vector<256x1xf32>
    %slice3A_306 = vector.extract_strided_slice %dot_general3A_219 {offsets = [0, 1], sizes = [256, 1], strides = [1, 1]} : vector<256x3xf32> to vector<256x1xf32>
    %slice3A_307 = vector.extract_strided_slice %dot_general3A_240 {offsets = [0, 1], sizes = [256, 1], strides = [1, 1]} : vector<256x3xf32> to vector<256x1xf32>
    %slice3A_308 = vector.extract_strided_slice %dot_general3A_261 {offsets = [0, 1], sizes = [256, 1], strides = [1, 1]} : vector<256x3xf32> to vector<256x1xf32>
    %slice3A_309 = vector.extract_strided_slice %dot_general3A_282 {offsets = [0, 1], sizes = [256, 1], strides = [1, 1]} : vector<256x3xf32> to vector<256x1xf32>
    %concatenate3A_310 = tpu.concatenate %slice3A_298, %slice3A_299, %slice3A_300, %slice3A_301, %slice3A_302, %slice3A_303, %slice3A_304, %slice3A_305, %slice3A_306, %slice3A_307, %slice3A_308, %slice3A_309 in 1 : vector<256x1xf32>, vector<256x1xf32>, vector<256x1xf32>, vector<256x1xf32>, vector<256x1xf32>, vector<256x1xf32>, vector<256x1xf32>, vector<256x1xf32>, vector<256x1xf32>, vector<256x1xf32>, vector<256x1xf32>, vector<256x1xf32> -> vector<256x12xf32>
    %sub3A_311 = vector.broadcast %slice3A_8 : vector<256x1xf32> to vector<256x12xf32>
    %sub3A_312 = arith.subf %concatenate3A_310, %sub3A_311 : vector<256x12xf32>
    %slice3A_313 = vector.extract_strided_slice %dot_general3A_51 {offsets = [0, 2], sizes = [256, 1], strides = [1, 1]} : vector<256x3xf32> to vector<256x1xf32>
    %slice3A_314 = vector.extract_strided_slice %dot_general3A_72 {offsets = [0, 2], sizes = [256, 1], strides = [1, 1]} : vector<256x3xf32> to vector<256x1xf32>
    %slice3A_315 = vector.extract_strided_slice %dot_general3A_93 {offsets = [0, 2], sizes = [256, 1], strides = [1, 1]} : vector<256x3xf32> to vector<256x1xf32>
    %slice3A_316 = vector.extract_strided_slice %dot_general3A_114 {offsets = [0, 2], sizes = [256, 1], strides = [1, 1]} : vector<256x3xf32> to vector<256x1xf32>
    %slice3A_317 = vector.extract_strided_slice %dot_general3A_135 {offsets = [0, 2], sizes = [256, 1], strides = [1, 1]} : vector<256x3xf32> to vector<256x1xf32>
    %slice3A_318 = vector.extract_strided_slice %dot_general3A_156 {offsets = [0, 2], sizes = [256, 1], strides = [1, 1]} : vector<256x3xf32> to vector<256x1xf32>
    %slice3A_319 = vector.extract_strided_slice %dot_general3A_177 {offsets = [0, 2], sizes = [256, 1], strides = [1, 1]} : vector<256x3xf32> to vector<256x1xf32>
    %slice3A_320 = vector.extract_strided_slice %dot_general3A_198 {offsets = [0, 2], sizes = [256, 1], strides = [1, 1]} : vector<256x3xf32> to vector<256x1xf32>
    %slice3A_321 = vector.extract_strided_slice %dot_general3A_219 {offsets = [0, 2], sizes = [256, 1], strides = [1, 1]} : vector<256x3xf32> to vector<256x1xf32>
    %slice3A_322 = vector.extract_strided_slice %dot_general3A_240 {offsets = [0, 2], sizes = [256, 1], strides = [1, 1]} : vector<256x3xf32> to vector<256x1xf32>
    %slice3A_323 = vector.extract_strided_slice %dot_general3A_261 {offsets = [0, 2], sizes = [256, 1], strides = [1, 1]} : vector<256x3xf32> to vector<256x1xf32>
    %slice3A_324 = vector.extract_strided_slice %dot_general3A_282 {offsets = [0, 2], sizes = [256, 1], strides = [1, 1]} : vector<256x3xf32> to vector<256x1xf32>
    %concatenate3A_325 = tpu.concatenate %slice3A_313, %slice3A_314, %slice3A_315, %slice3A_316, %slice3A_317, %slice3A_318, %slice3A_319, %slice3A_320, %slice3A_321, %slice3A_322, %slice3A_323, %slice3A_324 in 1 : vector<256x1xf32>, vector<256x1xf32>, vector<256x1xf32>, vector<256x1xf32>, vector<256x1xf32>, vector<256x1xf32>, vector<256x1xf32>, vector<256x1xf32>, vector<256x1xf32>, vector<256x1xf32>, vector<256x1xf32>, vector<256x1xf32> -> vector<256x12xf32>
    %sub3A_326 = vector.broadcast %slice3A_9 : vector<256x1xf32> to vector<256x12xf32>
    %sub3A_327 = arith.subf %concatenate3A_325, %sub3A_326 : vector<256x12xf32>
    %sqrt3A = math.sqrt %concatenate3A : vector<256x12xf32>
    %div3A = arith.constant 1.000000e+00 : f32
    %div3A_328 = vector.broadcast %div3A : f32 to vector<256x12xf32>
    %div3A_329 = arith.divf %div3A_328, %sqrt3A : vector<256x12xf32>
    %mul3A_330 = arith.mulf %sub3A_297, %div3A_329 : vector<256x12xf32>
    %mul3A_331 = arith.mulf %sub3A_312, %div3A_329 : vector<256x12xf32>
    %mul3A_332 = arith.mulf %sub3A_327, %div3A_329 : vector<256x12xf32>
    %sub3A_333 = arith.constant 3.000000e-01 : f32
    %sub3A_334 = vector.broadcast %sub3A_333 : f32 to vector<256x12xf32>
    %sub3A_335 = arith.subf %sqrt3A, %sub3A_334 : vector<256x12xf32>
    %mul3A_336 = arith.mulf %sub3A_335, %sub3A_335 : vector<256x12xf32>
    %mul3A_337 = arith.constant -2.000000e+00 : f32
    %mul3A_338 = vector.broadcast %mul3A_337 : f32 to vector<256x12xf32>
    %mul3A_339 = arith.mulf %mul3A_336, %mul3A_338 : vector<256x12xf32>
    %exp3A = math.exp %mul3A_339 : vector<256x12xf32>
    %reduce_sum3A = arith.constant dense<0.000000e+00> : vector<256xf32>
    %reduce_sum3A_340 = vector.multi_reduction <add>, %exp3A, %reduce_sum3A [1] : vector<256x12xf32> to vector<256xf32>
    %broadcast_in_dim3A_341 = vector.shape_cast %reduce_sum3A_340 : vector<256xf32> to vector<256x1xf32>
    %mul3A_342 = arith.mulf %mul3A_332, %mul3A_332 : vector<256x12xf32>
    %mul3A_343 = arith.constant 2.310000e+02 : f32
    %mul3A_344 = vector.broadcast %mul3A_343 : f32 to vector<256x12xf32>
    %mul3A_345 = arith.mulf %mul3A_344, %mul3A_342 : vector<256x12xf32>
    %sub3A_346 = arith.constant 3.150000e+02 : f32
    %sub3A_347 = vector.broadcast %sub3A_346 : f32 to vector<256x12xf32>
    %sub3A_348 = arith.subf %mul3A_345, %sub3A_347 : vector<256x12xf32>
    %mul3A_349 = arith.mulf %sub3A_348, %mul3A_342 : vector<256x12xf32>
    %add3A_350 = arith.constant 1.050000e+02 : f32
    %add3A_351 = vector.broadcast %add3A_350 : f32 to vector<256x12xf32>
    %add3A_352 = arith.addf %mul3A_349, %add3A_351 : vector<256x12xf32>
    %mul3A_353 = arith.mulf %add3A_352, %mul3A_342 : vector<256x12xf32>
    %sub3A_354 = arith.constant 5.000000e+00 : f32
    %sub3A_355 = vector.broadcast %sub3A_354 : f32 to vector<256x12xf32>
    %sub3A_356 = arith.subf %mul3A_353, %sub3A_355 : vector<256x12xf32>
    %mul3A_357 = arith.constant 6.250000e-02 : f32
    %mul3A_358 = vector.broadcast %mul3A_357 : f32 to vector<256x12xf32>
    %mul3A_359 = arith.mulf %sub3A_356, %mul3A_358 : vector<256x12xf32>
    %mul3A_360 = arith.constant 1.386000e+03 : f32
    %mul3A_361 = vector.broadcast %mul3A_360 : f32 to vector<256x12xf32>
    %mul3A_362 = arith.mulf %mul3A_361, %mul3A_342 : vector<256x12xf32>
    %sub3A_363 = arith.constant 1.260000e+03 : f32
    %sub3A_364 = vector.broadcast %sub3A_363 : f32 to vector<256x12xf32>
    %sub3A_365 = arith.subf %mul3A_362, %sub3A_364 : vector<256x12xf32>
    %mul3A_366 = arith.mulf %sub3A_365, %mul3A_342 : vector<256x12xf32>
    %add3A_367 = arith.constant 2.100000e+02 : f32
    %add3A_368 = vector.broadcast %add3A_367 : f32 to vector<256x12xf32>
    %add3A_369 = arith.addf %mul3A_366, %add3A_368 : vector<256x12xf32>
    %mul3A_370 = arith.mulf %add3A_369, %mul3A_332 : vector<256x12xf32>
    %mul3A_371 = arith.constant 6.250000e-02 : f32
    %mul3A_372 = vector.broadcast %mul3A_371 : f32 to vector<256x12xf32>
    %mul3A_373 = arith.mulf %mul3A_370, %mul3A_372 : vector<256x12xf32>
    %mul3A_374 = arith.constant 6.930000e+03 : f32
    %mul3A_375 = vector.broadcast %mul3A_374 : f32 to vector<256x12xf32>
    %mul3A_376 = arith.mulf %mul3A_375, %mul3A_342 : vector<256x12xf32>
    %sub3A_377 = arith.constant 3.780000e+03 : f32
    %sub3A_378 = vector.broadcast %sub3A_377 : f32 to vector<256x12xf32>
    %sub3A_379 = arith.subf %mul3A_376, %sub3A_378 : vector<256x12xf32>
    %mul3A_380 = arith.mulf %sub3A_379, %mul3A_342 : vector<256x12xf32>
    %add3A_381 = arith.constant 2.100000e+02 : f32
    %add3A_382 = vector.broadcast %add3A_381 : f32 to vector<256x12xf32>
    %add3A_383 = arith.addf %mul3A_380, %add3A_382 : vector<256x12xf32>
    %mul3A_384 = arith.constant 6.250000e-02 : f32
    %mul3A_385 = vector.broadcast %mul3A_384 : f32 to vector<256x12xf32>
    %mul3A_386 = arith.mulf %add3A_383, %mul3A_385 : vector<256x12xf32>
    %mul3A_387 = arith.constant 2.772000e+04 : f32
    %mul3A_388 = vector.broadcast %mul3A_387 : f32 to vector<256x12xf32>
    %mul3A_389 = arith.mulf %mul3A_388, %mul3A_342 : vector<256x12xf32>
    %sub3A_390 = arith.constant 7.560000e+03 : f32
    %sub3A_391 = vector.broadcast %sub3A_390 : f32 to vector<256x12xf32>
    %sub3A_392 = arith.subf %mul3A_389, %sub3A_391 : vector<256x12xf32>
    %mul3A_393 = arith.mulf %sub3A_392, %mul3A_332 : vector<256x12xf32>
    %mul3A_394 = arith.constant 6.250000e-02 : f32
    %mul3A_395 = vector.broadcast %mul3A_394 : f32 to vector<256x12xf32>
    %mul3A_396 = arith.mulf %mul3A_393, %mul3A_395 : vector<256x12xf32>
    %mul3A_397 = arith.constant 8.316000e+04 : f32
    %mul3A_398 = vector.broadcast %mul3A_397 : f32 to vector<256x12xf32>
    %mul3A_399 = arith.mulf %mul3A_398, %mul3A_342 : vector<256x12xf32>
    %sub3A_400 = arith.constant 7.560000e+03 : f32
    %sub3A_401 = vector.broadcast %sub3A_400 : f32 to vector<256x12xf32>
    %sub3A_402 = arith.subf %mul3A_399, %sub3A_401 : vector<256x12xf32>
    %mul3A_403 = arith.constant 6.250000e-02 : f32
    %mul3A_404 = vector.broadcast %mul3A_403 : f32 to vector<256x12xf32>
    %mul3A_405 = arith.mulf %sub3A_402, %mul3A_404 : vector<256x12xf32>
    %mul3A_406 = arith.constant 1.039500e+04 : f32
    %mul3A_407 = vector.broadcast %mul3A_406 : f32 to vector<256x12xf32>
    %mul3A_408 = arith.mulf %mul3A_407, %mul3A_332 : vector<256x12xf32>
    %mul3A_409 = arith.mulf %exp3A, %mul3A_359 : vector<256x12xf32>
    %reduce_sum3A_410 = arith.constant dense<0.000000e+00> : vector<256xf32>
    %reduce_sum3A_411 = vector.multi_reduction <add>, %mul3A_409, %reduce_sum3A_410 [1] : vector<256x12xf32> to vector<256xf32>
    %broadcast_in_dim3A_412 = vector.shape_cast %reduce_sum3A_411 : vector<256xf32> to vector<256x1xf32>
    %mul3A_413 = arith.constant 1.01710725 : f32
    %mul3A_414 = vector.broadcast %mul3A_413 : f32 to vector<256x1xf32>
    %mul3A_415 = arith.mulf %mul3A_414, %broadcast_in_dim3A_412 : vector<256x1xf32>
    %mul3A_416 = arith.mulf %mul3A_415, %mul3A_415 : vector<256x1xf32>
    %mul3A_417 = arith.mulf %mul3A_373, %mul3A_330 : vector<256x12xf32>
    %mul3A_418 = arith.mulf %exp3A, %mul3A_417 : vector<256x12xf32>
    %reduce_sum3A_419 = arith.constant dense<0.000000e+00> : vector<256xf32>
    %reduce_sum3A_420 = vector.multi_reduction <add>, %mul3A_418, %reduce_sum3A_419 [1] : vector<256x12xf32> to vector<256xf32>
    %broadcast_in_dim3A_421 = vector.shape_cast %reduce_sum3A_420 : vector<256xf32> to vector<256x1xf32>
    %mul3A_422 = arith.constant 2.219510e-01 : f32
    %mul3A_423 = vector.broadcast %mul3A_422 : f32 to vector<256x1xf32>
    %mul3A_424 = arith.mulf %mul3A_423, %broadcast_in_dim3A_421 : vector<256x1xf32>
    %mul3A_425 = arith.mulf %mul3A_373, %mul3A_331 : vector<256x12xf32>
    %mul3A_426 = arith.mulf %exp3A, %mul3A_425 : vector<256x12xf32>
    %reduce_sum3A_427 = arith.constant dense<0.000000e+00> : vector<256xf32>
    %reduce_sum3A_428 = vector.multi_reduction <add>, %mul3A_426, %reduce_sum3A_427 [1] : vector<256x12xf32> to vector<256xf32>
    %broadcast_in_dim3A_429 = vector.shape_cast %reduce_sum3A_428 : vector<256xf32> to vector<256x1xf32>
    %mul3A_430 = arith.constant 2.219510e-01 : f32
    %mul3A_431 = vector.broadcast %mul3A_430 : f32 to vector<256x1xf32>
    %mul3A_432 = arith.mulf %mul3A_431, %broadcast_in_dim3A_429 : vector<256x1xf32>
    %mul3A_433 = arith.mulf %mul3A_330, %mul3A_330 : vector<256x12xf32>
    %mul3A_434 = arith.mulf %mul3A_331, %mul3A_331 : vector<256x12xf32>
    %sub3A_435 = arith.subf %mul3A_433, %mul3A_434 : vector<256x12xf32>
    %mul3A_436 = arith.mulf %mul3A_330, %mul3A_331 : vector<256x12xf32>
    %mul3A_437 = arith.mulf %mul3A_331, %mul3A_330 : vector<256x12xf32>
    %add3A_438 = arith.addf %mul3A_436, %mul3A_437 : vector<256x12xf32>
    %mul3A_439 = arith.mulf %mul3A_424, %mul3A_424 : vector<256x1xf32>
    %add3A_440 = arith.addf %mul3A_416, %mul3A_439 : vector<256x1xf32>
    %mul3A_441 = arith.mulf %mul3A_432, %mul3A_432 : vector<256x1xf32>
    %add3A_442 = arith.addf %add3A_440, %mul3A_441 : vector<256x1xf32>
    %mul3A_443 = arith.mulf %mul3A_386, %sub3A_435 : vector<256x12xf32>
    %mul3A_444 = arith.mulf %exp3A, %mul3A_443 : vector<256x12xf32>
    %reduce_sum3A_445 = arith.constant dense<0.000000e+00> : vector<256xf32>
    %reduce_sum3A_446 = vector.multi_reduction <add>, %mul3A_444, %reduce_sum3A_445 [1] : vector<256x12xf32> to vector<256xf32>
    %broadcast_in_dim3A_447 = vector.shape_cast %reduce_sum3A_446 : vector<256xf32> to vector<256x1xf32>
    %mul3A_448 = arith.constant 0.0350935347 : f32
    %mul3A_449 = vector.broadcast %mul3A_448 : f32 to vector<256x1xf32>
    %mul3A_450 = arith.mulf %mul3A_449, %broadcast_in_dim3A_447 : vector<256x1xf32>
    %mul3A_451 = arith.mulf %mul3A_386, %add3A_438 : vector<256x12xf32>
    %mul3A_452 = arith.mulf %exp3A, %mul3A_451 : vector<256x12xf32>
    %reduce_sum3A_453 = arith.constant dense<0.000000e+00> : vector<256xf32>
    %reduce_sum3A_454 = vector.multi_reduction <add>, %mul3A_452, %reduce_sum3A_453 [1] : vector<256x12xf32> to vector<256xf32>
    %broadcast_in_dim3A_455 = vector.shape_cast %reduce_sum3A_454 : vector<256xf32> to vector<256x1xf32>
    %mul3A_456 = arith.constant 0.0350935347 : f32
    %mul3A_457 = vector.broadcast %mul3A_456 : f32 to vector<256x1xf32>
    %mul3A_458 = arith.mulf %mul3A_457, %broadcast_in_dim3A_455 : vector<256x1xf32>
    %mul3A_459 = arith.mulf %sub3A_435, %mul3A_330 : vector<256x12xf32>
    %mul3A_460 = arith.mulf %add3A_438, %mul3A_331 : vector<256x12xf32>
    %sub3A_461 = arith.subf %mul3A_459, %mul3A_460 : vector<256x12xf32>
    %mul3A_462 = arith.mulf %sub3A_435, %mul3A_331 : vector<256x12xf32>
    %mul3A_463 = arith.mulf %add3A_438, %mul3A_330 : vector<256x12xf32>
    %add3A_464 = arith.addf %mul3A_462, %mul3A_463 : vector<256x12xf32>
    %mul3A_465 = arith.mulf %mul3A_450, %mul3A_450 : vector<256x1xf32>
    %add3A_466 = arith.addf %add3A_442, %mul3A_465 : vector<256x1xf32>
    %mul3A_467 = arith.mulf %mul3A_458, %mul3A_458 : vector<256x1xf32>
    %add3A_468 = arith.addf %add3A_466, %mul3A_467 : vector<256x1xf32>
    %mul3A_469 = arith.mulf %mul3A_396, %sub3A_461 : vector<256x12xf32>
    %mul3A_470 = arith.mulf %exp3A, %mul3A_469 : vector<256x12xf32>
    %reduce_sum3A_471 = arith.constant dense<0.000000e+00> : vector<256xf32>
    %reduce_sum3A_472 = vector.multi_reduction <add>, %mul3A_470, %reduce_sum3A_471 [1] : vector<256x12xf32> to vector<256xf32>
    %broadcast_in_dim3A_473 = vector.shape_cast %reduce_sum3A_472 : vector<256xf32> to vector<256x1xf32>
    %mul3A_474 = arith.constant 0.0058489223 : f32
    %mul3A_475 = vector.broadcast %mul3A_474 : f32 to vector<256x1xf32>
    %mul3A_476 = arith.mulf %mul3A_475, %broadcast_in_dim3A_473 : vector<256x1xf32>
    %mul3A_477 = arith.mulf %mul3A_396, %add3A_464 : vector<256x12xf32>
    %mul3A_478 = arith.mulf %exp3A, %mul3A_477 : vector<256x12xf32>
    %reduce_sum3A_479 = arith.constant dense<0.000000e+00> : vector<256xf32>
    %reduce_sum3A_480 = vector.multi_reduction <add>, %mul3A_478, %reduce_sum3A_479 [1] : vector<256x12xf32> to vector<256xf32>
    %broadcast_in_dim3A_481 = vector.shape_cast %reduce_sum3A_480 : vector<256xf32> to vector<256x1xf32>
    %mul3A_482 = arith.constant 0.0058489223 : f32
    %mul3A_483 = vector.broadcast %mul3A_482 : f32 to vector<256x1xf32>
    %mul3A_484 = arith.mulf %mul3A_483, %broadcast_in_dim3A_481 : vector<256x1xf32>
    %mul3A_485 = arith.mulf %sub3A_461, %mul3A_330 : vector<256x12xf32>
    %mul3A_486 = arith.mulf %add3A_464, %mul3A_331 : vector<256x12xf32>
    %sub3A_487 = arith.subf %mul3A_485, %mul3A_486 : vector<256x12xf32>
    %mul3A_488 = arith.mulf %sub3A_461, %mul3A_331 : vector<256x12xf32>
    %mul3A_489 = arith.mulf %add3A_464, %mul3A_330 : vector<256x12xf32>
    %add3A_490 = arith.addf %mul3A_488, %mul3A_489 : vector<256x12xf32>
    %mul3A_491 = arith.mulf %mul3A_476, %mul3A_476 : vector<256x1xf32>
    %add3A_492 = arith.addf %add3A_468, %mul3A_491 : vector<256x1xf32>
    %mul3A_493 = arith.mulf %mul3A_484, %mul3A_484 : vector<256x1xf32>
    %add3A_494 = arith.addf %add3A_492, %mul3A_493 : vector<256x1xf32>
    %mul3A_495 = arith.mulf %mul3A_405, %sub3A_487 : vector<256x12xf32>
    %mul3A_496 = arith.mulf %exp3A, %mul3A_495 : vector<256x12xf32>
    %reduce_sum3A_497 = arith.constant dense<0.000000e+00> : vector<256xf32>
    %reduce_sum3A_498 = vector.multi_reduction <add>, %mul3A_496, %reduce_sum3A_497 [1] : vector<256x12xf32> to vector<256xf32>
    %broadcast_in_dim3A_499 = vector.shape_cast %reduce_sum3A_498 : vector<256xf32> to vector<256x1xf32>
    %mul3A_500 = arith.constant 0.00106786226 : f32
    %mul3A_501 = vector.broadcast %mul3A_500 : f32 to vector<256x1xf32>
    %mul3A_502 = arith.mulf %mul3A_501, %broadcast_in_dim3A_499 : vector<256x1xf32>
    %mul3A_503 = arith.mulf %mul3A_405, %add3A_490 : vector<256x12xf32>
    %mul3A_504 = arith.mulf %exp3A, %mul3A_503 : vector<256x12xf32>
    %reduce_sum3A_505 = arith.constant dense<0.000000e+00> : vector<256xf32>
    %reduce_sum3A_506 = vector.multi_reduction <add>, %mul3A_504, %reduce_sum3A_505 [1] : vector<256x12xf32> to vector<256xf32>
    %broadcast_in_dim3A_507 = vector.shape_cast %reduce_sum3A_506 : vector<256xf32> to vector<256x1xf32>
    %mul3A_508 = arith.constant 0.00106786226 : f32
    %mul3A_509 = vector.broadcast %mul3A_508 : f32 to vector<256x1xf32>
    %mul3A_510 = arith.mulf %mul3A_509, %broadcast_in_dim3A_507 : vector<256x1xf32>
    %mul3A_511 = arith.mulf %sub3A_487, %mul3A_330 : vector<256x12xf32>
    %mul3A_512 = arith.mulf %add3A_490, %mul3A_331 : vector<256x12xf32>
    %sub3A_513 = arith.subf %mul3A_511, %mul3A_512 : vector<256x12xf32>
    %mul3A_514 = arith.mulf %sub3A_487, %mul3A_331 : vector<256x12xf32>
    %mul3A_515 = arith.mulf %add3A_490, %mul3A_330 : vector<256x12xf32>
    %add3A_516 = arith.addf %mul3A_514, %mul3A_515 : vector<256x12xf32>
    %mul3A_517 = arith.mulf %mul3A_502, %mul3A_502 : vector<256x1xf32>
    %add3A_518 = arith.addf %add3A_494, %mul3A_517 : vector<256x1xf32>
    %mul3A_519 = arith.mulf %mul3A_510, %mul3A_510 : vector<256x1xf32>
    %add3A_520 = arith.addf %add3A_518, %mul3A_519 : vector<256x1xf32>
    %mul3A_521 = arith.mulf %mul3A_408, %sub3A_513 : vector<256x12xf32>
    %mul3A_522 = arith.mulf %exp3A, %mul3A_521 : vector<256x12xf32>
    %reduce_sum3A_523 = arith.constant dense<0.000000e+00> : vector<256xf32>
    %reduce_sum3A_524 = vector.multi_reduction <add>, %mul3A_522, %reduce_sum3A_523 [1] : vector<256x12xf32> to vector<256xf32>
    %broadcast_in_dim3A_525 = vector.shape_cast %reduce_sum3A_524 : vector<256xf32> to vector<256x1xf32>
    %mul3A_526 = arith.constant 2.27668992E-4 : f32
    %mul3A_527 = vector.broadcast %mul3A_526 : f32 to vector<256x1xf32>
    %mul3A_528 = arith.mulf %mul3A_527, %broadcast_in_dim3A_525 : vector<256x1xf32>
    %mul3A_529 = arith.mulf %mul3A_408, %add3A_516 : vector<256x12xf32>
    %mul3A_530 = arith.mulf %exp3A, %mul3A_529 : vector<256x12xf32>
    %reduce_sum3A_531 = arith.constant dense<0.000000e+00> : vector<256xf32>
    %reduce_sum3A_532 = vector.multi_reduction <add>, %mul3A_530, %reduce_sum3A_531 [1] : vector<256x12xf32> to vector<256xf32>
    %broadcast_in_dim3A_533 = vector.shape_cast %reduce_sum3A_532 : vector<256xf32> to vector<256x1xf32>
    %mul3A_534 = arith.constant 2.27668992E-4 : f32
    %mul3A_535 = vector.broadcast %mul3A_534 : f32 to vector<256x1xf32>
    %mul3A_536 = arith.mulf %mul3A_535, %broadcast_in_dim3A_533 : vector<256x1xf32>
    %mul3A_537 = arith.mulf %sub3A_513, %mul3A_330 : vector<256x12xf32>
    %mul3A_538 = arith.mulf %add3A_516, %mul3A_331 : vector<256x12xf32>
    %sub3A_539 = arith.subf %mul3A_537, %mul3A_538 : vector<256x12xf32>
    %mul3A_540 = arith.mulf %sub3A_513, %mul3A_331 : vector<256x12xf32>
    %mul3A_541 = arith.mulf %add3A_516, %mul3A_330 : vector<256x12xf32>
    %add3A_542 = arith.addf %mul3A_540, %mul3A_541 : vector<256x12xf32>
    %mul3A_543 = arith.mulf %mul3A_528, %mul3A_528 : vector<256x1xf32>
    %add3A_544 = arith.addf %add3A_520, %mul3A_543 : vector<256x1xf32>
    %mul3A_545 = arith.mulf %mul3A_536, %mul3A_536 : vector<256x1xf32>
    %add3A_546 = arith.addf %add3A_544, %mul3A_545 : vector<256x1xf32>
    %mul3A_547 = arith.mulf %exp3A, %sub3A_539 : vector<256x12xf32>
    %reduce_sum3A_548 = arith.constant dense<0.000000e+00> : vector<256xf32>
    %reduce_sum3A_549 = vector.multi_reduction <add>, %mul3A_547, %reduce_sum3A_548 [1] : vector<256x12xf32> to vector<256xf32>
    %broadcast_in_dim3A_550 = vector.shape_cast %reduce_sum3A_549 : vector<256xf32> to vector<256x1xf32>
    %mul3A_551 = arith.constant 0.683184087 : f32
    %mul3A_552 = vector.broadcast %mul3A_551 : f32 to vector<256x1xf32>
    %mul3A_553 = arith.mulf %mul3A_552, %broadcast_in_dim3A_550 : vector<256x1xf32>
    %mul3A_554 = arith.mulf %exp3A, %add3A_542 : vector<256x12xf32>
    %reduce_sum3A_555 = arith.constant dense<0.000000e+00> : vector<256xf32>
    %reduce_sum3A_556 = vector.multi_reduction <add>, %mul3A_554, %reduce_sum3A_555 [1] : vector<256x12xf32> to vector<256xf32>
    %broadcast_in_dim3A_557 = vector.shape_cast %reduce_sum3A_556 : vector<256xf32> to vector<256x1xf32>
    %mul3A_558 = arith.constant 0.683184087 : f32
    %mul3A_559 = vector.broadcast %mul3A_558 : f32 to vector<256x1xf32>
    %mul3A_560 = arith.mulf %mul3A_559, %broadcast_in_dim3A_557 : vector<256x1xf32>
    %mul3A_561 = arith.mulf %mul3A_553, %mul3A_553 : vector<256x1xf32>
    %add3A_562 = arith.addf %add3A_546, %mul3A_561 : vector<256x1xf32>
    %mul3A_563 = arith.mulf %mul3A_560, %mul3A_560 : vector<256x1xf32>
    %add3A_564 = arith.addf %add3A_562, %mul3A_563 : vector<256x1xf32>
    %sqrt3A_565 = math.sqrt %add3A_564 : vector<256x1xf32>
    %div3A_566 = arith.divf %sqrt3A_565, %broadcast_in_dim3A_341 : vector<256x1xf32>
    %reduce_sum3A_567 = arith.constant dense<0.000000e+00> : vector<1xf32>
    %reduce_sum3A_568 = vector.multi_reduction <add>, %div3A_566, %reduce_sum3A_567 [0] : vector<256x1xf32> to vector<1xf32>
    %broadcast_in_dim3A_569 = vector.shape_cast %reduce_sum3A_568 : vector<1xf32> to vector<1x1xf32>
    %mul3A_570 = arith.constant 2.44140625E-4 : f32
    %mul3A_571 = vector.broadcast %mul3A_570 : f32 to vector<1x1xf32>
    %mul3A_572 = arith.mulf %broadcast_in_dim3A_569, %mul3A_571 : vector<1x1xf32>
    %eq3A_573 = arith.constant 0 : i32
    %eq3A_574 = arith.cmpi eq, %arg0, %eq3A_573 : i32
    %convert_element_type3A_575 = arith.extui %eq3A_574 : i1 to i32
    %cond3A = arith.constant 0 : i32
    %cond3A_576 = arith.cmpi ne, %convert_element_type3A_575, %cond3A : i32
    scf.if %cond3A_576 {
      %broadcast_in_dim3A_583 = arith.constant 0.000000e+00 : f32
      %broadcast_in_dim3A_584 = vector.broadcast %broadcast_in_dim3A_583 : f32 to vector<1x1xf32>
      %swap3A_585 = arith.constant 0 : index
      %swap3A_586 = arith.constant 0 : index
      %swap3A_587 = vector.load %arg4[%swap3A_585, %swap3A_586] : memref<1x1xf32, #tpu.memory_space<vmem>>, vector<1x1xf32>
      tpu.vector_store %arg4[%swap3A_585, %swap3A_586], %broadcast_in_dim3A_584 {strides = array<i32>} : memref<1x1xf32, #tpu.memory_space<vmem>>, vector<1x1xf32>,
    } else {
    }
    %get3A_577 = arith.constant 0 : index
    %get3A_578 = arith.constant 0 : index
    %get3A_579 = vector.load %arg4[%get3A_577, %get3A_578] : memref<1x1xf32, #tpu.memory_space<vmem>>, vector<1x1xf32>
    %add3A_580 = arith.addf %get3A_579, %mul3A_572 : vector<1x1xf32>
    %swap3A = arith.constant 0 : index
    %swap3A_581 = arith.constant 0 : index
    %swap3A_582 = vector.load %arg4[%swap3A, %swap3A_581] : memref<1x1xf32, #tpu.memory_space<vmem>>, vector<1x1xf32>
    tpu.vector_store %arg4[%swap3A, %swap3A_581], %add3A_580 {strides = array<i32>} : memref<1x1xf32, #tpu.memory_space<vmem>>, vector<1x1xf32>,
    return
  }
  func.func @transform_0(%arg0: i32) -> (i32, i32) {
    %c0_i32 = arith.constant 0 : i32
    %c0_i32_0 = arith.constant 0 : i32
    return %arg0, %c0_i32 : i32, i32
  }
  func.func @transform_1(%arg0: i32) -> (i32, i32) {
    %c0_i32 = arith.constant 0 : i32
    %c0_i32_0 = arith.constant 0 : i32
    %c0_i32_1 = arith.constant 0 : i32
    return %c0_i32, %c0_i32_0 : i32, i32
  }
  func.func @transform_2(%arg0: i32) -> (i32, i32) {
    %c0_i32 = arith.constant 0 : i32
    %c0_i32_0 = arith.constant 0 : i32
    %c0_i32_1 = arith.constant 0 : i32
    return %c0_i32, %c0_i32_0 : i32, i32
  }
  func.func @transform_3(%arg0: i32) -> (i32, i32) {
    %c0_i32 = arith.constant 0 : i32
    %c0_i32_0 = arith.constant 0 : i32
    %c0_i32_1 = arith.constant 0 : i32
    return %c0_i32, %c0_i32_0 : i32, i32
  }
}

</mosaic_0001>

<sc_bundles>
// kernel: kernel.4.cloned.1.call-start
scs
__scs_entry_jumppad:
0x0: {  	(pc) =	sbr.rel $0x88, $3  }
0x1: {  	(tag) =	ssettag $0x0;
	lr =	simm.s32 $0x1  }
0x2: {  	[smem:$0x3FA0] =	sst lr;
	_ =	strace $0xD0000000  }
0x3: {  	_ = 	snop  }
0x4: {  	_ = 	snop  }
0x5: {  	_ = 	snop  }
0x6: {  	_ = 	snop  }
0x7: {  	_ = 	snop  }
__scs_overlays_trampoline_lowered:
0x8: {  	[smem:$0x3FAF] =	sst s0  }
0x9: {  	[smem:$0x3FB0] =	sst s1  }
0xa: {  	[smem:$0x3FB1] =	sst s2  }
0xb: {  	[smem:$0x3FB2] =	sst s3  }
0xc: {  	[smem:$0x3FB3] =	sst s4  }
0xd: {  	[smem:$0x3FB4] =	sst s5  }
0xe: {  	[smem:$0x3FB5] =	sst s6  }
0xf: {  	[smem:$0x3FB6] =	sst s7  }
0x10: {  	[smem:$0x3FB7] =	sst s8  }
0x11: {  	[smem:$0x3FB8] =	sst s9;
	s0 =	simm.s32 @!p0 $0x0  }
0x12: {  	s1 =	sld [smem:$0x3F9E];
	s0 =	simm.s32 @p0 $0x1  }
0x13: {  	[smem:$0x3FB9] =	sst s0;
	s0 =	simm.s32 @!p1 $0x0  }
0x14: {  	s2 =	sld [smem:$0x3F9D];
	s0 =	simm.s32 @p1 $0x1  }
0x15: {  	[smem:$0x3FBA] =	sst s0;
	s0 =	simm.s32 @!p2 $0x0  }
0x16: {  	s3 =	sld [smem:$0x3FDB];
	s0 =	simm.s32 @p2 $0x1  }
0x17: {  	s4 =	simm.s32 $0x1BF5;
	[smem:$0x3FBC] =	sst s0  }
0x18: {  	s0 =	sld [smem:$0x3F9F];
	_ =	swait.ge [sflag:s4], $0x0  }
0x19: {  	s7 =	sld [smem:$0x3FA0]  }
0x1a: {  	s8 =	sadd.s32 $0xFFFFE003, lr  }
0x1b: {  	s9 =	sadd.s32 $0xFFFFFEF7, lr;
	s5 =	simm.s32 $0xFFFFFFFF;
	p2 =	slt.u32 s8, $0xFFFFF086  }
0x1c: {  	p1 =	slt.u32 s9, $0xF7A;
	s5 =	simm.s32 @!p2 $0x0  }
0x1d: {  	s5 =	simm.s32 @p1 $0x1;
	p0 =	seq.s32 s7, s2  }
0x1e: {  	s7 =	smul.u32 @!p0 $0xF7A, s2;
	p2 =	seq.s32 @!p0 s5, $0x0  }
0x1f: {  	s9 =	smul.u32 $0xF7A, s1;
	s8 =	simm.s32 @!p0 $0x1BF5;
	p2 =	por !p2, p0  }
0x20: {  	[sflag:s8] =	ssyncset.s32 @!p0 $0xFFFFF086;
	s6 =	sadd.s32 @!p0 s3, s7;
	s7 =	simm.s32 @!p0 $0x108  }
0x21: {  	s3 =	sadd.s32 s3, s9;
	s6 =	sadd.s32 @!p0 $0x88, s6;
	s7 =	simm.s32 @p2 $0x1082  }
0x22: {  	[simem:s7], [sflag:s8] =	dma.local @!p0 [hbm:s6], $0xF7A  }
0x23: {  	s9 =	sor.u32 $0xD0000000, s2;
	s6 =	simm.s32 $0x108;
	_ =	swait.ge @!p0 [sflag:s8], $0x0  }
0x24: {  	s3 =	sadd.s32 $0x88, s3;
	s6 =	simm.s32 @!p1 $0x1082;
	[sflag:s4] =	ssyncset.s32 $0xFFFFF086  }
0x25: {  	[simem:s6], [sflag:s4] =	dma.local [hbm:s3], $0xF7A  }
0x26: {  	[smem:$0x3FA0] =	sst s1;
	(tag) =	ssettag s2;
	_ =	strace s9  }
0x27: {  	s1 =	sld [smem:$0x3FB0]  }
0x28: {  	s2 =	sld [smem:$0x3FB1]  }
0x29: {  	s4 =	sld [smem:$0x3FB3]  }
0x2a: {  	p0 =	seq.s32 s5, $0x0;
	s5 =	sld [smem:$0x3FB4]  }
0x2b: {  	s6 =	sld [smem:$0x3FB5]  }
0x2c: {  	s7 =	sld [smem:$0x3FB6]  }
0x2d: {  	s3 =	simm.s32 $0x108;
	s8 =	sld [smem:$0x3FB7]  }
0x2e: {  	s3 =	simm.s32 @!p0 $0x1082;
	s9 =	sld [smem:$0x3FB8]  }
0x2f: {  	lr =	sadd.s32 s0, s3;
	s0 =	sld [smem:$0x3FAF]  }
0x30: {  	s3 =	sld [smem:$0x3FB2]  }
0x31: {  	[smem:$0x3FBB] =	sst s10  }
0x32: {  	s10 =	sld [smem:$0x3FB9];
	_ =	sdelay $0x3  }
0x33: {  	p0 =	seq.s32 s10, $0x1;
	s10 =	sld [smem:$0x3FBB];
	_ =	sdelay $0x3  }
0x34: {  	[smem:$0x3FBB] =	sst s10  }
0x35: {  	s10 =	sld [smem:$0x3FBA];
	_ =	sdelay $0x3  }
0x36: {  	p1 =	seq.s32 s10, $0x1;
	s10 =	sld [smem:$0x3FBB];
	_ =	sdelay $0x3  }
0x37: {  	[smem:$0x3FBB] =	sst s10  }
0x38: {  	s10 =	sld [smem:$0x3FBC]  }
0x39: {  	_ = 	snop;
	(pc) =	sbr.ind lr, $3  }
0x3a: {  	_ = 	snop  }
0x3b: {  	_ = 	snop  }
0x3c: {  	p2 =	seq.s32 s10, $0x1;
	s10 =	sld [smem:$0x3FBB]  }
0x3d: {  	_ =	shalt  }
0x3e: {  	_ =	shalt  }
0x3f: {  	_ =	shalt  }
0x40: {  	_ =	shalt  }
0x41: {  	_ =	shalt  }
0x42: {  	_ =	shalt  }
0x43: {  	_ =	shalt  }
0x44: {  	_ =	shalt  }
0x45: {  	_ =	shalt  }
0x46: {  	_ =	shalt  }
0x47: {  	_ =	shalt  }
0x48: {  	_ =	shalt  }
0x49: {  	_ =	shalt  }
0x4a: {  	_ =	shalt  }
0x4b: {  	_ =	shalt  }
0x4c: {  	_ =	shalt  }
0x4d: {  	_ =	shalt  }
0x4e: {  	_ =	shalt  }
0x4f: {  	_ =	shalt  }
0x50: {  	_ =	shalt  }
0x51: {  	_ =	shalt  }
0x52: {  	_ =	shalt  }
0x53: {  	_ =	shalt  }
0x54: {  	_ =	shalt  }
0x55: {  	_ =	shalt  }
0x56: {  	_ =	shalt  }
0x57: {  	_ =	shalt  }
0x58: {  	_ =	shalt  }
0x59: {  	_ =	shalt  }
0x5a: {  	_ =	shalt  }
0x5b: {  	_ =	shalt  }
0x5c: {  	_ =	shalt  }
0x5d: {  	_ =	shalt  }
0x5e: {  	_ =	shalt  }
0x5f: {  	_ =	shalt  }
0x60: {  	_ =	shalt  }
0x61: {  	_ =	shalt  }
0x62: {  	_ =	shalt  }
0x63: {  	_ =	shalt  }
0x64: {  	_ =	shalt  }
0x65: {  	_ =	shalt  }
0x66: {  	_ =	shalt  }
0x67: {  	_ =	shalt  }
0x68: {  	_ =	shalt  }
0x69: {  	_ =	shalt  }
0x6a: {  	_ =	shalt  }
0x6b: {  	_ =	shalt  }
0x6c: {  	_ =	shalt  }
0x6d: {  	_ =	shalt  }
0x6e: {  	_ =	shalt  }
0x6f: {  	_ =	shalt  }
0x70: {  	_ =	shalt  }
0x71: {  	_ =	shalt  }
0x72: {  	_ =	shalt  }
0x73: {  	_ =	shalt  }
0x74: {  	_ =	shalt  }
0x75: {  	_ =	shalt  }
0x76: {  	_ =	shalt  }
0x77: {  	_ =	shalt  }
0x78: {  	_ =	shalt  }
0x79: {  	_ =	shalt  }
0x7a: {  	_ =	shalt  }
0x7b: {  	_ =	shalt  }
0x7c: {  	_ =	shalt  }
0x7d: {  	_ =	shalt  }
0x7e: {  	_ =	shalt  }
0x7f: {  	_ =	shalt  }
0x80: {  	_ =	shalt  }
0x81: {  	_ =	shalt  }
0x82: {  	_ =	shalt  }
0x83: {  	_ =	shalt  }
0x84: {  	_ =	shalt  }
0x85: {  	_ =	shalt  }
0x86: {  	_ =	shalt  }
0x87: {  	_ =	shalt  }
.Lfunc_end0:
.L_simem_size_0:
called_computation_lowered:
.L_overlay_start_0:
0x88: {  	s2 =	sld [smem:$0x3FD9]  }
0x89: {  	s3 =	sld [smem:$0x3FFE];
	_ =	sdelay $0x1  }
0x8a: {  	s1 =	srdreg.scid  }
0x8b: {  	s0 =	sand.u32 $0x1, s1  }
0x8c: {  	s16 =	sshll.u32 s0, $0xA;
	s2 =	sadd.s32 s3, s2  }
0x8d: {  	s2 =	sadd.s32 s2, s16  }
0x8e: {  	[smem:$0x3FC7] =	sst s2  }
0x8f: {  	_ = 	snop  }
0x90: {  	(tm) =	ssettm $0x1  }
0x91: {  	s17 =	sld [smem:$0x3FFB];
	_ =	sdelay $0x3  }
0x92: {  	_ =	strace s17  }
0x93: {  	s2 =	sld [smem:$0x3FFC];
	_ =	sdelay $0x3  }
0x94: {  	_ =	strace s2  }
0x95: {  	s2 =	sld [smem:$0x3FFD];
	_ =	sdelay $0x3  }
0x96: {  	_ =	strace s2  }
0x97: {  	_ =	strace $0x8FFFFFFF  }
0x98: {  	s18 =	sld [smem:$0x3FDB];
	_ =	sdelay $0x1  }
0x99: {  	s19 =	simm.s32 $_scs_section_size  }
0x9a: {  	s4 =	simm.s32 $_size__tile_overlayer_lowered;
	s5 =	simm.s32 $_tile_overlayer_lowered  }
0x9b: {  	s22 =	simm.s32 $0x1BFF;
	s21 =	sshll.u32 s5, $0x1;
	s2 =	sadd.s32 s19, s18  }
0x9c: {  	s6 =	simm.s32 $0x0;
	s20 =	sshll.u32 s4, $0x1;
	s4 =	sadd.s32 s21, s2  }
0x9d: {  	[timem:s6], [sflag:s22] =	dma.local [hbm:s4], s20  }
0x9e: {  	_ =	swait.ge [sflag:s22], s20  }
0x9f: {  	s3 =	ssub.s32 $0x0, s20;
	[sflag:s22] =	ssyncset.done $0x0  }
0xa0: {  	[sflag:s22] =	ssyncadd.s32 s3;
	_ =	sdelay $0x1  }
0xa1: {  	s23 =	simm.s32 $0x1B8B  }
0xa2: {  	_ =	swait.ge [sflag:s23], $0x1  }
0xa3: {  	[sflag:s23] =	ssyncset.done $0x0  }
0xa4: {  	s25 =	simm.s32 $0x1B8E;
	s24 =	sld [smem:$0x3FFE];
	[sflag:s23] =	ssyncadd.s32 $0xFFFFFFFF  }
0xa5: {  	s26 =	simm.s32 $execute0_lowered;
	[smem:$0x3FD2] =	sst s25  }
0xa6: {  	s4 =	sshll.u32 s26, $0x1;
	_ =	strace $0x80000046;
	[dreg:$0x1] =	wrdreg $0xFFFFFFFF  }
0xa7: {  	s28 =	simm.s32 $_size_execute0_lowered;
	s2 =	sadd.s32 s2, s4;
	[dreg:$0x0] =	wrdreg $0x0  }
0xa8: {  	s4 =	sshll.u32 s28, $0x1;
	[dreg:$0x2] =	wrdreg s2  }
0xa9: {  	[dreg:$0x3] =	wrdreg s4  }
0xaa: {  	[dreg:$0x4] =	wrdreg $0xC0  }
0xab: {  	_ =	task [dreg:s6], $0x5FFFF  }
0xac: {  	[dreg:$0x1] =	wrdreg $0xFFFFFFFF  }
0xad: {  	[dreg:$0x0] =	wrdreg $0x60  }
0xae: {  	[dreg:$0x2] =	wrdreg s24  }
0xaf: {  	[dreg:$0x3] =	wrdreg $0x9  }
0xb0: {  	_ =	task.clear_ibuf [dreg:s6], $0x4FFFF;
	_ =	strace $0x90000046  }
0xb1: {  	s29 =	simm.s32 $0x9;
	_ =	strace $0x80000048  }
0xb2: {  	_ =	swait.ge [sflag:s29], $0x1  }
0xb3: {  	[sflag:s29] =	ssyncadd.s32 $0xFFFFFFFF  }
0xb4: {  	_ =	strace $0x90000048  }
0xb5: {  	_ =	sfence  }
0xb6: {  	s30 =	sld [smem:$0x0];
	_ =	sdelay $0x2  }
0xb7: {  	s31 =	sshll.u32 s1, $0xD;
	s1 =	sshrl.u32 s1, $0x2  }
0xb8: {  	s3 =	sand.u32 $0x4000, s31;
	s1 =	sadd.s32 s1, s30  }
0xb9: {  	s0 =	sor.u32 s3, s0;
	s1 =	sshll.u32 s1, $0x11  }
0xba: {  	s0 =	sor.u32 s1, s0  }
0xbb: {  	s0 =	sadd.s32 $0x8F2B, s0  }
0xbc: {  	[sflag:s0] =	ssyncadd.remote.s32 $0x1  }
0xbd: {  	_ =	sfence.sel $0xFFFF  }
0xbe: {  	[dreg:$0x0] =	wrdreg $0xFFFFFFFF;
	(pc) =	sbr.abs _section_cstart, $3  }
0xbf: {  	[dreg:$0x1] =	wrdreg $0xFFFFFFFF  }
0xc0: {  	_ =	task.clear_ibuf [dreg:s6], $0x2FFFF;
	_ =	strace $0x9FFFFFFF  }
0xc1: {  	(tm) =	ssettm $0x7FFFFFFF  }
tec
execute0_lowered:
.L_overlay_start_1:
0x0: {  	(tag) =	ssettag $0x1  }
0x1: {  	s6 =	rddreg [dreg:$0x0]  }
0x2: {  	s0 =	rddreg [dreg:$0x1];
	s2 =	simm.s32 $0x0  }
0x3: {  	s4 =	srdreg.scid;
	s1 =	stileid.u32;
	s11 =	simm.s32 $0x2000  }
0x4: {  	s12 =	simm.s32 $0x3000;
	s13 =	simm.s32 $0x3100;
	s14 =	simm.s32 $0x0  }
0x5: {  	s16 =	simm.s32 $0x0;
	[smem:$0x7FF] =	sst s2;
	s3 =	sadd.s32 $0x800, s6  }
0x6: {  	s5 =	sand.u32 $0x1, s4;
	s7 =	sshll.u32 s1, $0x1;
	s4 =	sadd.s32 $0x600, s6  }
.Ltmp0:
0x7: {  	v0 =	vlaneseq.u32;
	_ =	strace $0x80000047;
	s7 =	sor.u32 s5, s7;
	(pc) =	sbr.rel .LBB2_1-.Ltmp0, $4  }
0x8: {  	v1 =	vmul.u32 $0x10, v0;
	s8 =	ssub.s32 $0x2, s5;
	s5 =	sadd.s32 $0x400, s6;
	s9 =	sshll.u32 s7, $0x4  }
0x9: {  	s10 =	sshrl.u32 s8, $0x1;
	s31 =	sshll.u32 s7, $0x5;
	s9 =	sadd.s32 s9, s6  }
0xa: {  	[tilespmem:$0x1FFE0] =	vst v1;
	v1 =	vor.u32 $0x1, v1;
	s8 =	ssub.s32 s8, s10;
	s6 =	sor.u32 $0xC00, s31;
	s10 =	simm.s32 $0x1000  }
0xb: {  	[tilespmem:$0x1FFF0] =	vst v1;
	s7 =	sadd.s32 $0xA00, s9;
	s8 =	smax.u32 s8, $0x1;
	s9 =	simm.s32 $0x1  }
.LBB2_9:
0xc: {  	v1 =	vmul.f32 $2.441406250e-04, v1;
	s14 =	sadd.s32 $0x1, s14  }
0xd: {  	p0 =	sne.s32 s14, s8  }
.Ltmp1:
0xe: {  	[tilespmem:$0x3100] =	vst v1;
	(pc) =	sbr.rel @!p0 .LBB2_10-.Ltmp1, $4  }
0xf: {  	[hbm4b:s7+s2] =	stream.linear.scatter [tilespmem:s13], [sflag:$0x1], $0x80, $0x38;
	[tilespmem:$0x3180] =	vst v63  }
0x10: {  	_ =	swait.ge [sflag:s9], $0x80  }
0x11: {  	[sflag:s9] =	ssyncset.done $0x0  }
0x12: {  	[sflag:s9] =	ssyncadd.s32 $0xFFFFFF80  }
.LBB2_1:
0x13: {  	[tilespmem:s2], [sflag:$0x1] =	stream.linear.gather [hbm4b:s3+s2], $0x1000, $0x38;
	[tilespmem:$0x3180] =	vst v63  }
0x14: {  	_ =	swait.ge [sflag:s9], $0x1000  }
0x15: {  	[sflag:s9] =	ssyncset.done $0x0  }
0x16: {  	[sflag:s9] =	ssyncadd.s32 $0xFFFFF000  }
0x17: {  	[tilespmem:s10], [sflag:$0x1] =	stream.linear.gather [hbm4b:s4+s2], $0x1000, $0x38;
	[tilespmem:$0x3180] =	vst v63  }
0x18: {  	_ =	swait.ge [sflag:s9], $0x1000  }
0x19: {  	[sflag:s9] =	ssyncset.done $0x0  }
.Ltmp2:
0x1a: {  	[sflag:s9] =	ssyncadd.s32 $0xFFFFF000;
	(pc) =	sbr.rel .LBB2_2-.Ltmp2, $4  }
0x1b: {  	[tilespmem:s11], [sflag:$0x1] =	stream.linear.gather [hbm4b:s5+s2], $0x1000, $0x38;
	[tilespmem:$0x3180] =	vst v63  }
0x1c: {  	_ =	swait.ge [sflag:s9], $0x1000  }
0x1d: {  	[sflag:s9] =	ssyncset.done $0x0  }
0x1e: {  	p1 =	por $0x1, $0x1;
	v1 =	vimm.f32 $0.0e+00;
	s15 =	simm.s32 $0x0;
	[sflag:s9] =	ssyncadd.s32 $0xFFFFF000  }
.LBB2_8:
0x1f: {  	v32 =	vld [tilespmem:$0x1FFE0];
	_ =	sdelay $0x7  }
0x20: {  	v1 =	vld.idx.msk [tilespmem:v32+s12+$0x0], $0xffff;
	_ =	sdelay $0x5  }
0x21: {  	v43 =	vld [tilespmem:s15+$0x0]  }
0x22: {  	v6 =	vld [tilespmem:s15+$0x1000]  }
0x23: {  	v2 =	vld.idx.msk [tilespmem:v1+s2+$0x0], $0xffff  }
0x24: {  	v3 =	vld.idx.msk [tilespmem:v1+s10+$0x0], $0xffff  }
0x25: {  	v4 =	vld [tilespmem:s15+$0x2000]  }
0x26: {  	v1 =	vld.idx.msk [tilespmem:v1+s11+$0x0], $0xffff;
	_ =	sdelay $0x2  }
0x27: {  	v2 =	vsub.f32 v2, v43;
	v3 =	vsub.f32 v3, v6;
	_ =	sdelay $0x1  }
0x28: {  	v1 =	vsub.f32 v1, v4;
	v7 =	vmul.f32 v2, v2;
	v8 =	vmul.f32 v3, v3;
	_ =	sdelay $0x1  }
0x29: {  	v34 =	vmul.f32 v1, v1;
	v7 =	vadd.f32 v8, v7;
	_ =	sdelay $0x1  }
0x2a: {  	v35 =	vld [tilespmem:$0x1FFF0];
	v7 =	vadd.f32 v34, v7;
	_ =	sdelay $0x1  }
0x2b: {  	v8 =	vshrl.u32 v7, $0x1;
	v9 =	vmul.f32 $5.000000000e-01, v7  }
0x2c: {  	v8 =	vsub.s32 $0x5F3759DF, v8  }
0x2d: {  	v10 =	vmul.f32 v8, v9;
	_ =	sdelay $0x1  }
0x2e: {  	v10 =	vmul.f32 v8, v10;
	_ =	sdelay $0x1  }
0x2f: {  	v11 =	vld.idx.msk [tilespmem:v35+s12+$0x0], $0xffff;
	v10 =	vsub.f32 $1.500000000e+00, v10;
	_ =	sdelay $0x1  }
0x30: {  	v8 =	vmul.f32 v8, v10;
	_ =	sdelay $0x1  }
0x31: {  	v10 =	vmul.f32 v8, v9;
	_ =	sdelay $0x1  }
0x32: {  	v10 =	vmul.f32 v10, v8;
	_ =	sdelay $0x1  }
0x33: {  	v36 =	vld.idx.msk [tilespmem:v11+s2+$0x0], $0xffff;
	v10 =	vsub.f32 $1.500000000e+00, v10  }
0x34: {  	v37 =	vld.idx.msk [tilespmem:v11+s10+$0x0], $0xffff  }
0x35: {  	v11 =	vld.idx.msk [tilespmem:v11+s11+$0x0], $0xffff;
	v8 =	vmul.f32 v10, v8;
	_ =	sdelay $0x1  }
0x36: {  	v9 =	vmul.f32 v8, v9;
	_ =	sdelay $0x1  }
0x37: {  	v5 =	vmovc v4;
	v14 =	vsub.f32 v37, v6;
	v10 =	vsub.f32 v36, v43;
	v9 =	vmul.f32 v9, v8  }
0x38: {  	v11 =	vsub.f32 v11, v5  }
0x39: {  	v15 =	vmul.f32 v14, v14;
	v13 =	vmul.f32 v10, v10;
	v9 =	vsub.f32 $1.500000000e+00, v9;
	_ =	sdelay $0x1  }
0x3a: {  	v39 =	vmul.f32 v11, v11;
	v13 =	vadd.f32 v15, v13;
	v8 =	vmul.f32 v9, v8;
	_ =	sdelay $0x1  }
0x3b: {  	v18 =	vadd.f32 v39, v13;
	v1 =	vmul.f32 v8, v1;
	_ =	sdelay $0x1  }
0x3c: {  	v15 =	vmul.f32 $5.000000000e-01, v18;
	v12 =	vmul.f32 v1, v1  }
0x3d: {  	v13 =	vshrl.u32 v18, $0x1;
	v7 =	vmul.f32 v8, v7;
	v2 =	vmul.f32 v8, v2  }
0x3e: {  	v13 =	vsub.s32 $0x5F3759DF, v13;
	v3 =	vmul.f32 v8, v3;
	v38 =	vmul.f32 $2.310000000e+02, v12  }
0x3f: {  	v44 =	vmul.f32 v13, v15;
	v7 =	vadd.f32 $-3.000000120e-01, v7  }
0x40: {  	v19 =	vmul.f32 v2, v2;
	v20 =	vmul.f32 v3, v3;
	v9 =	vadd.f32 $-3.150000000e+02, v38  }
0x41: {  	v23 =	vor.u32 $0x2, v32;
	v21 =	vmul.f32 v3, v2;
	v7 =	vmul.f32 v7, v7  }
0x42: {  	v16 =	vmul.f32 $1.386000000e+03, v12;
	v19 =	vsub.f32 v19, v20;
	v40 =	vmul.f32 v9, v12  }
0x43: {  	v45 =	vmul.f32 $6.930000000e+03, v12;
	v17 =	vmul.f32 $2.772000000e+04, v12;
	v46 =	vadd.f32 v21, v21  }
0x44: {  	v7 =	vmul.f32 $-2.000000000e+00, v7;
	v48 =	vmul.f32 v19, v2;
	v8 =	vadd.f32 $1.050000000e+02, v40  }
0x45: {  	v16 =	vadd.f32 $-1.260000000e+03, v16;
	v24 =	vmul.f32 v19, v3;
	v25 =	vmul.f32 v46, v2  }
0x46: {  	v17 =	vadd.f32 $-7.560000000e+03, v17;
	v42 =	vmul.f32 v8, v12;
	v8 =	vmul.f32 v13, v44  }
0x47: {  	v7 =	vmul.f32 $1.442695020e+00, v7;
	v41 =	vmul.f32 v16, v12;
	v16 =	vadd.f32 $-3.780000000e+03, v45  }
0x48: {  	v21 =	vmul.f32 v46, v3;
	v17 =	vmul.f32 v17, v1;
	v8 =	vsub.f32 $1.500000000e+00, v8  }
0x49: {  	v24 =	vadd.f32 v25, v24;
	(erf) = vpow2.f32 v7;
	v16 =	vmul.f32 v16, v12  }
0x4a: {  	v9 =	vadd.f32 $2.100000000e+02, v41;
	v50 =	vmul.f32 $6.250000000e-02, v17;
	v8 =	vmul.f32 v13, v8  }
0x4b: {  	v53 =	vmul.f32 v24, v3;
	v27 =	vmul.f32 v24, v2  }
0x4c: {  	v9 =	vmul.f32 v9, v1;
	v22 =	vmul.f32 v8, v15  }
0x4d: {  	v47 =	vadd.f32 $2.100000000e+02, v16;
	v12 =	vmul.f32 $8.316000000e+04, v12;
	v16 =	vsub.f32 v48, v21  }
0x4e: {  	v1 =	vmul.f32 $1.039500000e+04, v1;
	v49 =	vmul.f32 v22, v8  }
0x4f: {  	v23 =	vld.idx.msk [tilespmem:v23+s12+$0x0], $0xffff;
	v9 =	vmul.f32 $6.250000000e-02, v9;
	v12 =	vadd.f32 $-7.560000000e+03, v12;
	v51 =	vmul.f32 v16, v2  }
0x50: {  	v54 =	vmul.f32 v16, v3;
	v13 =	vmul.f32 $6.250000000e-02, v47;
	v52 =	vsub.f32 $1.500000000e+00, v49  }
0x51: {  	v26 =	vmul.f32 $6.250000000e-02, v12;
	v17 =	vmul.f32 v9, v2;
	v56 =	vsub.f32 v51, v53  }
0x52: {  	v55 =	vmul.f32 v9, v3;
	v58 =	vadd.f32 v27, v54;
	v8 =	vmul.f32 v52, v8  }
0x53: {  	v57 =	vmul.f32 v13, v19;
	v60 =	vmul.f32 v56, v2  }
0x54: {  	v61 =	vmul.f32 v58, v3;
	v15 =	vmul.f32 v8, v15  }
0x55: {  	v63 =	vmul.f32 v56, v3;
	v28 =	vmul.f32 v58, v2  }
0x56: {  	v59 =	vmul.f32 v13, v46;
	v20 =	vsub.f32 v60, v61;
	v62 =	vmul.f32 v15, v8  }
0x57: {  	v34 =	vld.idx.msk [tilespmem:v23+s10+$0x0], $0xffff;
	v29 =	vmul.f32 v56, v26;
	v47 =	vmul.f32 v58, v26;
	v30 =	vadd.f32 v28, v63  }
0x58: {  	v31 =	vld.idx.msk [tilespmem:v23+s2+$0x0], $0xffff;
	v48 =	vmul.f32 v20, v1;
	v15 =	vmul.f32 v50, v16;
	v16 =	vsub.f32 $1.500000000e+00, v62  }
0x59: {  	v35 =	vld.idx.msk [tilespmem:v23+s11+$0x0], $0xffff;
	v44 =	vmul.f32 v30, v1;
	v53 =	vmul.f32 v30, v3  }
0x5a: {  	v45 =	vmul.f32 v20, v3;
	v33 =	vmul.f32 v16, v8  }
0x5b: {  	v46 =	vmul.f32 v30, v2;
	[tilespmem:$0x1FC40] =	vst v15;
	v15 =	vmul.f32 v50, v24  }
0x5c: {  	v16 =	vmul.f32 v20, v2;
	v20 =	vsub.f32 v34, v6;
	v1 =	vmul.f32 v33, v18  }
0x5d: {  	v2 =	vmul.f32 v33, v11;
	v10 =	vmul.f32 v33, v10;
	v11 =	vsub.f32 v31, v43  }
0x5e: {  	v18 =	vsub.f32 v35, v5;
	v22 =	vmul.f32 v20, v20;
	v19 =	vmul.f32 v33, v14  }
0x5f: {  	v3 =	vmul.f32 v2, v2;
	v36 =	vmul.f32 v11, v11  }
0x60: {  	v1 =	vadd.f32 $-3.000000120e-01, v1;
	v39 =	vmul.f32 v18, v18;
	v58 =	vmul.f32 v10, v10  }
0x61: {  	[tilespmem:$0x1FC30] =	vst v59;
	v59 =	vmul.f32 v19, v19;
	v60 =	vmul.f32 v19, v10  }
0x62: {  	v1 =	vmul.f32 v1, v1;
	v37 =	vmul.f32 $2.310000000e+02, v3  }
0x63: {  	v38 =	vmul.f32 $1.386000000e+03, v3;
	v21 =	vadd.f32 v22, v36;
	v26 =	vsub.f32 v58, v59  }
0x64: {  	[tilespmem:$0x1FC00] =	vst v42;
	v42 =	vmul.f32 $6.930000000e+03, v3;
	v61 =	vadd.f32 v60, v60;
	v40 =	vadd.f32 $-3.150000000e+02, v37  }
0x65: {  	v1 =	vmul.f32 $-2.000000000e+00, v1;
	v41 =	vadd.f32 $-1.260000000e+03, v38;
	v21 =	vadd.f32 v39, v21  }
0x66: {  	v50 =	vadd.f32 $-3.780000000e+03, v42;
	v62 =	vmul.f32 v26, v10;
	v28 =	vmul.f32 v61, v19  }
0x67: {  	v33 =	vmul.f32 v26, v19;
	v51 =	vshrl.u32 v21, $0x1;
	v52 =	vmul.f32 $5.000000000e-01, v21  }
0x68: {  	[tilespmem:$0x1FC20] =	vst v57;
	v34 =	vmul.f32 v61, v10;
	v1 =	vmul.f32 $1.442695020e+00, v1;
	v57 =	vsub.s32 $0x5F3759DF, v51  }
0x69: {  	[tilespmem:$0x1FC50] =	vst v29;
	v29 =	vor.u32 $0x3, v32;
	v14 =	vmul.f32 v40, v3;
	v24 =	vmul.f32 v57, v52  }
0x6a: {  	v49 =	vmul.f32 v41, v3;
	v23 =	vmul.f32 v50, v3;
	v8 =	vadd.f32 v34, v33  }
0x6b: {  	(erf) = vpow2.f32 v1;
	v1 =	vadd.f32 $1.050000000e+02, v14;
	v24 =	vmul.f32 v57, v24  }
0x6c: {  	v22 =	vadd.f32 $2.100000000e+02, v49;
	v23 =	vadd.f32 $2.100000000e+02, v23;
	v34 =	vmul.f32 v8, v19  }
0x6d: {  	v63 =	vmul.f32 v1, v3;
	v1 =	vmul.f32 $2.772000000e+04, v3;
	v24 =	vsub.f32 $1.500000000e+00, v24  }
0x6e: {  	v29 =	vld.idx.msk [tilespmem:v29+s12+$0x0], $0xffff;
	v37 =	vmul.f32 v8, v10;
	v22 =	vmul.f32 v22, v2  }
0x6f: {  	v23 =	vmul.f32 $6.250000000e-02, v23;
	v1 =	vadd.f32 $-7.560000000e+03, v1;
	v14 =	vmul.f32 v57, v24  }
0x70: {  	v3 =	vmul.f32 $8.316000000e+04, v3;
	v22 =	vmul.f32 $6.250000000e-02, v22  }
0x71: {  	v1 =	vmul.f32 v1, v2;
	v30 =	vmul.f32 v14, v52  }
0x72: {  	v56 =	vmul.f32 v23, v26;
	v40 =	vmul.f32 v23, v61;
	v24 =	vsub.f32 v62, v28  }
0x73: {  	v3 =	vadd.f32 $-7.560000000e+03, v3;
	v35 =	vmul.f32 $6.250000000e-02, v1;
	v1 =	vmul.f32 v30, v14  }
0x74: {  	v9 =	vmul.f32 v24, v10;
	v36 =	vmul.f32 v24, v19  }
0x75: {  	v7 =	vmul.f32 $6.250000000e-02, v3;
	v2 =	vmul.f32 $1.039500000e+04, v2;
	v1 =	vsub.f32 $1.500000000e+00, v1  }
0x76: {  	v58 =	vld.idx.msk [tilespmem:v29+s11+$0x0], $0xffff;
	v13 =	vmul.f32 v22, v10;
	v31 =	vsub.f32 v9, v34;
	v42 =	vadd.f32 v37, v36  }
0x77: {  	v12 =	vmul.f32 v22, v19;
	v38 =	vmul.f32 v1, v14  }
0x78: {  	v34 =	vmul.f32 v31, v19;
	v36 =	vmul.f32 v42, v10  }
0x79: {  	[tilespmem:$0x1FC10] =	vst v55;
	v54 =	vld.idx.msk [tilespmem:v29+s2+$0x0], $0xffff;
	v50 =	vmul.f32 v35, v24;
	v25 =	vmul.f32 v38, v52  }
0x7a: {  	v57 =	vld.idx.msk [tilespmem:v29+s10+$0x0], $0xffff;
	v55 =	vmul.f32 v42, v19;
	v59 =	vadd.f32 v36, v34;
	v52 =	vmul.f32 v31, v10  }
0x7b: {  	v26 =	vsub.f32 v58, v5;
	v61 =	vmul.f32 v35, v8;
	v25 =	vmul.f32 v25, v38  }
0x7c: {  	v49 =	vmul.f32 v42, v7;
	v1 =	vmul.f32 v59, v2;
	v24 =	vsub.f32 v52, v55  }
0x7d: {  	v14 =	vmul.f32 v26, v26;
	v31 =	vmul.f32 v31, v7;
	v25 =	vsub.f32 $1.500000000e+00, v25  }
0x7e: {  	[tilespmem:$0x1FC90] =	vst v1;
	v34 =	vmul.f32 v24, v2;
	v2 =	vsub.f32 v54, v43;
	v1 =	vmul.f32 v24, v10  }
0x7f: {  	v42 =	vmul.f32 v59, v10;
	v60 =	vmul.f32 v25, v38;
	v25 =	vsub.f32 v57, v6  }
0x80: {  	[tilespmem:$0x1FC60] =	vst v1;
	v62 =	vmul.f32 v2, v2;
	v1 =	vmul.f32 v59, v19  }
0x81: {  	v18 =	vmul.f32 v60, v18;
	v4 =	vmul.f32 v25, v25  }
0x82: {  	v21 =	vmul.f32 v60, v21;
	v11 =	vmul.f32 v60, v11  }
0x83: {  	[tilespmem:$0x1FC70] =	vst v1;
	v1 =	vmul.f32 v24, v19;
	v20 =	vmul.f32 v60, v20;
	v27 =	vadd.f32 v4, v62  }
0x84: {  	v7 =	vmul.f32 v18, v18;
	v30 =	vadd.f32 $-3.000000120e-01, v21;
	v54 =	vmul.f32 v11, v11  }
0x85: {  	v55 =	vmul.f32 v20, v20;
	v57 =	vmul.f32 v20, v11;
	v22 =	vadd.f32 v14, v27  }
0x86: {  	v33 =	vmul.f32 $2.310000000e+02, v7;
	v35 =	vmul.f32 $1.386000000e+03, v7  }
0x87: {  	v19 =	vmul.f32 v30, v30;
	v36 =	vshrl.u32 v22, $0x1;
	v27 =	vmul.f32 $5.000000000e-01, v22  }
0x88: {  	v38 =	vmul.f32 $6.930000000e+03, v7;
	v52 =	vmul.f32 $2.772000000e+04, v7;
	v24 =	vsub.s32 $0x5F3759DF, v36  }
0x89: {  	v29 =	vmul.f32 $8.316000000e+04, v7;
	v21 =	vadd.f32 $-3.150000000e+02, v33;
	v37 =	vmul.f32 v24, v27  }
0x8a: {  	v10 =	vadd.f32 $-1.260000000e+03, v35;
	v19 =	vmul.f32 $-2.000000000e+00, v19;
	v39 =	vadd.f32 $-3.780000000e+03, v38  }
0x8b: {  	v23 =	vadd.f32 $-7.560000000e+03, v52;
	v21 =	vmul.f32 v21, v7;
	v28 =	vmul.f32 v24, v37  }
0x8c: {  	v29 =	vadd.f32 $-7.560000000e+03, v29;
	v10 =	vmul.f32 v10, v7;
	v19 =	vmul.f32 $1.442695020e+00, v19  }
0x8d: {  	v23 =	vmul.f32 v23, v18;
	v21 =	vadd.f32 $1.050000000e+02, v21;
	v41 =	vsub.f32 $1.500000000e+00, v28  }
0x8e: {  	v29 =	vmul.f32 $6.250000000e-02, v29;
	(erf) = vpow2.f32 v19;
	v28 =	vadd.f32 v57, v57  }
0x8f: {  	v51 =	vmul.f32 v21, v7;
	v21 =	vmul.f32 v24, v41  }
0x90: {  	v19 =	vmul.f32 v39, v7;
	v24 =	vsub.f32 v54, v55;
	v62 =	vmul.f32 v28, v20  }
0x91: {  	v10 =	vadd.f32 $2.100000000e+02, v10;
	v8 =	vmul.f32 v28, v11;
	v58 =	vmul.f32 v21, v27  }
0x92: {  	v4 =	vor.u32 $0x4, v32;
	v60 =	vmul.f32 v24, v11;
	v7 =	vmul.f32 v24, v20  }
0x93: {  	v23 =	vmul.f32 $6.250000000e-02, v23;
	v10 =	vmul.f32 v10, v18;
	v19 =	vadd.f32 $2.100000000e+02, v19  }
0x94: {  	v59 =	vmul.f32 v58, v21;
	v33 =	vsub.f32 v60, v62;
	v35 =	vadd.f32 v8, v7  }
0x95: {  	v18 =	vmul.f32 $1.039500000e+04, v18;
	v19 =	vmul.f32 $6.250000000e-02, v19  }
0x96: {  	v30 =	vsub.f32 $1.500000000e+00, v59;
	v9 =	vmul.f32 v33, v11;
	v37 =	vmul.f32 v35, v20  }
0x97: {  	[tilespmem:$0x1FC80] =	vst v1;
	v1 =	vmov v32;
	v14 =	vmul.f32 v33, v20;
	v39 =	vmul.f32 v35, v11  }
0x98: {  	v36 =	vld.idx.msk [tilespmem:v4+s12+$0x0], $0xffff;
	v54 =	vmul.f32 v19, v24;
	v21 =	vmul.f32 v30, v21;
	v30 =	vsub.f32 v9, v37  }
0x99: {  	v8 =	vmovc v1;
	v60 =	vadd.f32 v39, v14;
	v37 =	vor.u32 $0x5, v1;
	v1 =	vmul.f32 v23, v35  }
0x9a: {  	v55 =	vmul.f32 v19, v28;
	v62 =	vmul.f32 v30, v11  }
0x9b: {  	v4 =	vmul.f32 v60, v20;
	[tilespmem:$0x1FCA0] =	vst v1;
	v1 =	vmul.f32 v30, v29  }
0x9c: {  	v27 =	vmul.f32 v21, v27;
	v14 =	vmul.f32 v30, v20  }
0x9d: {  	v41 =	vmul.f32 v60, v11;
	v19 =	vsub.f32 v62, v4;
	[tilespmem:$0x1FCB0] =	vst v1;
	v1 =	vmul.f32 v60, v29  }
0x9e: {  	v52 =	vmul.f32 v23, v33  }
0x9f: {  	v27 =	vmul.f32 v27, v21;
	v23 =	vadd.f32 v41, v14;
	[tilespmem:$0x1FCE0] =	vst v1;
	v1 =	vmul.f32 v19, v18  }
0xa0: {  	v38 =	vld.idx.msk [tilespmem:v36+s2+$0x0], $0xffff  }
0xa1: {  	v57 =	vld.idx.msk [tilespmem:v36+s10+$0x0], $0xffff;
	v27 =	vsub.f32 $1.500000000e+00, v27;
	[tilespmem:$0x1FCF0] =	vst v1;
	v1 =	vmul.f32 v23, v18  }
0xa2: {  	v10 =	vmul.f32 $6.250000000e-02, v10  }
0xa3: {  	v21 =	vmul.f32 v27, v21;
	[tilespmem:$0x1FD30] =	vst v1;
	v1 =	vmul.f32 v19, v11  }
0xa4: {  	v32 =	vmul.f32 v10, v20;
	v59 =	vmul.f32 v10, v11;
	v60 =	vld.idx.msk [tilespmem:v36+s11+$0x0], $0xffff  }
0xa5: {  	[tilespmem:$0x1FCC0] =	vst v1;
	v1 =	vmul.f32 v19, v20;
	v19 =	vmul.f32 v21, v26;
	v26 =	vld.idx.msk [tilespmem:v37+s12+$0x0], $0xffff  }
0xa6: {  	v33 =	vsub.f32 v38, v43;
	v57 =	vsub.f32 v57, v6;
	v22 =	vmul.f32 v21, v22  }
0xa7: {  	v41 =	vmul.f32 v21, v2;
	v18 =	vmul.f32 v21, v25  }
0xa8: {  	v10 =	vmul.f32 v33, v33;
	v14 =	vmul.f32 v57, v57;
	v58 =	vadd.f32 $-3.000000120e-01, v22  }
0xa9: {  	v9 =	vmul.f32 v41, v41;
	v30 =	vmul.f32 v18, v18  }
0xaa: {  	v2 =	vmul.f32 v58, v58;
	v21 =	vmul.f32 v19, v19;
	v58 =	vsub.f32 v60, v5  }
0xab: {  	[tilespmem:$0x1FD10] =	vst v1;
	v60 =	vmul.f32 v18, v41;
	v1 =	vmul.f32 v23, v20;
	v20 =	vsub.f32 v9, v30  }
0xac: {  	v22 =	vadd.f32 v14, v10;
	v62 =	vmul.f32 $6.930000000e+03, v21  }
0xad: {  	v7 =	vmovc v5;
	v2 =	vmul.f32 $-2.000000000e+00, v2;
	v25 =	vadd.f32 v60, v60;
	v14 =	vmul.f32 v20, v41;
	v4 =	vld.idx.msk [tilespmem:v26+s2+$0x0], $0xffff  }
0xae: {  	[tilespmem:$0x1FCD0] =	vst v1;
	v1 =	vmul.f32 v23, v11;
	v24 =	vadd.f32 $-3.780000000e+03, v62;
	v62 =	vmul.f32 v58, v58;
	v5 =	vld.idx.msk [tilespmem:v26+s10+$0x0], $0xffff  }
0xaf: {  	v27 =	vmul.f32 $2.310000000e+02, v21;
	v2 =	vmul.f32 $1.442695020e+00, v2  }
0xb0: {  	v24 =	vmul.f32 v24, v21;
	v60 =	vadd.f32 v62, v22;
	v62 =	vmul.f32 v25, v18  }
0xb1: {  	v28 =	vmul.f32 v20, v18;
	v3 =	vmul.f32 v25, v41;
	v35 =	vadd.f32 $-3.150000000e+02, v27  }
0xb2: {  	(erf) = vpow2.f32 v2;
	v11 =	vsub.f32 v14, v62;
	v24 =	vadd.f32 $2.100000000e+02, v24  }
0xb3: {  	v2 =	vshrl.u32 v60, $0x1;
	v22 =	vsub.f32 v4, v43;
	v23 =	vsub.f32 v5, v6  }
0xb4: {  	[tilespmem:$0x1FD20] =	vst v1;
	v26 =	vld.idx.msk [tilespmem:v26+s11+$0x0], $0xffff;
	v62 =	vmul.f32 $5.000000000e-01, v60;
	v2 =	vsub.s32 $0x5F3759DF, v2;
	v1 =	vmul.f32 $6.250000000e-02, v24  }
0xb5: {  	v5 =	vadd.f32 v3, v28;
	v30 =	vmul.f32 v22, v22;
	v3 =	vmul.f32 v23, v23  }
0xb6: {  	v38 =	vmul.f32 v35, v21;
	v29 =	vmul.f32 v2, v62  }
0xb7: {  	v9 =	vadd.f32 v3, v30;
	v3 =	vmul.f32 v1, v20;
	v1 =	vmul.f32 v1, v25  }
0xb8: {  	v39 =	vmul.f32 v2, v29  }
0xb9: {  	v24 =	vsub.f32 v26, v7;
	v28 =	vmul.f32 $2.772000000e+04, v21;
	[tilespmem:$0x1FD50] =	vst v1;
	v1 =	vadd.f32 $1.050000000e+02, v38  }
0xba: {  	v29 =	vmul.f32 $1.386000000e+03, v21;
	v4 =	vsub.f32 $1.500000000e+00, v39  }
0xbb: {  	v30 =	vadd.f32 $-7.560000000e+03, v28;
	[tilespmem:$0x1FD40] =	vst v3;
	v3 =	vmul.f32 v24, v24;
	v1 =	vmul.f32 v1, v21  }
0xbc: {  	v2 =	vmul.f32 v2, v4  }
0xbd: {  	v25 =	vadd.f32 v3, v9;
	v3 =	vadd.f32 $-1.260000000e+03, v29;
	[tilespmem:$0x1FD00] =	vst v1;
	v1 =	vmul.f32 v30, v19  }
0xbe: {  	v28 =	vmul.f32 v2, v62  }
0xbf: {  	v35 =	vmul.f32 v3, v21;
	v1 =	vmul.f32 $6.250000000e-02, v1  }
0xc0: {  	v27 =	vmul.f32 $8.316000000e+04, v21;
	v14 =	vmovc v7;
	v36 =	vmul.f32 v11, v41;
	v7 =	vor.u32 $0x6, v8  }
0xc1: {  	v30 =	vadd.f32 $2.100000000e+02, v35;
	v35 =	vmul.f32 v28, v2;
	v29 =	vmul.f32 v1, v11  }
0xc2: {  	v20 =	vadd.f32 $-7.560000000e+03, v27;
	v39 =	vmul.f32 v1, v5;
	v1 =	vmul.f32 v5, v18  }
0xc3: {  	v11 =	vmul.f32 v11, v18;
	v5 =	vmul.f32 v5, v41;
	v4 =	vsub.f32 $1.500000000e+00, v35  }
0xc4: {  	v1 =	vsub.f32 v36, v1  }
0xc5: {  	v5 =	vadd.f32 v5, v11;
	v4 =	vmul.f32 v4, v2;
	v2 =	vmul.f32 $6.250000000e-02, v20;
	_ =	sdelay $0x1  }
0xc6: {  	v7 =	vld.idx.msk [tilespmem:v7+s12+$0x0], $0xffff;
	v21 =	vmul.f32 v1, v2;
	v2 =	vmul.f32 v5, v2  }
0xc7: {  	v37 =	vmovc v8;
	v26 =	vshrl.u32 v25, $0x1;
	v9 =	vmul.f32 $5.000000000e-01, v25;
	v8 =	vmul.f32 v30, v19  }
0xc8: {  	v10 =	vmovc v6;
	v6 =	vsub.s32 $0x5F3759DF, v26;
	v26 =	vmul.f32 v5, v18;
	[tilespmem:$0x1FD80] =	vst v2;
	v2 =	vmul.f32 v1, v41  }
0xc9: {  	v19 =	vmul.f32 $1.039500000e+04, v19;
	v38 =	vmul.f32 $6.250000000e-02, v8  }
0xca: {  	v5 =	vmul.f32 v5, v41;
	v1 =	vmul.f32 v1, v18;
	v8 =	vsub.f32 v2, v26;
	_ =	sdelay $0x1  }
0xcb: {  	v3 =	vmul.f32 v6, v9;
	v1 =	vadd.f32 v5, v1;
	v2 =	vmul.f32 v8, v19;
	_ =	sdelay $0x1  }
0xcc: {  	v27 =	vld.idx.msk [tilespmem:v7+s2+$0x0], $0xffff;
	v3 =	vmul.f32 v6, v3;
	[tilespmem:$0x1FDB0] =	vst v2;
	v2 =	vmul.f32 v1, v19  }
0xcd: {  	v11 =	vmul.f32 v4, v62;
	v26 =	vld.idx.msk [tilespmem:v7+s10+$0x0], $0xffff  }
0xce: {  	v3 =	vsub.f32 $1.500000000e+00, v3;
	[tilespmem:$0x1FDE0] =	vst v2;
	v2 =	vmul.f32 v8, v41  }
0xcf: {  	v35 =	vld.idx.msk [tilespmem:v7+s11+$0x0], $0xffff;
	[tilespmem:$0x1FD60] =	vst v29;
	v29 =	vmul.f32 v11, v4  }
0xd0: {  	v3 =	vmul.f32 v6, v3;
	[tilespmem:$0x1FD90] =	vst v2;
	v2 =	vmul.f32 v8, v18  }
0xd1: {  	v30 =	vmul.f32 v38, v41;
	v28 =	vsub.f32 v27, v43;
	v5 =	vsub.f32 $1.500000000e+00, v29  }
0xd2: {  	v29 =	vsub.f32 v26, v10;
	[tilespmem:$0x1FDC0] =	vst v2;
	v2 =	vmul.f32 v1, v18;
	v1 =	vmul.f32 v1, v41  }
0xd3: {  	[tilespmem:$0x1FD70] =	vst v21;
	v11 =	vmul.f32 v3, v9;
	v20 =	vmul.f32 v28, v28  }
0xd4: {  	v26 =	vsub.f32 v35, v14;
	v21 =	vmul.f32 v29, v29;
	[tilespmem:$0x1FDD0] =	vst v1;
	v1 =	vmul.f32 v5, v4  }
0xd5: {  	v36 =	vmul.f32 v38, v18;
	v4 =	vmul.f32 v11, v3  }
0xd6: {  	v41 =	vmul.f32 v26, v26;
	v5 =	vadd.f32 v21, v20;
	v27 =	vmul.f32 v1, v60  }
0xd7: {  	v33 =	vmul.f32 v1, v33;
	v62 =	vmul.f32 v1, v57;
	v4 =	vsub.f32 $1.500000000e+00, v4  }
0xd8: {  	v38 =	vmovc v10;
	v10 =	vmul.f32 v1, v58;
	v21 =	vadd.f32 v41, v5;
	v1 =	vld [tilespmem:$0x1FC00];
	v60 =	vadd.f32 $-5.000000000e+00, v63  }
0xd9: {  	v7 =	vadd.f32 $-3.000000120e-01, v27;
	v3 =	vmul.f32 v4, v3  }
0xda: {  	v6 =	vshrl.u32 v21, $0x1;
	v11 =	vmul.f32 $5.000000000e-01, v21;
	v27 =	vmul.f32 $6.250000000e-02, v60  }
0xdb: {  	v58 =	vmul.f32 v62, v62;
	v6 =	vsub.s32 $0x5F3759DF, v6;
	v18 =	vmul.f32 v7, v7  }
0xdc: {  	v20 =	vmul.f32 v3, v9;
	v35 =	vmul.f32 v6, v11  }
0xdd: {  	v19 =	vmovc v14;
	v9 =	vmul.f32 v10, v10;
	v14 =	vadd.f32 $-5.000000000e+00, v1;
	v4 =	vmul.f32 $-2.000000000e+00, v18  }
0xde: {  	v1 =	vpop (erf);
	v63 =	vmul.f32 v20, v3;
	v8 =	vmul.f32 v6, v35  }
0xdf: {  	[tilespmem:$0x1FDA0] =	vst v2;
	v2 =	vpop (erf);
	v60 =	vmul.f32 v17, v1;
	v5 =	vmul.f32 $6.250000000e-02, v14  }
0xe0: {  	v57 =	vsub.f32 v16, v53;
	v14 =	vmul.f32 $6.930000000e+03, v9;
	v12 =	vmul.f32 v12, v2  }
0xe1: {  	v56 =	vmul.f32 v56, v2;
	v4 =	vmul.f32 $1.442695020e+00, v4;
	v41 =	vsub.f32 $1.500000000e+00, v63  }
0xe2: {  	v61 =	vmul.f32 v61, v2;
	v35 =	vsub.f32 $1.500000000e+00, v8;
	v5 =	vmul.f32 v5, v1  }
0xe3: {  	v20 =	vadd.f32 $-3.780000000e+03, v14;
	(erf) = vpow2.f32 v4;
	v53 =	vmul.f32 v41, v3  }
0xe4: {  	v63 =	vld [tilespmem:$0x1FC10];
	v16 =	vadd.f32 $0.0e+00, v60;
	v41 =	vmul.f32 v27, v2;
	v6 =	vmul.f32 v6, v35  }
0xe5: {  	v35 =	vmul.f32 v62, v33;
	v3 =	vadd.f32 $0.0e+00, v5;
	v4 =	vmul.f32 v20, v9  }
0xe6: {  	v14 =	vadd.f32 v46, v45;
	v20 =	vmul.f32 v13, v2;
	v45 =	vmul.f32 v6, v11  }
0xe7: {  	v41 =	vadd.f32 v41, v3;
	v3 =	vmul.f32 v33, v33;
	v4 =	vadd.f32 $2.100000000e+02, v4  }
0xe8: {  	v13 =	vadd.f32 v35, v35;
	v35 =	vmul.f32 $2.310000000e+02, v9;
	v46 =	vmul.f32 v45, v6  }
0xe9: {  	v18 =	vld [tilespmem:$0x1FC20];
	v8 =	vmul.f32 v63, v1;
	v3 =	vsub.f32 v3, v58;
	v4 =	vmul.f32 $6.250000000e-02, v4  }
0xea: {  	v58 =	vadd.f32 v20, v16;
	v20 =	vmul.f32 v13, v62;
	v27 =	vsub.f32 $1.500000000e+00, v46  }
0xeb: {  	v17 =	vadd.f32 $0.0e+00, v8;
	v63 =	vmul.f32 v4, v3;
	v8 =	vmul.f32 v3, v33  }
0xec: {  	v45 =	vadd.f32 $-3.150000000e+02, v35;
	v4 =	vmul.f32 v4, v13;
	v6 =	vmul.f32 v27, v6;
	v27 =	vld [tilespmem:$0x1FC30]  }
0xed: {  	v46 =	vld [tilespmem:$0x1FC40];
	v60 =	vadd.f32 v12, v17;
	v3 =	vmul.f32 v3, v62;
	[tilespmem:$0x1FE10] =	vst v63;
	v63 =	vmul.f32 $2.772000000e+04, v9  }
0xee: {  	v13 =	vmul.f32 v13, v33;
	v12 =	vsub.f32 v8, v20;
	v20 =	vmul.f32 v18, v1  }
0xef: {  	[tilespmem:$0x1FE40] =	vst v4;
	v4 =	vmul.f32 v45, v9;
	v8 =	vmul.f32 $1.386000000e+03, v9;
	v5 =	vadd.f32 $-7.560000000e+03, v63;
	v63 =	vld [tilespmem:$0x1FC50]  }
0xf0: {  	v3 =	vadd.f32 v13, v3;
	v45 =	vmul.f32 v15, v1;
	v13 =	vadd.f32 $0.0e+00, v20  }
0xf1: {  	v4 =	vadd.f32 $1.050000000e+02, v4;
	v20 =	vadd.f32 $-1.260000000e+03, v8;
	v35 =	vmul.f32 v27, v1  }
0xf2: {  	v17 =	vmul.f32 v46, v1;
	v5 =	vmul.f32 v5, v10  }
0xf3: {  	v20 =	vmul.f32 v20, v9;
	v16 =	vadd.f32 $0.0e+00, v35;
	v35 =	vmul.f32 v4, v9  }
0xf4: {  	v9 =	vmul.f32 $8.316000000e+04, v9;
	v46 =	vmul.f32 v63, v1  }
0xf5: {  	v7 =	vmov v1;
	v1 =	vmul.f32 v40, v2;
	v63 =	vmul.f32 $6.250000000e-02, v5  }
0xf6: {  	v40 =	vmul.f32 v12, v33;
	v5 =	vmul.f32 v3, v62  }
0xf7: {  	v4 =	vmul.f32 v47, v7;
	v9 =	vadd.f32 $-7.560000000e+03, v9;
	v15 =	vadd.f32 v1, v16  }
0xf8: {  	v1 =	vsub.f32 v40, v5;
	v27 =	vmul.f32 v63, v12;
	v40 =	vmul.f32 v63, v3  }
0xf9: {  	v12 =	vmul.f32 v12, v62;
	v3 =	vmul.f32 v3, v33;
	v16 =	vadd.f32 $2.100000000e+02, v20  }
0xfa: {  	v8 =	vmov v7;
	v47 =	vmul.f32 v50, v2;
	v9 =	vmul.f32 $6.250000000e-02, v9  }
0xfb: {  	v5 =	vmul.f32 v48, v7;
	v7 =	vmovc v2;
	v3 =	vadd.f32 v3, v12;
	v2 =	vmul.f32 v16, v10  }
0xfc: {  	[tilespmem:$0x1FE50] =	vst v27;
	v27 =	vmul.f32 v1, v33;
	v20 =	vmul.f32 v1, v9  }
0xfd: {  	v63 =	vadd.f32 $0.0e+00, v45;
	v1 =	vmul.f32 v1, v62;
	v48 =	vmul.f32 v3, v9  }
0xfe: {  	v45 =	vmul.f32 v3, v62;
	v3 =	vmul.f32 v3, v33  }
0xff: {  	v63 =	vadd.f32 v61, v63  }
0x100: {  	v61 =	vmul.f32 v49, v7;
	v49 =	vadd.f32 v3, v1;
	v1 =	vmul.f32 $6.250000000e-02, v2  }
0x101: {  	v10 =	vmul.f32 $1.039500000e+04, v10  }
0x102: {  	v9 =	vsub.f32 v27, v45;
	v27 =	vmul.f32 v1, v33;
	v1 =	vmul.f32 v1, v62;
	_ =	sdelay $0x1  }
0x103: {  	[tilespmem:$0x1FE00] =	vst v1;
	v1 =	vmul.f32 v9, v10;
	_ =	sdelay $0x1  }
0x104: {  	[tilespmem:$0x1FEB0] =	vst v1;
	v1 =	vmul.f32 v9, v33;
	_ =	sdelay $0x1  }
0x105: {  	[tilespmem:$0x1FE20] =	vst v1;
	v1 =	vmul.f32 v9, v62  }
0x106: {  	v13 =	vadd.f32 v56, v13;
	v56 =	vadd.f32 $0.0e+00, v17  }
0x107: {  	[tilespmem:$0x1FE90] =	vst v1;
	v1 =	vmul.f32 v49, v62  }
0x108: {  	v56 =	vadd.f32 v47, v56;
	v47 =	vmul.f32 v31, v7;
	v3 =	vadd.f32 $0.0e+00, v46  }
0x109: {  	[tilespmem:$0x1FE30] =	vst v1;
	v1 =	vmul.f32 v49, v33  }
0x10a: {  	v16 =	vmov v7;
	[tilespmem:$0x1FE70] =	vst v20;
	v20 =	vmul.f32 v34, v7;
	v7 =	vadd.f32 v47, v3;
	v3 =	vld [tilespmem:$0x1FC70]  }
0x10b: {  	v31 =	vmul.f32 v6, v11;
	[tilespmem:$0x1FEA0] =	vst v1;
	v1 =	vld [tilespmem:$0x1FC60]  }
0x10c: {  	v2 =	vmul.f32 v53, v25  }
0x10d: {  	v11 =	vmul.f32 v53, v23  }
0x10e: {  	v34 =	vmul.f32 v31, v6;
	v45 =	vadd.f32 $-5.000000000e+00, v51;
	v2 =	vadd.f32 $-3.000000120e-01, v2  }
0x10f: {  	v31 =	vmovc v37;
	v25 =	vmul.f32 v53, v24;
	v46 =	vmul.f32 v49, v10;
	v47 =	vor.u32 $0x7, v37  }
0x110: {  	[tilespmem:$0x1FE60] =	vst v40;
	v17 =	vmul.f32 $6.250000000e-02, v45;
	v37 =	vpop (erf);
	v2 =	vmul.f32 v2, v2;
	v40 =	vsub.f32 v1, v3;
	v1 =	vld [tilespmem:$0x1FC80]  }
0x111: {  	v4 =	vadd.f32 $0.0e+00, v4;
	v32 =	vmul.f32 v32, v37;
	v51 =	vmul.f32 v54, v37  }
0x112: {  	v5 =	vadd.f32 $0.0e+00, v5;
	v10 =	vmul.f32 v53, v22;
	v2 =	vmul.f32 $-2.000000000e+00, v2  }
0x113: {  	v61 =	vadd.f32 v61, v4;
	[tilespmem:$0x1FDF0] =	vst v27;
	v27 =	vmul.f32 v57, v8;
	v57 =	vmul.f32 v14, v8  }
0x114: {  	v4 =	vsub.f32 $1.500000000e+00, v34;
	v14 =	vmul.f32 v17, v37;
	v23 =	vld.idx.msk [tilespmem:v47+s12+$0x0], $0xffff;
	v2 =	vmul.f32 $1.442695020e+00, v2  }
0x115: {  	v49 =	vmul.f32 v44, v8;
	v50 =	vadd.f32 v42, v1;
	v42 =	vmul.f32 v25, v25  }
0x116: {  	v17 =	vadd.f32 v32, v60;
	v44 =	vmul.f32 v59, v37;
	v59 =	vmul.f32 v11, v10  }
0x117: {  	v62 =	vadd.f32 v20, v5;
	v5 =	vmul.f32 v40, v16;
	v40 =	vmul.f32 $6.930000000e+03, v42  }
0x118: {  	v45 =	vmul.f32 v10, v10;
	v14 =	vadd.f32 v14, v41;
	v47 =	vmul.f32 v11, v11  }
0x119: {  	(erf) = vpow2.f32 v2;
	v53 =	vadd.f32 v59, v59;
	v22 =	vadd.f32 $-3.780000000e+03, v40  }
0x11a: {  	v33 =	vmul.f32 v4, v6;
	v4 =	vadd.f32 $0.0e+00, v27;
	v6 =	vadd.f32 $0.0e+00, v57  }
0x11b: {  	v58 =	vadd.f32 v44, v58;
	v44 =	vmul.f32 v53, v11;
	v1 =	vld [tilespmem:$0x1FC90];
	v22 =	vmul.f32 v22, v42  }
0x11c: {  	v2 =	vadd.f32 $0.0e+00, v49;
	v32 =	vld.idx.msk [tilespmem:v23+s2+$0x0], $0xffff;
	v3 =	vmul.f32 v55, v37;
	v49 =	vmul.f32 $2.310000000e+02, v42  }
0x11d: {  	[tilespmem:$0x1FFB0] =	vst v8;
	v8 =	vadd.f32 v5, v4;
	v57 =	vmul.f32 $2.772000000e+04, v42;
	v22 =	vadd.f32 $2.100000000e+02, v22  }
0x11e: {  	v5 =	vsub.f32 v45, v47;
	v18 =	vmul.f32 v50, v16;
	v40 =	vadd.f32 $-3.150000000e+02, v49  }
0x11f: {  	v50 =	vmul.f32 $1.386000000e+03, v42;
	v41 =	vadd.f32 $-7.560000000e+03, v57;
	v22 =	vmul.f32 $6.250000000e-02, v22  }
0x120: {  	v34 =	vmul.f32 v1, v16;
	v9 =	vmul.f32 v40, v42  }
0x121: {  	v54 =	vsub.f32 v32, v43;
	v45 =	vld.idx.msk [tilespmem:v23+s10+$0x0], $0xffff;
	v12 =	vmul.f32 v41, v25;
	v1 =	vmul.f32 v22, v5  }
0x122: {  	v41 =	vmul.f32 v5, v10;
	v20 =	vadd.f32 v34, v2;
	v34 =	vadd.f32 v18, v6  }
0x123: {  	v6 =	vadd.f32 $-1.260000000e+03, v50;
	v2 =	vld [tilespmem:$0x1FCA0];
	v40 =	vadd.f32 $1.050000000e+02, v9;
	[tilespmem:$0x1FEC0] =	vst v1;
	v1 =	vmul.f32 v22, v53  }
0x124: {  	v47 =	vsub.f32 v41, v44;
	v9 =	vmul.f32 $6.250000000e-02, v12;
	v5 =	vmul.f32 v5, v11  }
0x125: {  	v12 =	vld.idx.msk [tilespmem:v23+s11+$0x0], $0xffff;
	v53 =	vmul.f32 v53, v10;
	[tilespmem:$0x1FED0] =	vst v1;
	v1 =	vmul.f32 v40, v42  }
0x126: {  	v27 =	vmul.f32 v54, v54;
	v55 =	vsub.f32 v45, v38;
	v6 =	vmul.f32 v6, v42  }
0x127: {  	v24 =	vmul.f32 v47, v10;
	v5 =	vadd.f32 v53, v5;
	[tilespmem:$0x1FE80] =	vst v1;
	v1 =	vmul.f32 v9, v47  }
0x128: {  	v32 =	vmul.f32 v47, v11;
	v6 =	vadd.f32 $2.100000000e+02, v6;
	v45 =	vmul.f32 v2, v37  }
0x129: {  	v18 =	vadd.f32 v51, v13;
	v2 =	vld [tilespmem:$0x1FCB0];
	v42 =	vmul.f32 $8.316000000e+04, v42;
	[tilespmem:$0x1FEE0] =	vst v1;
	v1 =	vmul.f32 v9, v5  }
0x12a: {  	v6 =	vmul.f32 v6, v25;
	v57 =	vsub.f32 v12, v19;
	v53 =	vmul.f32 v5, v11  }
0x12b: {  	v42 =	vadd.f32 $-7.560000000e+03, v42;
	v5 =	vmul.f32 v5, v10;
	[tilespmem:$0x1FEF0] =	vst v1;
	v1 =	vmul.f32 v55, v55  }
0x12c: {  	v25 =	vmul.f32 $1.039500000e+04, v25;
	v44 =	vmul.f32 v57, v57;
	v51 =	vsub.f32 v24, v53  }
0x12d: {  	v42 =	vmul.f32 $6.250000000e-02, v42;
	v5 =	vadd.f32 v5, v32;
	v1 =	vadd.f32 v1, v27  }
0x12e: {  	v47 =	vmul.f32 v2, v37;
	v24 =	vmul.f32 v51, v10  }
0x12f: {  	v27 =	vmul.f32 v5, v11;
	v59 =	vadd.f32 v44, v1;
	v1 =	vmul.f32 v51, v42  }
0x130: {  	v12 =	vadd.f32 v3, v15;
	v2 =	vmul.f32 $6.250000000e-02, v6;
	v51 =	vmul.f32 v51, v11  }
0x131: {  	v15 =	vsub.f32 v24, v27;
	[tilespmem:$0x1FF00] =	vst v1;
	v1 =	vmul.f32 v5, v42;
	v5 =	vmul.f32 v5, v10  }
0x132: {  	v49 =	vmul.f32 v2, v11  }
0x133: {  	v5 =	vadd.f32 v5, v51;
	v51 =	vmul.f32 v2, v10;
	v2 =	vmul.f32 v15, v25;
	_ =	sdelay $0x1  }
0x134: {  	[tilespmem:$0x1FF30] =	vst v2;
	v2 =	vmul.f32 v5, v25;
	_ =	sdelay $0x1  }
0x135: {  	[tilespmem:$0x1FF40] =	vst v2;
	v2 =	vmul.f32 v15, v11  }
0x136: {  	v3 =	vld [tilespmem:$0x1FCD0]  }
0x137: {  	[tilespmem:$0x1FF10] =	vst v2;
	v2 =	vld [tilespmem:$0x1FCC0];
	_ =	sdelay $0x4  }
0x138: {  	[tilespmem:$0x1FF50] =	vst v43;
	v22 =	vmovc v43;
	v32 =	vshrl.u32 v59, $0x1;
	v9 =	vmul.f32 $5.000000000e-01, v59;
	v43 =	vsub.f32 v2, v3;
	v2 =	vld [tilespmem:$0x1FCF0]  }
0x139: {  	[tilespmem:$0x1FF20] =	vst v1;
	v1 =	vsub.s32 $0x5F3759DF, v32  }
0x13a: {  	v42 =	vmul.f32 v1, v9;
	_ =	sdelay $0x1  }
0x13b: {  	v40 =	vmul.f32 v1, v42  }
0x13c: {  	v44 =	vmul.f32 v2, v37;
	v2 =	vld [tilespmem:$0x1FD00]  }
0x13d: {  	v52 =	vmul.f32 v52, v37;
	v41 =	vsub.f32 $1.500000000e+00, v40;
	_ =	sdelay $0x1  }
0x13e: {  	v13 =	vadd.f32 v52, v56;
	v56 =	vmul.f32 v5, v11;
	v11 =	vmul.f32 v1, v41;
	v1 =	vld [tilespmem:$0x1FCE0]  }
0x13f: {  	v3 =	vld [tilespmem:$0x1FD20]  }
0x140: {  	[tilespmem:$0x1FFC0] =	vst v16;
	v16 =	vadd.f32 v45, v63;
	v45 =	vadd.f32 $-5.000000000e+00, v2;
	v2 =	vld [tilespmem:$0x1FD10];
	_ =	sdelay $0x1  }
0x141: {  	[tilespmem:$0x1FF70] =	vst v19;
	v60 =	vpop (erf);
	v42 =	vmul.f32 v33, v21  }
0x142: {  	v23 =	vmovc v19;
	v19 =	vadd.f32 v47, v7;
	v53 =	vmul.f32 v15, v10;
	v1 =	vmul.f32 v1, v37  }
0x143: {  	v32 =	vmul.f32 v30, v60;
	v52 =	vmul.f32 v5, v10;
	v5 =	vadd.f32 $-3.000000120e-01, v42  }
0x144: {  	v61 =	vadd.f32 v1, v61;
	v1 =	vmul.f32 $6.250000000e-02, v45;
	v47 =	vadd.f32 v3, v2;
	v2 =	vld [tilespmem:$0x1FD30]  }
0x145: {  	v30 =	vmul.f32 v36, v60;
	v15 =	vmul.f32 v33, v28  }
0x146: {  	v5 =	vmul.f32 v5, v5;
	v1 =	vmul.f32 v1, v60  }
0x147: {  	v30 =	vadd.f32 v30, v17;
	v41 =	vmul.f32 v15, v15;
	v7 =	vmul.f32 v11, v9  }
0x148: {  	v10 =	vmul.f32 v43, v37;
	v45 =	vadd.f32 v1, v14;
	v14 =	vmul.f32 v33, v29;
	v1 =	vld [tilespmem:$0x1FD40]  }
0x149: {  	v43 =	vor.u32 $0x8, v31;
	v50 =	vmul.f32 v47, v37;
	v2 =	vmul.f32 v2, v37  }
0x14a: {  	v27 =	vadd.f32 v10, v8;
	v42 =	vmul.f32 v14, v14;
	v47 =	vmul.f32 v14, v15  }
0x14b: {  	v25 =	vadd.f32 v2, v20;
	v20 =	vmul.f32 v33, v26;
	v26 =	vmul.f32 v7, v11  }
0x14c: {  	v8 =	vsub.f32 v41, v42;
	v36 =	vadd.f32 v47, v47;
	v2 =	vmul.f32 $-2.000000000e+00, v5  }
0x14d: {  	v24 =	vmul.f32 v1, v60;
	v1 =	vld [tilespmem:$0x1FD50];
	v5 =	vsub.f32 $1.500000000e+00, v26;
	v26 =	vmul.f32 v20, v20  }
0x14e: {  	v62 =	vadd.f32 v44, v62;
	v3 =	vmul.f32 v8, v15;
	v2 =	vmul.f32 $1.442695020e+00, v2  }
0x14f: {  	v44 =	vadd.f32 v32, v58;
	v29 =	vmul.f32 v36, v14;
	v21 =	vmul.f32 $6.930000000e+03, v26  }
0x150: {  	v34 =	vadd.f32 v50, v34;
	(erf) = vpow2.f32 v2;
	v6 =	vmul.f32 v5, v11  }
0x151: {  	v28 =	vld.idx.msk [tilespmem:v43+s12+$0x0], $0xffff;
	v40 =	vmul.f32 $2.310000000e+02, v26;
	v50 =	vmul.f32 $1.386000000e+03, v26;
	v33 =	vadd.f32 $-3.780000000e+03, v21  }
0x152: {  	v3 =	vsub.f32 v3, v29;
	v63 =	vmul.f32 v1, v60;
	v1 =	vmul.f32 $2.772000000e+04, v26  }
0x153: {  	v29 =	vadd.f32 v24, v18;
	v2 =	vmul.f32 v8, v14;
	v33 =	vmul.f32 v33, v26  }
0x154: {  	v24 =	vmul.f32 v3, v15;
	v5 =	vadd.f32 $-3.150000000e+02, v40;
	v10 =	vadd.f32 $-7.560000000e+03, v1  }
0x155: {  	v1 =	vmul.f32 v36, v15;
	v9 =	vmul.f32 v6, v9;
	v33 =	vadd.f32 $2.100000000e+02, v33  }
0x156: {  	v58 =	vadd.f32 $-1.260000000e+03, v50;
	v50 =	vmul.f32 $8.316000000e+04, v26;
	v5 =	vmul.f32 v5, v26  }
0x157: {  	v40 =	vadd.f32 v63, v12;
	v4 =	vmul.f32 v10, v20;
	v21 =	vmul.f32 $6.250000000e-02, v33  }
0x158: {  	v1 =	vadd.f32 v1, v2;
	v2 =	vmul.f32 v58, v26;
	v63 =	vmul.f32 v9, v6  }
0x159: {  	v5 =	vadd.f32 $1.050000000e+02, v5;
	v47 =	vmul.f32 v21, v8;
	v58 =	vmul.f32 v21, v36;
	v21 =	vld.idx.msk [tilespmem:v28+s10+$0x0], $0xffff  }
0x15a: {  	v17 =	vld.idx.msk [tilespmem:v28+s2+$0x0], $0xffff;
	v18 =	vadd.f32 $-7.560000000e+03, v50;
	v50 =	vmul.f32 v39, v60;
	v4 =	vmul.f32 $6.250000000e-02, v4  }
0x15b: {  	v31 =	vmul.f32 v1, v14;
	v41 =	vmul.f32 v5, v26  }
0x15c: {  	v2 =	vadd.f32 $2.100000000e+02, v2;
	v42 =	vmul.f32 v4, v3;
	v43 =	vmul.f32 v4, v1  }
0x15d: {  	v3 =	vmul.f32 v3, v14;
	v1 =	vmul.f32 v1, v15  }
0x15e: {  	v5 =	vsub.f32 $1.500000000e+00, v63;
	v7 =	vmul.f32 v2, v20;
	v2 =	vsub.f32 v21, v38  }
0x15f: {  	v9 =	vmul.f32 $6.250000000e-02, v18;
	v11 =	vsub.f32 v24, v31;
	v63 =	vsub.f32 v17, v22;
	v28 =	vld.idx.msk [tilespmem:v28+s11+$0x0], $0xffff  }
0x160: {  	v1 =	vadd.f32 v1, v3;
	v3 =	vmul.f32 v5, v6;
	[tilespmem:$0x1FF80] =	vst v2;
	v21 =	vmul.f32 v2, v2;
	v2 =	vld [tilespmem:$0x1FD70]  }
0x161: {  	v33 =	vld [tilespmem:$0x1FD60];
	v32 =	vmul.f32 v11, v9;
	v18 =	vmul.f32 v63, v63  }
0x162: {  	v26 =	vmul.f32 $6.250000000e-02, v7;
	v39 =	vmul.f32 v1, v9  }
0x163: {  	v9 =	vmul.f32 v11, v15;
	v10 =	vmul.f32 v1, v14  }
0x164: {  	v22 =	vadd.f32 v50, v16;
	v11 =	vmul.f32 v11, v14;
	v1 =	vmul.f32 v1, v15  }
0x165: {  	v5 =	vmul.f32 $1.039500000e+04, v20;
	v50 =	vsub.f32 v28, v23;
	v4 =	vmul.f32 v2, v60;
	v2 =	vld [tilespmem:$0x1FD80]  }
0x166: {  	v36 =	vmul.f32 v33, v60;
	v12 =	vsub.f32 v9, v10;
	v1 =	vadd.f32 v1, v11  }
0x167: {  	v10 =	vmul.f32 v26, v14;
	v33 =	vmul.f32 v50, v50;
	v23 =	vadd.f32 v21, v18  }
0x168: {  	v9 =	vld [tilespmem:$0x1FDA0];
	v24 =	vmul.f32 v12, v14;
	v14 =	vmul.f32 v1, v14  }
0x169: {  	v18 =	vmul.f32 v1, v15;
	v20 =	vadd.f32 v33, v23;
	v23 =	vmul.f32 v1, v5;
	v1 =	vld [tilespmem:$0x1FDB0]  }
0x16a: {  	v6 =	vmul.f32 v2, v60;
	v2 =	vld [tilespmem:$0x1FD90];
	_ =	sdelay $0x2  }
0x16b: {  	v31 =	vadd.f32 $-5.000000000e+00, v35  }
0x16c: {  	v28 =	vmul.f32 v26, v15;
	v7 =	vshrl.u32 v20, $0x1;
	v26 =	vmul.f32 $5.000000000e-01, v20  }
0x16d: {  	v1 =	vmul.f32 v1, v60;
	v16 =	vadd.f32 v6, v61;
	v61 =	vsub.f32 v2, v9  }
0x16e: {  	v35 =	vmul.f32 v3, v55;
	v17 =	vmul.f32 v12, v15;
	v15 =	vld [tilespmem:$0x1FDD0];
	v11 =	vsub.s32 $0x5F3759DF, v7  }
0x16f: {  	v8 =	vmul.f32 v11, v26;
	v55 =	vadd.f32 v1, v62;
	v2 =	vld [tilespmem:$0x1FDC0];
	v1 =	vmul.f32 v61, v60;
	_ =	sdelay $0x1  }
0x170: {  	v21 =	vmul.f32 v12, v5;
	v12 =	vmul.f32 v11, v8;
	v27 =	vadd.f32 v1, v27;
	v1 =	vld [tilespmem:$0x1FDF0];
	_ =	sdelay $0x1  }
0x171: {  	v59 =	vmul.f32 v3, v59;
	v12 =	vsub.f32 $1.500000000e+00, v12  }
0x172: {  	v6 =	vmul.f32 v3, v57;
	v2 =	vadd.f32 v15, v2;
	v15 =	vmul.f32 v3, v54;
	v3 =	vld [tilespmem:$0x1FDE0]  }
0x173: {  	v54 =	vmul.f32 v11, v12;
	v11 =	vpop (erf)  }
0x174: {  	v12 =	vmul.f32 v1, v11;
	v1 =	vld [tilespmem:$0x1FE00];
	_ =	sdelay $0x2  }
0x175: {  	v2 =	vmul.f32 v2, v60;
	v9 =	vmul.f32 v3, v60;
	_ =	sdelay $0x1  }
0x176: {  	v25 =	vadd.f32 v9, v25;
	v9 =	vadd.f32 v2, v34;
	v34 =	vmul.f32 v1, v11;
	v1 =	vld [tilespmem:$0x1FE10];
	_ =	sdelay $0x2  }
0x177: {  	v13 =	vadd.f32 v36, v13;
	v36 =	vmul.f32 $6.250000000e-02, v31  }
0x178: {  	v2 =	vld [tilespmem:$0x1FE30]  }
0x179: {  	v3 =	vmul.f32 v36, v11;
	v36 =	vmul.f32 v1, v11;
	v1 =	vld [tilespmem:$0x1FE20];
	_ =	sdelay $0x1  }
0x17a: {  	[tilespmem:$0x1FF60] =	vst v38;
	v38 =	vld [tilespmem:$0x1FEB0]  }
0x17b: {  	v7 =	vmul.f32 v48, v11;
	v48 =	vld [tilespmem:$0x1FEC0]  }
0x17c: {  	v33 =	vld [tilespmem:$0x1FEA0]  }
0x17d: {  	v31 =	vsub.f32 v1, v2;
	v1 =	vld [tilespmem:$0x1FE40]  }
0x17e: {  	v2 =	vld [tilespmem:$0x1FE90]  }
0x17f: {  	v44 =	vadd.f32 v12, v44;
	v3 =	vadd.f32 v3, v45;
	v45 =	vmul.f32 v46, v11;
	v46 =	vld [tilespmem:$0x1FF00];
	v12 =	vpop (erf)  }
0x180: {  	v30 =	vadd.f32 v34, v30;
	v34 =	vmul.f32 v48, v12;
	v48 =	vld [tilespmem:$0x1FF10]  }
0x181: {  	v36 =	vadd.f32 v36, v29;
	v29 =	vsub.f32 v53, v56;
	v56 =	vld [tilespmem:$0x1FED0]  }
0x182: {  	v61 =	vmul.f32 v1, v11;
	v1 =	vld [tilespmem:$0x1FE50]  }
0x183: {  	v2 =	vadd.f32 v33, v2;
	v33 =	vld [tilespmem:$0x1FEE0];
	_ =	sdelay $0x1  }
0x184: {  	v8 =	vmul.f32 v38, v11;
	v38 =	vld [tilespmem:$0x1FEF0]  }
0x185: {  	v52 =	vadd.f32 v52, v48;
	v48 =	vld [tilespmem:$0x1FF30]  }
0x186: {  	v53 =	vmul.f32 v56, v12;
	v62 =	vmul.f32 v1, v11;
	v1 =	vld [tilespmem:$0x1FE60]  }
0x187: {  	v56 =	vmul.f32 v33, v12;
	v33 =	vmul.f32 v46, v12;
	v46 =	vld [tilespmem:$0x1FF20];
	_ =	sdelay $0x2  }
0x188: {  	v59 =	vadd.f32 $-3.000000120e-01, v59;
	v57 =	vmul.f32 v31, v11  }
0x189: {  	v19 =	vadd.f32 v4, v19;
	v31 =	vmul.f32 v38, v12;
	v4 =	vmul.f32 v1, v11;
	v1 =	vld [tilespmem:$0x1FE70]  }
0x18a: {  	v7 =	vadd.f32 v7, v16;
	v38 =	vmul.f32 v46, v12;
	v46 =	vmul.f32 v48, v12;
	v48 =	vld [tilespmem:$0x1FF40]  }
0x18b: {  	v16 =	vmul.f32 v6, v6;
	v51 =	vmul.f32 v51, v12;
	v62 =	vadd.f32 v62, v13;
	v13 =	vpop (erf)  }
0x18c: {  	v2 =	vmul.f32 v2, v11;
	v4 =	vadd.f32 v4, v22;
	v22 =	vmul.f32 v28, v13  }
0x18d: {  	v28 =	vmul.f32 v42, v13;
	v42 =	vadd.f32 v8, v55;
	v55 =	vmul.f32 v39, v13  }
0x18e: {  	v25 =	vadd.f32 v45, v25;
	v39 =	vmul.f32 v21, v13;
	v5 =	vmul.f32 v1, v11  }
0x18f: {  	v61 =	vadd.f32 v61, v40;
	v21 =	vmul.f32 v23, v13;
	v40 =	vmul.f32 v48, v12  }
0x190: {  	v48 =	vmul.f32 v52, v12;
	v5 =	vadd.f32 v5, v19;
	v19 =	vmul.f32 v58, v13  }
0x191: {  	v1 =	vld [tilespmem:$0x1FE80];
	v58 =	vmul.f32 v59, v59;
	v59 =	vsub.f32 v17, v14;
	v17 =	vmul.f32 $2.310000000e+02, v16  }
0x192: {  	v52 =	vmul.f32 v10, v13;
	v10 =	vadd.f32 v18, v24;
	v24 =	vmul.f32 v35, v35  }
0x193: {  	v8 =	vmul.f32 $-2.000000000e+00, v58;
	v23 =	vmul.f32 v59, v13;
	v58 =	vadd.f32 $-3.150000000e+02, v17  }
0x194: {  	v27 =	vadd.f32 v57, v27;
	v59 =	vmul.f32 v54, v26;
	v17 =	vmul.f32 $1.386000000e+03, v16  }
0x195: {  	v45 =	vadd.f32 v2, v9;
	v8 =	vmul.f32 $1.442695020e+00, v8;
	v2 =	vmul.f32 v58, v16  }
0x196: {  	v1 =	vadd.f32 $-5.000000000e+00, v1;
	v57 =	vmul.f32 v59, v54;
	v58 =	vmul.f32 $6.930000000e+03, v16  }
0x197: {  	v9 =	vadd.f32 $-1.260000000e+03, v17;
	v59 =	vmul.f32 v15, v15;
	v17 =	vmul.f32 v10, v13  }
0x198: {  	v1 =	vmul.f32 $6.250000000e-02, v1;
	(erf) = vpow2.f32 v8  }
0x199: {  	v2 =	vadd.f32 $1.050000000e+02, v2;
	v8 =	vsub.f32 $1.500000000e+00, v57;
	v9 =	vmul.f32 v9, v16  }
0x19a: {  	v18 =	vsub.f32 v59, v24;
	v57 =	vmul.f32 $2.772000000e+04, v16;
	v59 =	vmul.f32 $8.316000000e+04, v16  }
0x19b: {  	v14 =	vadd.f32 $-3.780000000e+03, v58;
	v24 =	vmul.f32 v35, v15;
	v1 =	vmul.f32 v1, v12  }
0x19c: {  	v2 =	vmul.f32 v2, v16;
	v54 =	vmul.f32 v8, v54;
	v9 =	vadd.f32 $2.100000000e+02, v9  }
0x19d: {  	v58 =	vmul.f32 v14, v16;
	v8 =	vadd.f32 $-7.560000000e+03, v57;
	v14 =	vadd.f32 $-7.560000000e+03, v59  }
0x19e: {  	v16 =	vadd.f32 v24, v24;
	v2 =	vadd.f32 $-5.000000000e+00, v2;
	v9 =	vmul.f32 v9, v6  }
0x19f: {  	v10 =	vadd.f32 $2.100000000e+02, v58;
	v8 =	vmul.f32 v8, v6;
	v24 =	vmul.f32 $6.250000000e-02, v14  }
0x1a0: {  	v2 =	vmul.f32 $6.250000000e-02, v2;
	v9 =	vmul.f32 $6.250000000e-02, v9  }
0x1a1: {  	v1 =	vadd.f32 v1, v3;
	v10 =	vmul.f32 $6.250000000e-02, v10;
	v3 =	vmul.f32 $6.250000000e-02, v8  }
0x1a2: {  	v59 =	vmul.f32 v9, v15;
	v9 =	vmul.f32 v9, v35  }
0x1a3: {  	v44 =	vadd.f32 v51, v44;
	v8 =	vmul.f32 v10, v18;
	v51 =	vmul.f32 v10, v16;
	v14 =	vpop (erf)  }
0x1a4: {  	v10 =	vmul.f32 v2, v14;
	v2 =	vmul.f32 v9, v14;
	_ =	sdelay $0x1  }
0x1a5: {  	[tilespmem:$0x1FF90] =	vst v2;
	v2 =	vld [tilespmem:$0x1FFE0];
	_ =	sdelay $0x1  }
0x1a6: {  	v57 =	vmul.f32 v18, v15;
	v58 =	vmul.f32 v16, v35  }
0x1a7: {  	v41 =	vadd.f32 $-5.000000000e+00, v41;
	v18 =	vmul.f32 v18, v35;
	v16 =	vmul.f32 v16, v15  }
0x1a8: {  	v49 =	vmul.f32 v49, v12  }
0x1a9: {  	v41 =	vmul.f32 $6.250000000e-02, v41;
	v16 =	vadd.f32 v16, v18;
	v18 =	vor.u32 $0x9, v2  }
0x1aa: {  	v30 =	vadd.f32 v49, v30;
	v29 =	vmul.f32 v29, v12;
	v49 =	vsub.f32 v57, v58  }
0x1ab: {  	v34 =	vadd.f32 v34, v36;
	v41 =	vmul.f32 v41, v13;
	v47 =	vmul.f32 v47, v13  }
0x1ac: {  	v56 =	vadd.f32 v56, v62;
	v62 =	vmul.f32 v49, v35;
	v9 =	vmul.f32 v49, v15  }
0x1ad: {  	v53 =	vadd.f32 v53, v61;
	v57 =	vmul.f32 v16, v35;
	v61 =	vmul.f32 v16, v15  }
0x1ae: {  	v27 =	vadd.f32 v29, v27;
	v43 =	vmul.f32 v43, v13;
	v32 =	vmul.f32 v32, v13;
	v18 =	vld.idx.msk [tilespmem:v18+s12+$0x0], $0xffff  }
0x1af: {  	v57 =	vsub.f32 v9, v57;
	v9 =	vmul.f32 v51, v14;
	v51 =	vadd.f32 v61, v62  }
0x1b0: {  	v47 =	vadd.f32 v47, v34;
	v26 =	vmul.f32 v54, v26;
	v49 =	vmul.f32 v3, v49  }
0x1b1: {  	v5 =	vadd.f32 v33, v5;
	v3 =	vmul.f32 v3, v16;
	v33 =	vmul.f32 v51, v24  }
0x1b2: {  	v31 =	vadd.f32 v31, v4;
	v4 =	vmul.f32 v49, v14;
	v62 =	vmul.f32 v26, v54  }
0x1b3: {  	v38 =	vadd.f32 v38, v7;
	v26 =	vmul.f32 v3, v14;
	v3 =	vmul.f32 v33, v14  }
0x1b4: {  	v16 =	vmul.f32 v57, v24;
	v7 =	vmul.f32 v57, v15;
	v62 =	vsub.f32 $1.500000000e+00, v62  }
0x1b5: {  	v46 =	vadd.f32 v46, v42;
	v61 =	vmul.f32 v51, v35;
	v57 =	vmul.f32 v57, v35;
	[tilespmem:$0x1FFA0] =	vst v3;
	v3 =	vld [tilespmem:$0x1FF50]  }
0x1b6: {  	v56 =	vadd.f32 v28, v56;
	v51 =	vmul.f32 v51, v15;
	v49 =	vmul.f32 v62, v54;
	v62 =	vld.idx.msk [tilespmem:v18+s2+$0x0], $0xffff  }
0x1b7: {  	v38 =	vadd.f32 v55, v38;
	v6 =	vmul.f32 $1.039500000e+04, v6;
	v7 =	vsub.f32 v7, v61  }
0x1b8: {  	v36 =	vmul.f32 v59, v14;
	v8 =	vmul.f32 v8, v14;
	v57 =	vadd.f32 v51, v57  }
0x1b9: {  	v40 =	vadd.f32 v40, v25;
	v33 =	vmul.f32 v7, v6;
	v25 =	vmul.f32 v49, v50  }
0x1ba: {  	v45 =	vadd.f32 v48, v45;
	v59 =	vmul.f32 v7, v15;
	v61 =	vmul.f32 v57, v35;
	v51 =	vld.idx.msk [tilespmem:v18+s10+$0x0], $0xffff  }
0x1bb: {  	v20 =	vmul.f32 v49, v20;
	v48 =	vmul.f32 v25, v25;
	v42 =	vsub.f32 v62, v3;
	v62 =	vld [tilespmem:$0x1FF60]  }
0x1bc: {  	v1 =	vadd.f32 v41, v1;
	v6 =	vmul.f32 v57, v6;
	v15 =	vmul.f32 v57, v15  }
0x1bd: {  	v54 =	vsub.f32 v59, v61;
	v57 =	vadd.f32 $-3.000000120e-01, v20;
	v61 =	vld [tilespmem:$0x1FF70];
	v58 =	vmul.f32 $2.310000000e+02, v48  }
0x1be: {  	v41 =	vadd.f32 v22, v44;
	v24 =	vmul.f32 v16, v14;
	v7 =	vmul.f32 v7, v35;
	v18 =	vld.idx.msk [tilespmem:v18+s11+$0x0], $0xffff  }
0x1bf: {  	v16 =	vmul.f32 v54, v14;
	v59 =	vmul.f32 v57, v57;
	v54 =	vadd.f32 $-3.150000000e+02, v58  }
0x1c0: {  	v44 =	vmul.f32 v49, v63;
	v20 =	vmul.f32 v33, v14;
	v35 =	vsub.f32 v51, v62  }
0x1c1: {  	v7 =	vadd.f32 v15, v7;
	v15 =	vmul.f32 $-2.000000000e+00, v59;
	v57 =	vmul.f32 v54, v48  }
0x1c2: {  	v31 =	vadd.f32 v43, v31;
	v58 =	vmul.f32 v42, v42;
	v59 =	vmul.f32 v35, v35  }
0x1c3: {  	v6 =	vmul.f32 v6, v14;
	v34 =	vmul.f32 v44, v44;
	v18 =	vsub.f32 v18, v61  }
0x1c4: {  	v54 =	vmul.f32 $1.386000000e+03, v48;
	v22 =	vadd.f32 $1.050000000e+02, v57;
	v29 =	vadd.f32 v59, v58;
	v59 =	vld [tilespmem:$0x1FF80]  }
0x1c5: {  	v39 =	vadd.f32 v39, v46;
	v15 =	vmul.f32 $1.442695020e+00, v15;
	v57 =	vmul.f32 v18, v18  }
0x1c6: {  	v50 =	vadd.f32 $-1.260000000e+03, v54;
	v22 =	vmul.f32 v22, v48;
	v58 =	vmul.f32 $6.930000000e+03, v48  }
0x1c7: {  	v7 =	vmul.f32 v7, v14;
	(erf) = vpow2.f32 v15;
	v54 =	vadd.f32 v57, v29  }
0x1c8: {  	v63 =	vmul.f32 v50, v48;
	v15 =	vadd.f32 $-5.000000000e+00, v22;
	v57 =	vadd.f32 $-3.780000000e+03, v58  }
0x1c9: {  	v51 =	vmul.f32 $5.000000000e-01, v54;
	v49 =	vmul.f32 v49, v59;
	v59 =	vshrl.u32 v54, $0x1  }
0x1ca: {  	v22 =	vadd.f32 $2.100000000e+02, v63;
	v58 =	vmul.f32 $2.772000000e+04, v48;
	v50 =	vsub.s32 $0x5F3759DF, v59  }
0x1cb: {  	v52 =	vadd.f32 v52, v30;
	v29 =	vmul.f32 v57, v48;
	v63 =	vmul.f32 v50, v51  }
0x1cc: {  	v33 =	vadd.f32 $-7.560000000e+03, v58;
	v58 =	vmul.f32 $6.250000000e-02, v15;
	v15 =	vmul.f32 v22, v25  }
0x1cd: {  	v48 =	vmul.f32 $8.316000000e+04, v48;
	v22 =	vadd.f32 $2.100000000e+02, v29;
	v63 =	vmul.f32 v50, v63  }
0x1ce: {  	v19 =	vadd.f32 v19, v53;
	v59 =	vmul.f32 v33, v25;
	v30 =	vmul.f32 $6.250000000e-02, v15  }
0x1cf: {  	v22 =	vmul.f32 $6.250000000e-02, v22;
	v29 =	vsub.f32 $1.500000000e+00, v63;
	v63 =	vmul.f32 v49, v49  }
0x1d0: {  	v33 =	vadd.f32 $-7.560000000e+03, v48;
	v57 =	vmul.f32 $6.250000000e-02, v59;
	v59 =	vmul.f32 v49, v44  }
0x1d1: {  	v15 =	vpop (erf);
	v48 =	vmul.f32 v30, v44;
	v29 =	vmul.f32 v50, v29;
	v34 =	vsub.f32 v34, v63  }
0x1d2: {  	v53 =	vadd.f32 v59, v59;
	v50 =	vmul.f32 $1.039500000e+04, v25;
	v25 =	vmul.f32 v58, v15  }
0x1d3: {  	v40 =	vadd.f32 v21, v40;
	v63 =	vmul.f32 v29, v51;
	v59 =	vmul.f32 v22, v34  }
0x1d4: {  	v43 =	vadd.f32 v32, v5;
	v22 =	vmul.f32 v22, v53;
	v5 =	vmul.f32 v34, v44  }
0x1d5: {  	v17 =	vadd.f32 v17, v45;
	v58 =	vmul.f32 v63, v29;
	v63 =	vmul.f32 v53, v49  }
0x1d6: {  	v10 =	vadd.f32 v10, v1;
	v34 =	vmul.f32 v34, v49;
	v53 =	vmul.f32 v53, v44  }
0x1d7: {  	v33 =	vmul.f32 $6.250000000e-02, v33;
	v58 =	vsub.f32 $1.500000000e+00, v58;
	v5 =	vsub.f32 v5, v63  }
0x1d8: {  	v28 =	vmul.f32 v30, v49;
	v30 =	vmul.f32 v48, v15;
	v32 =	vadd.f32 v53, v34  }
0x1d9: {  	v41 =	vadd.f32 v36, v41;
	v48 =	vmul.f32 v58, v29;
	v55 =	vmul.f32 v57, v5  }
0x1da: {  	v53 =	vor.u32 $0xA, v2;
	v29 =	vmul.f32 v5, v44;
	v34 =	vmul.f32 v32, v49  }
0x1db: {  	v8 =	vadd.f32 v8, v47;
	v5 =	vmul.f32 v5, v49;
	v63 =	vmul.f32 v32, v44  }
0x1dc: {  	v32 =	vmul.f32 v57, v32;
	v46 =	vmul.f32 v48, v51;
	v51 =	vsub.f32 v29, v34  }
0x1dd: {  	v34 =	vmul.f32 v59, v15;
	v5 =	vadd.f32 v63, v5;
	v29 =	vmul.f32 v22, v15  }
0x1de: {  	v4 =	vadd.f32 v4, v56;
	v22 =	vmul.f32 v55, v15;
	v46 =	vmul.f32 v46, v48  }
0x1df: {  	v9 =	vadd.f32 v9, v19;
	v21 =	vld.idx.msk [tilespmem:v53+s12+$0x0], $0xffff;
	v53 =	vmul.f32 v51, v33;
	v57 =	vmul.f32 v5, v33  }
0x1e0: {  	v26 =	vadd.f32 v26, v31;
	v59 =	vmul.f32 v51, v44;
	v63 =	vmul.f32 v5, v49  }
0x1e1: {  	v1 =	vmul.f32 v51, v49;
	v5 =	vmul.f32 v5, v44;
	v46 =	vsub.f32 $1.500000000e+00, v46  }
0x1e2: {  	v55 =	vadd.f32 v23, v27;
	v33 =	vmul.f32 v32, v15;
	v27 =	vsub.f32 v59, v63  }
0x1e3: {  	v32 =	vmul.f32 v53, v15;
	v1 =	vadd.f32 v5, v1;
	v53 =	vld [tilespmem:$0x1FF90];
	v46 =	vmul.f32 v46, v48  }
0x1e4: {  	v24 =	vadd.f32 v24, v43;
	v23 =	vmul.f32 v57, v15;
	v57 =	vmul.f32 v27, v44  }
0x1e5: {  	v20 =	vadd.f32 v20, v39;
	v59 =	vmul.f32 v1, v49;
	v18 =	vmul.f32 v46, v18  }
0x1e6: {  	v40 =	vadd.f32 v6, v40;
	v58 =	vmovc v2;
	v2 =	vmul.f32 v27, v50;
	v5 =	vmul.f32 v1, v50  }
0x1e7: {  	v1 =	vmul.f32 v1, v44;
	v36 =	vsub.f32 v57, v59;
	v45 =	vmul.f32 v18, v18  }
0x1e8: {  	v57 =	vmul.f32 v46, v54;
	v48 =	vadd.f32 v53, v52;
	v50 =	vld.idx.msk [tilespmem:v21+s2+$0x0], $0xffff;
	v53 =	vmul.f32 v27, v49  }
0x1e9: {  	v7 =	vadd.f32 v7, v17;
	v28 =	vmul.f32 v28, v15;
	v52 =	vld.idx.msk [tilespmem:v21+s10+$0x0], $0xffff;
	v63 =	vmul.f32 $2.310000000e+02, v45  }
0x1ea: {  	v42 =	vmul.f32 v46, v42;
	v1 =	vadd.f32 v1, v53;
	v53 =	vadd.f32 $-3.000000120e-01, v57  }
0x1eb: {  	v35 =	vmul.f32 v46, v35;
	v27 =	vmul.f32 v2, v15;
	v59 =	vadd.f32 $-3.150000000e+02, v63;
	v63 =	vld.idx.msk [tilespmem:v21+s11+$0x0], $0xffff  }
0x1ec: {  	v10 =	vadd.f32 v25, v10;
	v2 =	vmul.f32 v36, v15;
	v19 =	vmul.f32 v53, v53  }
0x1ed: {  	v21 =	vmul.f32 v5, v15;
	v36 =	vsub.f32 v50, v3;
	v54 =	vmul.f32 v59, v45  }
0x1ee: {  	v5 =	vmul.f32 v1, v15;
	v1 =	vsub.f32 v52, v62;
	v59 =	vmul.f32 $1.386000000e+03, v45  }
0x1ef: {  	v19 =	vmul.f32 $-2.000000000e+00, v19;
	v50 =	vmul.f32 v36, v36;
	v44 =	vadd.f32 $1.050000000e+02, v54  }
0x1f0: {  	v47 =	vadd.f32 $-1.260000000e+03, v59;
	v49 =	vsub.f32 v63, v61;
	v63 =	vmul.f32 v1, v1  }
0x1f1: {  	v25 =	vadd.f32 v30, v41;
	v19 =	vmul.f32 $1.442695020e+00, v19;
	v44 =	vmul.f32 v44, v45  }
0x1f2: {  	v47 =	vmul.f32 v47, v45;
	v50 =	vadd.f32 v63, v50;
	v54 =	vmul.f32 v49, v49  }
0x1f3: {  	v57 =	vmovc v3;
	v3 =	vld [tilespmem:$0x1FFA0];
	v59 =	vmul.f32 $6.930000000e+03, v45;
	v63 =	vmul.f32 $2.772000000e+04, v45;
	v44 =	vadd.f32 $-5.000000000e+00, v44  }
0x1f4: {  	v52 =	vmul.f32 v42, v42;
	v56 =	vadd.f32 $2.100000000e+02, v47;
	v46 =	vadd.f32 v54, v50  }
0x1f5: {  	(erf) = vpow2.f32 v19;
	v47 =	vadd.f32 $-3.780000000e+03, v59;
	v31 =	vadd.f32 $-7.560000000e+03, v63  }
0x1f6: {  	v63 =	vmul.f32 v35, v35;
	v50 =	vshrl.u32 v46, $0x1;
	v51 =	vmul.f32 $5.000000000e-01, v46  }
0x1f7: {  	v44 =	vmul.f32 $6.250000000e-02, v44;
	v19 =	vmul.f32 v56, v18;
	v50 =	vsub.s32 $0x5F3759DF, v50  }
0x1f8: {  	v38 =	vadd.f32 v3, v38;
	v59 =	vmul.f32 v47, v45;
	v56 =	vmul.f32 v50, v51  }
0x1f9: {  	v45 =	vmul.f32 $8.316000000e+04, v45;
	v31 =	vmul.f32 v31, v18;
	v52 =	vsub.f32 v52, v63  }
0x1fa: {  	v18 =	vmul.f32 $1.039500000e+04, v18;
	v43 =	vadd.f32 $2.100000000e+02, v59;
	v47 =	vmul.f32 v50, v56  }
0x1fb: {  	v19 =	vmul.f32 $6.250000000e-02, v19;
	v59 =	vmul.f32 v35, v42;
	v45 =	vadd.f32 $-7.560000000e+03, v45  }
0x1fc: {  	v31 =	vmul.f32 $6.250000000e-02, v31;
	v43 =	vmul.f32 $6.250000000e-02, v43;
	v47 =	vsub.f32 $1.500000000e+00, v47  }
0x1fd: {  	v53 =	vadd.f32 v59, v59;
	v3 =	vmul.f32 $6.250000000e-02, v45;
	v45 =	vmul.f32 v52, v42  }
0x1fe: {  	v55 =	vadd.f32 v16, v55;
	v59 =	vmul.f32 v52, v35;
	v16 =	vpop (erf);
	v47 =	vmul.f32 v50, v47  }
0x1ff: {  	v8 =	vadd.f32 v34, v8;
	v44 =	vmul.f32 v44, v16;
	v63 =	vmul.f32 v53, v35  }
0x200: {  	v9 =	vadd.f32 v29, v9;
	v54 =	vmul.f32 v53, v42;
	v50 =	vmul.f32 v47, v51  }
0x201: {  	v52 =	vmul.f32 v43, v52;
	v43 =	vmul.f32 v43, v53;
	v39 =	vsub.f32 v45, v63  }
0x202: {  	v6 =	vadd.f32 v54, v59;
	v54 =	vmul.f32 v19, v42;
	v63 =	vmul.f32 v50, v47  }
0x203: {  	v19 =	vmul.f32 v19, v35;
	v53 =	vmul.f32 v31, v39;
	v50 =	vor.u32 $0xB, v58  }
0x204: {  	v56 =	vmul.f32 v39, v42;
	v59 =	vmul.f32 v6, v35;
	v45 =	vsub.f32 $1.500000000e+00, v63  }
0x205: {  	v4 =	vadd.f32 v22, v4;
	v31 =	vmul.f32 v31, v6;
	v6 =	vmul.f32 v6, v42  }
0x206: {  	v63 =	vmul.f32 v39, v35;
	v17 =	vmul.f32 v45, v47;
	v45 =	vsub.f32 v56, v59  }
0x207: {  	v28 =	vadd.f32 v28, v48;
	v48 =	vmul.f32 v52, v16;
	v43 =	vmul.f32 v43, v16  }
0x208: {  	v19 =	vmul.f32 v19, v16;
	v6 =	vadd.f32 v6, v63;
	v39 =	vld.idx.msk [tilespmem:v50+s12+$0x0], $0xffff;
	v30 =	vmul.f32 v45, v3  }
0x209: {  	v26 =	vadd.f32 v33, v26;
	v58 =	vmul.f32 v17, v51;
	v59 =	vmul.f32 v45, v42  }
0x20a: {  	v24 =	vadd.f32 v32, v24;
	v63 =	vmul.f32 v6, v35;
	v3 =	vmul.f32 v6, v3  }
0x20b: {  	v20 =	vadd.f32 v27, v20;
	v45 =	vmul.f32 v45, v35;
	v6 =	vmul.f32 v6, v42  }
0x20c: {  	v47 =	vmul.f32 v54, v16;
	v54 =	vmul.f32 v58, v17;
	v56 =	vsub.f32 v59, v63  }
0x20d: {  	v29 =	vmul.f32 v31, v16;
	v50 =	vmul.f32 v53, v16;
	v45 =	vadd.f32 v6, v45  }
0x20e: {  	v30 =	vmul.f32 v30, v16;
	v34 =	vsub.f32 $1.500000000e+00, v54;
	v63 =	vmul.f32 v56, v18  }
0x20f: {  	v2 =	vadd.f32 v2, v55;
	v52 =	vmul.f32 v56, v42;
	v41 =	vmul.f32 v56, v35  }
0x210: {  	v21 =	vadd.f32 v21, v40;
	v35 =	vmul.f32 v45, v35;
	v17 =	vmul.f32 v34, v17;
	v58 =	vld.idx.msk [tilespmem:v39+s2+$0x0], $0xffff  }
0x211: {  	v5 =	vadd.f32 v5, v7;
	v18 =	vmul.f32 v45, v18;
	v53 =	vmul.f32 v45, v42;
	v59 =	vld.idx.msk [tilespmem:v39+s10+$0x0], $0xffff  }
0x212: {  	v33 =	vmul.f32 v3, v16;
	v32 =	vsub.f32 v52, v35;
	v51 =	vld.idx.msk [tilespmem:v39+s11+$0x0], $0xffff;
	v39 =	vmul.f32 v17, v49  }
0x213: {  	v22 =	vmul.f32 v63, v16;
	v18 =	vmul.f32 v18, v16;
	v31 =	vadd.f32 v53, v41  }
0x214: {  	v23 =	vadd.f32 v23, v38;
	v32 =	vmul.f32 v32, v16;
	v38 =	vmul.f32 v39, v39  }
0x215: {  	v31 =	vmul.f32 v31, v16;
	v36 =	vmul.f32 v17, v36;
	v6 =	vsub.f32 v58, v57  }
0x216: {  	v3 =	vsub.f32 v59, v62;
	v57 =	vmul.f32 $2.310000000e+02, v38;
	v58 =	vmul.f32 v17, v46  }
0x217: {  	v10 =	vadd.f32 v44, v10;
	v62 =	vmul.f32 $1.386000000e+03, v38;
	v53 =	vmul.f32 $6.930000000e+03, v38  }
0x218: {  	v34 =	vsub.f32 v51, v61;
	v54 =	vmul.f32 v6, v6;
	v56 =	vmul.f32 v3, v3  }
0x219: {  	v17 =	vmul.f32 v17, v1;
	v35 =	vadd.f32 $-3.150000000e+02, v57;
	v41 =	vadd.f32 $-3.000000120e-01, v58  }
0x21a: {  	v59 =	vmul.f32 v34, v34;
	v57 =	vmul.f32 v36, v36;
	v42 =	vadd.f32 v56, v54  }
0x21b: {  	v8 =	vadd.f32 v48, v8;
	v61 =	vmul.f32 v35, v38;
	v41 =	vmul.f32 v41, v41  }
0x21c: {  	v58 =	vmul.f32 v17, v17;
	v35 =	vadd.f32 $-1.260000000e+03, v62;
	v42 =	vadd.f32 v59, v42  }
0x21d: {  	v56 =	vmul.f32 $2.772000000e+04, v38;
	v27 =	vadd.f32 $1.050000000e+02, v61;
	v63 =	vmul.f32 $-2.000000000e+00, v41  }
0x21e: {  	v35 =	vmul.f32 v35, v38;
	v45 =	vshrl.u32 v42, $0x1;
	v46 =	vmul.f32 $5.000000000e-01, v42  }
0x21f: {  	v40 =	vadd.f32 $-7.560000000e+03, v56;
	v59 =	vmul.f32 v17, v36;
	v45 =	vsub.s32 $0x5F3759DF, v45  }
0x220: {  	v41 =	vsub.f32 v57, v58;
	v27 =	vmul.f32 v27, v38;
	v49 =	vmul.f32 v45, v46  }
0x221: {  	v51 =	vmul.f32 $1.442695020e+00, v63;
	v35 =	vadd.f32 $2.100000000e+02, v35;
	v40 =	vmul.f32 v40, v39  }
0x222: {  	v55 =	vadd.f32 $-3.780000000e+03, v53;
	v63 =	vmul.f32 v41, v36;
	v52 =	vmul.f32 v45, v49  }
0x223: {  	v62 =	vadd.f32 v59, v59;
	(erf) = vpow2.f32 v51;
	v54 =	vmul.f32 v35, v39  }
0x224: {  	v35 =	vmul.f32 v55, v38;
	v38 =	vmul.f32 $8.316000000e+04, v38;
	v1 =	vsub.f32 $1.500000000e+00, v52  }
0x225: {  	v27 =	vadd.f32 $-5.000000000e+00, v27;
	v40 =	vmul.f32 $6.250000000e-02, v40;
	v55 =	vmul.f32 v41, v17  }
0x226: {  	v9 =	vadd.f32 v43, v9;
	v57 =	vmul.f32 v62, v36;
	v1 =	vmul.f32 v45, v1  }
0x227: {  	v39 =	vmul.f32 $1.039500000e+04, v39;
	v7 =	vmul.f32 $6.250000000e-02, v27;
	v35 =	vadd.f32 $2.100000000e+02, v35  }
0x228: {  	v27 =	vmul.f32 $6.250000000e-02, v54;
	v38 =	vadd.f32 $-7.560000000e+03, v38;
	v45 =	vmul.f32 v1, v46  }
0x229: {  	v19 =	vadd.f32 v19, v28;
	v54 =	vmul.f32 v62, v17;
	v35 =	vmul.f32 $6.250000000e-02, v35  }
0x22a: {  	v25 =	vadd.f32 v47, v25;
	v38 =	vmul.f32 $6.250000000e-02, v38;
	v61 =	vmul.f32 v45, v1  }
0x22b: {  	v47 =	vsub.f32 v63, v54;
	v63 =	vmul.f32 v27, v36;
	v27 =	vmul.f32 v27, v17  }
0x22c: {  	v41 =	vmul.f32 v35, v41;
	v35 =	vmul.f32 v35, v62;
	v44 =	vsub.f32 $1.500000000e+00, v61  }
0x22d: {  	v26 =	vadd.f32 v29, v26;
	v58 =	vmul.f32 v47, v36;
	v61 =	vmul.f32 v47, v17  }
0x22e: {  	v47 =	vmul.f32 v40, v47;
	v56 =	vmul.f32 v44, v1;
	v1 =	vpop (erf);
	v44 =	vadd.f32 v57, v55  }
0x22f: {  	v4 =	vadd.f32 v50, v4;
	v7 =	vmul.f32 v7, v1;
	v57 =	vmul.f32 v63, v1  }
0x230: {  	v24 =	vadd.f32 v30, v24;
	v27 =	vmul.f32 v27, v1;
	v59 =	vmul.f32 v44, v17  }
0x231: {  	v23 =	vadd.f32 v33, v23;
	v46 =	vmul.f32 v56, v46;
	v62 =	vmul.f32 v44, v36  }
0x232: {  	v41 =	vmul.f32 v41, v1;
	v35 =	vmul.f32 v35, v1;
	v43 =	vsub.f32 v58, v59  }
0x233: {  	v47 =	vmul.f32 v47, v1;
	v46 =	vmul.f32 v46, v56;
	v48 =	vadd.f32 v62, v61  }
0x234: {  	v20 =	vadd.f32 v22, v20;
	v40 =	vmul.f32 v40, v44;
	v51 =	vmul.f32 v43, v38  }
0x235: {  	v46 =	vsub.f32 $1.500000000e+00, v46;
	v53 =	vmul.f32 v43, v36;
	v54 =	vmul.f32 v48, v17  }
0x236: {  	v18 =	vadd.f32 v18, v21;
	v52 =	vmul.f32 v48, v38;
	v55 =	vmul.f32 v43, v17  }
0x237: {  	v28 =	vmul.f32 v46, v56;
	v56 =	vmul.f32 v48, v36;
	v30 =	vsub.f32 v53, v54  }
0x238: {  	v32 =	vadd.f32 v32, v2;
	v48 =	vmul.f32 v40, v1;
	v49 =	vmul.f32 v51, v1  }
0x239: {  	v2 =	vadd.f32 v31, v5;
	v29 =	vmul.f32 v52, v1;
	v58 =	vmul.f32 v30, v39  }
0x23a: {  	v7 =	vadd.f32 v7, v10;
	v34 =	vmul.f32 v28, v34;
	v61 =	vmul.f32 v30, v36  }
0x23b: {  	v33 =	vadd.f32 v56, v55;
	v30 =	vmul.f32 v30, v17;
	v42 =	vmul.f32 v28, v42  }
0x23c: {  	v25 =	vadd.f32 v57, v25;
	v6 =	vmul.f32 v28, v6;
	v3 =	vmul.f32 v28, v3  }
0x23d: {  	v19 =	vadd.f32 v27, v19;
	v59 =	vmul.f32 v33, v39;
	v62 =	vmul.f32 v34, v34  }
0x23e: {  	v63 =	vmul.f32 v33, v17;
	v45 =	vmul.f32 v33, v36;
	v17 =	vadd.f32 $-3.000000120e-01, v42  }
0x23f: {  	v4 =	vadd.f32 v47, v4;
	v22 =	vmul.f32 v58, v1;
	v46 =	vmul.f32 $2.310000000e+02, v62  }
0x240: {  	v26 =	vadd.f32 v48, v26;
	v17 =	vmul.f32 v17, v17;
	v21 =	vmul.f32 v59, v1  }
0x241: {  	v5 =	vsub.f32 v61, v63;
	v51 =	vmul.f32 $1.386000000e+03, v62;
	v53 =	vmul.f32 $6.930000000e+03, v62  }
0x242: {  	v10 =	vadd.f32 v45, v30;
	v54 =	vmul.f32 $2.772000000e+04, v62;
	v58 =	vmul.f32 $8.316000000e+04, v62  }
0x243: {  	v59 =	vmul.f32 v6, v6;
	v31 =	vadd.f32 $-3.150000000e+02, v46;
	v17 =	vmul.f32 $-2.000000000e+00, v17  }
0x244: {  	v61 =	vmul.f32 v3, v3;
	v5 =	vmul.f32 v5, v1;
	v55 =	vadd.f32 $-3.780000000e+03, v53  }
0x245: {  	v50 =	vmul.f32 v31, v62;
	v17 =	vmul.f32 $1.442695020e+00, v17;
	v31 =	vadd.f32 $-1.260000000e+03, v51  }
0x246: {  	v10 =	vmul.f32 v10, v1;
	v33 =	vsub.f32 v59, v61;
	v28 =	vmul.f32 v55, v62  }
0x247: {  	v30 =	vadd.f32 $1.050000000e+02, v50;
	v31 =	vmul.f32 v31, v62;
	(erf) = vpow2.f32 v17  }
0x248: {  	v57 =	vadd.f32 $-7.560000000e+03, v54;
	v45 =	vmul.f32 v33, v6;
	v47 =	vmul.f32 v33, v3  }
0x249: {  	v28 =	vadd.f32 $2.100000000e+02, v28;
	v52 =	vmul.f32 v30, v62;
	v56 =	vadd.f32 $2.100000000e+02, v31  }
0x24a: {  	v30 =	vmul.f32 v57, v34;
	v62 =	vmul.f32 v3, v6;
	v31 =	vadd.f32 $-7.560000000e+03, v58  }
0x24b: {  	v24 =	vadd.f32 v49, v24;
	v28 =	vmul.f32 $6.250000000e-02, v28;
	v17 =	vmul.f32 v56, v34  }
0x24c: {  	v30 =	vmul.f32 $6.250000000e-02, v30;
	v63 =	vadd.f32 v62, v62;
	v31 =	vmul.f32 $6.250000000e-02, v31  }
0x24d: {  	v27 =	vadd.f32 $-5.000000000e+00, v52;
	v34 =	vmul.f32 $1.039500000e+04, v34;
	v50 =	vmul.f32 v28, v33  }
0x24e: {  	v23 =	vadd.f32 v29, v23;
	v17 =	vmul.f32 $6.250000000e-02, v17;
	v46 =	vmul.f32 v63, v3  }
0x24f: {  	v20 =	vadd.f32 v22, v20;
	v27 =	vmul.f32 $6.250000000e-02, v27;
	v48 =	vmul.f32 v63, v6  }
0x250: {  	v28 =	vmul.f32 v28, v63;
	v44 =	vmul.f32 v17, v6;
	v29 =	vsub.f32 v45, v46;
	v22 =	vpop (erf)  }
0x251: {  	v49 =	vadd.f32 v48, v47;
	v17 =	vmul.f32 v17, v3;
	v27 =	vmul.f32 v27, v22  }
0x252: {  	v36 =	vmul.f32 v44, v22;
	v51 =	vmul.f32 v30, v29  }
0x253: {  	v8 =	vadd.f32 v41, v8;
	v30 =	vmul.f32 v30, v49;
	v52 =	vmul.f32 v29, v6  }
0x254: {  	v18 =	vadd.f32 v21, v18;
	v53 =	vmul.f32 v49, v3;
	v29 =	vmul.f32 v29, v3  }
0x255: {  	v5 =	vadd.f32 v5, v32;
	v54 =	vmul.f32 v49, v6;
	v17 =	vmul.f32 v17, v22  }
0x256: {  	v21 =	vmul.f32 v50, v22;
	v7 =	vadd.f32 v27, v7;
	v27 =	vsub.f32 v52, v53  }
0x257: {  	v28 =	vmul.f32 v28, v22;
	v29 =	vadd.f32 v54, v29;
	v32 =	vmul.f32 v51, v22  }
0x258: {  	v25 =	vadd.f32 v36, v25;
	v55 =	vmul.f32 v30, v22;
	v56 =	vmul.f32 v27, v31  }
0x259: {  	v17 =	vadd.f32 v17, v19;
	v57 =	vmul.f32 v29, v31;
	v7 =	vmul.f32 $1.017107250e+00, v7  }
0x25a: {  	v9 =	vadd.f32 v35, v9;
	v58 =	vmul.f32 v27, v6;
	v25 =	vmul.f32 $2.219509930e-01, v25  }
0x25b: {  	v8 =	vadd.f32 v21, v8;
	v59 =	vmul.f32 v29, v3;
	v17 =	vmul.f32 $2.219509930e-01, v17  }
0x25c: {  	v9 =	vadd.f32 v28, v9;
	v27 =	vmul.f32 v27, v3;
	v62 =	vmul.f32 v29, v6  }
0x25d: {  	v4 =	vadd.f32 v32, v4;
	v7 =	vmul.f32 v7, v7;
	v25 =	vmul.f32 v25, v25  }
0x25e: {  	v19 =	vadd.f32 v55, v26;
	v8 =	vmul.f32 $3.509353470e-02, v8;
	v9 =	vmul.f32 $3.509353470e-02, v9  }
0x25f: {  	v61 =	vsub.f32 v58, v59;
	v17 =	vmul.f32 v17, v17;
	v7 =	vadd.f32 v25, v7  }
0x260: {  	v63 =	vadd.f32 v62, v27;
	v31 =	vmul.f32 v56, v22;
	v21 =	vmul.f32 v57, v22  }
0x261: {  	v8 =	vmul.f32 v8, v8;
	v35 =	vmul.f32 v9, v9;
	v7 =	vadd.f32 v7, v17  }
0x262: {  	v4 =	vmul.f32 $5.848922300e-03, v4;
	v40 =	vmul.f32 $5.848922300e-03, v19  }
0x263: {  	v33 =	vmul.f32 v61, v34;
	v34 =	vmul.f32 v63, v34;
	v7 =	vadd.f32 v7, v8  }
0x264: {  	v32 =	vadd.f32 v31, v24;
	v4 =	vmul.f32 v4, v4;
	v42 =	vmul.f32 v61, v6  }
0x265: {  	v43 =	vmul.f32 v63, v3;
	v44 =	vmul.f32 v40, v40;
	v7 =	vadd.f32 v7, v35  }
0x266: {  	v36 =	vadd.f32 v21, v23;
	v3 =	vmul.f32 v61, v3;
	v6 =	vmul.f32 v63, v6  }
0x267: {  	v38 =	vmul.f32 v33, v22;
	v45 =	vmul.f32 $1.067862260e-03, v32;
	v4 =	vadd.f32 v7, v4  }
0x268: {  	v39 =	vmul.f32 v34, v22;
	v46 =	vsub.f32 v42, v43;
	v48 =	vmul.f32 $1.067862260e-03, v36  }
0x269: {  	v41 =	vadd.f32 v38, v20;
	v47 =	vmul.f32 v45, v45;
	v4 =	vadd.f32 v4, v44  }
0x26a: {  	v3 =	vadd.f32 v6, v3;
	v49 =	vadd.f32 v39, v18;
	v50 =	vmul.f32 v46, v22  }
0x26b: {  	v56 =	vld [tilespmem:$0x1FFB0];
	v51 =	vmul.f32 v48, v48;
	v52 =	vmul.f32 $2.276689920e-04, v41;
	v4 =	vadd.f32 v4, v47  }
0x26c: {  	v2 =	vadd.f32 v10, v2;
	v3 =	vmul.f32 v3, v22;
	v5 =	vadd.f32 v50, v5  }
0x26d: {  	v54 =	vmul.f32 $2.276689920e-04, v49;
	v53 =	vmul.f32 v52, v52;
	v4 =	vadd.f32 v4, v51  }
0x26e: {  	v58 =	vld [tilespmem:$0x1FFC0];
	v2 =	vadd.f32 v3, v2  }
0x26f: {  	v55 =	vmul.f32 v54, v54;
	v5 =	vmul.f32 $6.831840870e-01, v5;
	v3 =	vadd.f32 v4, v53  }
0x270: {  	v6 =	vadd.f32 $0.0e+00, v56  }
0x271: {  	v2 =	vmul.f32 $6.831840870e-01, v2;
	v57 =	vmul.f32 v5, v5;
	v3 =	vadd.f32 v3, v55;
	_ =	sdelay $0x1  }
0x272: {  	v5 =	vadd.f32 v58, v6;
	v2 =	vmul.f32 v2, v2;
	v3 =	vadd.f32 v3, v57;
	_ =	sdelay $0x1  }
0x273: {  	v59 =	vadd.f32 v37, v5;
	v2 =	vadd.f32 v3, v2;
	_ =	sdelay $0x1  }
0x274: {  	v3 =	vadd.f32 v60, v59;
	v61 =	vshrl.u32 v2, $0x1;
	v62 =	vmul.f32 $5.000000000e-01, v2  }
0x275: {  	v4 =	vsub.s32 $0x5F3759DF, v61  }
0x276: {  	v3 =	vadd.f32 v11, v3;
	v63 =	vmul.f32 v4, v62;
	_ =	sdelay $0x1  }
0x277: {  	v3 =	vadd.f32 v12, v3;
	v6 =	vmul.f32 v4, v63;
	_ =	sdelay $0x1  }
0x278: {  	v3 =	vadd.f32 v13, v3;
	v6 =	vsub.f32 $1.500000000e+00, v6;
	_ =	sdelay $0x1  }
0x279: {  	v3 =	vadd.f32 v14, v3;
	v4 =	vmul.f32 v4, v6;
	_ =	sdelay $0x1  }
0x27a: {  	v3 =	vadd.f32 v15, v3;
	v6 =	vmul.f32 v4, v62;
	_ =	sdelay $0x1  }
0x27b: {  	v3 =	vadd.f32 v16, v3;
	v6 =	vmul.f32 v6, v4;
	_ =	sdelay $0x1  }
0x27c: {  	v1 =	vadd.f32 v1, v3;
	v3 =	vsub.f32 $1.500000000e+00, v6;
	_ =	sdelay $0x1  }
0x27d: {  	v1 =	vadd.f32 v22, v1;
	v3 =	vmul.f32 v3, v4;
	_ =	sdelay $0x1  }
0x27e: {  	(erf) = vrcp.f32 v1;
	v4 =	vmul.f32 v3, v62;
	_ =	sdelay $0x1  }
0x27f: {  	v1 =	vmul.f32 v4, v3;
	_ =	sdelay $0x1  }
0x280: {  	v1 =	vsub.f32 $1.500000000e+00, v1;
	_ =	sdelay $0x1  }
0x281: {  	v1 =	vmul.f32 v1, v3;
	_ =	sdelay $0x1  }
0x282: {  	v1 =	vmul.f32 v1, v2  }
0x283: {  	v2 =	vpop (erf)  }
0x284: {  	v1 =	vmul.f32 v1, v2;
	v2 =	vld [tilespmem:$0x1FFD0];
	_ =	sdelay $0x1  }
.Ltmp3:
0x285: {  	_ = 	snop;
	(pc) =	sbr.rel @!p0 .LBB2_9-.Ltmp3, $3  }
0x286: {  	_ =	sdelay $0x1  }
0x287: {  	v1 =	vadd.f32 v1, v2  }
0x288: {  	s15 =	simm.s32 $0x10;
	p1 =	por $0x0, $0x0  }
.LBB2_2:
.Ltmp4:
0x289: {  	(pc) =	sbr.rel .LBB2_3-.Ltmp4, $2  }
0x28a: {  	_ =	sdelay $0x2  }
0x28b: {  	[tilespmem:$0x1FFD0] =	vst v1;
	p0 =	por p1, p1;
	s15 =	sor.u32 s6, s15;
	s17 =	simm.s32 $0x0  }
.LBB2_7:
0x28c: {  	s18 =	sshll.u32 s17, $0x4;
	s17 =	sadd.s32 $0x1, s17  }
0x28d: {  	v1 =	vor.u32 s18, v0;
	p1 =	sne.s32 s17, $0x10  }
.Ltmp5:
0x28e: {  	_ = 	snop;
	(pc) =	sbr.rel @!p1 .LBB2_8-.Ltmp5, $2  }
0x28f: {  	_ =	sdelay $0x2  }
0x290: {  	[tilespmem:v1+s12+$0x0] =	vst.idx.msk $0xffff, v5  }
.LBB2_3:
0x291: {  	s18 =	sor.u32 s15, s17  }
0x292: {  	v1 =	vmov s18;
	_ =	sdelay $0x2  }
.Ltmp6:
0x293: {  	_ = 	snop;
	(pc) =	sbr.rel .LBB2_4-.Ltmp6, $4  }
0x294: {  	_ = 	snop  }
0x295: {  	v2 =	vld.idx.msk [tilespmem:v1+s16+$0x0], $0xffff  }
0x296: {  	s19 =	simm.s32 $0x2020;
	s20 =	simm.s32 $0x1020;
	v3 =	vld.idx.msk [tilespmem:v1+s10+$0x0], $0xffff  }
0x297: {  	v6 =	vimm.f32 $+Inf;
	v5 =	vimm.s32 $0x0;
	s21 =	simm.s32 $0x20;
	s22 =	simm.s32 $0x0;
	s18 =	simm.f32 $+Inf;
	v4 =	vld.idx.msk [tilespmem:v1+s11+$0x0], $0xffff  }
.LBB2_6:
0x298: {  	s22 =	sadd.s32 $0x40, s22  }
0x299: {  	p1 =	sne.s32 s22, $0x1000  }
.Ltmp7:
0x29a: {  	_ = 	snop;
	(pc) =	sbr.rel @!p1 .LBB2_7-.Ltmp7, $2  }
0x29b: {  	_ =	sdelay $0x2  }
0x29c: {  	s19 =	sadd.s32 $0x40, s19;
	s20 =	sadd.s32 $0x40, s20;
	s21 =	sadd.s32 $0x40, s21  }
.LBB2_4:
0x29d: {  	v7 =	vld [tilespmem:s21+$0xFFFFFFE0]  }
0x29e: {  	v8 =	vld [tilespmem:s20+$0xFFFFFFE0]  }
0x29f: {  	v9 =	vld [tilespmem:s19+$0xFFFFFFE0]  }
0x2a0: {  	v10 =	vld [tilespmem:s21+$0xFFFFFFF0]  }
0x2a1: {  	v11 =	vld [tilespmem:s20+$0xFFFFFFF0];
	_ =	sdelay $0x1  }
0x2a2: {  	v12 =	vld [tilespmem:s19+$0xFFFFFFF0];
	v7 =	vsub.f32 v7, v2;
	v8 =	vsub.f32 v8, v3  }
0x2a3: {  	v13 =	vld [tilespmem:s21+$0x0]  }
0x2a4: {  	v14 =	vld [tilespmem:s20+$0x0];
	v9 =	vsub.f32 v9, v4;
	v7 =	vmul.f32 v7, v7;
	v8 =	vmul.f32 v8, v8  }
0x2a5: {  	v15 =	vld [tilespmem:s21+$0x10];
	v10 =	vsub.f32 v10, v2;
	v11 =	vsub.f32 v11, v3  }
0x2a6: {  	v7 =	vadd.f32 v8, v7;
	v8 =	vmul.f32 v9, v9;
	v9 =	vld [tilespmem:s20+$0x10]  }
0x2a7: {  	v16 =	vld [tilespmem:s19+$0x0];
	v10 =	vmul.f32 v10, v10;
	v11 =	vmul.f32 v11, v11  }
0x2a8: {  	v7 =	vadd.f32 v8, v7;
	v8 =	vld [tilespmem:s19+$0x10]  }
0x2a9: {  	v17 =	vsub.f32 v12, v4;
	v10 =	vadd.f32 v11, v10  }
0x2aa: {  	v12 =	vor.u32 s22, v0;
	v11 =	vsub.f32 v13, v2;
	v13 =	vsub.f32 v14, v3  }
0x2ab: {  	v61 =	vmul.f32 v17, v17;
	v14 =	vsub.f32 v15, v2;
	v9 =	vsub.f32 v9, v3  }
0x2ac: {  	v15 =	vsub.f32 v16, v4;
	v11 =	vmul.f32 v11, v11;
	v13 =	vmul.f32 v13, v13  }
0x2ad: {  	v14 =	vmul.f32 v14, v14;
	v8 =	vsub.f32 v8, v4;
	v9 =	vmul.f32 v9, v9  }
0x2ae: {  	vm0 =	veq.s32 v12, v1;
	v15 =	vmul.f32 v15, v15;
	v13 =	vadd.f32 v13, v11  }
0x2af: {  	s23 =	sadd.s32 $0x10, s22;
	v10 =	vadd.f32 v61, v10;
	v62 =	vadd.f32 v9, v14;
	v8 =	vmul.f32 v8, v8  }
0x2b0: {  	s29 =	sadd.s32 $0x20, s22;
	s30 =	sadd.s32 $0x30, s22;
	v11 =	vor.u32 s23, v0;
	v15 =	vadd.f32 v15, v13;
	v14 =	vsel vm0, $0x7F800000, v7  }
0x2b1: {  	v9 =	vor.u32 s29, v0;
	v7 =	vor.u32 s30, v0;
	v8 =	vadd.f32 v8, v62  }
0x2b2: {  	vm15 =	veq.s32 v11, v1;
	vm1 =	veq.s32 v9, v1;
	vm2 =	veq.s32 v7, v1  }
0x2b3: {  	v13 =	vsel vm15, $0x7F800000, v10;
	v10 =	vsel vm1, $0x7F800000, v15;
	v8 =	vsel vm2, $0x7F800000, v8  }
0x2b4: {  	v15 =	vmin.f32 v14, v13;
	v63 =	vmin.f32 v10, v8  }
0x2b5: {  	v15 =	vmin.f32 v15, v63  }
0x2b6: {  	(xrf0) =	vmin.scan.msk.f32 $0xffff, v15;
	_ =	sdelay $0x5  }
0x2b7: {  	v15, _, _ =	vpop (xrf0)  }
0x2b8: {  	(v2sf) =	vpush v15, $0xF;
	_ =	sdelay $0xe  }
0x2b9: {  	s31 =	spop (v2sf)  }
0x2ba: {  	p1 =	slt.f32 s31, s18  }
.Ltmp8:
0x2bb: {  	_ = 	snop;
	(pc) =	sbr.rel @!p1 .LBB2_6-.Ltmp8, $1  }
0x2bc: {  	_ =	sdelay $0x3  }
0x2bd: {  	(xrf0) =	vmin.scan.msk.f32 $0xffff, v14;
	_ =	sdelay $0x5  }
0x2be: {  	v15, _, _ =	vpop (xrf0)  }
0x2bf: {  	(v2sf) =	vpush v15, $0xF;
	_ =	sdelay $0xe  }
0x2c0: {  	s23 =	spop (v2sf)  }
0x2c1: {  	p2 =	slt.f32 s23, s18;
	_ =	sdelay $0x1  }
0x2c2: {  	(xrf1) =	vsort.ascd.msk.f32 @p2 $0xffff, v14, v12;
	_ =	sdelay $0xa  }
0x2c3: {  	v12 =	vlaneseq.u32 @p2  }
0x2c4: {  	v12 =	vmul.u32 @p2 $0xFFFFFFFF, v12;
	_ =	sdelay $0x1  }
0x2c5: {  	v12 =	vadd.s32 @p2 $0xF, v12;
	v14, v15, _ =	vpop @p2 (xrf1)  }
0x2c6: {  	v14 =	vperm.xlane @p2 v14, v12  }
0x2c7: {  	v12 =	vperm.xlane @p2 v15, v12  }
0x2c8: {  	vm0 =	vle.f32 @p2 v6, v14  }
0x2c9: {  	v14 =	vsel @p2 vm0, v6, v14;
	v12 =	vsel @p2 vm0, v5, v12  }
0x2ca: {  	(xrf1) =	vsort.ascd.msk.f32 @p2 $0xffff, v14, v12;
	_ =	sdelay $0xd  }
0x2cb: {  	v12, v14, _ =	vpop @p2 (xrf1)  }
0x2cc: {  	(xrf0) =	vmax.scan.msk.f32 @p2 $0xffff, v12  }
0x2cd: {  	(xrf0) =	vmin.scan.msk.f32 $0xffff, v13;
	_ =	sdelay $0x4  }
0x2ce: {  	v15, _, _ =	vpop @p2 (xrf0)  }
0x2cf: {  	(v2sf) =	vpush @p2 v15, $0xF;
	v61, _, _ =	vpop (xrf0)  }
0x2d0: {  	(v2sf) =	vpush v61, $0xF;
	_ =	sdelay $0xd  }
0x2d1: {  	s23 =	spop @p2 (v2sf)  }
0x2d2: {  	s18 =	smov.u32 @p2 s23;
	s29 =	spop (v2sf)  }
0x2d3: {  	p1 =	slt.f32 s29, s18;
	_ =	sdelay $0x1  }
0x2d4: {  	(xrf1) =	vsort.ascd.msk.f32 @p1 $0xffff, v13, v11;
	_ =	sdelay $0xa  }
0x2d5: {  	v11 =	vlaneseq.u32 @p1  }
0x2d6: {  	v11 =	vmul.u32 @p1 $0xFFFFFFFF, v11;
	_ =	sdelay $0x1  }
0x2d7: {  	v11 =	vadd.s32 @p1 $0xF, v11;
	v13, v15, _ =	vpop @p1 (xrf1)  }
0x2d8: {  	v13 =	vperm.xlane @p1 v13, v11  }
0x2d9: {  	v6 =	vpsel p2, v12, v6;
	v11 =	vperm.xlane @p1 v15, v11  }
0x2da: {  	v5 =	vpsel p2, v14, v5;
	vm0 =	vle.f32 @p1 v6, v13  }
0x2db: {  	v12 =	vsel @p1 vm0, v6, v13;
	v11 =	vsel @p1 vm0, v5, v11  }
0x2dc: {  	(xrf1) =	vsort.ascd.msk.f32 @p1 $0xffff, v12, v11;
	_ =	sdelay $0xd  }
0x2dd: {  	v11, v12, _ =	vpop @p1 (xrf1)  }
0x2de: {  	(xrf0) =	vmax.scan.msk.f32 @p1 $0xffff, v11  }
0x2df: {  	(xrf0) =	vmin.scan.msk.f32 $0xffff, v10;
	_ =	sdelay $0x4  }
0x2e0: {  	v13, _, _ =	vpop @p1 (xrf0)  }
0x2e1: {  	(v2sf) =	vpush @p1 v13, $0xF;
	v62, _, _ =	vpop (xrf0)  }
0x2e2: {  	(v2sf) =	vpush v62, $0xF;
	_ =	sdelay $0xd  }
0x2e3: {  	s23 =	spop @p1 (v2sf)  }
0x2e4: {  	s18 =	smov.u32 @p1 s23;
	s30 =	spop (v2sf)  }
0x2e5: {  	p2 =	slt.f32 s30, s18;
	_ =	sdelay $0x1  }
0x2e6: {  	(xrf1) =	vsort.ascd.msk.f32 @p2 $0xffff, v10, v9;
	_ =	sdelay $0xa  }
0x2e7: {  	v9 =	vlaneseq.u32 @p2  }
0x2e8: {  	v9 =	vmul.u32 @p2 $0xFFFFFFFF, v9;
	_ =	sdelay $0x1  }
0x2e9: {  	v9 =	vadd.s32 @p2 $0xF, v9;
	v10, v13, _ =	vpop @p2 (xrf1)  }
0x2ea: {  	v10 =	vperm.xlane @p2 v10, v9  }
0x2eb: {  	v6 =	vpsel p1, v11, v6;
	v9 =	vperm.xlane @p2 v13, v9  }
0x2ec: {  	v5 =	vpsel p1, v12, v5;
	vm0 =	vle.f32 @p2 v6, v10  }
0x2ed: {  	v10 =	vsel @p2 vm0, v6, v10;
	v9 =	vsel @p2 vm0, v5, v9  }
0x2ee: {  	(xrf1) =	vsort.ascd.msk.f32 @p2 $0xffff, v10, v9;
	_ =	sdelay $0xd  }
0x2ef: {  	v9, v10, _ =	vpop @p2 (xrf1)  }
0x2f0: {  	(xrf0) =	vmax.scan.msk.f32 @p2 $0xffff, v9  }
0x2f1: {  	(xrf0) =	vmin.scan.msk.f32 $0xffff, v8;
	_ =	sdelay $0x4  }
0x2f2: {  	v11, _, _ =	vpop @p2 (xrf0)  }
0x2f3: {  	(v2sf) =	vpush @p2 v11, $0xF;
	v63, _, _ =	vpop (xrf0)  }
0x2f4: {  	(v2sf) =	vpush v63, $0xF;
	_ =	sdelay $0xd  }
0x2f5: {  	s23 =	spop @p2 (v2sf)  }
0x2f6: {  	s18 =	smov.u32 @p2 s23;
	s31 =	spop (v2sf)  }
0x2f7: {  	p1 =	slt.f32 s31, s18;
	_ =	sdelay $0x1  }
0x2f8: {  	(xrf1) =	vsort.ascd.msk.f32 @p1 $0xffff, v8, v7;
	_ =	sdelay $0xa  }
0x2f9: {  	v7 =	vlaneseq.u32 @p1  }
0x2fa: {  	v7 =	vmul.u32 @p1 $0xFFFFFFFF, v7;
	_ =	sdelay $0x1  }
0x2fb: {  	v7 =	vadd.s32 @p1 $0xF, v7;
	v8, v11, _ =	vpop @p1 (xrf1)  }
0x2fc: {  	v8 =	vperm.xlane @p1 v8, v7  }
0x2fd: {  	v6 =	vpsel p2, v9, v6;
	v7 =	vperm.xlane @p1 v11, v7  }
0x2fe: {  	v5 =	vpsel p2, v10, v5;
	vm0 =	vle.f32 @p1 v6, v8  }
0x2ff: {  	v8 =	vsel @p1 vm0, v6, v8;
	v7 =	vsel @p1 vm0, v5, v7  }
0x300: {  	(xrf1) =	vsort.ascd.msk.f32 @p1 $0xffff, v8, v7;
	_ =	sdelay $0xd  }
0x301: {  	v7, v8, _ =	vpop @p1 (xrf1)  }
0x302: {  	(xrf0) =	vmax.scan.msk.f32 @p1 $0xffff, v7;
	_ =	sdelay $0x5  }
0x303: {  	v9, _, _ =	vpop @p1 (xrf0)  }
0x304: {  	(v2sf) =	vpush @p1 v9, $0xF;
	_ =	sdelay $0xb  }
.Ltmp9:
0x305: {  	_ = 	snop;
	(pc) =	sbr.rel .LBB2_6-.Ltmp9, $3  }
0x306: {  	_ =	sdelay $0x1  }
0x307: {  	s23 =	spop @p1 (v2sf)  }
0x308: {  	v6 =	vpsel p1, v7, v6;
	v5 =	vpsel p1, v8, v5;
	s18 =	smov.u32 @p1 s23  }
.LBB2_10:
0x309: {  	_ =	sfence.sel $0x180000  }
0x30a: {  	[bflag:$0x0] =	sbarrier.arrive $0xFFFF  }
0x30b: {  	p0 =	sne.s32 s1, $0x0;
	_ =	strace $0x90000047  }
0x30c: {  	s0 =	sadd.s32 @!p0 $0x100000, s0;
	[bflag:$0x2] =	sbarrier.arrive $0xFFFF  }
0x30d: {  	[sflag:s0] =	ssyncadd.tile.s32 @!p0 $0x1;
	_ =	shalt  }
.Lfunc_end2:
_tile_overlayer_lowered:
.L_overlay_start_2:
0x30e: {  	(tag) =	ssettag $0x2  }
0x30f: {  	s0 =	rddreg [dreg:$0x0];
	s2 =	stileid.u32  }
0x310: {  	s1 =	rddreg [dreg:$0x1];
	p0 =	sne.s32 s2, $0x0  }
0x311: {  	s3 =	rddreg [dreg:$0x2];
	[bflag:$0x3] =	sbarrier.arrive $0xFFFF;
	s2 =	simm.s32 @!p0 $0x1C01  }
0x312: {  	[timem:s3], [sflag:s2] =	dma.local @!p0 [hbm:s0], s1  }
0x313: {  	s0 =	simm.s32 @!p0 $0x1  }
0x314: {  	_ =	swait.ge @!p0 [sflag:s0], s1  }
0x315: {  	s1 =	ssub.s32 @!p0 $0x0, s1;
	[sflag:s0] =	ssyncset.done @!p0 $0x0  }
0x316: {  	[sflag:s0] =	ssyncadd.s32 @!p0 s1  }
0x317: {  	[bflag:$0x3] =	sbarrier.arrive $0xFFFF  }
0x318: {  	_ =	shalt  }

</sc_bundles>
